<compile_context>
chip_gen: v7x
topology: tpu7x:2x2x1
jax: 0.10.2.dev20260603
libtpu: 0.0.44.dev20260713+nightly
codegen_flags: <defaults>
</compile_context>

<pallas_src>
import functools

import jax
import jax.numpy as jnp
from jax import lax
from jax.experimental import pallas as pl
from jax.experimental.pallas import tpu as pltpu
from jax.experimental.pallas import tpu_sc as plsc

N = 50000
E = 800000
G = 2048
D = 64
DH = 32
BINS = 50
SAMP = 1000

NC = 2
NS = 16
CH = 128
SAC = 512
EP = 819200
NP = 53248
NW = 50176
NA = NW + SAC
GA = G + SAC

f32 = jnp.float32
i32 = jnp.int32

_MESH = plsc.VectorSubcoreMesh(core_axis_name="c", subcore_axis_name="s")

_DEGCH = EP // (NC * NS * CH)
_CNTCH = NP // (NC * NS * CH)

_WCHUNKS = ((0, 1024), (1024, 1024), (2048, 1024), (3072, 64))
_RPT = 3136


def _degcnt_body(dst_hbm, batch_hbm, ones_hbm, zeros_hbm, deg_out, cnt_out,
                 didx_all, cidx_all, ones_v, deg_acc, cnt_acc, psem):
    c = lax.axis_index("c")
    s = lax.axis_index("s")

    erow = (c * NS + s) * _DEGCH
    nrow = (c * NS + s) * _CNTCH
    pltpu.async_copy(dst_hbm.at[pl.ds(erow, _DEGCH), :], didx_all, psem)
    pltpu.async_copy(batch_hbm.at[pl.ds(nrow, _CNTCH), :], cidx_all, psem)
    pltpu.sync_copy(ones_hbm, ones_v)

    for off, sz in _WCHUNKS:
        pltpu.sync_copy(zeros_hbm.at[pl.ds(0, sz), :],
                        deg_acc.at[pl.ds(s * _RPT + off, sz), :])
    pltpu.sync_copy(zeros_hbm.at[pl.ds(0, G // NS), :],
                    cnt_acc.at[pl.ds(s * (G // NS), G // NS), :])
    plsc.subcore_barrier()

    pltpu.make_async_copy(dst_hbm.at[pl.ds(erow, _DEGCH), :],
                          didx_all, psem).wait()
    pltpu.make_async_copy(batch_hbm.at[pl.ds(nrow, _CNTCH), :],
                          cidx_all, psem).wait()

    K = 8

    def deg_group(i, carry):
        for j in range(K):
            pltpu.async_copy(ones_v, deg_acc.at[didx_all.at[i * K + j]],
                             psem, add=True)
        for j in range(K):
            pltpu.make_async_copy(ones_v, deg_acc.at[didx_all.at[0]],
                                  psem).wait()
        return carry

    lax.fori_loop(0, _DEGCH // K, deg_group, 0)

    for j in range(_CNTCH):
        pltpu.async_copy(ones_v, cnt_acc.at[cidx_all.at[j]], psem, add=True)
    for j in range(_CNTCH):
        pltpu.make_async_copy(ones_v, cnt_acc.at[cidx_all.at[0]],
                              psem).wait()
    plsc.subcore_barrier()

    for off, sz in _WCHUNKS:
        pltpu.sync_copy(deg_acc.at[pl.ds(s * _RPT + off, sz), :],
                        deg_out.at[pl.ds(s * _RPT + off, sz),
                                   pl.ds(c * 8, 8)])
    gpt = G // NS
    pltpu.sync_copy(cnt_acc.at[pl.ds(s * gpt, gpt), :],
                    cnt_out.at[pl.ds(s * gpt, gpt), pl.ds(c * 8, 8)])


def _degcnt_call(dst_2d, batch_2d, ones8, zeros8):
    fn = functools.partial(
        pl.kernel,
        mesh=_MESH,
        compiler_params=pltpu.CompilerParams(use_tc_tiling_on_sc=False),
        out_type=[jax.ShapeDtypeStruct((NW, 128), f32),
                  jax.ShapeDtypeStruct((G, 128), f32)],
        scratch_types=[
            pltpu.VMEM((_DEGCH, CH), i32),
            pltpu.VMEM((_CNTCH, CH), i32),
            pltpu.VMEM((CH, 8), f32),
            pltpu.VMEM_SHARED((NA, 8), f32),
            pltpu.VMEM_SHARED((GA, 8), f32),
            pltpu.SemaphoreType.DMA,
        ],
    )(_degcnt_body)
    return fn(dst_2d, batch_2d, ones8, zeros8)


def _conv_body(table_hbm, src4_hbm, dst_hbm, zeros_hbm, y_out,
               sidx, didx, rows, acc,
               isems0, isems1, isemd0, isemd1, gsem0, gsem1, ssem0, ssem1):
    c = lax.axis_index("c")
    s = lax.axis_index("s")
    isems = (isems0, isems1)
    isemd = (isemd0, isemd1)
    gsem = (gsem0, gsem1)
    ssem = (ssem0, ssem1)

    for off, sz in _WCHUNKS:
        pltpu.sync_copy(zeros_hbm.at[pl.ds(0, sz), :],
                        acc.at[pl.ds(s * _RPT + off, sz), :])
    plsc.subcore_barrier()

    ept = EP // NS
    nsteps = ept // (2 * CH)
    grow = (c * EP + s * ept) // CH
    drow = (s * ept) // CH

    def load_idx(st, b):
        pltpu.async_copy(src4_hbm.at[pl.ds(grow + st * 2, 2), :],
                         sidx.at[b], isems[b])
        pltpu.async_copy(dst_hbm.at[pl.ds(drow + st * 2, 2), :],
                         didx.at[b], isemd[b])

    def drain_sidx(b):
        pltpu.make_async_copy(src4_hbm.at[pl.ds(grow, 2), :],
                              sidx.at[b], isems[b]).wait()

    def drain_didx(b):
        pltpu.make_async_copy(dst_hbm.at[pl.ds(drow, 2), :],
                              didx.at[b], isemd[b]).wait()

    def fire_gathers(b):
        for j in range(2):
            pltpu.async_copy(table_hbm.at[sidx.at[b, j]], rows.at[b, j],
                             gsem[b])

    def drain_gathers(b):
        for j in range(2):
            pltpu.make_async_copy(table_hbm.at[sidx.at[b, j]],
                                  rows.at[b, j], gsem[b]).wait()

    def fire_scatters(b):
        for j in range(2):
            pltpu.async_copy(rows.at[b, j], acc.at[didx.at[b, j]],
                             ssem[b], add=True)

    def drain_scatters(b):
        for j in range(2):
            pltpu.make_async_copy(rows.at[b, j], acc.at[didx.at[b, j]],
                                  ssem[b]).wait()

    load_idx(0, 0)
    load_idx(1, 1)
    drain_sidx(0)
    fire_gathers(0)

    def group(i, carry):
        for b in range(2):
            st = 2 * i + b
            nb = 1 - b
            if b == 0:
                @pl.when(i > 0)
                def _():
                    drain_scatters(nb)
            else:
                drain_scatters(nb)
            drain_sidx(nb)
            fire_gathers(nb)
            drain_gathers(b)
            drain_didx(b)
            fire_scatters(b)
            load_idx(st + 2, b)
        return carry

    lax.fori_loop(0, nsteps // 2, group, 0)

    drain_scatters(1)
    drain_gathers(0)
    drain_didx(0)
    drain_sidx(1)
    drain_didx(1)
    plsc.subcore_barrier()

    for off, sz in _WCHUNKS:
        pltpu.sync_copy(acc.at[pl.ds(s * _RPT + off, sz), :],
                        y_out.at[pl.ds(s * _RPT + off, sz),
                                 pl.ds(c * DH, DH)])


def _conv_call(s_view, src4_2d, dst_2d, zerosDH):
    fn = functools.partial(
        pl.kernel,
        mesh=_MESH,
        compiler_params=pltpu.CompilerParams(use_tc_tiling_on_sc=False),
        out_type=jax.ShapeDtypeStruct((NW, 128), f32),
        scratch_types=[
            pltpu.VMEM((2, 2, CH), i32),
            pltpu.VMEM((2, 2, CH), i32),
            pltpu.VMEM((2, 2, CH, DH), f32),
            pltpu.VMEM_SHARED((NA, DH), f32),
        ] + [pltpu.SemaphoreType.DMA] * 8,
    )(_conv_body)
    return fn(s_view, src4_2d, dst_2d, zerosDH)


def _pool_body(x_hbm, batch_hbm, zeros_hbm, p_out,
               bidx_v, rows_v, acc):
    c = lax.axis_index("c")
    s = lax.axis_index("s")
    gpt = G // NS

    pltpu.sync_copy(zeros_hbm.at[pl.ds(0, gpt), :],
                    acc.at[pl.ds(s * gpt, gpt), :])
    plsc.subcore_barrier()

    npt = NP // NS
    nbase = s * npt

    def chunk(i, carry):
        base = nbase + i * CH
        pltpu.sync_copy(batch_hbm.at[pl.ds(base, CH)], bidx_v)
        pltpu.sync_copy(x_hbm.at[pl.ds(base, CH), pl.ds(c * DH, DH)],
                        rows_v)
        pltpu.sync_copy(rows_v, acc.at[bidx_v], add=True)
        return carry

    lax.fori_loop(0, npt // CH, chunk, 0)
    plsc.subcore_barrier()

    pltpu.sync_copy(acc.at[pl.ds(s * gpt, gpt), :],
                    p_out.at[pl.ds(s * gpt, gpt), pl.ds(c * DH, DH)])


def _pool_call(x_view, batch_p, zerosDH):
    fn = functools.partial(
        pl.kernel,
        mesh=_MESH,
        compiler_params=pltpu.CompilerParams(use_tc_tiling_on_sc=False),
        out_type=jax.ShapeDtypeStruct((G, 128), f32),
        scratch_types=[
            pltpu.VMEM((CH,), i32),
            pltpu.VMEM((CH, DH), f32),
            pltpu.VMEM_SHARED((GA, DH), f32),
        ],
    )(_pool_body)
    return fn(x_view, batch_p, zerosDH)


TB = 1024
TCOMB = 160


def _enc_body(xcat_ref, xh_ref, xs_ref, deg_ref, T_ref, Wh_ref, Ws_ref,
              Wp_ref, W1_ref, s1_ref):
    cdims = (((0,), (0,)), ((), ()))
    xcat = xcat_ref[...]
    iota_t = lax.broadcasted_iota(i32, (TB, TCOMB), 1)
    oh = jnp.zeros((TB, TCOMB), f32)
    for j in range(5):
        oh = oh + (iota_t == xcat[j, :][:, None]).astype(f32)
    emb = jnp.dot(oh, T_ref[...], preferred_element_type=f32)
    h = (emb
         + lax.dot_general(xh_ref[...], Wh_ref[...], cdims,
                           preferred_element_type=f32)
         + lax.dot_general(xs_ref[...], Ws_ref[...], cdims,
                           preferred_element_type=f32))
    h = jnp.maximum(jnp.dot(h, Wp_ref[...], preferred_element_type=f32), 0.0)

    dblk = deg_ref[...]
    dinv = lax.rsqrt(dblk[:, 0:1] + dblk[:, 8:9] + 1.0)
    s1 = dinv * jnp.dot(h, W1_ref[...], preferred_element_type=f32)
    s1_ref[:, 0:D] = s1


def _enc_call(xcatT, x_histT, x_sampleT, deg, T, W_hist, W_samp,
              W_proj, W1):
    return pl.pallas_call(
        _enc_body,
        grid=(NW // TB,),
        in_specs=[
            pl.BlockSpec((8, TB), lambda i: (0, i)),
            pl.BlockSpec((BINS, TB), lambda i: (0, i)),
            pl.BlockSpec((SAMP, TB), lambda i: (0, i)),
            pl.BlockSpec((TB, 128), lambda i: (i, 0)),
            pl.BlockSpec((TCOMB, D), lambda i: (0, 0)),
            pl.BlockSpec((BINS, D), lambda i: (0, 0)),
            pl.BlockSpec((SAMP, D), lambda i: (0, 0)),
            pl.BlockSpec((D, D), lambda i: (0, 0)),
            pl.BlockSpec((D, D), lambda i: (0, 0)),
        ],
        out_specs=pl.BlockSpec((TB, 128), lambda i: (i, 0)),
        out_shape=jax.ShapeDtypeStruct((NW, 128), f32),
    )(xcatT, x_histT, x_sampleT, deg, T, W_hist, W_samp, W_proj, W1)


MB = 2048
_NBLK = (NW + MB - 1) // MB


def _mid_body(y_ref, s_ref, deg_ref, Wn_ref, out_ref):
    dblk = deg_ref[...]
    dinv = lax.rsqrt(dblk[:, 0:1] + dblk[:, 8:9] + 1.0)
    x = jnp.maximum(dinv * (y_ref[:, 0:D] + s_ref[:, 0:D]), 0.0)
    sn = dinv * jnp.dot(x, Wn_ref[...], preferred_element_type=f32)
    out_ref[:, 0:D] = sn


def _fin_body(y_ref, s_ref, deg_ref, out_ref):
    dblk = deg_ref[...]
    dinv = lax.rsqrt(dblk[:, 0:1] + dblk[:, 8:9] + 1.0)
    x = dinv * (y_ref[:, 0:D] + s_ref[:, 0:D])
    out_ref[:, 0:D] = x


def _mid_call(y, s, deg, Wn):
    spec = pl.BlockSpec((MB, 128), lambda i: (i, 0))
    return pl.pallas_call(
        _mid_body,
        grid=(_NBLK,),
        in_specs=[spec, spec, spec,
                  pl.BlockSpec((D, D), lambda i: (0, 0))],
        out_specs=spec,
        out_shape=jax.ShapeDtypeStruct((NW, 128), f32),
    )(y, s, deg, Wn)


def _fin_call(y, s, deg):
    spec = pl.BlockSpec((MB, 128), lambda i: (i, 0))
    return pl.pallas_call(
        _fin_body,
        grid=(_NBLK,),
        in_specs=[spec, spec, spec],
        out_specs=spec,
        out_shape=jax.ShapeDtypeStruct((NP, 128), f32),
    )(y, s, deg)


def _head_body(pool_ref, cnt_ref, wh_ref, out_ref):
    pool = pool_ref[:, 0:D]
    cntb = cnt_ref[...]
    cnt = cntb[:, 0:1] + cntb[:, 8:9]
    pooled = pool / jnp.maximum(cnt, 1.0)
    wh = wh_ref[0:1, :]
    z = jnp.sum(pooled * wh, axis=1, keepdims=True)
    sig = 1.0 / (1.0 + jnp.exp(-z))
    out_ref[...] = jnp.broadcast_to(sig.reshape(1, G), (8, G))


def _head_call(pool, cnt, wh8):
    return pl.pallas_call(
        _head_body,
        grid=(1,),
        in_specs=[
            pl.BlockSpec((G, 128), lambda i: (0, 0)),
            pl.BlockSpec((G, 128), lambda i: (0, 0)),
            pl.BlockSpec((8, D), lambda i: (0, 0)),
        ],
        out_specs=pl.BlockSpec((8, G), lambda i: (0, 0)),
        out_shape=jax.ShapeDtypeStruct((8, G), f32),
    )(pool, cnt, wh8)


def kernel(x_cat, x_hist, x_sample, edge_index, batch,
           emb_type, emb_table, emb_join, emb_col, emb_op,
           W_hist, b_hist, W_samp, b_samp, W_proj, b_proj,
           W1, b1, W2, b2, W3, b3, W_head, b_head):
    src = edge_index[0].astype(i32)
    dst = edge_index[1].astype(i32)
    batch = batch.astype(i32)

    epad = jnp.arange(EP - E, dtype=i32)
    src_p = jnp.concatenate([src, epad % SAC])
    dst_p = jnp.concatenate([dst, NW + (epad % SAC)])
    opad = jnp.arange(512, dtype=i32) % CH
    src4_p = jnp.concatenate([4 * src_p, 4 * src_p + 1, opad])
    src4_2d = src4_p.reshape(-1, CH)
    dst_2d = jnp.concatenate([dst_p, NW + opad]).reshape(-1, CH)
    npad = jnp.arange(NP - N, dtype=i32)
    batch_p = jnp.concatenate([batch, G + (npad % SAC)])
    batch_2d = batch_p.reshape(-1, CH)

    T = jnp.zeros((TCOMB, D), f32)
    T = T.at[0:20].set(emb_type)
    T = T.at[20:45].set(emb_table)
    T = T.at[45:85].set(emb_join)
    T = T.at[85:145].set(emb_col)
    T = T.at[145:155].set(emb_op)
    offs = jnp.array([0, 20, 45, 85, 145], i32)
    xcatT = jnp.concatenate(
        [x_cat.astype(i32).T + offs[:, None],
         jnp.full((3, N), TCOMB - 1, i32)], axis=0)

    ones8 = jnp.ones((CH, 8), f32)
    zeros8 = jnp.zeros((1024, 8), f32)
    zerosDH = jnp.zeros((1024, DH), f32)

    deg, cnt = _degcnt_call(dst_2d, batch_2d, ones8, zeros8)

    s1 = _enc_call(xcatT, x_hist.T, x_sample.T, deg, T,
                   W_hist, W_samp, W_proj, W1)

    y1 = _conv_call(s1.reshape(4 * NW, DH), src4_2d, dst_2d, zerosDH)
    s2 = _mid_call(y1, s1, deg, W2)
    y2 = _conv_call(s2.reshape(4 * NW, DH), src4_2d, dst_2d, zerosDH)
    s3 = _mid_call(y2, s2, deg, W3)
    y3 = _conv_call(s3.reshape(4 * NW, DH), src4_2d, dst_2d, zerosDH)
    x3 = _fin_call(y3, s3, deg)

    pool = _pool_call(x3, batch_p, zerosDH)

    wh8 = jnp.broadcast_to(W_head.reshape(1, D), (8, D))
    out8 = _head_call(pool, cnt, wh8)
    return out8[0].reshape(G, 1)

# --- scband reference (transcript-rebuilt; emitter-appended) ---
"""Pipeline reference for scband-gnto-ablation-84310208021049 (READ-ONLY COPY).

The authoritative reference and input builder live on the scoring server;
editing this copy changes nothing except your own understanding.
"""

import jax, jax.numpy as jnp
import numpy as np

N = 50000
E = 800000
G = 2048
D = 64
BINS = 50
SAMP = 1000
NUM_TYPES = 20
NUM_TABLES = 25
NUM_JOINS = 40
NUM_COLS = 60
NUM_OPS = 10


def setup_inputs(seed: int = 0):
    key = jax.random.key(seed)
    ks = jax.random.split(key, 32)

    def p(i, shape, s=0.05):
        return jax.random.normal(ks[i], shape, dtype=jnp.float32) * s

    inp = {}
    inp["x_cat"] = jax.random.randint(ks[0], (N, 5), 0, 10)
    inp["x_hist"] = jax.random.uniform(ks[1], (N, BINS), dtype=jnp.float32)
    inp["x_sample"] = jax.random.uniform(ks[2], (N, SAMP), dtype=jnp.float32)
    inp["edge_index"] = jax.random.randint(ks[3], (2, E), 0, N)
    inp["batch"] = jnp.sort(jax.random.randint(ks[4], (N,), 0, G))
    inp["emb_type"] = p(5, (NUM_TYPES, D))
    inp["emb_table"] = p(6, (NUM_TABLES, D))
    inp["emb_join"] = p(7, (NUM_JOINS, D))
    inp["emb_col"] = p(8, (NUM_COLS, D))
    inp["emb_op"] = p(9, (NUM_OPS, D))
    inp["W_hist"] = p(10, (BINS, D))
    inp["b_hist"] = jnp.zeros((D,), jnp.float32)
    inp["W_samp"] = p(11, (SAMP, D))
    inp["b_samp"] = jnp.zeros((D,), jnp.float32)
    inp["W_proj"] = p(12, (D, D))
    inp["b_proj"] = jnp.zeros((D,), jnp.float32)
    inp["W1"] = p(13, (D, D))
    inp["b1"] = jnp.zeros((D,), jnp.float32)
    inp["W2"] = p(14, (D, D))
    inp["b2"] = jnp.zeros((D,), jnp.float32)
    inp["W3"] = p(15, (D, D))
    inp["b3"] = jnp.zeros((D,), jnp.float32)
    inp["W_head"] = p(16, (D, 1))
    inp["b_head"] = jnp.zeros((1,), jnp.float32)
    return inp


def reference(x_cat, x_hist, x_sample, edge_index, batch,
              emb_type, emb_table, emb_join, emb_col, emb_op,
              W_hist, b_hist, W_samp, b_samp, W_proj, b_proj,
              W1, b1, W2, b2, W3, b3, W_head, b_head):
    # NodeEncoder_QF: categorical embeddings + histogram/sample projections -> 64-d
    h = (emb_type[x_cat[:, 0]] + emb_table[x_cat[:, 1]] + emb_join[x_cat[:, 2]]
         + emb_col[x_cat[:, 3]] + emb_op[x_cat[:, 4]]
         + x_hist @ W_hist + b_hist + x_sample @ W_samp + b_samp)
    h = jax.nn.relu(h @ W_proj + b_proj)

    # GCNConv x3 with symmetric normalization and self-loops (PyG default)
    loop = jnp.arange(N, dtype=edge_index.dtype)
    src = jnp.concatenate([edge_index[0], loop])
    dst = jnp.concatenate([edge_index[1], loop])
    deg = jax.ops.segment_sum(jnp.ones_like(dst, dtype=jnp.float32), dst, num_segments=N)
    dinv = jnp.where(deg > 0, jax.lax.rsqrt(jnp.maximum(deg, 1e-12)), 0.0)
    norm = (dinv[src] * dinv[dst])[:, None]

    def conv(x, W, b):
        xw = x @ W
        msg = xw[src] * norm
        return jax.ops.segment_sum(msg, dst, num_segments=N) + b

    x1 = jax.nn.relu(conv(h, W1, b1))
    x2 = jax.nn.relu(conv(x1, W2, b2))
    x3 = conv(x2, W3, b3)

    # global_mean_pool over batch assignment
    s = jax.ops.segment_sum(x3, batch, num_segments=G)
    cnt = jax.ops.segment_sum(jnp.ones((N,), jnp.float32), batch, num_segments=G)
    pooled = s / jnp.maximum(cnt, 1.0)[:, None]

    # Simple head + sigmoid
    return jax.nn.sigmoid(pooled @ W_head + b_head)

if __name__ == "__main__":
    import jax
    _d = setup_inputs()
    print(jax.jit(kernel)(*tuple(_d.values())))

</pallas_src>

<mosaic_0001>
#map = affine_map<(d0, d1) -> (0, 0)>
module attributes {stable_mosaic.version = 14 : i64} {
  func.func @_degcnt_body(%arg0: i32, %arg1: i32, %arg2: memref<6404x128xi32, #tpu.memory_space<hbm>>, %arg3: memref<416x128xi32, #tpu.memory_space<hbm>>, %arg4: memref<128x8xf32, #tpu.memory_space<hbm>>, %arg5: memref<1024x8xf32, #tpu.memory_space<hbm>>, %arg6: memref<50176x128xf32, #tpu.memory_space<hbm>>, %arg7: memref<2048x128xf32, #tpu.memory_space<hbm>>, %arg8: memref<200x128xi32, #tpu.memory_space<vmem>>, %arg9: memref<13x128xi32, #tpu.memory_space<vmem>>, %arg10: memref<128x8xf32, #tpu.memory_space<vmem>>, %arg11: memref<50688x8xf32, #tpu.memory_space<vmem_shared>>, %arg12: memref<2560x8xf32, #tpu.memory_space<vmem_shared>>, %arg13: memref<!tpu.dma_semaphore, #tpu.memory_space<semaphore_mem>>) attributes {dimension_semantics = [#tpu.dimension_semantics<core_parallel>, #tpu.dimension_semantics<subcore_parallel>], iteration_bounds = array<i64: 2, 16>, scalar_prefetch = 0 : i64, scratch_operands = 6 : i64, tpu.core_type = #tpu.core_type<sc_vector_subcore>, window_params = [{transform_indices = #map}, {transform_indices = #map}, {transform_indices = #map}, {transform_indices = #map}, {transform_indices = #map}, {transform_indices = #map}]} {
    %mul3A = arith.constant 16 : i32
    %mul3A_0 = arith.muli %arg0, %mul3A : i32
    %add3A = arith.addi %mul3A_0, %arg1 : i32
    %mul3A_1 = arith.constant 200 : i32
    %mul3A_2 = arith.muli %add3A, %mul3A_1 : i32
    %mul3A_3 = arith.constant 16 : i32
    %mul3A_4 = arith.muli %arg0, %mul3A_3 : i32
    %add3A_5 = arith.addi %mul3A_4, %arg1 : i32
    %mul3A_6 = arith.constant 13 : i32
    %mul3A_7 = arith.muli %add3A_5, %mul3A_6 : i32
    %dma_start3A = arith.constant 0 : i32
    %dma_start3A_8 = tpu.memref_slice %arg2[%mul3A_2, %dma_start3A] : memref<6404x128xi32, #tpu.memory_space<hbm>> -> memref<200x128xi32, #tpu.memory_space<hbm>>
    %dma_start3A_9 = arith.constant 0 : i32
    %dma_start3A_10 = tpu.memref_slice %arg2[%mul3A_2, %dma_start3A_9] : memref<6404x128xi32, #tpu.memory_space<hbm>> -> memref<200x128xi32, #tpu.memory_space<hbm>>
    tpu.enqueue_dma source(%dma_start3A_10 : memref<200x128xi32, #tpu.memory_space<hbm>>) target(%arg8 : memref<200x128xi32, #tpu.memory_space<vmem>>) target_semaphore(%arg13 : memref<!tpu.dma_semaphore, #tpu.memory_space<semaphore_mem>>)
    %dma_start3A_11 = arith.constant 0 : i32
    %dma_start3A_12 = tpu.memref_slice %arg3[%mul3A_7, %dma_start3A_11] : memref<416x128xi32, #tpu.memory_space<hbm>> -> memref<13x128xi32, #tpu.memory_space<hbm>>
    %dma_start3A_13 = arith.constant 0 : i32
    %dma_start3A_14 = tpu.memref_slice %arg3[%mul3A_7, %dma_start3A_13] : memref<416x128xi32, #tpu.memory_space<hbm>> -> memref<13x128xi32, #tpu.memory_space<hbm>>
    tpu.enqueue_dma source(%dma_start3A_14 : memref<13x128xi32, #tpu.memory_space<hbm>>) target(%arg9 : memref<13x128xi32, #tpu.memory_space<vmem>>) target_semaphore(%arg13 : memref<!tpu.dma_semaphore, #tpu.memory_space<semaphore_mem>>)
    "tpu.region"() ({
      %run_scoped3A = tpu.sem_alloc : memref<!tpu.dma_semaphore, #tpu.memory_space<semaphore_mem>>
      tpu.enqueue_dma source(%arg4 : memref<128x8xf32, #tpu.memory_space<hbm>>) target(%arg10 : memref<128x8xf32, #tpu.memory_space<vmem>>) target_semaphore(%run_scoped3A : memref<!tpu.dma_semaphore, #tpu.memory_space<semaphore_mem>>)
      tpu.wait_dma2 semaphore(%run_scoped3A : memref<!tpu.dma_semaphore, #tpu.memory_space<semaphore_mem>>) src(%arg4 : memref<128x8xf32, #tpu.memory_space<hbm>>) dst(%arg10 : memref<128x8xf32, #tpu.memory_space<vmem>>)
      tpu.yield
    }) : () -> ()
    %mul3A_15 = arith.constant 3136 : i32
    %mul3A_16 = arith.muli %arg1, %mul3A_15 : i32
    %add3A_17 = arith.constant 0 : i32
    %add3A_18 = arith.addi %mul3A_16, %add3A_17 : i32
    "tpu.region"() ({
      %run_scoped3A = tpu.sem_alloc : memref<!tpu.dma_semaphore, #tpu.memory_space<semaphore_mem>>
      %dma_start3A_274 = arith.constant 0 : i32
      %dma_start3A_275 = tpu.memref_slice %arg11[%add3A_18, %dma_start3A_274] : memref<50688x8xf32, #tpu.memory_space<vmem_shared>> -> memref<1024x8xf32, #tpu.memory_space<vmem_shared>>
      %dma_start3A_276 = arith.constant 0 : i32
      %dma_start3A_277 = arith.constant 0 : i32
      %dma_start3A_278 = tpu.memref_slice %arg5[%dma_start3A_276, %dma_start3A_277] : memref<1024x8xf32, #tpu.memory_space<hbm>> -> memref<1024x8xf32, #tpu.memory_space<hbm>>
      tpu.enqueue_dma source(%dma_start3A_278 : memref<1024x8xf32, #tpu.memory_space<hbm>>) target(%dma_start3A_275 : memref<1024x8xf32, #tpu.memory_space<vmem_shared>>) target_semaphore(%run_scoped3A : memref<!tpu.dma_semaphore, #tpu.memory_space<semaphore_mem>>)
      %dma_wait3A_279 = arith.constant 0 : i32
      %dma_wait3A_280 = tpu.memref_slice %arg11[%add3A_18, %dma_wait3A_279] : memref<50688x8xf32, #tpu.memory_space<vmem_shared>> -> memref<1024x8xf32, #tpu.memory_space<vmem_shared>>
      %dma_wait3A_281 = arith.constant 0 : i32
      %dma_wait3A_282 = arith.constant 0 : i32
      %dma_wait3A_283 = tpu.memref_slice %arg5[%dma_wait3A_281, %dma_wait3A_282] : memref<1024x8xf32, #tpu.memory_space<hbm>> -> memref<1024x8xf32, #tpu.memory_space<hbm>>
      tpu.wait_dma2 semaphore(%run_scoped3A : memref<!tpu.dma_semaphore, #tpu.memory_space<semaphore_mem>>) src(%dma_wait3A_283 : memref<1024x8xf32, #tpu.memory_space<hbm>>) dst(%dma_wait3A_280 : memref<1024x8xf32, #tpu.memory_space<vmem_shared>>)
      tpu.yield
    }) : () -> ()
    %mul3A_19 = arith.constant 3136 : i32
    %mul3A_20 = arith.muli %arg1, %mul3A_19 : i32
    %add3A_21 = arith.constant 1024 : i32
    %add3A_22 = arith.addi %mul3A_20, %add3A_21 : i32
    "tpu.region"() ({
      %run_scoped3A = tpu.sem_alloc : memref<!tpu.dma_semaphore, #tpu.memory_space<semaphore_mem>>
      %dma_start3A_274 = arith.constant 0 : i32
      %dma_start3A_275 = tpu.memref_slice %arg11[%add3A_22, %dma_start3A_274] : memref<50688x8xf32, #tpu.memory_space<vmem_shared>> -> memref<1024x8xf32, #tpu.memory_space<vmem_shared>>
      %dma_start3A_276 = arith.constant 0 : i32
      %dma_start3A_277 = arith.constant 0 : i32
      %dma_start3A_278 = tpu.memref_slice %arg5[%dma_start3A_276, %dma_start3A_277] : memref<1024x8xf32, #tpu.memory_space<hbm>> -> memref<1024x8xf32, #tpu.memory_space<hbm>>
      tpu.enqueue_dma source(%dma_start3A_278 : memref<1024x8xf32, #tpu.memory_space<hbm>>) target(%dma_start3A_275 : memref<1024x8xf32, #tpu.memory_space<vmem_shared>>) target_semaphore(%run_scoped3A : memref<!tpu.dma_semaphore, #tpu.memory_space<semaphore_mem>>)
      %dma_wait3A_279 = arith.constant 0 : i32
      %dma_wait3A_280 = tpu.memref_slice %arg11[%add3A_22, %dma_wait3A_279] : memref<50688x8xf32, #tpu.memory_space<vmem_shared>> -> memref<1024x8xf32, #tpu.memory_space<vmem_shared>>
      %dma_wait3A_281 = arith.constant 0 : i32
      %dma_wait3A_282 = arith.constant 0 : i32
      %dma_wait3A_283 = tpu.memref_slice %arg5[%dma_wait3A_281, %dma_wait3A_282] : memref<1024x8xf32, #tpu.memory_space<hbm>> -> memref<1024x8xf32, #tpu.memory_space<hbm>>
      tpu.wait_dma2 semaphore(%run_scoped3A : memref<!tpu.dma_semaphore, #tpu.memory_space<semaphore_mem>>) src(%dma_wait3A_283 : memref<1024x8xf32, #tpu.memory_space<hbm>>) dst(%dma_wait3A_280 : memref<1024x8xf32, #tpu.memory_space<vmem_shared>>)
      tpu.yield
    }) : () -> ()
    %mul3A_23 = arith.constant 3136 : i32
    %mul3A_24 = arith.muli %arg1, %mul3A_23 : i32
    %add3A_25 = arith.constant 2048 : i32
    %add3A_26 = arith.addi %mul3A_24, %add3A_25 : i32
    "tpu.region"() ({
      %run_scoped3A = tpu.sem_alloc : memref<!tpu.dma_semaphore, #tpu.memory_space<semaphore_mem>>
      %dma_start3A_274 = arith.constant 0 : i32
      %dma_start3A_275 = tpu.memref_slice %arg11[%add3A_26, %dma_start3A_274] : memref<50688x8xf32, #tpu.memory_space<vmem_shared>> -> memref<1024x8xf32, #tpu.memory_space<vmem_shared>>
      %dma_start3A_276 = arith.constant 0 : i32
      %dma_start3A_277 = arith.constant 0 : i32
      %dma_start3A_278 = tpu.memref_slice %arg5[%dma_start3A_276, %dma_start3A_277] : memref<1024x8xf32, #tpu.memory_space<hbm>> -> memref<1024x8xf32, #tpu.memory_space<hbm>>
      tpu.enqueue_dma source(%dma_start3A_278 : memref<1024x8xf32, #tpu.memory_space<hbm>>) target(%dma_start3A_275 : memref<1024x8xf32, #tpu.memory_space<vmem_shared>>) target_semaphore(%run_scoped3A : memref<!tpu.dma_semaphore, #tpu.memory_space<semaphore_mem>>)
      %dma_wait3A_279 = arith.constant 0 : i32
      %dma_wait3A_280 = tpu.memref_slice %arg11[%add3A_26, %dma_wait3A_279] : memref<50688x8xf32, #tpu.memory_space<vmem_shared>> -> memref<1024x8xf32, #tpu.memory_space<vmem_shared>>
      %dma_wait3A_281 = arith.constant 0 : i32
      %dma_wait3A_282 = arith.constant 0 : i32
      %dma_wait3A_283 = tpu.memref_slice %arg5[%dma_wait3A_281, %dma_wait3A_282] : memref<1024x8xf32, #tpu.memory_space<hbm>> -> memref<1024x8xf32, #tpu.memory_space<hbm>>
      tpu.wait_dma2 semaphore(%run_scoped3A : memref<!tpu.dma_semaphore, #tpu.memory_space<semaphore_mem>>) src(%dma_wait3A_283 : memref<1024x8xf32, #tpu.memory_space<hbm>>) dst(%dma_wait3A_280 : memref<1024x8xf32, #tpu.memory_space<vmem_shared>>)
      tpu.yield
    }) : () -> ()
    %mul3A_27 = arith.constant 3136 : i32
    %mul3A_28 = arith.muli %arg1, %mul3A_27 : i32
    %add3A_29 = arith.constant 3072 : i32
    %add3A_30 = arith.addi %mul3A_28, %add3A_29 : i32
    "tpu.region"() ({
      %run_scoped3A = tpu.sem_alloc : memref<!tpu.dma_semaphore, #tpu.memory_space<semaphore_mem>>
      %dma_start3A_274 = arith.constant 0 : i32
      %dma_start3A_275 = tpu.memref_slice %arg11[%add3A_30, %dma_start3A_274] : memref<50688x8xf32, #tpu.memory_space<vmem_shared>> -> memref<64x8xf32, #tpu.memory_space<vmem_shared>>
      %dma_start3A_276 = arith.constant 0 : i32
      %dma_start3A_277 = arith.constant 0 : i32
      %dma_start3A_278 = tpu.memref_slice %arg5[%dma_start3A_276, %dma_start3A_277] : memref<1024x8xf32, #tpu.memory_space<hbm>> -> memref<64x8xf32, #tpu.memory_space<hbm>>
      tpu.enqueue_dma source(%dma_start3A_278 : memref<64x8xf32, #tpu.memory_space<hbm>>) target(%dma_start3A_275 : memref<64x8xf32, #tpu.memory_space<vmem_shared>>) target_semaphore(%run_scoped3A : memref<!tpu.dma_semaphore, #tpu.memory_space<semaphore_mem>>)
      %dma_wait3A_279 = arith.constant 0 : i32
      %dma_wait3A_280 = tpu.memref_slice %arg11[%add3A_30, %dma_wait3A_279] : memref<50688x8xf32, #tpu.memory_space<vmem_shared>> -> memref<64x8xf32, #tpu.memory_space<vmem_shared>>
      %dma_wait3A_281 = arith.constant 0 : i32
      %dma_wait3A_282 = arith.constant 0 : i32
      %dma_wait3A_283 = tpu.memref_slice %arg5[%dma_wait3A_281, %dma_wait3A_282] : memref<1024x8xf32, #tpu.memory_space<hbm>> -> memref<64x8xf32, #tpu.memory_space<hbm>>
      tpu.wait_dma2 semaphore(%run_scoped3A : memref<!tpu.dma_semaphore, #tpu.memory_space<semaphore_mem>>) src(%dma_wait3A_283 : memref<64x8xf32, #tpu.memory_space<hbm>>) dst(%dma_wait3A_280 : memref<64x8xf32, #tpu.memory_space<vmem_shared>>)
      tpu.yield
    }) : () -> ()
    %mul3A_31 = arith.constant 128 : i32
    %mul3A_32 = arith.muli %arg1, %mul3A_31 : i32
    "tpu.region"() ({
      %run_scoped3A = tpu.sem_alloc : memref<!tpu.dma_semaphore, #tpu.memory_space<semaphore_mem>>
      %dma_start3A_274 = arith.constant 0 : i32
      %dma_start3A_275 = tpu.memref_slice %arg12[%mul3A_32, %dma_start3A_274] : memref<2560x8xf32, #tpu.memory_space<vmem_shared>> -> memref<128x8xf32, #tpu.memory_space<vmem_shared>>
      %dma_start3A_276 = arith.constant 0 : i32
      %dma_start3A_277 = arith.constant 0 : i32
      %dma_start3A_278 = tpu.memref_slice %arg5[%dma_start3A_276, %dma_start3A_277] : memref<1024x8xf32, #tpu.memory_space<hbm>> -> memref<128x8xf32, #tpu.memory_space<hbm>>
      tpu.enqueue_dma source(%dma_start3A_278 : memref<128x8xf32, #tpu.memory_space<hbm>>) target(%dma_start3A_275 : memref<128x8xf32, #tpu.memory_space<vmem_shared>>) target_semaphore(%run_scoped3A : memref<!tpu.dma_semaphore, #tpu.memory_space<semaphore_mem>>)
      %dma_wait3A_279 = arith.constant 0 : i32
      %dma_wait3A_280 = tpu.memref_slice %arg12[%mul3A_32, %dma_wait3A_279] : memref<2560x8xf32, #tpu.memory_space<vmem_shared>> -> memref<128x8xf32, #tpu.memory_space<vmem_shared>>
      %dma_wait3A_281 = arith.constant 0 : i32
      %dma_wait3A_282 = arith.constant 0 : i32
      %dma_wait3A_283 = tpu.memref_slice %arg5[%dma_wait3A_281, %dma_wait3A_282] : memref<1024x8xf32, #tpu.memory_space<hbm>> -> memref<128x8xf32, #tpu.memory_space<hbm>>
      tpu.wait_dma2 semaphore(%run_scoped3A : memref<!tpu.dma_semaphore, #tpu.memory_space<semaphore_mem>>) src(%dma_wait3A_283 : memref<128x8xf32, #tpu.memory_space<hbm>>) dst(%dma_wait3A_280 : memref<128x8xf32, #tpu.memory_space<vmem_shared>>)
      tpu.yield
    }) : () -> ()
    %barrier3A = arith.constant 0 : index
    tpu.barrier barrier_id(%barrier3A)
    %dma_wait3A = arith.constant 0 : i32
    %dma_wait3A_33 = tpu.memref_slice %arg2[%mul3A_2, %dma_wait3A] : memref<6404x128xi32, #tpu.memory_space<hbm>> -> memref<200x128xi32, #tpu.memory_space<hbm>>
    %dma_wait3A_34 = arith.constant 0 : i32
    %dma_wait3A_35 = tpu.memref_slice %arg2[%mul3A_2, %dma_wait3A_34] : memref<6404x128xi32, #tpu.memory_space<hbm>> -> memref<200x128xi32, #tpu.memory_space<hbm>>
    tpu.wait_dma2 semaphore(%arg13 : memref<!tpu.dma_semaphore, #tpu.memory_space<semaphore_mem>>) src(%dma_wait3A_35 : memref<200x128xi32, #tpu.memory_space<hbm>>) dst(%arg8 : memref<200x128xi32, #tpu.memory_space<vmem>>)
    %dma_wait3A_36 = arith.constant 0 : i32
    %dma_wait3A_37 = tpu.memref_slice %arg3[%mul3A_7, %dma_wait3A_36] : memref<416x128xi32, #tpu.memory_space<hbm>> -> memref<13x128xi32, #tpu.memory_space<hbm>>
    %dma_wait3A_38 = arith.constant 0 : i32
    %dma_wait3A_39 = tpu.memref_slice %arg3[%mul3A_7, %dma_wait3A_38] : memref<416x128xi32, #tpu.memory_space<hbm>> -> memref<13x128xi32, #tpu.memory_space<hbm>>
    tpu.wait_dma2 semaphore(%arg13 : memref<!tpu.dma_semaphore, #tpu.memory_space<semaphore_mem>>) src(%dma_wait3A_39 : memref<13x128xi32, #tpu.memory_space<hbm>>) dst(%arg9 : memref<13x128xi32, #tpu.memory_space<vmem>>)
    %scan3A = arith.constant 0 : i32
    %scan3A_40 = arith.constant 0 : i32
    %scan3A_41 = arith.constant 25 : i32
    %scan3A_42 = arith.addi %scan3A_40, %scan3A_41 : i32
    %scan3A_43 = arith.constant 1 : i32
    scf.for %scan3A_274 = %scan3A_40 to %scan3A_42 step %scan3A_43  : i32 {
      %mul3A_275 = arith.constant 8 : i32
      %mul3A_276 = arith.muli %scan3A_274, %mul3A_275 : i32
      %add3A_277 = arith.constant 0 : i32
      %add3A_278 = arith.addi %mul3A_276, %add3A_277 : i32
      %dma_start3A_279 = arith.constant 0 : i32
      %dma_start3A_280 = tpu.memref_slice %arg8[%add3A_278, %dma_start3A_279] : memref<200x128xi32, #tpu.memory_space<vmem>> -> memref<1x128xi32, #tpu.memory_space<vmem>>
      %dma_start3A_281 = tpu.memref_squeeze %dma_start3A_280 : memref<1x128xi32, #tpu.memory_space<vmem>> -> memref<128xi32, #tpu.memory_space<vmem>>
      %dma_start3A_282 = arith.constant 0 : i32
      %dma_start3A_283 = arith.constant 0 : i32
      %dma_start3A_284 = tpu.memref_slice %arg11[%dma_start3A_282, %dma_start3A_283] : memref<50688x8xf32, #tpu.memory_space<vmem_shared>> -> memref<50688x8xf32, #tpu.memory_space<vmem_shared>>
      tpu.enqueue_indirect_dma source(%arg10 : memref<128x8xf32, #tpu.memory_space<vmem>>) target(%dma_start3A_284 : memref<50688x8xf32, #tpu.memory_space<vmem_shared>>) offsets(%dma_start3A_281 : memref<128xi32, #tpu.memory_space<vmem>>) semaphore(%arg13 : memref<!tpu.dma_semaphore, #tpu.memory_space<semaphore_mem>>) {add = true}
      %mul3A_285 = arith.constant 8 : i32
      %mul3A_286 = arith.muli %scan3A_274, %mul3A_285 : i32
      %add3A_287 = arith.constant 1 : i32
      %add3A_288 = arith.addi %mul3A_286, %add3A_287 : i32
      %dma_start3A_289 = arith.constant 0 : i32
      %dma_start3A_290 = tpu.memref_slice %arg8[%add3A_288, %dma_start3A_289] : memref<200x128xi32, #tpu.memory_space<vmem>> -> memref<1x128xi32, #tpu.memory_space<vmem>>
      %dma_start3A_291 = tpu.memref_squeeze %dma_start3A_290 : memref<1x128xi32, #tpu.memory_space<vmem>> -> memref<128xi32, #tpu.memory_space<vmem>>
      %dma_start3A_292 = arith.constant 0 : i32
      %dma_start3A_293 = arith.constant 0 : i32
      %dma_start3A_294 = tpu.memref_slice %arg11[%dma_start3A_292, %dma_start3A_293] : memref<50688x8xf32, #tpu.memory_space<vmem_shared>> -> memref<50688x8xf32, #tpu.memory_space<vmem_shared>>
      tpu.enqueue_indirect_dma source(%arg10 : memref<128x8xf32, #tpu.memory_space<vmem>>) target(%dma_start3A_294 : memref<50688x8xf32, #tpu.memory_space<vmem_shared>>) offsets(%dma_start3A_291 : memref<128xi32, #tpu.memory_space<vmem>>) semaphore(%arg13 : memref<!tpu.dma_semaphore, #tpu.memory_space<semaphore_mem>>) {add = true}
      %mul3A_295 = arith.constant 8 : i32
      %mul3A_296 = arith.muli %scan3A_274, %mul3A_295 : i32
      %add3A_297 = arith.constant 2 : i32
      %add3A_298 = arith.addi %mul3A_296, %add3A_297 : i32
      %dma_start3A_299 = arith.constant 0 : i32
      %dma_start3A_300 = tpu.memref_slice %arg8[%add3A_298, %dma_start3A_299] : memref<200x128xi32, #tpu.memory_space<vmem>> -> memref<1x128xi32, #tpu.memory_space<vmem>>
      %dma_start3A_301 = tpu.memref_squeeze %dma_start3A_300 : memref<1x128xi32, #tpu.memory_space<vmem>> -> memref<128xi32, #tpu.memory_space<vmem>>
      %dma_start3A_302 = arith.constant 0 : i32
      %dma_start3A_303 = arith.constant 0 : i32
      %dma_start3A_304 = tpu.memref_slice %arg11[%dma_start3A_302, %dma_start3A_303] : memref<50688x8xf32, #tpu.memory_space<vmem_shared>> -> memref<50688x8xf32, #tpu.memory_space<vmem_shared>>
      tpu.enqueue_indirect_dma source(%arg10 : memref<128x8xf32, #tpu.memory_space<vmem>>) target(%dma_start3A_304 : memref<50688x8xf32, #tpu.memory_space<vmem_shared>>) offsets(%dma_start3A_301 : memref<128xi32, #tpu.memory_space<vmem>>) semaphore(%arg13 : memref<!tpu.dma_semaphore, #tpu.memory_space<semaphore_mem>>) {add = true}
      %mul3A_305 = arith.constant 8 : i32
      %mul3A_306 = arith.muli %scan3A_274, %mul3A_305 : i32
      %add3A_307 = arith.constant 3 : i32
      %add3A_308 = arith.addi %mul3A_306, %add3A_307 : i32
      %dma_start3A_309 = arith.constant 0 : i32
      %dma_start3A_310 = tpu.memref_slice %arg8[%add3A_308, %dma_start3A_309] : memref<200x128xi32, #tpu.memory_space<vmem>> -> memref<1x128xi32, #tpu.memory_space<vmem>>
      %dma_start3A_311 = tpu.memref_squeeze %dma_start3A_310 : memref<1x128xi32, #tpu.memory_space<vmem>> -> memref<128xi32, #tpu.memory_space<vmem>>
      %dma_start3A_312 = arith.constant 0 : i32
      %dma_start3A_313 = arith.constant 0 : i32
      %dma_start3A_314 = tpu.memref_slice %arg11[%dma_start3A_312, %dma_start3A_313] : memref<50688x8xf32, #tpu.memory_space<vmem_shared>> -> memref<50688x8xf32, #tpu.memory_space<vmem_shared>>
      tpu.enqueue_indirect_dma source(%arg10 : memref<128x8xf32, #tpu.memory_space<vmem>>) target(%dma_start3A_314 : memref<50688x8xf32, #tpu.memory_space<vmem_shared>>) offsets(%dma_start3A_311 : memref<128xi32, #tpu.memory_space<vmem>>) semaphore(%arg13 : memref<!tpu.dma_semaphore, #tpu.memory_space<semaphore_mem>>) {add = true}
      %mul3A_315 = arith.constant 8 : i32
      %mul3A_316 = arith.muli %scan3A_274, %mul3A_315 : i32
      %add3A_317 = arith.constant 4 : i32
      %add3A_318 = arith.addi %mul3A_316, %add3A_317 : i32
      %dma_start3A_319 = arith.constant 0 : i32
      %dma_start3A_320 = tpu.memref_slice %arg8[%add3A_318, %dma_start3A_319] : memref<200x128xi32, #tpu.memory_space<vmem>> -> memref<1x128xi32, #tpu.memory_space<vmem>>
      %dma_start3A_321 = tpu.memref_squeeze %dma_start3A_320 : memref<1x128xi32, #tpu.memory_space<vmem>> -> memref<128xi32, #tpu.memory_space<vmem>>
      %dma_start3A_322 = arith.constant 0 : i32
      %dma_start3A_323 = arith.constant 0 : i32
      %dma_start3A_324 = tpu.memref_slice %arg11[%dma_start3A_322, %dma_start3A_323] : memref<50688x8xf32, #tpu.memory_space<vmem_shared>> -> memref<50688x8xf32, #tpu.memory_space<vmem_shared>>
      tpu.enqueue_indirect_dma source(%arg10 : memref<128x8xf32, #tpu.memory_space<vmem>>) target(%dma_start3A_324 : memref<50688x8xf32, #tpu.memory_space<vmem_shared>>) offsets(%dma_start3A_321 : memref<128xi32, #tpu.memory_space<vmem>>) semaphore(%arg13 : memref<!tpu.dma_semaphore, #tpu.memory_space<semaphore_mem>>) {add = true}
      %mul3A_325 = arith.constant 8 : i32
      %mul3A_326 = arith.muli %scan3A_274, %mul3A_325 : i32
      %add3A_327 = arith.constant 5 : i32
      %add3A_328 = arith.addi %mul3A_326, %add3A_327 : i32
      %dma_start3A_329 = arith.constant 0 : i32
      %dma_start3A_330 = tpu.memref_slice %arg8[%add3A_328, %dma_start3A_329] : memref<200x128xi32, #tpu.memory_space<vmem>> -> memref<1x128xi32, #tpu.memory_space<vmem>>
      %dma_start3A_331 = tpu.memref_squeeze %dma_start3A_330 : memref<1x128xi32, #tpu.memory_space<vmem>> -> memref<128xi32, #tpu.memory_space<vmem>>
      %dma_start3A_332 = arith.constant 0 : i32
      %dma_start3A_333 = arith.constant 0 : i32
      %dma_start3A_334 = tpu.memref_slice %arg11[%dma_start3A_332, %dma_start3A_333] : memref<50688x8xf32, #tpu.memory_space<vmem_shared>> -> memref<50688x8xf32, #tpu.memory_space<vmem_shared>>
      tpu.enqueue_indirect_dma source(%arg10 : memref<128x8xf32, #tpu.memory_space<vmem>>) target(%dma_start3A_334 : memref<50688x8xf32, #tpu.memory_space<vmem_shared>>) offsets(%dma_start3A_331 : memref<128xi32, #tpu.memory_space<vmem>>) semaphore(%arg13 : memref<!tpu.dma_semaphore, #tpu.memory_space<semaphore_mem>>) {add = true}
      %mul3A_335 = arith.constant 8 : i32
      %mul3A_336 = arith.muli %scan3A_274, %mul3A_335 : i32
      %add3A_337 = arith.constant 6 : i32
      %add3A_338 = arith.addi %mul3A_336, %add3A_337 : i32
      %dma_start3A_339 = arith.constant 0 : i32
      %dma_start3A_340 = tpu.memref_slice %arg8[%add3A_338, %dma_start3A_339] : memref<200x128xi32, #tpu.memory_space<vmem>> -> memref<1x128xi32, #tpu.memory_space<vmem>>
      %dma_start3A_341 = tpu.memref_squeeze %dma_start3A_340 : memref<1x128xi32, #tpu.memory_space<vmem>> -> memref<128xi32, #tpu.memory_space<vmem>>
      %dma_start3A_342 = arith.constant 0 : i32
      %dma_start3A_343 = arith.constant 0 : i32
      %dma_start3A_344 = tpu.memref_slice %arg11[%dma_start3A_342, %dma_start3A_343] : memref<50688x8xf32, #tpu.memory_space<vmem_shared>> -> memref<50688x8xf32, #tpu.memory_space<vmem_shared>>
      tpu.enqueue_indirect_dma source(%arg10 : memref<128x8xf32, #tpu.memory_space<vmem>>) target(%dma_start3A_344 : memref<50688x8xf32, #tpu.memory_space<vmem_shared>>) offsets(%dma_start3A_341 : memref<128xi32, #tpu.memory_space<vmem>>) semaphore(%arg13 : memref<!tpu.dma_semaphore, #tpu.memory_space<semaphore_mem>>) {add = true}
      %mul3A_345 = arith.constant 8 : i32
      %mul3A_346 = arith.muli %scan3A_274, %mul3A_345 : i32
      %add3A_347 = arith.constant 7 : i32
      %add3A_348 = arith.addi %mul3A_346, %add3A_347 : i32
      %dma_start3A_349 = arith.constant 0 : i32
      %dma_start3A_350 = tpu.memref_slice %arg8[%add3A_348, %dma_start3A_349] : memref<200x128xi32, #tpu.memory_space<vmem>> -> memref<1x128xi32, #tpu.memory_space<vmem>>
      %dma_start3A_351 = tpu.memref_squeeze %dma_start3A_350 : memref<1x128xi32, #tpu.memory_space<vmem>> -> memref<128xi32, #tpu.memory_space<vmem>>
      %dma_start3A_352 = arith.constant 0 : i32
      %dma_start3A_353 = arith.constant 0 : i32
      %dma_start3A_354 = tpu.memref_slice %arg11[%dma_start3A_352, %dma_start3A_353] : memref<50688x8xf32, #tpu.memory_space<vmem_shared>> -> memref<50688x8xf32, #tpu.memory_space<vmem_shared>>
      tpu.enqueue_indirect_dma source(%arg10 : memref<128x8xf32, #tpu.memory_space<vmem>>) target(%dma_start3A_354 : memref<50688x8xf32, #tpu.memory_space<vmem_shared>>) offsets(%dma_start3A_351 : memref<128xi32, #tpu.memory_space<vmem>>) semaphore(%arg13 : memref<!tpu.dma_semaphore, #tpu.memory_space<semaphore_mem>>) {add = true}
      %dma_wait3A_355 = arith.constant 0 : i32
      %dma_wait3A_356 = arith.constant 0 : i32
      %dma_wait3A_357 = tpu.memref_slice %arg8[%dma_wait3A_355, %dma_wait3A_356] : memref<200x128xi32, #tpu.memory_space<vmem>> -> memref<1x128xi32, #tpu.memory_space<vmem>>
      %dma_wait3A_358 = tpu.memref_squeeze %dma_wait3A_357 : memref<1x128xi32, #tpu.memory_space<vmem>> -> memref<128xi32, #tpu.memory_space<vmem>>
      %dma_wait3A_359 = arith.constant 0 : i32
      %dma_wait3A_360 = arith.constant 0 : i32
      %dma_wait3A_361 = tpu.memref_slice %arg11[%dma_wait3A_359, %dma_wait3A_360] : memref<50688x8xf32, #tpu.memory_space<vmem_shared>> -> memref<50688x8xf32, #tpu.memory_space<vmem_shared>>
      tpu.wait_indirect_dma semaphore(%arg13 : memref<!tpu.dma_semaphore, #tpu.memory_space<semaphore_mem>>) src(%arg10 : memref<128x8xf32, #tpu.memory_space<vmem>>) dst(%dma_wait3A_361 : memref<50688x8xf32, #tpu.memory_space<vmem_shared>>)
      %dma_wait3A_362 = arith.constant 0 : i32
      %dma_wait3A_363 = arith.constant 0 : i32
      %dma_wait3A_364 = tpu.memref_slice %arg8[%dma_wait3A_362, %dma_wait3A_363] : memref<200x128xi32, #tpu.memory_space<vmem>> -> memref<1x128xi32, #tpu.memory_space<vmem>>
      %dma_wait3A_365 = tpu.memref_squeeze %dma_wait3A_364 : memref<1x128xi32, #tpu.memory_space<vmem>> -> memref<128xi32, #tpu.memory_space<vmem>>
      %dma_wait3A_366 = arith.constant 0 : i32
      %dma_wait3A_367 = arith.constant 0 : i32
      %dma_wait3A_368 = tpu.memref_slice %arg11[%dma_wait3A_366, %dma_wait3A_367] : memref<50688x8xf32, #tpu.memory_space<vmem_shared>> -> memref<50688x8xf32, #tpu.memory_space<vmem_shared>>
      tpu.wait_indirect_dma semaphore(%arg13 : memref<!tpu.dma_semaphore, #tpu.memory_space<semaphore_mem>>) src(%arg10 : memref<128x8xf32, #tpu.memory_space<vmem>>) dst(%dma_wait3A_368 : memref<50688x8xf32, #tpu.memory_space<vmem_shared>>)
      %dma_wait3A_369 = arith.constant 0 : i32
      %dma_wait3A_370 = arith.constant 0 : i32
      %dma_wait3A_371 = tpu.memref_slice %arg8[%dma_wait3A_369, %dma_wait3A_370] : memref<200x128xi32, #tpu.memory_space<vmem>> -> memref<1x128xi32, #tpu.memory_space<vmem>>
      %dma_wait3A_372 = tpu.memref_squeeze %dma_wait3A_371 : memref<1x128xi32, #tpu.memory_space<vmem>> -> memref<128xi32, #tpu.memory_space<vmem>>
      %dma_wait3A_373 = arith.constant 0 : i32
      %dma_wait3A_374 = arith.constant 0 : i32
      %dma_wait3A_375 = tpu.memref_slice %arg11[%dma_wait3A_373, %dma_wait3A_374] : memref<50688x8xf32, #tpu.memory_space<vmem_shared>> -> memref<50688x8xf32, #tpu.memory_space<vmem_shared>>
      tpu.wait_indirect_dma semaphore(%arg13 : memref<!tpu.dma_semaphore, #tpu.memory_space<semaphore_mem>>) src(%arg10 : memref<128x8xf32, #tpu.memory_space<vmem>>) dst(%dma_wait3A_375 : memref<50688x8xf32, #tpu.memory_space<vmem_shared>>)
      %dma_wait3A_376 = arith.constant 0 : i32
      %dma_wait3A_377 = arith.constant 0 : i32
      %dma_wait3A_378 = tpu.memref_slice %arg8[%dma_wait3A_376, %dma_wait3A_377] : memref<200x128xi32, #tpu.memory_space<vmem>> -> memref<1x128xi32, #tpu.memory_space<vmem>>
      %dma_wait3A_379 = tpu.memref_squeeze %dma_wait3A_378 : memref<1x128xi32, #tpu.memory_space<vmem>> -> memref<128xi32, #tpu.memory_space<vmem>>
      %dma_wait3A_380 = arith.constant 0 : i32
      %dma_wait3A_381 = arith.constant 0 : i32
      %dma_wait3A_382 = tpu.memref_slice %arg11[%dma_wait3A_380, %dma_wait3A_381] : memref<50688x8xf32, #tpu.memory_space<vmem_shared>> -> memref<50688x8xf32, #tpu.memory_space<vmem_shared>>
      tpu.wait_indirect_dma semaphore(%arg13 : memref<!tpu.dma_semaphore, #tpu.memory_space<semaphore_mem>>) src(%arg10 : memref<128x8xf32, #tpu.memory_space<vmem>>) dst(%dma_wait3A_382 : memref<50688x8xf32, #tpu.memory_space<vmem_shared>>)
      %dma_wait3A_383 = arith.constant 0 : i32
      %dma_wait3A_384 = arith.constant 0 : i32
      %dma_wait3A_385 = tpu.memref_slice %arg8[%dma_wait3A_383, %dma_wait3A_384] : memref<200x128xi32, #tpu.memory_space<vmem>> -> memref<1x128xi32, #tpu.memory_space<vmem>>
      %dma_wait3A_386 = tpu.memref_squeeze %dma_wait3A_385 : memref<1x128xi32, #tpu.memory_space<vmem>> -> memref<128xi32, #tpu.memory_space<vmem>>
      %dma_wait3A_387 = arith.constant 0 : i32
      %dma_wait3A_388 = arith.constant 0 : i32
      %dma_wait3A_389 = tpu.memref_slice %arg11[%dma_wait3A_387, %dma_wait3A_388] : memref<50688x8xf32, #tpu.memory_space<vmem_shared>> -> memref<50688x8xf32, #tpu.memory_space<vmem_shared>>
      tpu.wait_indirect_dma semaphore(%arg13 : memref<!tpu.dma_semaphore, #tpu.memory_space<semaphore_mem>>) src(%arg10 : memref<128x8xf32, #tpu.memory_space<vmem>>) dst(%dma_wait3A_389 : memref<50688x8xf32, #tpu.memory_space<vmem_shared>>)
      %dma_wait3A_390 = arith.constant 0 : i32
      %dma_wait3A_391 = arith.constant 0 : i32
      %dma_wait3A_392 = tpu.memref_slice %arg8[%dma_wait3A_390, %dma_wait3A_391] : memref<200x128xi32, #tpu.memory_space<vmem>> -> memref<1x128xi32, #tpu.memory_space<vmem>>
      %dma_wait3A_393 = tpu.memref_squeeze %dma_wait3A_392 : memref<1x128xi32, #tpu.memory_space<vmem>> -> memref<128xi32, #tpu.memory_space<vmem>>
      %dma_wait3A_394 = arith.constant 0 : i32
      %dma_wait3A_395 = arith.constant 0 : i32
      %dma_wait3A_396 = tpu.memref_slice %arg11[%dma_wait3A_394, %dma_wait3A_395] : memref<50688x8xf32, #tpu.memory_space<vmem_shared>> -> memref<50688x8xf32, #tpu.memory_space<vmem_shared>>
      tpu.wait_indirect_dma semaphore(%arg13 : memref<!tpu.dma_semaphore, #tpu.memory_space<semaphore_mem>>) src(%arg10 : memref<128x8xf32, #tpu.memory_space<vmem>>) dst(%dma_wait3A_396 : memref<50688x8xf32, #tpu.memory_space<vmem_shared>>)
      %dma_wait3A_397 = arith.constant 0 : i32
      %dma_wait3A_398 = arith.constant 0 : i32
      %dma_wait3A_399 = tpu.memref_slice %arg8[%dma_wait3A_397, %dma_wait3A_398] : memref<200x128xi32, #tpu.memory_space<vmem>> -> memref<1x128xi32, #tpu.memory_space<vmem>>
      %dma_wait3A_400 = tpu.memref_squeeze %dma_wait3A_399 : memref<1x128xi32, #tpu.memory_space<vmem>> -> memref<128xi32, #tpu.memory_space<vmem>>
      %dma_wait3A_401 = arith.constant 0 : i32
      %dma_wait3A_402 = arith.constant 0 : i32
      %dma_wait3A_403 = tpu.memref_slice %arg11[%dma_wait3A_401, %dma_wait3A_402] : memref<50688x8xf32, #tpu.memory_space<vmem_shared>> -> memref<50688x8xf32, #tpu.memory_space<vmem_shared>>
      tpu.wait_indirect_dma semaphore(%arg13 : memref<!tpu.dma_semaphore, #tpu.memory_space<semaphore_mem>>) src(%arg10 : memref<128x8xf32, #tpu.memory_space<vmem>>) dst(%dma_wait3A_403 : memref<50688x8xf32, #tpu.memory_space<vmem_shared>>)
      %dma_wait3A_404 = arith.constant 0 : i32
      %dma_wait3A_405 = arith.constant 0 : i32
      %dma_wait3A_406 = tpu.memref_slice %arg8[%dma_wait3A_404, %dma_wait3A_405] : memref<200x128xi32, #tpu.memory_space<vmem>> -> memref<1x128xi32, #tpu.memory_space<vmem>>
      %dma_wait3A_407 = tpu.memref_squeeze %dma_wait3A_406 : memref<1x128xi32, #tpu.memory_space<vmem>> -> memref<128xi32, #tpu.memory_space<vmem>>
      %dma_wait3A_408 = arith.constant 0 : i32
      %dma_wait3A_409 = arith.constant 0 : i32
      %dma_wait3A_410 = tpu.memref_slice %arg11[%dma_wait3A_408, %dma_wait3A_409] : memref<50688x8xf32, #tpu.memory_space<vmem_shared>> -> memref<50688x8xf32, #tpu.memory_space<vmem_shared>>
      tpu.wait_indirect_dma semaphore(%arg13 : memref<!tpu.dma_semaphore, #tpu.memory_space<semaphore_mem>>) src(%arg10 : memref<128x8xf32, #tpu.memory_space<vmem>>) dst(%dma_wait3A_410 : memref<50688x8xf32, #tpu.memory_space<vmem_shared>>)
    }
    %scan3A_44 = arith.constant 25 : i32
    %dma_start3A_45 = arith.constant 0 : i32
    %dma_start3A_46 = arith.constant 0 : i32
    %dma_start3A_47 = tpu.memref_slice %arg9[%dma_start3A_45, %dma_start3A_46] : memref<13x128xi32, #tpu.memory_space<vmem>> -> memref<1x128xi32, #tpu.memory_space<vmem>>
    %dma_start3A_48 = tpu.memref_squeeze %dma_start3A_47 : memref<1x128xi32, #tpu.memory_space<vmem>> -> memref<128xi32, #tpu.memory_space<vmem>>
    %dma_start3A_49 = arith.constant 0 : i32
    %dma_start3A_50 = arith.constant 0 : i32
    %dma_start3A_51 = tpu.memref_slice %arg12[%dma_start3A_49, %dma_start3A_50] : memref<2560x8xf32, #tpu.memory_space<vmem_shared>> -> memref<2560x8xf32, #tpu.memory_space<vmem_shared>>
    tpu.enqueue_indirect_dma source(%arg10 : memref<128x8xf32, #tpu.memory_space<vmem>>) target(%dma_start3A_51 : memref<2560x8xf32, #tpu.memory_space<vmem_shared>>) offsets(%dma_start3A_48 : memref<128xi32, #tpu.memory_space<vmem>>) semaphore(%arg13 : memref<!tpu.dma_semaphore, #tpu.memory_space<semaphore_mem>>) {add = true}
    %dma_start3A_52 = arith.constant 1 : i32
    %dma_start3A_53 = arith.constant 0 : i32
    %dma_start3A_54 = tpu.memref_slice %arg9[%dma_start3A_52, %dma_start3A_53] : memref<13x128xi32, #tpu.memory_space<vmem>> -> memref<1x128xi32, #tpu.memory_space<vmem>>
    %dma_start3A_55 = tpu.memref_squeeze %dma_start3A_54 : memref<1x128xi32, #tpu.memory_space<vmem>> -> memref<128xi32, #tpu.memory_space<vmem>>
    %dma_start3A_56 = arith.constant 0 : i32
    %dma_start3A_57 = arith.constant 0 : i32
    %dma_start3A_58 = tpu.memref_slice %arg12[%dma_start3A_56, %dma_start3A_57] : memref<2560x8xf32, #tpu.memory_space<vmem_shared>> -> memref<2560x8xf32, #tpu.memory_space<vmem_shared>>
    tpu.enqueue_indirect_dma source(%arg10 : memref<128x8xf32, #tpu.memory_space<vmem>>) target(%dma_start3A_58 : memref<2560x8xf32, #tpu.memory_space<vmem_shared>>) offsets(%dma_start3A_55 : memref<128xi32, #tpu.memory_space<vmem>>) semaphore(%arg13 : memref<!tpu.dma_semaphore, #tpu.memory_space<semaphore_mem>>) {add = true}
    %dma_start3A_59 = arith.constant 2 : i32
    %dma_start3A_60 = arith.constant 0 : i32
    %dma_start3A_61 = tpu.memref_slice %arg9[%dma_start3A_59, %dma_start3A_60] : memref<13x128xi32, #tpu.memory_space<vmem>> -> memref<1x128xi32, #tpu.memory_space<vmem>>
    %dma_start3A_62 = tpu.memref_squeeze %dma_start3A_61 : memref<1x128xi32, #tpu.memory_space<vmem>> -> memref<128xi32, #tpu.memory_space<vmem>>
    %dma_start3A_63 = arith.constant 0 : i32
    %dma_start3A_64 = arith.constant 0 : i32
    %dma_start3A_65 = tpu.memref_slice %arg12[%dma_start3A_63, %dma_start3A_64] : memref<2560x8xf32, #tpu.memory_space<vmem_shared>> -> memref<2560x8xf32, #tpu.memory_space<vmem_shared>>
    tpu.enqueue_indirect_dma source(%arg10 : memref<128x8xf32, #tpu.memory_space<vmem>>) target(%dma_start3A_65 : memref<2560x8xf32, #tpu.memory_space<vmem_shared>>) offsets(%dma_start3A_62 : memref<128xi32, #tpu.memory_space<vmem>>) semaphore(%arg13 : memref<!tpu.dma_semaphore, #tpu.memory_space<semaphore_mem>>) {add = true}
    %dma_start3A_66 = arith.constant 3 : i32
    %dma_start3A_67 = arith.constant 0 : i32
    %dma_start3A_68 = tpu.memref_slice %arg9[%dma_start3A_66, %dma_start3A_67] : memref<13x128xi32, #tpu.memory_space<vmem>> -> memref<1x128xi32, #tpu.memory_space<vmem>>
    %dma_start3A_69 = tpu.memref_squeeze %dma_start3A_68 : memref<1x128xi32, #tpu.memory_space<vmem>> -> memref<128xi32, #tpu.memory_space<vmem>>
    %dma_start3A_70 = arith.constant 0 : i32
    %dma_start3A_71 = arith.constant 0 : i32
    %dma_start3A_72 = tpu.memref_slice %arg12[%dma_start3A_70, %dma_start3A_71] : memref<2560x8xf32, #tpu.memory_space<vmem_shared>> -> memref<2560x8xf32, #tpu.memory_space<vmem_shared>>
    tpu.enqueue_indirect_dma source(%arg10 : memref<128x8xf32, #tpu.memory_space<vmem>>) target(%dma_start3A_72 : memref<2560x8xf32, #tpu.memory_space<vmem_shared>>) offsets(%dma_start3A_69 : memref<128xi32, #tpu.memory_space<vmem>>) semaphore(%arg13 : memref<!tpu.dma_semaphore, #tpu.memory_space<semaphore_mem>>) {add = true}
    %dma_start3A_73 = arith.constant 4 : i32
    %dma_start3A_74 = arith.constant 0 : i32
    %dma_start3A_75 = tpu.memref_slice %arg9[%dma_start3A_73, %dma_start3A_74] : memref<13x128xi32, #tpu.memory_space<vmem>> -> memref<1x128xi32, #tpu.memory_space<vmem>>
    %dma_start3A_76 = tpu.memref_squeeze %dma_start3A_75 : memref<1x128xi32, #tpu.memory_space<vmem>> -> memref<128xi32, #tpu.memory_space<vmem>>
    %dma_start3A_77 = arith.constant 0 : i32
    %dma_start3A_78 = arith.constant 0 : i32
    %dma_start3A_79 = tpu.memref_slice %arg12[%dma_start3A_77, %dma_start3A_78] : memref<2560x8xf32, #tpu.memory_space<vmem_shared>> -> memref<2560x8xf32, #tpu.memory_space<vmem_shared>>
    tpu.enqueue_indirect_dma source(%arg10 : memref<128x8xf32, #tpu.memory_space<vmem>>) target(%dma_start3A_79 : memref<2560x8xf32, #tpu.memory_space<vmem_shared>>) offsets(%dma_start3A_76 : memref<128xi32, #tpu.memory_space<vmem>>) semaphore(%arg13 : memref<!tpu.dma_semaphore, #tpu.memory_space<semaphore_mem>>) {add = true}
    %dma_start3A_80 = arith.constant 5 : i32
    %dma_start3A_81 = arith.constant 0 : i32
    %dma_start3A_82 = tpu.memref_slice %arg9[%dma_start3A_80, %dma_start3A_81] : memref<13x128xi32, #tpu.memory_space<vmem>> -> memref<1x128xi32, #tpu.memory_space<vmem>>
    %dma_start3A_83 = tpu.memref_squeeze %dma_start3A_82 : memref<1x128xi32, #tpu.memory_space<vmem>> -> memref<128xi32, #tpu.memory_space<vmem>>
    %dma_start3A_84 = arith.constant 0 : i32
    %dma_start3A_85 = arith.constant 0 : i32
    %dma_start3A_86 = tpu.memref_slice %arg12[%dma_start3A_84, %dma_start3A_85] : memref<2560x8xf32, #tpu.memory_space<vmem_shared>> -> memref<2560x8xf32, #tpu.memory_space<vmem_shared>>
    tpu.enqueue_indirect_dma source(%arg10 : memref<128x8xf32, #tpu.memory_space<vmem>>) target(%dma_start3A_86 : memref<2560x8xf32, #tpu.memory_space<vmem_shared>>) offsets(%dma_start3A_83 : memref<128xi32, #tpu.memory_space<vmem>>) semaphore(%arg13 : memref<!tpu.dma_semaphore, #tpu.memory_space<semaphore_mem>>) {add = true}
    %dma_start3A_87 = arith.constant 6 : i32
    %dma_start3A_88 = arith.constant 0 : i32
    %dma_start3A_89 = tpu.memref_slice %arg9[%dma_start3A_87, %dma_start3A_88] : memref<13x128xi32, #tpu.memory_space<vmem>> -> memref<1x128xi32, #tpu.memory_space<vmem>>
    %dma_start3A_90 = tpu.memref_squeeze %dma_start3A_89 : memref<1x128xi32, #tpu.memory_space<vmem>> -> memref<128xi32, #tpu.memory_space<vmem>>
    %dma_start3A_91 = arith.constant 0 : i32
    %dma_start3A_92 = arith.constant 0 : i32
    %dma_start3A_93 = tpu.memref_slice %arg12[%dma_start3A_91, %dma_start3A_92] : memref<2560x8xf32, #tpu.memory_space<vmem_shared>> -> memref<2560x8xf32, #tpu.memory_space<vmem_shared>>
    tpu.enqueue_indirect_dma source(%arg10 : memref<128x8xf32, #tpu.memory_space<vmem>>) target(%dma_start3A_93 : memref<2560x8xf32, #tpu.memory_space<vmem_shared>>) offsets(%dma_start3A_90 : memref<128xi32, #tpu.memory_space<vmem>>) semaphore(%arg13 : memref<!tpu.dma_semaphore, #tpu.memory_space<semaphore_mem>>) {add = true}
    %dma_start3A_94 = arith.constant 7 : i32
    %dma_start3A_95 = arith.constant 0 : i32
    %dma_start3A_96 = tpu.memref_slice %arg9[%dma_start3A_94, %dma_start3A_95] : memref<13x128xi32, #tpu.memory_space<vmem>> -> memref<1x128xi32, #tpu.memory_space<vmem>>
    %dma_start3A_97 = tpu.memref_squeeze %dma_start3A_96 : memref<1x128xi32, #tpu.memory_space<vmem>> -> memref<128xi32, #tpu.memory_space<vmem>>
    %dma_start3A_98 = arith.constant 0 : i32
    %dma_start3A_99 = arith.constant 0 : i32
    %dma_start3A_100 = tpu.memref_slice %arg12[%dma_start3A_98, %dma_start3A_99] : memref<2560x8xf32, #tpu.memory_space<vmem_shared>> -> memref<2560x8xf32, #tpu.memory_space<vmem_shared>>
    tpu.enqueue_indirect_dma source(%arg10 : memref<128x8xf32, #tpu.memory_space<vmem>>) target(%dma_start3A_100 : memref<2560x8xf32, #tpu.memory_space<vmem_shared>>) offsets(%dma_start3A_97 : memref<128xi32, #tpu.memory_space<vmem>>) semaphore(%arg13 : memref<!tpu.dma_semaphore, #tpu.memory_space<semaphore_mem>>) {add = true}
    %dma_start3A_101 = arith.constant 8 : i32
    %dma_start3A_102 = arith.constant 0 : i32
    %dma_start3A_103 = tpu.memref_slice %arg9[%dma_start3A_101, %dma_start3A_102] : memref<13x128xi32, #tpu.memory_space<vmem>> -> memref<1x128xi32, #tpu.memory_space<vmem>>
    %dma_start3A_104 = tpu.memref_squeeze %dma_start3A_103 : memref<1x128xi32, #tpu.memory_space<vmem>> -> memref<128xi32, #tpu.memory_space<vmem>>
    %dma_start3A_105 = arith.constant 0 : i32
    %dma_start3A_106 = arith.constant 0 : i32
    %dma_start3A_107 = tpu.memref_slice %arg12[%dma_start3A_105, %dma_start3A_106] : memref<2560x8xf32, #tpu.memory_space<vmem_shared>> -> memref<2560x8xf32, #tpu.memory_space<vmem_shared>>
    tpu.enqueue_indirect_dma source(%arg10 : memref<128x8xf32, #tpu.memory_space<vmem>>) target(%dma_start3A_107 : memref<2560x8xf32, #tpu.memory_space<vmem_shared>>) offsets(%dma_start3A_104 : memref<128xi32, #tpu.memory_space<vmem>>) semaphore(%arg13 : memref<!tpu.dma_semaphore, #tpu.memory_space<semaphore_mem>>) {add = true}
    %dma_start3A_108 = arith.constant 9 : i32
    %dma_start3A_109 = arith.constant 0 : i32
    %dma_start3A_110 = tpu.memref_slice %arg9[%dma_start3A_108, %dma_start3A_109] : memref<13x128xi32, #tpu.memory_space<vmem>> -> memref<1x128xi32, #tpu.memory_space<vmem>>
    %dma_start3A_111 = tpu.memref_squeeze %dma_start3A_110 : memref<1x128xi32, #tpu.memory_space<vmem>> -> memref<128xi32, #tpu.memory_space<vmem>>
    %dma_start3A_112 = arith.constant 0 : i32
    %dma_start3A_113 = arith.constant 0 : i32
    %dma_start3A_114 = tpu.memref_slice %arg12[%dma_start3A_112, %dma_start3A_113] : memref<2560x8xf32, #tpu.memory_space<vmem_shared>> -> memref<2560x8xf32, #tpu.memory_space<vmem_shared>>
    tpu.enqueue_indirect_dma source(%arg10 : memref<128x8xf32, #tpu.memory_space<vmem>>) target(%dma_start3A_114 : memref<2560x8xf32, #tpu.memory_space<vmem_shared>>) offsets(%dma_start3A_111 : memref<128xi32, #tpu.memory_space<vmem>>) semaphore(%arg13 : memref<!tpu.dma_semaphore, #tpu.memory_space<semaphore_mem>>) {add = true}
    %dma_start3A_115 = arith.constant 10 : i32
    %dma_start3A_116 = arith.constant 0 : i32
    %dma_start3A_117 = tpu.memref_slice %arg9[%dma_start3A_115, %dma_start3A_116] : memref<13x128xi32, #tpu.memory_space<vmem>> -> memref<1x128xi32, #tpu.memory_space<vmem>>
    %dma_start3A_118 = tpu.memref_squeeze %dma_start3A_117 : memref<1x128xi32, #tpu.memory_space<vmem>> -> memref<128xi32, #tpu.memory_space<vmem>>
    %dma_start3A_119 = arith.constant 0 : i32
    %dma_start3A_120 = arith.constant 0 : i32
    %dma_start3A_121 = tpu.memref_slice %arg12[%dma_start3A_119, %dma_start3A_120] : memref<2560x8xf32, #tpu.memory_space<vmem_shared>> -> memref<2560x8xf32, #tpu.memory_space<vmem_shared>>
    tpu.enqueue_indirect_dma source(%arg10 : memref<128x8xf32, #tpu.memory_space<vmem>>) target(%dma_start3A_121 : memref<2560x8xf32, #tpu.memory_space<vmem_shared>>) offsets(%dma_start3A_118 : memref<128xi32, #tpu.memory_space<vmem>>) semaphore(%arg13 : memref<!tpu.dma_semaphore, #tpu.memory_space<semaphore_mem>>) {add = true}
    %dma_start3A_122 = arith.constant 11 : i32
    %dma_start3A_123 = arith.constant 0 : i32
    %dma_start3A_124 = tpu.memref_slice %arg9[%dma_start3A_122, %dma_start3A_123] : memref<13x128xi32, #tpu.memory_space<vmem>> -> memref<1x128xi32, #tpu.memory_space<vmem>>
    %dma_start3A_125 = tpu.memref_squeeze %dma_start3A_124 : memref<1x128xi32, #tpu.memory_space<vmem>> -> memref<128xi32, #tpu.memory_space<vmem>>
    %dma_start3A_126 = arith.constant 0 : i32
    %dma_start3A_127 = arith.constant 0 : i32
    %dma_start3A_128 = tpu.memref_slice %arg12[%dma_start3A_126, %dma_start3A_127] : memref<2560x8xf32, #tpu.memory_space<vmem_shared>> -> memref<2560x8xf32, #tpu.memory_space<vmem_shared>>
    tpu.enqueue_indirect_dma source(%arg10 : memref<128x8xf32, #tpu.memory_space<vmem>>) target(%dma_start3A_128 : memref<2560x8xf32, #tpu.memory_space<vmem_shared>>) offsets(%dma_start3A_125 : memref<128xi32, #tpu.memory_space<vmem>>) semaphore(%arg13 : memref<!tpu.dma_semaphore, #tpu.memory_space<semaphore_mem>>) {add = true}
    %dma_start3A_129 = arith.constant 12 : i32
    %dma_start3A_130 = arith.constant 0 : i32
    %dma_start3A_131 = tpu.memref_slice %arg9[%dma_start3A_129, %dma_start3A_130] : memref<13x128xi32, #tpu.memory_space<vmem>> -> memref<1x128xi32, #tpu.memory_space<vmem>>
    %dma_start3A_132 = tpu.memref_squeeze %dma_start3A_131 : memref<1x128xi32, #tpu.memory_space<vmem>> -> memref<128xi32, #tpu.memory_space<vmem>>
    %dma_start3A_133 = arith.constant 0 : i32
    %dma_start3A_134 = arith.constant 0 : i32
    %dma_start3A_135 = tpu.memref_slice %arg12[%dma_start3A_133, %dma_start3A_134] : memref<2560x8xf32, #tpu.memory_space<vmem_shared>> -> memref<2560x8xf32, #tpu.memory_space<vmem_shared>>
    tpu.enqueue_indirect_dma source(%arg10 : memref<128x8xf32, #tpu.memory_space<vmem>>) target(%dma_start3A_135 : memref<2560x8xf32, #tpu.memory_space<vmem_shared>>) offsets(%dma_start3A_132 : memref<128xi32, #tpu.memory_space<vmem>>) semaphore(%arg13 : memref<!tpu.dma_semaphore, #tpu.memory_space<semaphore_mem>>) {add = true}
    %dma_wait3A_136 = arith.constant 0 : i32
    %dma_wait3A_137 = arith.constant 0 : i32
    %dma_wait3A_138 = tpu.memref_slice %arg9[%dma_wait3A_136, %dma_wait3A_137] : memref<13x128xi32, #tpu.memory_space<vmem>> -> memref<1x128xi32, #tpu.memory_space<vmem>>
    %dma_wait3A_139 = tpu.memref_squeeze %dma_wait3A_138 : memref<1x128xi32, #tpu.memory_space<vmem>> -> memref<128xi32, #tpu.memory_space<vmem>>
    %dma_wait3A_140 = arith.constant 0 : i32
    %dma_wait3A_141 = arith.constant 0 : i32
    %dma_wait3A_142 = tpu.memref_slice %arg12[%dma_wait3A_140, %dma_wait3A_141] : memref<2560x8xf32, #tpu.memory_space<vmem_shared>> -> memref<2560x8xf32, #tpu.memory_space<vmem_shared>>
    tpu.wait_indirect_dma semaphore(%arg13 : memref<!tpu.dma_semaphore, #tpu.memory_space<semaphore_mem>>) src(%arg10 : memref<128x8xf32, #tpu.memory_space<vmem>>) dst(%dma_wait3A_142 : memref<2560x8xf32, #tpu.memory_space<vmem_shared>>)
    %dma_wait3A_143 = arith.constant 0 : i32
    %dma_wait3A_144 = arith.constant 0 : i32
    %dma_wait3A_145 = tpu.memref_slice %arg9[%dma_wait3A_143, %dma_wait3A_144] : memref<13x128xi32, #tpu.memory_space<vmem>> -> memref<1x128xi32, #tpu.memory_space<vmem>>
    %dma_wait3A_146 = tpu.memref_squeeze %dma_wait3A_145 : memref<1x128xi32, #tpu.memory_space<vmem>> -> memref<128xi32, #tpu.memory_space<vmem>>
    %dma_wait3A_147 = arith.constant 0 : i32
    %dma_wait3A_148 = arith.constant 0 : i32
    %dma_wait3A_149 = tpu.memref_slice %arg12[%dma_wait3A_147, %dma_wait3A_148] : memref<2560x8xf32, #tpu.memory_space<vmem_shared>> -> memref<2560x8xf32, #tpu.memory_space<vmem_shared>>
    tpu.wait_indirect_dma semaphore(%arg13 : memref<!tpu.dma_semaphore, #tpu.memory_space<semaphore_mem>>) src(%arg10 : memref<128x8xf32, #tpu.memory_space<vmem>>) dst(%dma_wait3A_149 : memref<2560x8xf32, #tpu.memory_space<vmem_shared>>)
    %dma_wait3A_150 = arith.constant 0 : i32
    %dma_wait3A_151 = arith.constant 0 : i32
    %dma_wait3A_152 = tpu.memref_slice %arg9[%dma_wait3A_150, %dma_wait3A_151] : memref<13x128xi32, #tpu.memory_space<vmem>> -> memref<1x128xi32, #tpu.memory_space<vmem>>
    %dma_wait3A_153 = tpu.memref_squeeze %dma_wait3A_152 : memref<1x128xi32, #tpu.memory_space<vmem>> -> memref<128xi32, #tpu.memory_space<vmem>>
    %dma_wait3A_154 = arith.constant 0 : i32
    %dma_wait3A_155 = arith.constant 0 : i32
    %dma_wait3A_156 = tpu.memref_slice %arg12[%dma_wait3A_154, %dma_wait3A_155] : memref<2560x8xf32, #tpu.memory_space<vmem_shared>> -> memref<2560x8xf32, #tpu.memory_space<vmem_shared>>
    tpu.wait_indirect_dma semaphore(%arg13 : memref<!tpu.dma_semaphore, #tpu.memory_space<semaphore_mem>>) src(%arg10 : memref<128x8xf32, #tpu.memory_space<vmem>>) dst(%dma_wait3A_156 : memref<2560x8xf32, #tpu.memory_space<vmem_shared>>)
    %dma_wait3A_157 = arith.constant 0 : i32
    %dma_wait3A_158 = arith.constant 0 : i32
    %dma_wait3A_159 = tpu.memref_slice %arg9[%dma_wait3A_157, %dma_wait3A_158] : memref<13x128xi32, #tpu.memory_space<vmem>> -> memref<1x128xi32, #tpu.memory_space<vmem>>
    %dma_wait3A_160 = tpu.memref_squeeze %dma_wait3A_159 : memref<1x128xi32, #tpu.memory_space<vmem>> -> memref<128xi32, #tpu.memory_space<vmem>>
    %dma_wait3A_161 = arith.constant 0 : i32
    %dma_wait3A_162 = arith.constant 0 : i32
    %dma_wait3A_163 = tpu.memref_slice %arg12[%dma_wait3A_161, %dma_wait3A_162] : memref<2560x8xf32, #tpu.memory_space<vmem_shared>> -> memref<2560x8xf32, #tpu.memory_space<vmem_shared>>
    tpu.wait_indirect_dma semaphore(%arg13 : memref<!tpu.dma_semaphore, #tpu.memory_space<semaphore_mem>>) src(%arg10 : memref<128x8xf32, #tpu.memory_space<vmem>>) dst(%dma_wait3A_163 : memref<2560x8xf32, #tpu.memory_space<vmem_shared>>)
    %dma_wait3A_164 = arith.constant 0 : i32
    %dma_wait3A_165 = arith.constant 0 : i32
    %dma_wait3A_166 = tpu.memref_slice %arg9[%dma_wait3A_164, %dma_wait3A_165] : memref<13x128xi32, #tpu.memory_space<vmem>> -> memref<1x128xi32, #tpu.memory_space<vmem>>
    %dma_wait3A_167 = tpu.memref_squeeze %dma_wait3A_166 : memref<1x128xi32, #tpu.memory_space<vmem>> -> memref<128xi32, #tpu.memory_space<vmem>>
    %dma_wait3A_168 = arith.constant 0 : i32
    %dma_wait3A_169 = arith.constant 0 : i32
    %dma_wait3A_170 = tpu.memref_slice %arg12[%dma_wait3A_168, %dma_wait3A_169] : memref<2560x8xf32, #tpu.memory_space<vmem_shared>> -> memref<2560x8xf32, #tpu.memory_space<vmem_shared>>
    tpu.wait_indirect_dma semaphore(%arg13 : memref<!tpu.dma_semaphore, #tpu.memory_space<semaphore_mem>>) src(%arg10 : memref<128x8xf32, #tpu.memory_space<vmem>>) dst(%dma_wait3A_170 : memref<2560x8xf32, #tpu.memory_space<vmem_shared>>)
    %dma_wait3A_171 = arith.constant 0 : i32
    %dma_wait3A_172 = arith.constant 0 : i32
    %dma_wait3A_173 = tpu.memref_slice %arg9[%dma_wait3A_171, %dma_wait3A_172] : memref<13x128xi32, #tpu.memory_space<vmem>> -> memref<1x128xi32, #tpu.memory_space<vmem>>
    %dma_wait3A_174 = tpu.memref_squeeze %dma_wait3A_173 : memref<1x128xi32, #tpu.memory_space<vmem>> -> memref<128xi32, #tpu.memory_space<vmem>>
    %dma_wait3A_175 = arith.constant 0 : i32
    %dma_wait3A_176 = arith.constant 0 : i32
    %dma_wait3A_177 = tpu.memref_slice %arg12[%dma_wait3A_175, %dma_wait3A_176] : memref<2560x8xf32, #tpu.memory_space<vmem_shared>> -> memref<2560x8xf32, #tpu.memory_space<vmem_shared>>
    tpu.wait_indirect_dma semaphore(%arg13 : memref<!tpu.dma_semaphore, #tpu.memory_space<semaphore_mem>>) src(%arg10 : memref<128x8xf32, #tpu.memory_space<vmem>>) dst(%dma_wait3A_177 : memref<2560x8xf32, #tpu.memory_space<vmem_shared>>)
    %dma_wait3A_178 = arith.constant 0 : i32
    %dma_wait3A_179 = arith.constant 0 : i32
    %dma_wait3A_180 = tpu.memref_slice %arg9[%dma_wait3A_178, %dma_wait3A_179] : memref<13x128xi32, #tpu.memory_space<vmem>> -> memref<1x128xi32, #tpu.memory_space<vmem>>
    %dma_wait3A_181 = tpu.memref_squeeze %dma_wait3A_180 : memref<1x128xi32, #tpu.memory_space<vmem>> -> memref<128xi32, #tpu.memory_space<vmem>>
    %dma_wait3A_182 = arith.constant 0 : i32
    %dma_wait3A_183 = arith.constant 0 : i32
    %dma_wait3A_184 = tpu.memref_slice %arg12[%dma_wait3A_182, %dma_wait3A_183] : memref<2560x8xf32, #tpu.memory_space<vmem_shared>> -> memref<2560x8xf32, #tpu.memory_space<vmem_shared>>
    tpu.wait_indirect_dma semaphore(%arg13 : memref<!tpu.dma_semaphore, #tpu.memory_space<semaphore_mem>>) src(%arg10 : memref<128x8xf32, #tpu.memory_space<vmem>>) dst(%dma_wait3A_184 : memref<2560x8xf32, #tpu.memory_space<vmem_shared>>)
    %dma_wait3A_185 = arith.constant 0 : i32
    %dma_wait3A_186 = arith.constant 0 : i32
    %dma_wait3A_187 = tpu.memref_slice %arg9[%dma_wait3A_185, %dma_wait3A_186] : memref<13x128xi32, #tpu.memory_space<vmem>> -> memref<1x128xi32, #tpu.memory_space<vmem>>
    %dma_wait3A_188 = tpu.memref_squeeze %dma_wait3A_187 : memref<1x128xi32, #tpu.memory_space<vmem>> -> memref<128xi32, #tpu.memory_space<vmem>>
    %dma_wait3A_189 = arith.constant 0 : i32
    %dma_wait3A_190 = arith.constant 0 : i32
    %dma_wait3A_191 = tpu.memref_slice %arg12[%dma_wait3A_189, %dma_wait3A_190] : memref<2560x8xf32, #tpu.memory_space<vmem_shared>> -> memref<2560x8xf32, #tpu.memory_space<vmem_shared>>
    tpu.wait_indirect_dma semaphore(%arg13 : memref<!tpu.dma_semaphore, #tpu.memory_space<semaphore_mem>>) src(%arg10 : memref<128x8xf32, #tpu.memory_space<vmem>>) dst(%dma_wait3A_191 : memref<2560x8xf32, #tpu.memory_space<vmem_shared>>)
    %dma_wait3A_192 = arith.constant 0 : i32
    %dma_wait3A_193 = arith.constant 0 : i32
    %dma_wait3A_194 = tpu.memref_slice %arg9[%dma_wait3A_192, %dma_wait3A_193] : memref<13x128xi32, #tpu.memory_space<vmem>> -> memref<1x128xi32, #tpu.memory_space<vmem>>
    %dma_wait3A_195 = tpu.memref_squeeze %dma_wait3A_194 : memref<1x128xi32, #tpu.memory_space<vmem>> -> memref<128xi32, #tpu.memory_space<vmem>>
    %dma_wait3A_196 = arith.constant 0 : i32
    %dma_wait3A_197 = arith.constant 0 : i32
    %dma_wait3A_198 = tpu.memref_slice %arg12[%dma_wait3A_196, %dma_wait3A_197] : memref<2560x8xf32, #tpu.memory_space<vmem_shared>> -> memref<2560x8xf32, #tpu.memory_space<vmem_shared>>
    tpu.wait_indirect_dma semaphore(%arg13 : memref<!tpu.dma_semaphore, #tpu.memory_space<semaphore_mem>>) src(%arg10 : memref<128x8xf32, #tpu.memory_space<vmem>>) dst(%dma_wait3A_198 : memref<2560x8xf32, #tpu.memory_space<vmem_shared>>)
    %dma_wait3A_199 = arith.constant 0 : i32
    %dma_wait3A_200 = arith.constant 0 : i32
    %dma_wait3A_201 = tpu.memref_slice %arg9[%dma_wait3A_199, %dma_wait3A_200] : memref<13x128xi32, #tpu.memory_space<vmem>> -> memref<1x128xi32, #tpu.memory_space<vmem>>
    %dma_wait3A_202 = tpu.memref_squeeze %dma_wait3A_201 : memref<1x128xi32, #tpu.memory_space<vmem>> -> memref<128xi32, #tpu.memory_space<vmem>>
    %dma_wait3A_203 = arith.constant 0 : i32
    %dma_wait3A_204 = arith.constant 0 : i32
    %dma_wait3A_205 = tpu.memref_slice %arg12[%dma_wait3A_203, %dma_wait3A_204] : memref<2560x8xf32, #tpu.memory_space<vmem_shared>> -> memref<2560x8xf32, #tpu.memory_space<vmem_shared>>
    tpu.wait_indirect_dma semaphore(%arg13 : memref<!tpu.dma_semaphore, #tpu.memory_space<semaphore_mem>>) src(%arg10 : memref<128x8xf32, #tpu.memory_space<vmem>>) dst(%dma_wait3A_205 : memref<2560x8xf32, #tpu.memory_space<vmem_shared>>)
    %dma_wait3A_206 = arith.constant 0 : i32
    %dma_wait3A_207 = arith.constant 0 : i32
    %dma_wait3A_208 = tpu.memref_slice %arg9[%dma_wait3A_206, %dma_wait3A_207] : memref<13x128xi32, #tpu.memory_space<vmem>> -> memref<1x128xi32, #tpu.memory_space<vmem>>
    %dma_wait3A_209 = tpu.memref_squeeze %dma_wait3A_208 : memref<1x128xi32, #tpu.memory_space<vmem>> -> memref<128xi32, #tpu.memory_space<vmem>>
    %dma_wait3A_210 = arith.constant 0 : i32
    %dma_wait3A_211 = arith.constant 0 : i32
    %dma_wait3A_212 = tpu.memref_slice %arg12[%dma_wait3A_210, %dma_wait3A_211] : memref<2560x8xf32, #tpu.memory_space<vmem_shared>> -> memref<2560x8xf32, #tpu.memory_space<vmem_shared>>
    tpu.wait_indirect_dma semaphore(%arg13 : memref<!tpu.dma_semaphore, #tpu.memory_space<semaphore_mem>>) src(%arg10 : memref<128x8xf32, #tpu.memory_space<vmem>>) dst(%dma_wait3A_212 : memref<2560x8xf32, #tpu.memory_space<vmem_shared>>)
    %dma_wait3A_213 = arith.constant 0 : i32
    %dma_wait3A_214 = arith.constant 0 : i32
    %dma_wait3A_215 = tpu.memref_slice %arg9[%dma_wait3A_213, %dma_wait3A_214] : memref<13x128xi32, #tpu.memory_space<vmem>> -> memref<1x128xi32, #tpu.memory_space<vmem>>
    %dma_wait3A_216 = tpu.memref_squeeze %dma_wait3A_215 : memref<1x128xi32, #tpu.memory_space<vmem>> -> memref<128xi32, #tpu.memory_space<vmem>>
    %dma_wait3A_217 = arith.constant 0 : i32
    %dma_wait3A_218 = arith.constant 0 : i32
    %dma_wait3A_219 = tpu.memref_slice %arg12[%dma_wait3A_217, %dma_wait3A_218] : memref<2560x8xf32, #tpu.memory_space<vmem_shared>> -> memref<2560x8xf32, #tpu.memory_space<vmem_shared>>
    tpu.wait_indirect_dma semaphore(%arg13 : memref<!tpu.dma_semaphore, #tpu.memory_space<semaphore_mem>>) src(%arg10 : memref<128x8xf32, #tpu.memory_space<vmem>>) dst(%dma_wait3A_219 : memref<2560x8xf32, #tpu.memory_space<vmem_shared>>)
    %dma_wait3A_220 = arith.constant 0 : i32
    %dma_wait3A_221 = arith.constant 0 : i32
    %dma_wait3A_222 = tpu.memref_slice %arg9[%dma_wait3A_220, %dma_wait3A_221] : memref<13x128xi32, #tpu.memory_space<vmem>> -> memref<1x128xi32, #tpu.memory_space<vmem>>
    %dma_wait3A_223 = tpu.memref_squeeze %dma_wait3A_222 : memref<1x128xi32, #tpu.memory_space<vmem>> -> memref<128xi32, #tpu.memory_space<vmem>>
    %dma_wait3A_224 = arith.constant 0 : i32
    %dma_wait3A_225 = arith.constant 0 : i32
    %dma_wait3A_226 = tpu.memref_slice %arg12[%dma_wait3A_224, %dma_wait3A_225] : memref<2560x8xf32, #tpu.memory_space<vmem_shared>> -> memref<2560x8xf32, #tpu.memory_space<vmem_shared>>
    tpu.wait_indirect_dma semaphore(%arg13 : memref<!tpu.dma_semaphore, #tpu.memory_space<semaphore_mem>>) src(%arg10 : memref<128x8xf32, #tpu.memory_space<vmem>>) dst(%dma_wait3A_226 : memref<2560x8xf32, #tpu.memory_space<vmem_shared>>)
    %barrier3A_227 = arith.constant 0 : index
    tpu.barrier barrier_id(%barrier3A_227)
    %mul3A_228 = arith.constant 3136 : i32
    %mul3A_229 = arith.muli %arg1, %mul3A_228 : i32
    %add3A_230 = arith.constant 0 : i32
    %add3A_231 = arith.addi %mul3A_229, %add3A_230 : i32
    %mul3A_232 = arith.constant 3136 : i32
    %mul3A_233 = arith.muli %arg1, %mul3A_232 : i32
    %add3A_234 = arith.constant 0 : i32
    %add3A_235 = arith.addi %mul3A_233, %add3A_234 : i32
    %mul3A_236 = arith.constant 8 : i32
    %mul3A_237 = arith.muli %arg0, %mul3A_236 : i32
    "tpu.region"() ({
      %run_scoped3A = tpu.sem_alloc : memref<!tpu.dma_semaphore, #tpu.memory_space<semaphore_mem>>
      %dma_start3A_274 = tpu.memref_slice %arg6[%add3A_235, %mul3A_237] : memref<50176x128xf32, #tpu.memory_space<hbm>> -> memref<1024x8xf32, #tpu.memory_space<hbm>>
      %dma_start3A_275 = arith.constant 0 : i32
      %dma_start3A_276 = tpu.memref_slice %arg11[%add3A_231, %dma_start3A_275] : memref<50688x8xf32, #tpu.memory_space<vmem_shared>> -> memref<1024x8xf32, #tpu.memory_space<vmem_shared>>
      tpu.enqueue_dma source(%dma_start3A_276 : memref<1024x8xf32, #tpu.memory_space<vmem_shared>>) target(%dma_start3A_274 : memref<1024x8xf32, #tpu.memory_space<hbm>>) target_semaphore(%run_scoped3A : memref<!tpu.dma_semaphore, #tpu.memory_space<semaphore_mem>>)
      %dma_wait3A_277 = tpu.memref_slice %arg6[%add3A_235, %mul3A_237] : memref<50176x128xf32, #tpu.memory_space<hbm>> -> memref<1024x8xf32, #tpu.memory_space<hbm>>
      %dma_wait3A_278 = arith.constant 0 : i32
      %dma_wait3A_279 = tpu.memref_slice %arg11[%add3A_231, %dma_wait3A_278] : memref<50688x8xf32, #tpu.memory_space<vmem_shared>> -> memref<1024x8xf32, #tpu.memory_space<vmem_shared>>
      tpu.wait_dma2 semaphore(%run_scoped3A : memref<!tpu.dma_semaphore, #tpu.memory_space<semaphore_mem>>) src(%dma_wait3A_279 : memref<1024x8xf32, #tpu.memory_space<vmem_shared>>) dst(%dma_wait3A_277 : memref<1024x8xf32, #tpu.memory_space<hbm>>)
      tpu.yield
    }) : () -> ()
    %mul3A_238 = arith.constant 3136 : i32
    %mul3A_239 = arith.muli %arg1, %mul3A_238 : i32
    %add3A_240 = arith.constant 1024 : i32
    %add3A_241 = arith.addi %mul3A_239, %add3A_240 : i32
    %mul3A_242 = arith.constant 3136 : i32
    %mul3A_243 = arith.muli %arg1, %mul3A_242 : i32
    %add3A_244 = arith.constant 1024 : i32
    %add3A_245 = arith.addi %mul3A_243, %add3A_244 : i32
    %mul3A_246 = arith.constant 8 : i32
    %mul3A_247 = arith.muli %arg0, %mul3A_246 : i32
    "tpu.region"() ({
      %run_scoped3A = tpu.sem_alloc : memref<!tpu.dma_semaphore, #tpu.memory_space<semaphore_mem>>
      %dma_start3A_274 = tpu.memref_slice %arg6[%add3A_245, %mul3A_247] : memref<50176x128xf32, #tpu.memory_space<hbm>> -> memref<1024x8xf32, #tpu.memory_space<hbm>>
      %dma_start3A_275 = arith.constant 0 : i32
      %dma_start3A_276 = tpu.memref_slice %arg11[%add3A_241, %dma_start3A_275] : memref<50688x8xf32, #tpu.memory_space<vmem_shared>> -> memref<1024x8xf32, #tpu.memory_space<vmem_shared>>
      tpu.enqueue_dma source(%dma_start3A_276 : memref<1024x8xf32, #tpu.memory_space<vmem_shared>>) target(%dma_start3A_274 : memref<1024x8xf32, #tpu.memory_space<hbm>>) target_semaphore(%run_scoped3A : memref<!tpu.dma_semaphore, #tpu.memory_space<semaphore_mem>>)
      %dma_wait3A_277 = tpu.memref_slice %arg6[%add3A_245, %mul3A_247] : memref<50176x128xf32, #tpu.memory_space<hbm>> -> memref<1024x8xf32, #tpu.memory_space<hbm>>
      %dma_wait3A_278 = arith.constant 0 : i32
      %dma_wait3A_279 = tpu.memref_slice %arg11[%add3A_241, %dma_wait3A_278] : memref<50688x8xf32, #tpu.memory_space<vmem_shared>> -> memref<1024x8xf32, #tpu.memory_space<vmem_shared>>
      tpu.wait_dma2 semaphore(%run_scoped3A : memref<!tpu.dma_semaphore, #tpu.memory_space<semaphore_mem>>) src(%dma_wait3A_279 : memref<1024x8xf32, #tpu.memory_space<vmem_shared>>) dst(%dma_wait3A_277 : memref<1024x8xf32, #tpu.memory_space<hbm>>)
      tpu.yield
    }) : () -> ()
    %mul3A_248 = arith.constant 3136 : i32
    %mul3A_249 = arith.muli %arg1, %mul3A_248 : i32
    %add3A_250 = arith.constant 2048 : i32
    %add3A_251 = arith.addi %mul3A_249, %add3A_250 : i32
    %mul3A_252 = arith.constant 3136 : i32
    %mul3A_253 = arith.muli %arg1, %mul3A_252 : i32
    %add3A_254 = arith.constant 2048 : i32
    %add3A_255 = arith.addi %mul3A_253, %add3A_254 : i32
    %mul3A_256 = arith.constant 8 : i32
    %mul3A_257 = arith.muli %arg0, %mul3A_256 : i32
    "tpu.region"() ({
      %run_scoped3A = tpu.sem_alloc : memref<!tpu.dma_semaphore, #tpu.memory_space<semaphore_mem>>
      %dma_start3A_274 = tpu.memref_slice %arg6[%add3A_255, %mul3A_257] : memref<50176x128xf32, #tpu.memory_space<hbm>> -> memref<1024x8xf32, #tpu.memory_space<hbm>>
      %dma_start3A_275 = arith.constant 0 : i32
      %dma_start3A_276 = tpu.memref_slice %arg11[%add3A_251, %dma_start3A_275] : memref<50688x8xf32, #tpu.memory_space<vmem_shared>> -> memref<1024x8xf32, #tpu.memory_space<vmem_shared>>
      tpu.enqueue_dma source(%dma_start3A_276 : memref<1024x8xf32, #tpu.memory_space<vmem_shared>>) target(%dma_start3A_274 : memref<1024x8xf32, #tpu.memory_space<hbm>>) target_semaphore(%run_scoped3A : memref<!tpu.dma_semaphore, #tpu.memory_space<semaphore_mem>>)
      %dma_wait3A_277 = tpu.memref_slice %arg6[%add3A_255, %mul3A_257] : memref<50176x128xf32, #tpu.memory_space<hbm>> -> memref<1024x8xf32, #tpu.memory_space<hbm>>
      %dma_wait3A_278 = arith.constant 0 : i32
      %dma_wait3A_279 = tpu.memref_slice %arg11[%add3A_251, %dma_wait3A_278] : memref<50688x8xf32, #tpu.memory_space<vmem_shared>> -> memref<1024x8xf32, #tpu.memory_space<vmem_shared>>
      tpu.wait_dma2 semaphore(%run_scoped3A : memref<!tpu.dma_semaphore, #tpu.memory_space<semaphore_mem>>) src(%dma_wait3A_279 : memref<1024x8xf32, #tpu.memory_space<vmem_shared>>) dst(%dma_wait3A_277 : memref<1024x8xf32, #tpu.memory_space<hbm>>)
      tpu.yield
    }) : () -> ()
    %mul3A_258 = arith.constant 3136 : i32
    %mul3A_259 = arith.muli %arg1, %mul3A_258 : i32
    %add3A_260 = arith.constant 3072 : i32
    %add3A_261 = arith.addi %mul3A_259, %add3A_260 : i32
    %mul3A_262 = arith.constant 3136 : i32
    %mul3A_263 = arith.muli %arg1, %mul3A_262 : i32
    %add3A_264 = arith.constant 3072 : i32
    %add3A_265 = arith.addi %mul3A_263, %add3A_264 : i32
    %mul3A_266 = arith.constant 8 : i32
    %mul3A_267 = arith.muli %arg0, %mul3A_266 : i32
    "tpu.region"() ({
      %run_scoped3A = tpu.sem_alloc : memref<!tpu.dma_semaphore, #tpu.memory_space<semaphore_mem>>
      %dma_start3A_274 = tpu.memref_slice %arg6[%add3A_265, %mul3A_267] : memref<50176x128xf32, #tpu.memory_space<hbm>> -> memref<64x8xf32, #tpu.memory_space<hbm>>
      %dma_start3A_275 = arith.constant 0 : i32
      %dma_start3A_276 = tpu.memref_slice %arg11[%add3A_261, %dma_start3A_275] : memref<50688x8xf32, #tpu.memory_space<vmem_shared>> -> memref<64x8xf32, #tpu.memory_space<vmem_shared>>
      tpu.enqueue_dma source(%dma_start3A_276 : memref<64x8xf32, #tpu.memory_space<vmem_shared>>) target(%dma_start3A_274 : memref<64x8xf32, #tpu.memory_space<hbm>>) target_semaphore(%run_scoped3A : memref<!tpu.dma_semaphore, #tpu.memory_space<semaphore_mem>>)
      %dma_wait3A_277 = tpu.memref_slice %arg6[%add3A_265, %mul3A_267] : memref<50176x128xf32, #tpu.memory_space<hbm>> -> memref<64x8xf32, #tpu.memory_space<hbm>>
      %dma_wait3A_278 = arith.constant 0 : i32
      %dma_wait3A_279 = tpu.memref_slice %arg11[%add3A_261, %dma_wait3A_278] : memref<50688x8xf32, #tpu.memory_space<vmem_shared>> -> memref<64x8xf32, #tpu.memory_space<vmem_shared>>
      tpu.wait_dma2 semaphore(%run_scoped3A : memref<!tpu.dma_semaphore, #tpu.memory_space<semaphore_mem>>) src(%dma_wait3A_279 : memref<64x8xf32, #tpu.memory_space<vmem_shared>>) dst(%dma_wait3A_277 : memref<64x8xf32, #tpu.memory_space<hbm>>)
      tpu.yield
    }) : () -> ()
    %mul3A_268 = arith.constant 128 : i32
    %mul3A_269 = arith.muli %arg1, %mul3A_268 : i32
    %mul3A_270 = arith.constant 128 : i32
    %mul3A_271 = arith.muli %arg1, %mul3A_270 : i32
    %mul3A_272 = arith.constant 8 : i32
    %mul3A_273 = arith.muli %arg0, %mul3A_272 : i32
    "tpu.region"() ({
      %run_scoped3A = tpu.sem_alloc : memref<!tpu.dma_semaphore, #tpu.memory_space<semaphore_mem>>
      %dma_start3A_274 = tpu.memref_slice %arg7[%mul3A_271, %mul3A_273] : memref<2048x128xf32, #tpu.memory_space<hbm>> -> memref<128x8xf32, #tpu.memory_space<hbm>>
      %dma_start3A_275 = arith.constant 0 : i32
      %dma_start3A_276 = tpu.memref_slice %arg12[%mul3A_269, %dma_start3A_275] : memref<2560x8xf32, #tpu.memory_space<vmem_shared>> -> memref<128x8xf32, #tpu.memory_space<vmem_shared>>
      tpu.enqueue_dma source(%dma_start3A_276 : memref<128x8xf32, #tpu.memory_space<vmem_shared>>) target(%dma_start3A_274 : memref<128x8xf32, #tpu.memory_space<hbm>>) target_semaphore(%run_scoped3A : memref<!tpu.dma_semaphore, #tpu.memory_space<semaphore_mem>>)
      %dma_wait3A_277 = tpu.memref_slice %arg7[%mul3A_271, %mul3A_273] : memref<2048x128xf32, #tpu.memory_space<hbm>> -> memref<128x8xf32, #tpu.memory_space<hbm>>
      %dma_wait3A_278 = arith.constant 0 : i32
      %dma_wait3A_279 = tpu.memref_slice %arg12[%mul3A_269, %dma_wait3A_278] : memref<2560x8xf32, #tpu.memory_space<vmem_shared>> -> memref<128x8xf32, #tpu.memory_space<vmem_shared>>
      tpu.wait_dma2 semaphore(%run_scoped3A : memref<!tpu.dma_semaphore, #tpu.memory_space<semaphore_mem>>) src(%dma_wait3A_279 : memref<128x8xf32, #tpu.memory_space<vmem_shared>>) dst(%dma_wait3A_277 : memref<128x8xf32, #tpu.memory_space<hbm>>)
      tpu.yield
    }) : () -> ()
    return
  }
}

#map = affine_map<(d0, d1) -> (0, 0)>
module attributes {stable_mosaic.version = 14 : i64} {
  func.func @_conv_body(%arg0: i32, %arg1: i32, %arg2: memref<200704x32xf32, #tpu.memory_space<hbm>>, %arg3: memref<12804x128xi32, #tpu.memory_space<hbm>>, %arg4: memref<6404x128xi32, #tpu.memory_space<hbm>>, %arg5: memref<1024x32xf32, #tpu.memory_space<hbm>>, %arg6: memref<50176x128xf32, #tpu.memory_space<hbm>>, %arg7: memref<2x2x128xi32, #tpu.memory_space<vmem>>, %arg8: memref<2x2x128xi32, #tpu.memory_space<vmem>>, %arg9: memref<2x2x128x32xf32, #tpu.memory_space<vmem>>, %arg10: memref<50688x32xf32, #tpu.memory_space<vmem_shared>>, %arg11: memref<!tpu.dma_semaphore, #tpu.memory_space<semaphore_mem>>, %arg12: memref<!tpu.dma_semaphore, #tpu.memory_space<semaphore_mem>>, %arg13: memref<!tpu.dma_semaphore, #tpu.memory_space<semaphore_mem>>, %arg14: memref<!tpu.dma_semaphore, #tpu.memory_space<semaphore_mem>>, %arg15: memref<!tpu.dma_semaphore, #tpu.memory_space<semaphore_mem>>, %arg16: memref<!tpu.dma_semaphore, #tpu.memory_space<semaphore_mem>>, %arg17: memref<!tpu.dma_semaphore, #tpu.memory_space<semaphore_mem>>, %arg18: memref<!tpu.dma_semaphore, #tpu.memory_space<semaphore_mem>>) attributes {dimension_semantics = [#tpu.dimension_semantics<core_parallel>, #tpu.dimension_semantics<subcore_parallel>], iteration_bounds = array<i64: 2, 16>, scalar_prefetch = 0 : i64, scratch_operands = 12 : i64, tpu.core_type = #tpu.core_type<sc_vector_subcore>, window_params = [{transform_indices = #map}, {transform_indices = #map}, {transform_indices = #map}, {transform_indices = #map}, {transform_indices = #map}]} {
    %mul3A = arith.constant 3136 : i32
    %mul3A_0 = arith.muli %arg1, %mul3A : i32
    %add3A = arith.constant 0 : i32
    %add3A_1 = arith.addi %mul3A_0, %add3A : i32
    "tpu.region"() ({
      %run_scoped3A = tpu.sem_alloc : memref<!tpu.dma_semaphore, #tpu.memory_space<semaphore_mem>>
      %dma_start3A_301 = arith.constant 0 : i32
      %dma_start3A_302 = tpu.memref_slice %arg10[%add3A_1, %dma_start3A_301] : memref<50688x32xf32, #tpu.memory_space<vmem_shared>> -> memref<1024x32xf32, #tpu.memory_space<vmem_shared>>
      %dma_start3A_303 = arith.constant 0 : i32
      %dma_start3A_304 = arith.constant 0 : i32
      %dma_start3A_305 = tpu.memref_slice %arg5[%dma_start3A_303, %dma_start3A_304] : memref<1024x32xf32, #tpu.memory_space<hbm>> -> memref<1024x32xf32, #tpu.memory_space<hbm>>
      tpu.enqueue_dma source(%dma_start3A_305 : memref<1024x32xf32, #tpu.memory_space<hbm>>) target(%dma_start3A_302 : memref<1024x32xf32, #tpu.memory_space<vmem_shared>>) target_semaphore(%run_scoped3A : memref<!tpu.dma_semaphore, #tpu.memory_space<semaphore_mem>>)
      %dma_wait3A_306 = arith.constant 0 : i32
      %dma_wait3A_307 = tpu.memref_slice %arg10[%add3A_1, %dma_wait3A_306] : memref<50688x32xf32, #tpu.memory_space<vmem_shared>> -> memref<1024x32xf32, #tpu.memory_space<vmem_shared>>
      %dma_wait3A_308 = arith.constant 0 : i32
      %dma_wait3A_309 = arith.constant 0 : i32
      %dma_wait3A_310 = tpu.memref_slice %arg5[%dma_wait3A_308, %dma_wait3A_309] : memref<1024x32xf32, #tpu.memory_space<hbm>> -> memref<1024x32xf32, #tpu.memory_space<hbm>>
      tpu.wait_dma2 semaphore(%run_scoped3A : memref<!tpu.dma_semaphore, #tpu.memory_space<semaphore_mem>>) src(%dma_wait3A_310 : memref<1024x32xf32, #tpu.memory_space<hbm>>) dst(%dma_wait3A_307 : memref<1024x32xf32, #tpu.memory_space<vmem_shared>>)
      tpu.yield
    }) : () -> ()
    %mul3A_2 = arith.constant 3136 : i32
    %mul3A_3 = arith.muli %arg1, %mul3A_2 : i32
    %add3A_4 = arith.constant 1024 : i32
    %add3A_5 = arith.addi %mul3A_3, %add3A_4 : i32
    "tpu.region"() ({
      %run_scoped3A = tpu.sem_alloc : memref<!tpu.dma_semaphore, #tpu.memory_space<semaphore_mem>>
      %dma_start3A_301 = arith.constant 0 : i32
      %dma_start3A_302 = tpu.memref_slice %arg10[%add3A_5, %dma_start3A_301] : memref<50688x32xf32, #tpu.memory_space<vmem_shared>> -> memref<1024x32xf32, #tpu.memory_space<vmem_shared>>
      %dma_start3A_303 = arith.constant 0 : i32
      %dma_start3A_304 = arith.constant 0 : i32
      %dma_start3A_305 = tpu.memref_slice %arg5[%dma_start3A_303, %dma_start3A_304] : memref<1024x32xf32, #tpu.memory_space<hbm>> -> memref<1024x32xf32, #tpu.memory_space<hbm>>
      tpu.enqueue_dma source(%dma_start3A_305 : memref<1024x32xf32, #tpu.memory_space<hbm>>) target(%dma_start3A_302 : memref<1024x32xf32, #tpu.memory_space<vmem_shared>>) target_semaphore(%run_scoped3A : memref<!tpu.dma_semaphore, #tpu.memory_space<semaphore_mem>>)
      %dma_wait3A_306 = arith.constant 0 : i32
      %dma_wait3A_307 = tpu.memref_slice %arg10[%add3A_5, %dma_wait3A_306] : memref<50688x32xf32, #tpu.memory_space<vmem_shared>> -> memref<1024x32xf32, #tpu.memory_space<vmem_shared>>
      %dma_wait3A_308 = arith.constant 0 : i32
      %dma_wait3A_309 = arith.constant 0 : i32
      %dma_wait3A_310 = tpu.memref_slice %arg5[%dma_wait3A_308, %dma_wait3A_309] : memref<1024x32xf32, #tpu.memory_space<hbm>> -> memref<1024x32xf32, #tpu.memory_space<hbm>>
      tpu.wait_dma2 semaphore(%run_scoped3A : memref<!tpu.dma_semaphore, #tpu.memory_space<semaphore_mem>>) src(%dma_wait3A_310 : memref<1024x32xf32, #tpu.memory_space<hbm>>) dst(%dma_wait3A_307 : memref<1024x32xf32, #tpu.memory_space<vmem_shared>>)
      tpu.yield
    }) : () -> ()
    %mul3A_6 = arith.constant 3136 : i32
    %mul3A_7 = arith.muli %arg1, %mul3A_6 : i32
    %add3A_8 = arith.constant 2048 : i32
    %add3A_9 = arith.addi %mul3A_7, %add3A_8 : i32
    "tpu.region"() ({
      %run_scoped3A = tpu.sem_alloc : memref<!tpu.dma_semaphore, #tpu.memory_space<semaphore_mem>>
      %dma_start3A_301 = arith.constant 0 : i32
      %dma_start3A_302 = tpu.memref_slice %arg10[%add3A_9, %dma_start3A_301] : memref<50688x32xf32, #tpu.memory_space<vmem_shared>> -> memref<1024x32xf32, #tpu.memory_space<vmem_shared>>
      %dma_start3A_303 = arith.constant 0 : i32
      %dma_start3A_304 = arith.constant 0 : i32
      %dma_start3A_305 = tpu.memref_slice %arg5[%dma_start3A_303, %dma_start3A_304] : memref<1024x32xf32, #tpu.memory_space<hbm>> -> memref<1024x32xf32, #tpu.memory_space<hbm>>
      tpu.enqueue_dma source(%dma_start3A_305 : memref<1024x32xf32, #tpu.memory_space<hbm>>) target(%dma_start3A_302 : memref<1024x32xf32, #tpu.memory_space<vmem_shared>>) target_semaphore(%run_scoped3A : memref<!tpu.dma_semaphore, #tpu.memory_space<semaphore_mem>>)
      %dma_wait3A_306 = arith.constant 0 : i32
      %dma_wait3A_307 = tpu.memref_slice %arg10[%add3A_9, %dma_wait3A_306] : memref<50688x32xf32, #tpu.memory_space<vmem_shared>> -> memref<1024x32xf32, #tpu.memory_space<vmem_shared>>
      %dma_wait3A_308 = arith.constant 0 : i32
      %dma_wait3A_309 = arith.constant 0 : i32
      %dma_wait3A_310 = tpu.memref_slice %arg5[%dma_wait3A_308, %dma_wait3A_309] : memref<1024x32xf32, #tpu.memory_space<hbm>> -> memref<1024x32xf32, #tpu.memory_space<hbm>>
      tpu.wait_dma2 semaphore(%run_scoped3A : memref<!tpu.dma_semaphore, #tpu.memory_space<semaphore_mem>>) src(%dma_wait3A_310 : memref<1024x32xf32, #tpu.memory_space<hbm>>) dst(%dma_wait3A_307 : memref<1024x32xf32, #tpu.memory_space<vmem_shared>>)
      tpu.yield
    }) : () -> ()
    %mul3A_10 = arith.constant 3136 : i32
    %mul3A_11 = arith.muli %arg1, %mul3A_10 : i32
    %add3A_12 = arith.constant 3072 : i32
    %add3A_13 = arith.addi %mul3A_11, %add3A_12 : i32
    "tpu.region"() ({
      %run_scoped3A = tpu.sem_alloc : memref<!tpu.dma_semaphore, #tpu.memory_space<semaphore_mem>>
      %dma_start3A_301 = arith.constant 0 : i32
      %dma_start3A_302 = tpu.memref_slice %arg10[%add3A_13, %dma_start3A_301] : memref<50688x32xf32, #tpu.memory_space<vmem_shared>> -> memref<64x32xf32, #tpu.memory_space<vmem_shared>>
      %dma_start3A_303 = arith.constant 0 : i32
      %dma_start3A_304 = arith.constant 0 : i32
      %dma_start3A_305 = tpu.memref_slice %arg5[%dma_start3A_303, %dma_start3A_304] : memref<1024x32xf32, #tpu.memory_space<hbm>> -> memref<64x32xf32, #tpu.memory_space<hbm>>
      tpu.enqueue_dma source(%dma_start3A_305 : memref<64x32xf32, #tpu.memory_space<hbm>>) target(%dma_start3A_302 : memref<64x32xf32, #tpu.memory_space<vmem_shared>>) target_semaphore(%run_scoped3A : memref<!tpu.dma_semaphore, #tpu.memory_space<semaphore_mem>>)
      %dma_wait3A_306 = arith.constant 0 : i32
      %dma_wait3A_307 = tpu.memref_slice %arg10[%add3A_13, %dma_wait3A_306] : memref<50688x32xf32, #tpu.memory_space<vmem_shared>> -> memref<64x32xf32, #tpu.memory_space<vmem_shared>>
      %dma_wait3A_308 = arith.constant 0 : i32
      %dma_wait3A_309 = arith.constant 0 : i32
      %dma_wait3A_310 = tpu.memref_slice %arg5[%dma_wait3A_308, %dma_wait3A_309] : memref<1024x32xf32, #tpu.memory_space<hbm>> -> memref<64x32xf32, #tpu.memory_space<hbm>>
      tpu.wait_dma2 semaphore(%run_scoped3A : memref<!tpu.dma_semaphore, #tpu.memory_space<semaphore_mem>>) src(%dma_wait3A_310 : memref<64x32xf32, #tpu.memory_space<hbm>>) dst(%dma_wait3A_307 : memref<64x32xf32, #tpu.memory_space<vmem_shared>>)
      tpu.yield
    }) : () -> ()
    %barrier3A = arith.constant 0 : index
    tpu.barrier barrier_id(%barrier3A)
    %mul3A_14 = arith.constant 819200 : i32
    %mul3A_15 = arith.muli %arg0, %mul3A_14 : i32
    %mul3A_16 = arith.constant 51200 : i32
    %mul3A_17 = arith.muli %arg1, %mul3A_16 : i32
    %add3A_18 = arith.addi %mul3A_15, %mul3A_17 : i32
    %jit3A = arith.constant 128 : i32
    %div3A = arith.divsi %add3A_18, %jit3A : i32
    %sign3A = arith.constant 0 : i32
    %sign3A_19 = arith.cmpi sgt, %add3A_18, %sign3A : i32
    %sign3A_20 = arith.extui %sign3A_19 : i1 to i32
    %sign3A_21 = arith.constant 0 : i32
    %sign3A_22 = arith.cmpi slt, %add3A_18, %sign3A_21 : i32
    %sign3A_23 = arith.extui %sign3A_22 : i1 to i32
    %sign3A_24 = arith.subi %sign3A_20, %sign3A_23 : i32
    %sign3A_25 = arith.constant 0 : i32
    %sign3A_26 = arith.cmpi sgt, %jit3A, %sign3A_25 : i32
    %sign3A_27 = arith.extui %sign3A_26 : i1 to i32
    %sign3A_28 = arith.constant 0 : i32
    %sign3A_29 = arith.cmpi slt, %jit3A, %sign3A_28 : i32
    %sign3A_30 = arith.extui %sign3A_29 : i1 to i32
    %sign3A_31 = arith.subi %sign3A_27, %sign3A_30 : i32
    %ne3A = arith.cmpi ne, %sign3A_24, %sign3A_31 : i32
    %rem3A = arith.remsi %add3A_18, %jit3A : i32
    %ne3A_32 = arith.constant 0 : i32
    %ne3A_33 = arith.cmpi ne, %rem3A, %ne3A_32 : i32
    %and3A = arith.andi %ne3A, %ne3A_33 : i1
    %sub3A = arith.constant 1 : i32
    %sub3A_34 = arith.subi %div3A, %sub3A : i32
    %select_n3A = arith.select %and3A, %sub3A_34, %div3A : i32
    %mul3A_35 = arith.constant 51200 : i32
    %mul3A_36 = arith.muli %arg1, %mul3A_35 : i32
    %jit3A_37 = arith.constant 128 : i32
    %div3A_38 = arith.divsi %mul3A_36, %jit3A_37 : i32
    %sign3A_39 = arith.constant 0 : i32
    %sign3A_40 = arith.cmpi sgt, %mul3A_36, %sign3A_39 : i32
    %sign3A_41 = arith.extui %sign3A_40 : i1 to i32
    %sign3A_42 = arith.constant 0 : i32
    %sign3A_43 = arith.cmpi slt, %mul3A_36, %sign3A_42 : i32
    %sign3A_44 = arith.extui %sign3A_43 : i1 to i32
    %sign3A_45 = arith.subi %sign3A_41, %sign3A_44 : i32
    %sign3A_46 = arith.constant 0 : i32
    %sign3A_47 = arith.cmpi sgt, %jit3A_37, %sign3A_46 : i32
    %sign3A_48 = arith.extui %sign3A_47 : i1 to i32
    %sign3A_49 = arith.constant 0 : i32
    %sign3A_50 = arith.cmpi slt, %jit3A_37, %sign3A_49 : i32
    %sign3A_51 = arith.extui %sign3A_50 : i1 to i32
    %sign3A_52 = arith.subi %sign3A_48, %sign3A_51 : i32
    %ne3A_53 = arith.cmpi ne, %sign3A_45, %sign3A_52 : i32
    %rem3A_54 = arith.remsi %mul3A_36, %jit3A_37 : i32
    %ne3A_55 = arith.constant 0 : i32
    %ne3A_56 = arith.cmpi ne, %rem3A_54, %ne3A_55 : i32
    %and3A_57 = arith.andi %ne3A_53, %ne3A_56 : i1
    %sub3A_58 = arith.constant 1 : i32
    %sub3A_59 = arith.subi %div3A_38, %sub3A_58 : i32
    %select_n3A_60 = arith.select %and3A_57, %sub3A_59, %div3A_38 : i32
    %add3A_61 = arith.constant 0 : i32
    %add3A_62 = arith.addi %select_n3A, %add3A_61 : i32
    %dma_start3A = arith.constant 0 : i32
    %dma_start3A_63 = arith.constant 0 : i32
    %dma_start3A_64 = arith.constant 0 : i32
    %dma_start3A_65 = tpu.memref_slice %arg7[%dma_start3A, %dma_start3A_63, %dma_start3A_64] : memref<2x2x128xi32, #tpu.memory_space<vmem>> -> memref<1x2x128xi32, #tpu.memory_space<vmem>>
    %dma_start3A_66 = tpu.memref_squeeze %dma_start3A_65 : memref<1x2x128xi32, #tpu.memory_space<vmem>> -> memref<2x128xi32, #tpu.memory_space<vmem>>
    %dma_start3A_67 = arith.constant 0 : i32
    %dma_start3A_68 = tpu.memref_slice %arg3[%add3A_62, %dma_start3A_67] : memref<12804x128xi32, #tpu.memory_space<hbm>> -> memref<2x128xi32, #tpu.memory_space<hbm>>
    %dma_start3A_69 = arith.constant 0 : i32
    %dma_start3A_70 = arith.constant 0 : i32
    %dma_start3A_71 = tpu.memref_slice %arg7[%dma_start3A, %dma_start3A_69, %dma_start3A_70] : memref<2x2x128xi32, #tpu.memory_space<vmem>> -> memref<1x2x128xi32, #tpu.memory_space<vmem>>
    %dma_start3A_72 = tpu.memref_squeeze %dma_start3A_71 : memref<1x2x128xi32, #tpu.memory_space<vmem>> -> memref<2x128xi32, #tpu.memory_space<vmem>>
    %dma_start3A_73 = arith.constant 0 : i32
    %dma_start3A_74 = tpu.memref_slice %arg3[%add3A_62, %dma_start3A_73] : memref<12804x128xi32, #tpu.memory_space<hbm>> -> memref<2x128xi32, #tpu.memory_space<hbm>>
    tpu.enqueue_dma source(%dma_start3A_74 : memref<2x128xi32, #tpu.memory_space<hbm>>) target(%dma_start3A_72 : memref<2x128xi32, #tpu.memory_space<vmem>>) target_semaphore(%arg11 : memref<!tpu.dma_semaphore, #tpu.memory_space<semaphore_mem>>)
    %add3A_75 = arith.constant 0 : i32
    %add3A_76 = arith.addi %select_n3A_60, %add3A_75 : i32
    %dma_start3A_77 = arith.constant 0 : i32
    %dma_start3A_78 = arith.constant 0 : i32
    %dma_start3A_79 = arith.constant 0 : i32
    %dma_start3A_80 = tpu.memref_slice %arg8[%dma_start3A_77, %dma_start3A_78, %dma_start3A_79] : memref<2x2x128xi32, #tpu.memory_space<vmem>> -> memref<1x2x128xi32, #tpu.memory_space<vmem>>
    %dma_start3A_81 = tpu.memref_squeeze %dma_start3A_80 : memref<1x2x128xi32, #tpu.memory_space<vmem>> -> memref<2x128xi32, #tpu.memory_space<vmem>>
    %dma_start3A_82 = arith.constant 0 : i32
    %dma_start3A_83 = tpu.memref_slice %arg4[%add3A_76, %dma_start3A_82] : memref<6404x128xi32, #tpu.memory_space<hbm>> -> memref<2x128xi32, #tpu.memory_space<hbm>>
    %dma_start3A_84 = arith.constant 0 : i32
    %dma_start3A_85 = arith.constant 0 : i32
    %dma_start3A_86 = tpu.memref_slice %arg8[%dma_start3A_77, %dma_start3A_84, %dma_start3A_85] : memref<2x2x128xi32, #tpu.memory_space<vmem>> -> memref<1x2x128xi32, #tpu.memory_space<vmem>>
    %dma_start3A_87 = tpu.memref_squeeze %dma_start3A_86 : memref<1x2x128xi32, #tpu.memory_space<vmem>> -> memref<2x128xi32, #tpu.memory_space<vmem>>
    %dma_start3A_88 = arith.constant 0 : i32
    %dma_start3A_89 = tpu.memref_slice %arg4[%add3A_76, %dma_start3A_88] : memref<6404x128xi32, #tpu.memory_space<hbm>> -> memref<2x128xi32, #tpu.memory_space<hbm>>
    tpu.enqueue_dma source(%dma_start3A_89 : memref<2x128xi32, #tpu.memory_space<hbm>>) target(%dma_start3A_87 : memref<2x128xi32, #tpu.memory_space<vmem>>) target_semaphore(%arg13 : memref<!tpu.dma_semaphore, #tpu.memory_space<semaphore_mem>>)
    %add3A_90 = arith.constant 2 : i32
    %add3A_91 = arith.addi %select_n3A, %add3A_90 : i32
    %dma_start3A_92 = arith.constant 1 : i32
    %dma_start3A_93 = arith.constant 0 : i32
    %dma_start3A_94 = arith.constant 0 : i32
    %dma_start3A_95 = tpu.memref_slice %arg7[%dma_start3A_92, %dma_start3A_93, %dma_start3A_94] : memref<2x2x128xi32, #tpu.memory_space<vmem>> -> memref<1x2x128xi32, #tpu.memory_space<vmem>>
    %dma_start3A_96 = tpu.memref_squeeze %dma_start3A_95 : memref<1x2x128xi32, #tpu.memory_space<vmem>> -> memref<2x128xi32, #tpu.memory_space<vmem>>
    %dma_start3A_97 = arith.constant 0 : i32
    %dma_start3A_98 = tpu.memref_slice %arg3[%add3A_91, %dma_start3A_97] : memref<12804x128xi32, #tpu.memory_space<hbm>> -> memref<2x128xi32, #tpu.memory_space<hbm>>
    %dma_start3A_99 = arith.constant 0 : i32
    %dma_start3A_100 = arith.constant 0 : i32
    %dma_start3A_101 = tpu.memref_slice %arg7[%dma_start3A_92, %dma_start3A_99, %dma_start3A_100] : memref<2x2x128xi32, #tpu.memory_space<vmem>> -> memref<1x2x128xi32, #tpu.memory_space<vmem>>
    %dma_start3A_102 = tpu.memref_squeeze %dma_start3A_101 : memref<1x2x128xi32, #tpu.memory_space<vmem>> -> memref<2x128xi32, #tpu.memory_space<vmem>>
    %dma_start3A_103 = arith.constant 0 : i32
    %dma_start3A_104 = tpu.memref_slice %arg3[%add3A_91, %dma_start3A_103] : memref<12804x128xi32, #tpu.memory_space<hbm>> -> memref<2x128xi32, #tpu.memory_space<hbm>>
    tpu.enqueue_dma source(%dma_start3A_104 : memref<2x128xi32, #tpu.memory_space<hbm>>) target(%dma_start3A_102 : memref<2x128xi32, #tpu.memory_space<vmem>>) target_semaphore(%arg12 : memref<!tpu.dma_semaphore, #tpu.memory_space<semaphore_mem>>)
    %add3A_105 = arith.constant 2 : i32
    %add3A_106 = arith.addi %select_n3A_60, %add3A_105 : i32
    %dma_start3A_107 = arith.constant 1 : i32
    %dma_start3A_108 = arith.constant 0 : i32
    %dma_start3A_109 = arith.constant 0 : i32
    %dma_start3A_110 = tpu.memref_slice %arg8[%dma_start3A_107, %dma_start3A_108, %dma_start3A_109] : memref<2x2x128xi32, #tpu.memory_space<vmem>> -> memref<1x2x128xi32, #tpu.memory_space<vmem>>
    %dma_start3A_111 = tpu.memref_squeeze %dma_start3A_110 : memref<1x2x128xi32, #tpu.memory_space<vmem>> -> memref<2x128xi32, #tpu.memory_space<vmem>>
    %dma_start3A_112 = arith.constant 0 : i32
    %dma_start3A_113 = tpu.memref_slice %arg4[%add3A_106, %dma_start3A_112] : memref<6404x128xi32, #tpu.memory_space<hbm>> -> memref<2x128xi32, #tpu.memory_space<hbm>>
    %dma_start3A_114 = arith.constant 0 : i32
    %dma_start3A_115 = arith.constant 0 : i32
    %dma_start3A_116 = tpu.memref_slice %arg8[%dma_start3A_107, %dma_start3A_114, %dma_start3A_115] : memref<2x2x128xi32, #tpu.memory_space<vmem>> -> memref<1x2x128xi32, #tpu.memory_space<vmem>>
    %dma_start3A_117 = tpu.memref_squeeze %dma_start3A_116 : memref<1x2x128xi32, #tpu.memory_space<vmem>> -> memref<2x128xi32, #tpu.memory_space<vmem>>
    %dma_start3A_118 = arith.constant 0 : i32
    %dma_start3A_119 = tpu.memref_slice %arg4[%add3A_106, %dma_start3A_118] : memref<6404x128xi32, #tpu.memory_space<hbm>> -> memref<2x128xi32, #tpu.memory_space<hbm>>
    tpu.enqueue_dma source(%dma_start3A_119 : memref<2x128xi32, #tpu.memory_space<hbm>>) target(%dma_start3A_117 : memref<2x128xi32, #tpu.memory_space<vmem>>) target_semaphore(%arg14 : memref<!tpu.dma_semaphore, #tpu.memory_space<semaphore_mem>>)
    %dma_wait3A = arith.constant 0 : i32
    %dma_wait3A_120 = arith.constant 0 : i32
    %dma_wait3A_121 = arith.constant 0 : i32
    %dma_wait3A_122 = tpu.memref_slice %arg7[%dma_wait3A, %dma_wait3A_120, %dma_wait3A_121] : memref<2x2x128xi32, #tpu.memory_space<vmem>> -> memref<1x2x128xi32, #tpu.memory_space<vmem>>
    %dma_wait3A_123 = tpu.memref_squeeze %dma_wait3A_122 : memref<1x2x128xi32, #tpu.memory_space<vmem>> -> memref<2x128xi32, #tpu.memory_space<vmem>>
    %dma_wait3A_124 = arith.constant 0 : i32
    %dma_wait3A_125 = tpu.memref_slice %arg3[%select_n3A, %dma_wait3A_124] : memref<12804x128xi32, #tpu.memory_space<hbm>> -> memref<2x128xi32, #tpu.memory_space<hbm>>
    %dma_wait3A_126 = arith.constant 0 : i32
    %dma_wait3A_127 = arith.constant 0 : i32
    %dma_wait3A_128 = tpu.memref_slice %arg7[%dma_wait3A, %dma_wait3A_126, %dma_wait3A_127] : memref<2x2x128xi32, #tpu.memory_space<vmem>> -> memref<1x2x128xi32, #tpu.memory_space<vmem>>
    %dma_wait3A_129 = tpu.memref_squeeze %dma_wait3A_128 : memref<1x2x128xi32, #tpu.memory_space<vmem>> -> memref<2x128xi32, #tpu.memory_space<vmem>>
    %dma_wait3A_130 = arith.constant 0 : i32
    %dma_wait3A_131 = tpu.memref_slice %arg3[%select_n3A, %dma_wait3A_130] : memref<12804x128xi32, #tpu.memory_space<hbm>> -> memref<2x128xi32, #tpu.memory_space<hbm>>
    tpu.wait_dma2 semaphore(%arg11 : memref<!tpu.dma_semaphore, #tpu.memory_space<semaphore_mem>>) src(%dma_wait3A_131 : memref<2x128xi32, #tpu.memory_space<hbm>>) dst(%dma_wait3A_129 : memref<2x128xi32, #tpu.memory_space<vmem>>)
    %dma_start3A_132 = arith.constant 0 : i32
    %dma_start3A_133 = arith.constant 0 : i32
    %dma_start3A_134 = arith.constant 0 : i32
    %dma_start3A_135 = arith.constant 0 : i32
    %dma_start3A_136 = arith.constant 0 : i32
    %dma_start3A_137 = arith.constant 0 : i32
    %dma_start3A_138 = tpu.memref_slice %arg9[%dma_start3A_134, %dma_start3A_135, %dma_start3A_136, %dma_start3A_137] : memref<2x2x128x32xf32, #tpu.memory_space<vmem>> -> memref<1x1x128x32xf32, #tpu.memory_space<vmem>>
    %dma_start3A_139 = tpu.memref_squeeze %dma_start3A_138 : memref<1x1x128x32xf32, #tpu.memory_space<vmem>> -> memref<128x32xf32, #tpu.memory_space<vmem>>
    %dma_start3A_140 = arith.constant 0 : i32
    %dma_start3A_141 = tpu.memref_slice %arg7[%dma_start3A_132, %dma_start3A_133, %dma_start3A_140] : memref<2x2x128xi32, #tpu.memory_space<vmem>> -> memref<1x1x128xi32, #tpu.memory_space<vmem>>
    %dma_start3A_142 = tpu.memref_squeeze %dma_start3A_141 : memref<1x1x128xi32, #tpu.memory_space<vmem>> -> memref<128xi32, #tpu.memory_space<vmem>>
    %dma_start3A_143 = arith.constant 0 : i32
    %dma_start3A_144 = arith.constant 0 : i32
    %dma_start3A_145 = tpu.memref_slice %arg2[%dma_start3A_143, %dma_start3A_144] : memref<200704x32xf32, #tpu.memory_space<hbm>> -> memref<200704x32xf32, #tpu.memory_space<hbm>>
    tpu.enqueue_indirect_dma source(%dma_start3A_145 : memref<200704x32xf32, #tpu.memory_space<hbm>>) target(%dma_start3A_139 : memref<128x32xf32, #tpu.memory_space<vmem>>) offsets(%dma_start3A_142 : memref<128xi32, #tpu.memory_space<vmem>>) semaphore(%arg15 : memref<!tpu.dma_semaphore, #tpu.memory_space<semaphore_mem>>)
    %dma_start3A_146 = arith.constant 0 : i32
    %dma_start3A_147 = arith.constant 1 : i32
    %dma_start3A_148 = arith.constant 0 : i32
    %dma_start3A_149 = arith.constant 1 : i32
    %dma_start3A_150 = arith.constant 0 : i32
    %dma_start3A_151 = arith.constant 0 : i32
    %dma_start3A_152 = tpu.memref_slice %arg9[%dma_start3A_148, %dma_start3A_149, %dma_start3A_150, %dma_start3A_151] : memref<2x2x128x32xf32, #tpu.memory_space<vmem>> -> memref<1x1x128x32xf32, #tpu.memory_space<vmem>>
    %dma_start3A_153 = tpu.memref_squeeze %dma_start3A_152 : memref<1x1x128x32xf32, #tpu.memory_space<vmem>> -> memref<128x32xf32, #tpu.memory_space<vmem>>
    %dma_start3A_154 = arith.constant 0 : i32
    %dma_start3A_155 = tpu.memref_slice %arg7[%dma_start3A_146, %dma_start3A_147, %dma_start3A_154] : memref<2x2x128xi32, #tpu.memory_space<vmem>> -> memref<1x1x128xi32, #tpu.memory_space<vmem>>
    %dma_start3A_156 = tpu.memref_squeeze %dma_start3A_155 : memref<1x1x128xi32, #tpu.memory_space<vmem>> -> memref<128xi32, #tpu.memory_space<vmem>>
    %dma_start3A_157 = arith.constant 0 : i32
    %dma_start3A_158 = arith.constant 0 : i32
    %dma_start3A_159 = tpu.memref_slice %arg2[%dma_start3A_157, %dma_start3A_158] : memref<200704x32xf32, #tpu.memory_space<hbm>> -> memref<200704x32xf32, #tpu.memory_space<hbm>>
    tpu.enqueue_indirect_dma source(%dma_start3A_159 : memref<200704x32xf32, #tpu.memory_space<hbm>>) target(%dma_start3A_153 : memref<128x32xf32, #tpu.memory_space<vmem>>) offsets(%dma_start3A_156 : memref<128xi32, #tpu.memory_space<vmem>>) semaphore(%arg15 : memref<!tpu.dma_semaphore, #tpu.memory_space<semaphore_mem>>)
    %scan3A = arith.constant 0 : i32
    %scan3A_160 = arith.constant 0 : i32
    %scan3A_161 = arith.constant 100 : i32
    %scan3A_162 = arith.addi %scan3A_160, %scan3A_161 : i32
    %scan3A_163 = arith.constant 1 : i32
    scf.for %scan3A_301 = %scan3A_160 to %scan3A_162 step %scan3A_163  : i32 {
      %mul3A_302 = arith.constant 2 : i32
      %mul3A_303 = arith.muli %mul3A_302, %scan3A_301 : i32
      %add3A_304 = arith.constant 0 : i32
      %add3A_305 = arith.addi %mul3A_303, %add3A_304 : i32
      %gt3A = arith.constant 0 : i32
      %gt3A_306 = arith.cmpi sgt, %scan3A_301, %gt3A : i32
      %convert_element_type3A = arith.extui %gt3A_306 : i1 to i32
      %cond3A = arith.constant 0 : i32
      %cond3A_307 = arith.cmpi ne, %convert_element_type3A, %cond3A : i32
      scf.if %cond3A_307 {
        %dma_wait3A_628 = arith.constant 1 : i32
        %dma_wait3A_629 = arith.constant 0 : i32
        %dma_wait3A_630 = arith.constant 1 : i32
        %dma_wait3A_631 = arith.constant 0 : i32
        %dma_wait3A_632 = arith.constant 0 : i32
        %dma_wait3A_633 = arith.constant 0 : i32
        %dma_wait3A_634 = tpu.memref_slice %arg9[%dma_wait3A_628, %dma_wait3A_629, %dma_wait3A_632, %dma_wait3A_633] : memref<2x2x128x32xf32, #tpu.memory_space<vmem>> -> memref<1x1x128x32xf32, #tpu.memory_space<vmem>>
        %dma_wait3A_635 = tpu.memref_squeeze %dma_wait3A_634 : memref<1x1x128x32xf32, #tpu.memory_space<vmem>> -> memref<128x32xf32, #tpu.memory_space<vmem>>
        %dma_wait3A_636 = arith.constant 0 : i32
        %dma_wait3A_637 = tpu.memref_slice %arg8[%dma_wait3A_630, %dma_wait3A_631, %dma_wait3A_636] : memref<2x2x128xi32, #tpu.memory_space<vmem>> -> memref<1x1x128xi32, #tpu.memory_space<vmem>>
        %dma_wait3A_638 = tpu.memref_squeeze %dma_wait3A_637 : memref<1x1x128xi32, #tpu.memory_space<vmem>> -> memref<128xi32, #tpu.memory_space<vmem>>
        %dma_wait3A_639 = arith.constant 0 : i32
        %dma_wait3A_640 = arith.constant 0 : i32
        %dma_wait3A_641 = tpu.memref_slice %arg10[%dma_wait3A_639, %dma_wait3A_640] : memref<50688x32xf32, #tpu.memory_space<vmem_shared>> -> memref<50688x32xf32, #tpu.memory_space<vmem_shared>>
        tpu.wait_indirect_dma semaphore(%arg18 : memref<!tpu.dma_semaphore, #tpu.memory_space<semaphore_mem>>) src(%dma_wait3A_635 : memref<128x32xf32, #tpu.memory_space<vmem>>) dst(%dma_wait3A_641 : memref<50688x32xf32, #tpu.memory_space<vmem_shared>>)
        %dma_wait3A_642 = arith.constant 1 : i32
        %dma_wait3A_643 = arith.constant 1 : i32
        %dma_wait3A_644 = arith.constant 1 : i32
        %dma_wait3A_645 = arith.constant 1 : i32
        %dma_wait3A_646 = arith.constant 0 : i32
        %dma_wait3A_647 = arith.constant 0 : i32
        %dma_wait3A_648 = tpu.memref_slice %arg9[%dma_wait3A_642, %dma_wait3A_643, %dma_wait3A_646, %dma_wait3A_647] : memref<2x2x128x32xf32, #tpu.memory_space<vmem>> -> memref<1x1x128x32xf32, #tpu.memory_space<vmem>>
        %dma_wait3A_649 = tpu.memref_squeeze %dma_wait3A_648 : memref<1x1x128x32xf32, #tpu.memory_space<vmem>> -> memref<128x32xf32, #tpu.memory_space<vmem>>
        %dma_wait3A_650 = arith.constant 0 : i32
        %dma_wait3A_651 = tpu.memref_slice %arg8[%dma_wait3A_644, %dma_wait3A_645, %dma_wait3A_650] : memref<2x2x128xi32, #tpu.memory_space<vmem>> -> memref<1x1x128xi32, #tpu.memory_space<vmem>>
        %dma_wait3A_652 = tpu.memref_squeeze %dma_wait3A_651 : memref<1x1x128xi32, #tpu.memory_space<vmem>> -> memref<128xi32, #tpu.memory_space<vmem>>
        %dma_wait3A_653 = arith.constant 0 : i32
        %dma_wait3A_654 = arith.constant 0 : i32
        %dma_wait3A_655 = tpu.memref_slice %arg10[%dma_wait3A_653, %dma_wait3A_654] : memref<50688x32xf32, #tpu.memory_space<vmem_shared>> -> memref<50688x32xf32, #tpu.memory_space<vmem_shared>>
        tpu.wait_indirect_dma semaphore(%arg18 : memref<!tpu.dma_semaphore, #tpu.memory_space<semaphore_mem>>) src(%dma_wait3A_649 : memref<128x32xf32, #tpu.memory_space<vmem>>) dst(%dma_wait3A_655 : memref<50688x32xf32, #tpu.memory_space<vmem_shared>>)
      } else {
      }
      %dma_wait3A_308 = arith.constant 1 : i32
      %dma_wait3A_309 = arith.constant 0 : i32
      %dma_wait3A_310 = arith.constant 0 : i32
      %dma_wait3A_311 = tpu.memref_slice %arg7[%dma_wait3A_308, %dma_wait3A_309, %dma_wait3A_310] : memref<2x2x128xi32, #tpu.memory_space<vmem>> -> memref<1x2x128xi32, #tpu.memory_space<vmem>>
      %dma_wait3A_312 = tpu.memref_squeeze %dma_wait3A_311 : memref<1x2x128xi32, #tpu.memory_space<vmem>> -> memref<2x128xi32, #tpu.memory_space<vmem>>
      %dma_wait3A_313 = arith.constant 0 : i32
      %dma_wait3A_314 = tpu.memref_slice %arg3[%select_n3A, %dma_wait3A_313] : memref<12804x128xi32, #tpu.memory_space<hbm>> -> memref<2x128xi32, #tpu.memory_space<hbm>>
      %dma_wait3A_315 = arith.constant 0 : i32
      %dma_wait3A_316 = arith.constant 0 : i32
      %dma_wait3A_317 = tpu.memref_slice %arg7[%dma_wait3A_308, %dma_wait3A_315, %dma_wait3A_316] : memref<2x2x128xi32, #tpu.memory_space<vmem>> -> memref<1x2x128xi32, #tpu.memory_space<vmem>>
      %dma_wait3A_318 = tpu.memref_squeeze %dma_wait3A_317 : memref<1x2x128xi32, #tpu.memory_space<vmem>> -> memref<2x128xi32, #tpu.memory_space<vmem>>
      %dma_wait3A_319 = arith.constant 0 : i32
      %dma_wait3A_320 = tpu.memref_slice %arg3[%select_n3A, %dma_wait3A_319] : memref<12804x128xi32, #tpu.memory_space<hbm>> -> memref<2x128xi32, #tpu.memory_space<hbm>>
      tpu.wait_dma2 semaphore(%arg12 : memref<!tpu.dma_semaphore, #tpu.memory_space<semaphore_mem>>) src(%dma_wait3A_320 : memref<2x128xi32, #tpu.memory_space<hbm>>) dst(%dma_wait3A_318 : memref<2x128xi32, #tpu.memory_space<vmem>>)
      %dma_start3A_321 = arith.constant 1 : i32
      %dma_start3A_322 = arith.constant 0 : i32
      %dma_start3A_323 = arith.constant 1 : i32
      %dma_start3A_324 = arith.constant 0 : i32
      %dma_start3A_325 = arith.constant 0 : i32
      %dma_start3A_326 = arith.constant 0 : i32
      %dma_start3A_327 = tpu.memref_slice %arg9[%dma_start3A_323, %dma_start3A_324, %dma_start3A_325, %dma_start3A_326] : memref<2x2x128x32xf32, #tpu.memory_space<vmem>> -> memref<1x1x128x32xf32, #tpu.memory_space<vmem>>
      %dma_start3A_328 = tpu.memref_squeeze %dma_start3A_327 : memref<1x1x128x32xf32, #tpu.memory_space<vmem>> -> memref<128x32xf32, #tpu.memory_space<vmem>>
      %dma_start3A_329 = arith.constant 0 : i32
      %dma_start3A_330 = tpu.memref_slice %arg7[%dma_start3A_321, %dma_start3A_322, %dma_start3A_329] : memref<2x2x128xi32, #tpu.memory_space<vmem>> -> memref<1x1x128xi32, #tpu.memory_space<vmem>>
      %dma_start3A_331 = tpu.memref_squeeze %dma_start3A_330 : memref<1x1x128xi32, #tpu.memory_space<vmem>> -> memref<128xi32, #tpu.memory_space<vmem>>
      %dma_start3A_332 = arith.constant 0 : i32
      %dma_start3A_333 = arith.constant 0 : i32
      %dma_start3A_334 = tpu.memref_slice %arg2[%dma_start3A_332, %dma_start3A_333] : memref<200704x32xf32, #tpu.memory_space<hbm>> -> memref<200704x32xf32, #tpu.memory_space<hbm>>
      tpu.enqueue_indirect_dma source(%dma_start3A_334 : memref<200704x32xf32, #tpu.memory_space<hbm>>) target(%dma_start3A_328 : memref<128x32xf32, #tpu.memory_space<vmem>>) offsets(%dma_start3A_331 : memref<128xi32, #tpu.memory_space<vmem>>) semaphore(%arg16 : memref<!tpu.dma_semaphore, #tpu.memory_space<semaphore_mem>>)
      %dma_start3A_335 = arith.constant 1 : i32
      %dma_start3A_336 = arith.constant 1 : i32
      %dma_start3A_337 = arith.constant 1 : i32
      %dma_start3A_338 = arith.constant 1 : i32
      %dma_start3A_339 = arith.constant 0 : i32
      %dma_start3A_340 = arith.constant 0 : i32
      %dma_start3A_341 = tpu.memref_slice %arg9[%dma_start3A_337, %dma_start3A_338, %dma_start3A_339, %dma_start3A_340] : memref<2x2x128x32xf32, #tpu.memory_space<vmem>> -> memref<1x1x128x32xf32, #tpu.memory_space<vmem>>
      %dma_start3A_342 = tpu.memref_squeeze %dma_start3A_341 : memref<1x1x128x32xf32, #tpu.memory_space<vmem>> -> memref<128x32xf32, #tpu.memory_space<vmem>>
      %dma_start3A_343 = arith.constant 0 : i32
      %dma_start3A_344 = tpu.memref_slice %arg7[%dma_start3A_335, %dma_start3A_336, %dma_start3A_343] : memref<2x2x128xi32, #tpu.memory_space<vmem>> -> memref<1x1x128xi32, #tpu.memory_space<vmem>>
      %dma_start3A_345 = tpu.memref_squeeze %dma_start3A_344 : memref<1x1x128xi32, #tpu.memory_space<vmem>> -> memref<128xi32, #tpu.memory_space<vmem>>
      %dma_start3A_346 = arith.constant 0 : i32
      %dma_start3A_347 = arith.constant 0 : i32
      %dma_start3A_348 = tpu.memref_slice %arg2[%dma_start3A_346, %dma_start3A_347] : memref<200704x32xf32, #tpu.memory_space<hbm>> -> memref<200704x32xf32, #tpu.memory_space<hbm>>
      tpu.enqueue_indirect_dma source(%dma_start3A_348 : memref<200704x32xf32, #tpu.memory_space<hbm>>) target(%dma_start3A_342 : memref<128x32xf32, #tpu.memory_space<vmem>>) offsets(%dma_start3A_345 : memref<128xi32, #tpu.memory_space<vmem>>) semaphore(%arg16 : memref<!tpu.dma_semaphore, #tpu.memory_space<semaphore_mem>>)
      %dma_wait3A_349 = arith.constant 0 : i32
      %dma_wait3A_350 = arith.constant 0 : i32
      %dma_wait3A_351 = arith.constant 0 : i32
      %dma_wait3A_352 = arith.constant 0 : i32
      %dma_wait3A_353 = arith.constant 0 : i32
      %dma_wait3A_354 = arith.constant 0 : i32
      %dma_wait3A_355 = tpu.memref_slice %arg9[%dma_wait3A_351, %dma_wait3A_352, %dma_wait3A_353, %dma_wait3A_354] : memref<2x2x128x32xf32, #tpu.memory_space<vmem>> -> memref<1x1x128x32xf32, #tpu.memory_space<vmem>>
      %dma_wait3A_356 = tpu.memref_squeeze %dma_wait3A_355 : memref<1x1x128x32xf32, #tpu.memory_space<vmem>> -> memref<128x32xf32, #tpu.memory_space<vmem>>
      %dma_wait3A_357 = arith.constant 0 : i32
      %dma_wait3A_358 = tpu.memref_slice %arg7[%dma_wait3A_349, %dma_wait3A_350, %dma_wait3A_357] : memref<2x2x128xi32, #tpu.memory_space<vmem>> -> memref<1x1x128xi32, #tpu.memory_space<vmem>>
      %dma_wait3A_359 = tpu.memref_squeeze %dma_wait3A_358 : memref<1x1x128xi32, #tpu.memory_space<vmem>> -> memref<128xi32, #tpu.memory_space<vmem>>
      %dma_wait3A_360 = arith.constant 0 : i32
      %dma_wait3A_361 = arith.constant 0 : i32
      %dma_wait3A_362 = tpu.memref_slice %arg2[%dma_wait3A_360, %dma_wait3A_361] : memref<200704x32xf32, #tpu.memory_space<hbm>> -> memref<200704x32xf32, #tpu.memory_space<hbm>>
      tpu.wait_indirect_dma semaphore(%arg15 : memref<!tpu.dma_semaphore, #tpu.memory_space<semaphore_mem>>) src(%dma_wait3A_362 : memref<200704x32xf32, #tpu.memory_space<hbm>>) dst(%dma_wait3A_356 : memref<128x32xf32, #tpu.memory_space<vmem>>)
      %dma_wait3A_363 = arith.constant 0 : i32
      %dma_wait3A_364 = arith.constant 1 : i32
      %dma_wait3A_365 = arith.constant 0 : i32
      %dma_wait3A_366 = arith.constant 1 : i32
      %dma_wait3A_367 = arith.constant 0 : i32
      %dma_wait3A_368 = arith.constant 0 : i32
      %dma_wait3A_369 = tpu.memref_slice %arg9[%dma_wait3A_365, %dma_wait3A_366, %dma_wait3A_367, %dma_wait3A_368] : memref<2x2x128x32xf32, #tpu.memory_space<vmem>> -> memref<1x1x128x32xf32, #tpu.memory_space<vmem>>
      %dma_wait3A_370 = tpu.memref_squeeze %dma_wait3A_369 : memref<1x1x128x32xf32, #tpu.memory_space<vmem>> -> memref<128x32xf32, #tpu.memory_space<vmem>>
      %dma_wait3A_371 = arith.constant 0 : i32
      %dma_wait3A_372 = tpu.memref_slice %arg7[%dma_wait3A_363, %dma_wait3A_364, %dma_wait3A_371] : memref<2x2x128xi32, #tpu.memory_space<vmem>> -> memref<1x1x128xi32, #tpu.memory_space<vmem>>
      %dma_wait3A_373 = tpu.memref_squeeze %dma_wait3A_372 : memref<1x1x128xi32, #tpu.memory_space<vmem>> -> memref<128xi32, #tpu.memory_space<vmem>>
      %dma_wait3A_374 = arith.constant 0 : i32
      %dma_wait3A_375 = arith.constant 0 : i32
      %dma_wait3A_376 = tpu.memref_slice %arg2[%dma_wait3A_374, %dma_wait3A_375] : memref<200704x32xf32, #tpu.memory_space<hbm>> -> memref<200704x32xf32, #tpu.memory_space<hbm>>
      tpu.wait_indirect_dma semaphore(%arg15 : memref<!tpu.dma_semaphore, #tpu.memory_space<semaphore_mem>>) src(%dma_wait3A_376 : memref<200704x32xf32, #tpu.memory_space<hbm>>) dst(%dma_wait3A_370 : memref<128x32xf32, #tpu.memory_space<vmem>>)
      %dma_wait3A_377 = arith.constant 0 : i32
      %dma_wait3A_378 = arith.constant 0 : i32
      %dma_wait3A_379 = arith.constant 0 : i32
      %dma_wait3A_380 = tpu.memref_slice %arg8[%dma_wait3A_377, %dma_wait3A_378, %dma_wait3A_379] : memref<2x2x128xi32, #tpu.memory_space<vmem>> -> memref<1x2x128xi32, #tpu.memory_space<vmem>>
      %dma_wait3A_381 = tpu.memref_squeeze %dma_wait3A_380 : memref<1x2x128xi32, #tpu.memory_space<vmem>> -> memref<2x128xi32, #tpu.memory_space<vmem>>
      %dma_wait3A_382 = arith.constant 0 : i32
      %dma_wait3A_383 = tpu.memref_slice %arg4[%select_n3A_60, %dma_wait3A_382] : memref<6404x128xi32, #tpu.memory_space<hbm>> -> memref<2x128xi32, #tpu.memory_space<hbm>>
      %dma_wait3A_384 = arith.constant 0 : i32
      %dma_wait3A_385 = arith.constant 0 : i32
      %dma_wait3A_386 = tpu.memref_slice %arg8[%dma_wait3A_377, %dma_wait3A_384, %dma_wait3A_385] : memref<2x2x128xi32, #tpu.memory_space<vmem>> -> memref<1x2x128xi32, #tpu.memory_space<vmem>>
      %dma_wait3A_387 = tpu.memref_squeeze %dma_wait3A_386 : memref<1x2x128xi32, #tpu.memory_space<vmem>> -> memref<2x128xi32, #tpu.memory_space<vmem>>
      %dma_wait3A_388 = arith.constant 0 : i32
      %dma_wait3A_389 = tpu.memref_slice %arg4[%select_n3A_60, %dma_wait3A_388] : memref<6404x128xi32, #tpu.memory_space<hbm>> -> memref<2x128xi32, #tpu.memory_space<hbm>>
      tpu.wait_dma2 semaphore(%arg13 : memref<!tpu.dma_semaphore, #tpu.memory_space<semaphore_mem>>) src(%dma_wait3A_389 : memref<2x128xi32, #tpu.memory_space<hbm>>) dst(%dma_wait3A_387 : memref<2x128xi32, #tpu.memory_space<vmem>>)
      %dma_start3A_390 = arith.constant 0 : i32
      %dma_start3A_391 = arith.constant 0 : i32
      %dma_start3A_392 = arith.constant 0 : i32
      %dma_start3A_393 = arith.constant 0 : i32
      %dma_start3A_394 = arith.constant 0 : i32
      %dma_start3A_395 = arith.constant 0 : i32
      %dma_start3A_396 = tpu.memref_slice %arg9[%dma_start3A_390, %dma_start3A_391, %dma_start3A_394, %dma_start3A_395] : memref<2x2x128x32xf32, #tpu.memory_space<vmem>> -> memref<1x1x128x32xf32, #tpu.memory_space<vmem>>
      %dma_start3A_397 = tpu.memref_squeeze %dma_start3A_396 : memref<1x1x128x32xf32, #tpu.memory_space<vmem>> -> memref<128x32xf32, #tpu.memory_space<vmem>>
      %dma_start3A_398 = arith.constant 0 : i32
      %dma_start3A_399 = tpu.memref_slice %arg8[%dma_start3A_392, %dma_start3A_393, %dma_start3A_398] : memref<2x2x128xi32, #tpu.memory_space<vmem>> -> memref<1x1x128xi32, #tpu.memory_space<vmem>>
      %dma_start3A_400 = tpu.memref_squeeze %dma_start3A_399 : memref<1x1x128xi32, #tpu.memory_space<vmem>> -> memref<128xi32, #tpu.memory_space<vmem>>
      %dma_start3A_401 = arith.constant 0 : i32
      %dma_start3A_402 = arith.constant 0 : i32
      %dma_start3A_403 = tpu.memref_slice %arg10[%dma_start3A_401, %dma_start3A_402] : memref<50688x32xf32, #tpu.memory_space<vmem_shared>> -> memref<50688x32xf32, #tpu.memory_space<vmem_shared>>
      tpu.enqueue_indirect_dma source(%dma_start3A_397 : memref<128x32xf32, #tpu.memory_space<vmem>>) target(%dma_start3A_403 : memref<50688x32xf32, #tpu.memory_space<vmem_shared>>) offsets(%dma_start3A_400 : memref<128xi32, #tpu.memory_space<vmem>>) semaphore(%arg17 : memref<!tpu.dma_semaphore, #tpu.memory_space<semaphore_mem>>) {add = true}
      %dma_start3A_404 = arith.constant 0 : i32
      %dma_start3A_405 = arith.constant 1 : i32
      %dma_start3A_406 = arith.constant 0 : i32
      %dma_start3A_407 = arith.constant 1 : i32
      %dma_start3A_408 = arith.constant 0 : i32
      %dma_start3A_409 = arith.constant 0 : i32
      %dma_start3A_410 = tpu.memref_slice %arg9[%dma_start3A_404, %dma_start3A_405, %dma_start3A_408, %dma_start3A_409] : memref<2x2x128x32xf32, #tpu.memory_space<vmem>> -> memref<1x1x128x32xf32, #tpu.memory_space<vmem>>
      %dma_start3A_411 = tpu.memref_squeeze %dma_start3A_410 : memref<1x1x128x32xf32, #tpu.memory_space<vmem>> -> memref<128x32xf32, #tpu.memory_space<vmem>>
      %dma_start3A_412 = arith.constant 0 : i32
      %dma_start3A_413 = tpu.memref_slice %arg8[%dma_start3A_406, %dma_start3A_407, %dma_start3A_412] : memref<2x2x128xi32, #tpu.memory_space<vmem>> -> memref<1x1x128xi32, #tpu.memory_space<vmem>>
      %dma_start3A_414 = tpu.memref_squeeze %dma_start3A_413 : memref<1x1x128xi32, #tpu.memory_space<vmem>> -> memref<128xi32, #tpu.memory_space<vmem>>
      %dma_start3A_415 = arith.constant 0 : i32
      %dma_start3A_416 = arith.constant 0 : i32
      %dma_start3A_417 = tpu.memref_slice %arg10[%dma_start3A_415, %dma_start3A_416] : memref<50688x32xf32, #tpu.memory_space<vmem_shared>> -> memref<50688x32xf32, #tpu.memory_space<vmem_shared>>
      tpu.enqueue_indirect_dma source(%dma_start3A_411 : memref<128x32xf32, #tpu.memory_space<vmem>>) target(%dma_start3A_417 : memref<50688x32xf32, #tpu.memory_space<vmem_shared>>) offsets(%dma_start3A_414 : memref<128xi32, #tpu.memory_space<vmem>>) semaphore(%arg17 : memref<!tpu.dma_semaphore, #tpu.memory_space<semaphore_mem>>) {add = true}
      %add3A_418 = arith.constant 2 : i32
      %add3A_419 = arith.addi %add3A_305, %add3A_418 : i32
      %mul3A_420 = arith.constant 2 : i32
      %mul3A_421 = arith.muli %add3A_419, %mul3A_420 : i32
      %add3A_422 = arith.addi %select_n3A, %mul3A_421 : i32
      %dma_start3A_423 = arith.constant 0 : i32
      %dma_start3A_424 = arith.constant 0 : i32
      %dma_start3A_425 = arith.constant 0 : i32
      %dma_start3A_426 = tpu.memref_slice %arg7[%dma_start3A_423, %dma_start3A_424, %dma_start3A_425] : memref<2x2x128xi32, #tpu.memory_space<vmem>> -> memref<1x2x128xi32, #tpu.memory_space<vmem>>
      %dma_start3A_427 = tpu.memref_squeeze %dma_start3A_426 : memref<1x2x128xi32, #tpu.memory_space<vmem>> -> memref<2x128xi32, #tpu.memory_space<vmem>>
      %dma_start3A_428 = arith.constant 0 : i32
      %dma_start3A_429 = tpu.memref_slice %arg3[%add3A_422, %dma_start3A_428] : memref<12804x128xi32, #tpu.memory_space<hbm>> -> memref<2x128xi32, #tpu.memory_space<hbm>>
      %dma_start3A_430 = arith.constant 0 : i32
      %dma_start3A_431 = arith.constant 0 : i32
      %dma_start3A_432 = tpu.memref_slice %arg7[%dma_start3A_423, %dma_start3A_430, %dma_start3A_431] : memref<2x2x128xi32, #tpu.memory_space<vmem>> -> memref<1x2x128xi32, #tpu.memory_space<vmem>>
      %dma_start3A_433 = tpu.memref_squeeze %dma_start3A_432 : memref<1x2x128xi32, #tpu.memory_space<vmem>> -> memref<2x128xi32, #tpu.memory_space<vmem>>
      %dma_start3A_434 = arith.constant 0 : i32
      %dma_start3A_435 = tpu.memref_slice %arg3[%add3A_422, %dma_start3A_434] : memref<12804x128xi32, #tpu.memory_space<hbm>> -> memref<2x128xi32, #tpu.memory_space<hbm>>
      tpu.enqueue_dma source(%dma_start3A_435 : memref<2x128xi32, #tpu.memory_space<hbm>>) target(%dma_start3A_433 : memref<2x128xi32, #tpu.memory_space<vmem>>) target_semaphore(%arg11 : memref<!tpu.dma_semaphore, #tpu.memory_space<semaphore_mem>>)
      %mul3A_436 = arith.constant 2 : i32
      %mul3A_437 = arith.muli %add3A_419, %mul3A_436 : i32
      %add3A_438 = arith.addi %select_n3A_60, %mul3A_437 : i32
      %dma_start3A_439 = arith.constant 0 : i32
      %dma_start3A_440 = arith.constant 0 : i32
      %dma_start3A_441 = arith.constant 0 : i32
      %dma_start3A_442 = tpu.memref_slice %arg8[%dma_start3A_439, %dma_start3A_440, %dma_start3A_441] : memref<2x2x128xi32, #tpu.memory_space<vmem>> -> memref<1x2x128xi32, #tpu.memory_space<vmem>>
      %dma_start3A_443 = tpu.memref_squeeze %dma_start3A_442 : memref<1x2x128xi32, #tpu.memory_space<vmem>> -> memref<2x128xi32, #tpu.memory_space<vmem>>
      %dma_start3A_444 = arith.constant 0 : i32
      %dma_start3A_445 = tpu.memref_slice %arg4[%add3A_438, %dma_start3A_444] : memref<6404x128xi32, #tpu.memory_space<hbm>> -> memref<2x128xi32, #tpu.memory_space<hbm>>
      %dma_start3A_446 = arith.constant 0 : i32
      %dma_start3A_447 = arith.constant 0 : i32
      %dma_start3A_448 = tpu.memref_slice %arg8[%dma_start3A_439, %dma_start3A_446, %dma_start3A_447] : memref<2x2x128xi32, #tpu.memory_space<vmem>> -> memref<1x2x128xi32, #tpu.memory_space<vmem>>
      %dma_start3A_449 = tpu.memref_squeeze %dma_start3A_448 : memref<1x2x128xi32, #tpu.memory_space<vmem>> -> memref<2x128xi32, #tpu.memory_space<vmem>>
      %dma_start3A_450 = arith.constant 0 : i32
      %dma_start3A_451 = tpu.memref_slice %arg4[%add3A_438, %dma_start3A_450] : memref<6404x128xi32, #tpu.memory_space<hbm>> -> memref<2x128xi32, #tpu.memory_space<hbm>>
      tpu.enqueue_dma source(%dma_start3A_451 : memref<2x128xi32, #tpu.memory_space<hbm>>) target(%dma_start3A_449 : memref<2x128xi32, #tpu.memory_space<vmem>>) target_semaphore(%arg13 : memref<!tpu.dma_semaphore, #tpu.memory_space<semaphore_mem>>)
      %mul3A_452 = arith.constant 2 : i32
      %mul3A_453 = arith.muli %mul3A_452, %scan3A_301 : i32
      %add3A_454 = arith.constant 1 : i32
      %add3A_455 = arith.addi %mul3A_453, %add3A_454 : i32
      %dma_wait3A_456 = arith.constant 0 : i32
      %dma_wait3A_457 = arith.constant 0 : i32
      %dma_wait3A_458 = arith.constant 0 : i32
      %dma_wait3A_459 = arith.constant 0 : i32
      %dma_wait3A_460 = arith.constant 0 : i32
      %dma_wait3A_461 = arith.constant 0 : i32
      %dma_wait3A_462 = tpu.memref_slice %arg9[%dma_wait3A_456, %dma_wait3A_457, %dma_wait3A_460, %dma_wait3A_461] : memref<2x2x128x32xf32, #tpu.memory_space<vmem>> -> memref<1x1x128x32xf32, #tpu.memory_space<vmem>>
      %dma_wait3A_463 = tpu.memref_squeeze %dma_wait3A_462 : memref<1x1x128x32xf32, #tpu.memory_space<vmem>> -> memref<128x32xf32, #tpu.memory_space<vmem>>
      %dma_wait3A_464 = arith.constant 0 : i32
      %dma_wait3A_465 = tpu.memref_slice %arg8[%dma_wait3A_458, %dma_wait3A_459, %dma_wait3A_464] : memref<2x2x128xi32, #tpu.memory_space<vmem>> -> memref<1x1x128xi32, #tpu.memory_space<vmem>>
      %dma_wait3A_466 = tpu.memref_squeeze %dma_wait3A_465 : memref<1x1x128xi32, #tpu.memory_space<vmem>> -> memref<128xi32, #tpu.memory_space<vmem>>
      %dma_wait3A_467 = arith.constant 0 : i32
      %dma_wait3A_468 = arith.constant 0 : i32
      %dma_wait3A_469 = tpu.memref_slice %arg10[%dma_wait3A_467, %dma_wait3A_468] : memref<50688x32xf32, #tpu.memory_space<vmem_shared>> -> memref<50688x32xf32, #tpu.memory_space<vmem_shared>>
      tpu.wait_indirect_dma semaphore(%arg17 : memref<!tpu.dma_semaphore, #tpu.memory_space<semaphore_mem>>) src(%dma_wait3A_463 : memref<128x32xf32, #tpu.memory_space<vmem>>) dst(%dma_wait3A_469 : memref<50688x32xf32, #tpu.memory_space<vmem_shared>>)
      %dma_wait3A_470 = arith.constant 0 : i32
      %dma_wait3A_471 = arith.constant 1 : i32
      %dma_wait3A_472 = arith.constant 0 : i32
      %dma_wait3A_473 = arith.constant 1 : i32
      %dma_wait3A_474 = arith.constant 0 : i32
      %dma_wait3A_475 = arith.constant 0 : i32
      %dma_wait3A_476 = tpu.memref_slice %arg9[%dma_wait3A_470, %dma_wait3A_471, %dma_wait3A_474, %dma_wait3A_475] : memref<2x2x128x32xf32, #tpu.memory_space<vmem>> -> memref<1x1x128x32xf32, #tpu.memory_space<vmem>>
      %dma_wait3A_477 = tpu.memref_squeeze %dma_wait3A_476 : memref<1x1x128x32xf32, #tpu.memory_space<vmem>> -> memref<128x32xf32, #tpu.memory_space<vmem>>
      %dma_wait3A_478 = arith.constant 0 : i32
      %dma_wait3A_479 = tpu.memref_slice %arg8[%dma_wait3A_472, %dma_wait3A_473, %dma_wait3A_478] : memref<2x2x128xi32, #tpu.memory_space<vmem>> -> memref<1x1x128xi32, #tpu.memory_space<vmem>>
      %dma_wait3A_480 = tpu.memref_squeeze %dma_wait3A_479 : memref<1x1x128xi32, #tpu.memory_space<vmem>> -> memref<128xi32, #tpu.memory_space<vmem>>
      %dma_wait3A_481 = arith.constant 0 : i32
      %dma_wait3A_482 = arith.constant 0 : i32
      %dma_wait3A_483 = tpu.memref_slice %arg10[%dma_wait3A_481, %dma_wait3A_482] : memref<50688x32xf32, #tpu.memory_space<vmem_shared>> -> memref<50688x32xf32, #tpu.memory_space<vmem_shared>>
      tpu.wait_indirect_dma semaphore(%arg17 : memref<!tpu.dma_semaphore, #tpu.memory_space<semaphore_mem>>) src(%dma_wait3A_477 : memref<128x32xf32, #tpu.memory_space<vmem>>) dst(%dma_wait3A_483 : memref<50688x32xf32, #tpu.memory_space<vmem_shared>>)
      %dma_wait3A_484 = arith.constant 0 : i32
      %dma_wait3A_485 = arith.constant 0 : i32
      %dma_wait3A_486 = arith.constant 0 : i32
      %dma_wait3A_487 = tpu.memref_slice %arg7[%dma_wait3A_484, %dma_wait3A_485, %dma_wait3A_486] : memref<2x2x128xi32, #tpu.memory_space<vmem>> -> memref<1x2x128xi32, #tpu.memory_space<vmem>>
      %dma_wait3A_488 = tpu.memref_squeeze %dma_wait3A_487 : memref<1x2x128xi32, #tpu.memory_space<vmem>> -> memref<2x128xi32, #tpu.memory_space<vmem>>
      %dma_wait3A_489 = arith.constant 0 : i32
      %dma_wait3A_490 = tpu.memref_slice %arg3[%select_n3A, %dma_wait3A_489] : memref<12804x128xi32, #tpu.memory_space<hbm>> -> memref<2x128xi32, #tpu.memory_space<hbm>>
      %dma_wait3A_491 = arith.constant 0 : i32
      %dma_wait3A_492 = arith.constant 0 : i32
      %dma_wait3A_493 = tpu.memref_slice %arg7[%dma_wait3A_484, %dma_wait3A_491, %dma_wait3A_492] : memref<2x2x128xi32, #tpu.memory_space<vmem>> -> memref<1x2x128xi32, #tpu.memory_space<vmem>>
      %dma_wait3A_494 = tpu.memref_squeeze %dma_wait3A_493 : memref<1x2x128xi32, #tpu.memory_space<vmem>> -> memref<2x128xi32, #tpu.memory_space<vmem>>
      %dma_wait3A_495 = arith.constant 0 : i32
      %dma_wait3A_496 = tpu.memref_slice %arg3[%select_n3A, %dma_wait3A_495] : memref<12804x128xi32, #tpu.memory_space<hbm>> -> memref<2x128xi32, #tpu.memory_space<hbm>>
      tpu.wait_dma2 semaphore(%arg11 : memref<!tpu.dma_semaphore, #tpu.memory_space<semaphore_mem>>) src(%dma_wait3A_496 : memref<2x128xi32, #tpu.memory_space<hbm>>) dst(%dma_wait3A_494 : memref<2x128xi32, #tpu.memory_space<vmem>>)
      %dma_start3A_497 = arith.constant 0 : i32
      %dma_start3A_498 = arith.constant 0 : i32
      %dma_start3A_499 = arith.constant 0 : i32
      %dma_start3A_500 = arith.constant 0 : i32
      %dma_start3A_501 = arith.constant 0 : i32
      %dma_start3A_502 = arith.constant 0 : i32
      %dma_start3A_503 = tpu.memref_slice %arg9[%dma_start3A_499, %dma_start3A_500, %dma_start3A_501, %dma_start3A_502] : memref<2x2x128x32xf32, #tpu.memory_space<vmem>> -> memref<1x1x128x32xf32, #tpu.memory_space<vmem>>
      %dma_start3A_504 = tpu.memref_squeeze %dma_start3A_503 : memref<1x1x128x32xf32, #tpu.memory_space<vmem>> -> memref<128x32xf32, #tpu.memory_space<vmem>>
      %dma_start3A_505 = arith.constant 0 : i32
      %dma_start3A_506 = tpu.memref_slice %arg7[%dma_start3A_497, %dma_start3A_498, %dma_start3A_505] : memref<2x2x128xi32, #tpu.memory_space<vmem>> -> memref<1x1x128xi32, #tpu.memory_space<vmem>>
      %dma_start3A_507 = tpu.memref_squeeze %dma_start3A_506 : memref<1x1x128xi32, #tpu.memory_space<vmem>> -> memref<128xi32, #tpu.memory_space<vmem>>
      %dma_start3A_508 = arith.constant 0 : i32
      %dma_start3A_509 = arith.constant 0 : i32
      %dma_start3A_510 = tpu.memref_slice %arg2[%dma_start3A_508, %dma_start3A_509] : memref<200704x32xf32, #tpu.memory_space<hbm>> -> memref<200704x32xf32, #tpu.memory_space<hbm>>
      tpu.enqueue_indirect_dma source(%dma_start3A_510 : memref<200704x32xf32, #tpu.memory_space<hbm>>) target(%dma_start3A_504 : memref<128x32xf32, #tpu.memory_space<vmem>>) offsets(%dma_start3A_507 : memref<128xi32, #tpu.memory_space<vmem>>) semaphore(%arg15 : memref<!tpu.dma_semaphore, #tpu.memory_space<semaphore_mem>>)
      %dma_start3A_511 = arith.constant 0 : i32
      %dma_start3A_512 = arith.constant 1 : i32
      %dma_start3A_513 = arith.constant 0 : i32
      %dma_start3A_514 = arith.constant 1 : i32
      %dma_start3A_515 = arith.constant 0 : i32
      %dma_start3A_516 = arith.constant 0 : i32
      %dma_start3A_517 = tpu.memref_slice %arg9[%dma_start3A_513, %dma_start3A_514, %dma_start3A_515, %dma_start3A_516] : memref<2x2x128x32xf32, #tpu.memory_space<vmem>> -> memref<1x1x128x32xf32, #tpu.memory_space<vmem>>
      %dma_start3A_518 = tpu.memref_squeeze %dma_start3A_517 : memref<1x1x128x32xf32, #tpu.memory_space<vmem>> -> memref<128x32xf32, #tpu.memory_space<vmem>>
      %dma_start3A_519 = arith.constant 0 : i32
      %dma_start3A_520 = tpu.memref_slice %arg7[%dma_start3A_511, %dma_start3A_512, %dma_start3A_519] : memref<2x2x128xi32, #tpu.memory_space<vmem>> -> memref<1x1x128xi32, #tpu.memory_space<vmem>>
      %dma_start3A_521 = tpu.memref_squeeze %dma_start3A_520 : memref<1x1x128xi32, #tpu.memory_space<vmem>> -> memref<128xi32, #tpu.memory_space<vmem>>
      %dma_start3A_522 = arith.constant 0 : i32
      %dma_start3A_523 = arith.constant 0 : i32
      %dma_start3A_524 = tpu.memref_slice %arg2[%dma_start3A_522, %dma_start3A_523] : memref<200704x32xf32, #tpu.memory_space<hbm>> -> memref<200704x32xf32, #tpu.memory_space<hbm>>
      tpu.enqueue_indirect_dma source(%dma_start3A_524 : memref<200704x32xf32, #tpu.memory_space<hbm>>) target(%dma_start3A_518 : memref<128x32xf32, #tpu.memory_space<vmem>>) offsets(%dma_start3A_521 : memref<128xi32, #tpu.memory_space<vmem>>) semaphore(%arg15 : memref<!tpu.dma_semaphore, #tpu.memory_space<semaphore_mem>>)
      %dma_wait3A_525 = arith.constant 1 : i32
      %dma_wait3A_526 = arith.constant 0 : i32
      %dma_wait3A_527 = arith.constant 1 : i32
      %dma_wait3A_528 = arith.constant 0 : i32
      %dma_wait3A_529 = arith.constant 0 : i32
      %dma_wait3A_530 = arith.constant 0 : i32
      %dma_wait3A_531 = tpu.memref_slice %arg9[%dma_wait3A_527, %dma_wait3A_528, %dma_wait3A_529, %dma_wait3A_530] : memref<2x2x128x32xf32, #tpu.memory_space<vmem>> -> memref<1x1x128x32xf32, #tpu.memory_space<vmem>>
      %dma_wait3A_532 = tpu.memref_squeeze %dma_wait3A_531 : memref<1x1x128x32xf32, #tpu.memory_space<vmem>> -> memref<128x32xf32, #tpu.memory_space<vmem>>
      %dma_wait3A_533 = arith.constant 0 : i32
      %dma_wait3A_534 = tpu.memref_slice %arg7[%dma_wait3A_525, %dma_wait3A_526, %dma_wait3A_533] : memref<2x2x128xi32, #tpu.memory_space<vmem>> -> memref<1x1x128xi32, #tpu.memory_space<vmem>>
      %dma_wait3A_535 = tpu.memref_squeeze %dma_wait3A_534 : memref<1x1x128xi32, #tpu.memory_space<vmem>> -> memref<128xi32, #tpu.memory_space<vmem>>
      %dma_wait3A_536 = arith.constant 0 : i32
      %dma_wait3A_537 = arith.constant 0 : i32
      %dma_wait3A_538 = tpu.memref_slice %arg2[%dma_wait3A_536, %dma_wait3A_537] : memref<200704x32xf32, #tpu.memory_space<hbm>> -> memref<200704x32xf32, #tpu.memory_space<hbm>>
      tpu.wait_indirect_dma semaphore(%arg16 : memref<!tpu.dma_semaphore, #tpu.memory_space<semaphore_mem>>) src(%dma_wait3A_538 : memref<200704x32xf32, #tpu.memory_space<hbm>>) dst(%dma_wait3A_532 : memref<128x32xf32, #tpu.memory_space<vmem>>)
      %dma_wait3A_539 = arith.constant 1 : i32
      %dma_wait3A_540 = arith.constant 1 : i32
      %dma_wait3A_541 = arith.constant 1 : i32
      %dma_wait3A_542 = arith.constant 1 : i32
      %dma_wait3A_543 = arith.constant 0 : i32
      %dma_wait3A_544 = arith.constant 0 : i32
      %dma_wait3A_545 = tpu.memref_slice %arg9[%dma_wait3A_541, %dma_wait3A_542, %dma_wait3A_543, %dma_wait3A_544] : memref<2x2x128x32xf32, #tpu.memory_space<vmem>> -> memref<1x1x128x32xf32, #tpu.memory_space<vmem>>
      %dma_wait3A_546 = tpu.memref_squeeze %dma_wait3A_545 : memref<1x1x128x32xf32, #tpu.memory_space<vmem>> -> memref<128x32xf32, #tpu.memory_space<vmem>>
      %dma_wait3A_547 = arith.constant 0 : i32
      %dma_wait3A_548 = tpu.memref_slice %arg7[%dma_wait3A_539, %dma_wait3A_540, %dma_wait3A_547] : memref<2x2x128xi32, #tpu.memory_space<vmem>> -> memref<1x1x128xi32, #tpu.memory_space<vmem>>
      %dma_wait3A_549 = tpu.memref_squeeze %dma_wait3A_548 : memref<1x1x128xi32, #tpu.memory_space<vmem>> -> memref<128xi32, #tpu.memory_space<vmem>>
      %dma_wait3A_550 = arith.constant 0 : i32
      %dma_wait3A_551 = arith.constant 0 : i32
      %dma_wait3A_552 = tpu.memref_slice %arg2[%dma_wait3A_550, %dma_wait3A_551] : memref<200704x32xf32, #tpu.memory_space<hbm>> -> memref<200704x32xf32, #tpu.memory_space<hbm>>
      tpu.wait_indirect_dma semaphore(%arg16 : memref<!tpu.dma_semaphore, #tpu.memory_space<semaphore_mem>>) src(%dma_wait3A_552 : memref<200704x32xf32, #tpu.memory_space<hbm>>) dst(%dma_wait3A_546 : memref<128x32xf32, #tpu.memory_space<vmem>>)
      %dma_wait3A_553 = arith.constant 1 : i32
      %dma_wait3A_554 = arith.constant 0 : i32
      %dma_wait3A_555 = arith.constant 0 : i32
      %dma_wait3A_556 = tpu.memref_slice %arg8[%dma_wait3A_553, %dma_wait3A_554, %dma_wait3A_555] : memref<2x2x128xi32, #tpu.memory_space<vmem>> -> memref<1x2x128xi32, #tpu.memory_space<vmem>>
      %dma_wait3A_557 = tpu.memref_squeeze %dma_wait3A_556 : memref<1x2x128xi32, #tpu.memory_space<vmem>> -> memref<2x128xi32, #tpu.memory_space<vmem>>
      %dma_wait3A_558 = arith.constant 0 : i32
      %dma_wait3A_559 = tpu.memref_slice %arg4[%select_n3A_60, %dma_wait3A_558] : memref<6404x128xi32, #tpu.memory_space<hbm>> -> memref<2x128xi32, #tpu.memory_space<hbm>>
      %dma_wait3A_560 = arith.constant 0 : i32
      %dma_wait3A_561 = arith.constant 0 : i32
      %dma_wait3A_562 = tpu.memref_slice %arg8[%dma_wait3A_553, %dma_wait3A_560, %dma_wait3A_561] : memref<2x2x128xi32, #tpu.memory_space<vmem>> -> memref<1x2x128xi32, #tpu.memory_space<vmem>>
      %dma_wait3A_563 = tpu.memref_squeeze %dma_wait3A_562 : memref<1x2x128xi32, #tpu.memory_space<vmem>> -> memref<2x128xi32, #tpu.memory_space<vmem>>
      %dma_wait3A_564 = arith.constant 0 : i32
      %dma_wait3A_565 = tpu.memref_slice %arg4[%select_n3A_60, %dma_wait3A_564] : memref<6404x128xi32, #tpu.memory_space<hbm>> -> memref<2x128xi32, #tpu.memory_space<hbm>>
      tpu.wait_dma2 semaphore(%arg14 : memref<!tpu.dma_semaphore, #tpu.memory_space<semaphore_mem>>) src(%dma_wait3A_565 : memref<2x128xi32, #tpu.memory_space<hbm>>) dst(%dma_wait3A_563 : memref<2x128xi32, #tpu.memory_space<vmem>>)
      %dma_start3A_566 = arith.constant 1 : i32
      %dma_start3A_567 = arith.constant 0 : i32
      %dma_start3A_568 = arith.constant 1 : i32
      %dma_start3A_569 = arith.constant 0 : i32
      %dma_start3A_570 = arith.constant 0 : i32
      %dma_start3A_571 = arith.constant 0 : i32
      %dma_start3A_572 = tpu.memref_slice %arg9[%dma_start3A_566, %dma_start3A_567, %dma_start3A_570, %dma_start3A_571] : memref<2x2x128x32xf32, #tpu.memory_space<vmem>> -> memref<1x1x128x32xf32, #tpu.memory_space<vmem>>
      %dma_start3A_573 = tpu.memref_squeeze %dma_start3A_572 : memref<1x1x128x32xf32, #tpu.memory_space<vmem>> -> memref<128x32xf32, #tpu.memory_space<vmem>>
      %dma_start3A_574 = arith.constant 0 : i32
      %dma_start3A_575 = tpu.memref_slice %arg8[%dma_start3A_568, %dma_start3A_569, %dma_start3A_574] : memref<2x2x128xi32, #tpu.memory_space<vmem>> -> memref<1x1x128xi32, #tpu.memory_space<vmem>>
      %dma_start3A_576 = tpu.memref_squeeze %dma_start3A_575 : memref<1x1x128xi32, #tpu.memory_space<vmem>> -> memref<128xi32, #tpu.memory_space<vmem>>
      %dma_start3A_577 = arith.constant 0 : i32
      %dma_start3A_578 = arith.constant 0 : i32
      %dma_start3A_579 = tpu.memref_slice %arg10[%dma_start3A_577, %dma_start3A_578] : memref<50688x32xf32, #tpu.memory_space<vmem_shared>> -> memref<50688x32xf32, #tpu.memory_space<vmem_shared>>
      tpu.enqueue_indirect_dma source(%dma_start3A_573 : memref<128x32xf32, #tpu.memory_space<vmem>>) target(%dma_start3A_579 : memref<50688x32xf32, #tpu.memory_space<vmem_shared>>) offsets(%dma_start3A_576 : memref<128xi32, #tpu.memory_space<vmem>>) semaphore(%arg18 : memref<!tpu.dma_semaphore, #tpu.memory_space<semaphore_mem>>) {add = true}
      %dma_start3A_580 = arith.constant 1 : i32
      %dma_start3A_581 = arith.constant 1 : i32
      %dma_start3A_582 = arith.constant 1 : i32
      %dma_start3A_583 = arith.constant 1 : i32
      %dma_start3A_584 = arith.constant 0 : i32
      %dma_start3A_585 = arith.constant 0 : i32
      %dma_start3A_586 = tpu.memref_slice %arg9[%dma_start3A_580, %dma_start3A_581, %dma_start3A_584, %dma_start3A_585] : memref<2x2x128x32xf32, #tpu.memory_space<vmem>> -> memref<1x1x128x32xf32, #tpu.memory_space<vmem>>
      %dma_start3A_587 = tpu.memref_squeeze %dma_start3A_586 : memref<1x1x128x32xf32, #tpu.memory_space<vmem>> -> memref<128x32xf32, #tpu.memory_space<vmem>>
      %dma_start3A_588 = arith.constant 0 : i32
      %dma_start3A_589 = tpu.memref_slice %arg8[%dma_start3A_582, %dma_start3A_583, %dma_start3A_588] : memref<2x2x128xi32, #tpu.memory_space<vmem>> -> memref<1x1x128xi32, #tpu.memory_space<vmem>>
      %dma_start3A_590 = tpu.memref_squeeze %dma_start3A_589 : memref<1x1x128xi32, #tpu.memory_space<vmem>> -> memref<128xi32, #tpu.memory_space<vmem>>
      %dma_start3A_591 = arith.constant 0 : i32
      %dma_start3A_592 = arith.constant 0 : i32
      %dma_start3A_593 = tpu.memref_slice %arg10[%dma_start3A_591, %dma_start3A_592] : memref<50688x32xf32, #tpu.memory_space<vmem_shared>> -> memref<50688x32xf32, #tpu.memory_space<vmem_shared>>
      tpu.enqueue_indirect_dma source(%dma_start3A_587 : memref<128x32xf32, #tpu.memory_space<vmem>>) target(%dma_start3A_593 : memref<50688x32xf32, #tpu.memory_space<vmem_shared>>) offsets(%dma_start3A_590 : memref<128xi32, #tpu.memory_space<vmem>>) semaphore(%arg18 : memref<!tpu.dma_semaphore, #tpu.memory_space<semaphore_mem>>) {add = true}
      %add3A_594 = arith.constant 2 : i32
      %add3A_595 = arith.addi %add3A_455, %add3A_594 : i32
      %mul3A_596 = arith.constant 2 : i32
      %mul3A_597 = arith.muli %add3A_595, %mul3A_596 : i32
      %add3A_598 = arith.addi %select_n3A, %mul3A_597 : i32
      %dma_start3A_599 = arith.constant 1 : i32
      %dma_start3A_600 = arith.constant 0 : i32
      %dma_start3A_601 = arith.constant 0 : i32
      %dma_start3A_602 = tpu.memref_slice %arg7[%dma_start3A_599, %dma_start3A_600, %dma_start3A_601] : memref<2x2x128xi32, #tpu.memory_space<vmem>> -> memref<1x2x128xi32, #tpu.memory_space<vmem>>
      %dma_start3A_603 = tpu.memref_squeeze %dma_start3A_602 : memref<1x2x128xi32, #tpu.memory_space<vmem>> -> memref<2x128xi32, #tpu.memory_space<vmem>>
      %dma_start3A_604 = arith.constant 0 : i32
      %dma_start3A_605 = tpu.memref_slice %arg3[%add3A_598, %dma_start3A_604] : memref<12804x128xi32, #tpu.memory_space<hbm>> -> memref<2x128xi32, #tpu.memory_space<hbm>>
      %dma_start3A_606 = arith.constant 0 : i32
      %dma_start3A_607 = arith.constant 0 : i32
      %dma_start3A_608 = tpu.memref_slice %arg7[%dma_start3A_599, %dma_start3A_606, %dma_start3A_607] : memref<2x2x128xi32, #tpu.memory_space<vmem>> -> memref<1x2x128xi32, #tpu.memory_space<vmem>>
      %dma_start3A_609 = tpu.memref_squeeze %dma_start3A_608 : memref<1x2x128xi32, #tpu.memory_space<vmem>> -> memref<2x128xi32, #tpu.memory_space<vmem>>
      %dma_start3A_610 = arith.constant 0 : i32
      %dma_start3A_611 = tpu.memref_slice %arg3[%add3A_598, %dma_start3A_610] : memref<12804x128xi32, #tpu.memory_space<hbm>> -> memref<2x128xi32, #tpu.memory_space<hbm>>
      tpu.enqueue_dma source(%dma_start3A_611 : memref<2x128xi32, #tpu.memory_space<hbm>>) target(%dma_start3A_609 : memref<2x128xi32, #tpu.memory_space<vmem>>) target_semaphore(%arg12 : memref<!tpu.dma_semaphore, #tpu.memory_space<semaphore_mem>>)
      %mul3A_612 = arith.constant 2 : i32
      %mul3A_613 = arith.muli %add3A_595, %mul3A_612 : i32
      %add3A_614 = arith.addi %select_n3A_60, %mul3A_613 : i32
      %dma_start3A_615 = arith.constant 1 : i32
      %dma_start3A_616 = arith.constant 0 : i32
      %dma_start3A_617 = arith.constant 0 : i32
      %dma_start3A_618 = tpu.memref_slice %arg8[%dma_start3A_615, %dma_start3A_616, %dma_start3A_617] : memref<2x2x128xi32, #tpu.memory_space<vmem>> -> memref<1x2x128xi32, #tpu.memory_space<vmem>>
      %dma_start3A_619 = tpu.memref_squeeze %dma_start3A_618 : memref<1x2x128xi32, #tpu.memory_space<vmem>> -> memref<2x128xi32, #tpu.memory_space<vmem>>
      %dma_start3A_620 = arith.constant 0 : i32
      %dma_start3A_621 = tpu.memref_slice %arg4[%add3A_614, %dma_start3A_620] : memref<6404x128xi32, #tpu.memory_space<hbm>> -> memref<2x128xi32, #tpu.memory_space<hbm>>
      %dma_start3A_622 = arith.constant 0 : i32
      %dma_start3A_623 = arith.constant 0 : i32
      %dma_start3A_624 = tpu.memref_slice %arg8[%dma_start3A_615, %dma_start3A_622, %dma_start3A_623] : memref<2x2x128xi32, #tpu.memory_space<vmem>> -> memref<1x2x128xi32, #tpu.memory_space<vmem>>
      %dma_start3A_625 = tpu.memref_squeeze %dma_start3A_624 : memref<1x2x128xi32, #tpu.memory_space<vmem>> -> memref<2x128xi32, #tpu.memory_space<vmem>>
      %dma_start3A_626 = arith.constant 0 : i32
      %dma_start3A_627 = tpu.memref_slice %arg4[%add3A_614, %dma_start3A_626] : memref<6404x128xi32, #tpu.memory_space<hbm>> -> memref<2x128xi32, #tpu.memory_space<hbm>>
      tpu.enqueue_dma source(%dma_start3A_627 : memref<2x128xi32, #tpu.memory_space<hbm>>) target(%dma_start3A_625 : memref<2x128xi32, #tpu.memory_space<vmem>>) target_semaphore(%arg14 : memref<!tpu.dma_semaphore, #tpu.memory_space<semaphore_mem>>)
    }
    %scan3A_164 = arith.constant 100 : i32
    %dma_wait3A_165 = arith.constant 1 : i32
    %dma_wait3A_166 = arith.constant 0 : i32
    %dma_wait3A_167 = arith.constant 1 : i32
    %dma_wait3A_168 = arith.constant 0 : i32
    %dma_wait3A_169 = arith.constant 0 : i32
    %dma_wait3A_170 = arith.constant 0 : i32
    %dma_wait3A_171 = tpu.memref_slice %arg9[%dma_wait3A_165, %dma_wait3A_166, %dma_wait3A_169, %dma_wait3A_170] : memref<2x2x128x32xf32, #tpu.memory_space<vmem>> -> memref<1x1x128x32xf32, #tpu.memory_space<vmem>>
    %dma_wait3A_172 = tpu.memref_squeeze %dma_wait3A_171 : memref<1x1x128x32xf32, #tpu.memory_space<vmem>> -> memref<128x32xf32, #tpu.memory_space<vmem>>
    %dma_wait3A_173 = arith.constant 0 : i32
    %dma_wait3A_174 = tpu.memref_slice %arg8[%dma_wait3A_167, %dma_wait3A_168, %dma_wait3A_173] : memref<2x2x128xi32, #tpu.memory_space<vmem>> -> memref<1x1x128xi32, #tpu.memory_space<vmem>>
    %dma_wait3A_175 = tpu.memref_squeeze %dma_wait3A_174 : memref<1x1x128xi32, #tpu.memory_space<vmem>> -> memref<128xi32, #tpu.memory_space<vmem>>
    %dma_wait3A_176 = arith.constant 0 : i32
    %dma_wait3A_177 = arith.constant 0 : i32
    %dma_wait3A_178 = tpu.memref_slice %arg10[%dma_wait3A_176, %dma_wait3A_177] : memref<50688x32xf32, #tpu.memory_space<vmem_shared>> -> memref<50688x32xf32, #tpu.memory_space<vmem_shared>>
    tpu.wait_indirect_dma semaphore(%arg18 : memref<!tpu.dma_semaphore, #tpu.memory_space<semaphore_mem>>) src(%dma_wait3A_172 : memref<128x32xf32, #tpu.memory_space<vmem>>) dst(%dma_wait3A_178 : memref<50688x32xf32, #tpu.memory_space<vmem_shared>>)
    %dma_wait3A_179 = arith.constant 1 : i32
    %dma_wait3A_180 = arith.constant 1 : i32
    %dma_wait3A_181 = arith.constant 1 : i32
    %dma_wait3A_182 = arith.constant 1 : i32
    %dma_wait3A_183 = arith.constant 0 : i32
    %dma_wait3A_184 = arith.constant 0 : i32
    %dma_wait3A_185 = tpu.memref_slice %arg9[%dma_wait3A_179, %dma_wait3A_180, %dma_wait3A_183, %dma_wait3A_184] : memref<2x2x128x32xf32, #tpu.memory_space<vmem>> -> memref<1x1x128x32xf32, #tpu.memory_space<vmem>>
    %dma_wait3A_186 = tpu.memref_squeeze %dma_wait3A_185 : memref<1x1x128x32xf32, #tpu.memory_space<vmem>> -> memref<128x32xf32, #tpu.memory_space<vmem>>
    %dma_wait3A_187 = arith.constant 0 : i32
    %dma_wait3A_188 = tpu.memref_slice %arg8[%dma_wait3A_181, %dma_wait3A_182, %dma_wait3A_187] : memref<2x2x128xi32, #tpu.memory_space<vmem>> -> memref<1x1x128xi32, #tpu.memory_space<vmem>>
    %dma_wait3A_189 = tpu.memref_squeeze %dma_wait3A_188 : memref<1x1x128xi32, #tpu.memory_space<vmem>> -> memref<128xi32, #tpu.memory_space<vmem>>
    %dma_wait3A_190 = arith.constant 0 : i32
    %dma_wait3A_191 = arith.constant 0 : i32
    %dma_wait3A_192 = tpu.memref_slice %arg10[%dma_wait3A_190, %dma_wait3A_191] : memref<50688x32xf32, #tpu.memory_space<vmem_shared>> -> memref<50688x32xf32, #tpu.memory_space<vmem_shared>>
    tpu.wait_indirect_dma semaphore(%arg18 : memref<!tpu.dma_semaphore, #tpu.memory_space<semaphore_mem>>) src(%dma_wait3A_186 : memref<128x32xf32, #tpu.memory_space<vmem>>) dst(%dma_wait3A_192 : memref<50688x32xf32, #tpu.memory_space<vmem_shared>>)
    %dma_wait3A_193 = arith.constant 0 : i32
    %dma_wait3A_194 = arith.constant 0 : i32
    %dma_wait3A_195 = arith.constant 0 : i32
    %dma_wait3A_196 = arith.constant 0 : i32
    %dma_wait3A_197 = arith.constant 0 : i32
    %dma_wait3A_198 = arith.constant 0 : i32
    %dma_wait3A_199 = tpu.memref_slice %arg9[%dma_wait3A_195, %dma_wait3A_196, %dma_wait3A_197, %dma_wait3A_198] : memref<2x2x128x32xf32, #tpu.memory_space<vmem>> -> memref<1x1x128x32xf32, #tpu.memory_space<vmem>>
    %dma_wait3A_200 = tpu.memref_squeeze %dma_wait3A_199 : memref<1x1x128x32xf32, #tpu.memory_space<vmem>> -> memref<128x32xf32, #tpu.memory_space<vmem>>
    %dma_wait3A_201 = arith.constant 0 : i32
    %dma_wait3A_202 = tpu.memref_slice %arg7[%dma_wait3A_193, %dma_wait3A_194, %dma_wait3A_201] : memref<2x2x128xi32, #tpu.memory_space<vmem>> -> memref<1x1x128xi32, #tpu.memory_space<vmem>>
    %dma_wait3A_203 = tpu.memref_squeeze %dma_wait3A_202 : memref<1x1x128xi32, #tpu.memory_space<vmem>> -> memref<128xi32, #tpu.memory_space<vmem>>
    %dma_wait3A_204 = arith.constant 0 : i32
    %dma_wait3A_205 = arith.constant 0 : i32
    %dma_wait3A_206 = tpu.memref_slice %arg2[%dma_wait3A_204, %dma_wait3A_205] : memref<200704x32xf32, #tpu.memory_space<hbm>> -> memref<200704x32xf32, #tpu.memory_space<hbm>>
    tpu.wait_indirect_dma semaphore(%arg15 : memref<!tpu.dma_semaphore, #tpu.memory_space<semaphore_mem>>) src(%dma_wait3A_206 : memref<200704x32xf32, #tpu.memory_space<hbm>>) dst(%dma_wait3A_200 : memref<128x32xf32, #tpu.memory_space<vmem>>)
    %dma_wait3A_207 = arith.constant 0 : i32
    %dma_wait3A_208 = arith.constant 1 : i32
    %dma_wait3A_209 = arith.constant 0 : i32
    %dma_wait3A_210 = arith.constant 1 : i32
    %dma_wait3A_211 = arith.constant 0 : i32
    %dma_wait3A_212 = arith.constant 0 : i32
    %dma_wait3A_213 = tpu.memref_slice %arg9[%dma_wait3A_209, %dma_wait3A_210, %dma_wait3A_211, %dma_wait3A_212] : memref<2x2x128x32xf32, #tpu.memory_space<vmem>> -> memref<1x1x128x32xf32, #tpu.memory_space<vmem>>
    %dma_wait3A_214 = tpu.memref_squeeze %dma_wait3A_213 : memref<1x1x128x32xf32, #tpu.memory_space<vmem>> -> memref<128x32xf32, #tpu.memory_space<vmem>>
    %dma_wait3A_215 = arith.constant 0 : i32
    %dma_wait3A_216 = tpu.memref_slice %arg7[%dma_wait3A_207, %dma_wait3A_208, %dma_wait3A_215] : memref<2x2x128xi32, #tpu.memory_space<vmem>> -> memref<1x1x128xi32, #tpu.memory_space<vmem>>
    %dma_wait3A_217 = tpu.memref_squeeze %dma_wait3A_216 : memref<1x1x128xi32, #tpu.memory_space<vmem>> -> memref<128xi32, #tpu.memory_space<vmem>>
    %dma_wait3A_218 = arith.constant 0 : i32
    %dma_wait3A_219 = arith.constant 0 : i32
    %dma_wait3A_220 = tpu.memref_slice %arg2[%dma_wait3A_218, %dma_wait3A_219] : memref<200704x32xf32, #tpu.memory_space<hbm>> -> memref<200704x32xf32, #tpu.memory_space<hbm>>
    tpu.wait_indirect_dma semaphore(%arg15 : memref<!tpu.dma_semaphore, #tpu.memory_space<semaphore_mem>>) src(%dma_wait3A_220 : memref<200704x32xf32, #tpu.memory_space<hbm>>) dst(%dma_wait3A_214 : memref<128x32xf32, #tpu.memory_space<vmem>>)
    %dma_wait3A_221 = arith.constant 0 : i32
    %dma_wait3A_222 = arith.constant 0 : i32
    %dma_wait3A_223 = arith.constant 0 : i32
    %dma_wait3A_224 = tpu.memref_slice %arg8[%dma_wait3A_221, %dma_wait3A_222, %dma_wait3A_223] : memref<2x2x128xi32, #tpu.memory_space<vmem>> -> memref<1x2x128xi32, #tpu.memory_space<vmem>>
    %dma_wait3A_225 = tpu.memref_squeeze %dma_wait3A_224 : memref<1x2x128xi32, #tpu.memory_space<vmem>> -> memref<2x128xi32, #tpu.memory_space<vmem>>
    %dma_wait3A_226 = arith.constant 0 : i32
    %dma_wait3A_227 = tpu.memref_slice %arg4[%select_n3A_60, %dma_wait3A_226] : memref<6404x128xi32, #tpu.memory_space<hbm>> -> memref<2x128xi32, #tpu.memory_space<hbm>>
    %dma_wait3A_228 = arith.constant 0 : i32
    %dma_wait3A_229 = arith.constant 0 : i32
    %dma_wait3A_230 = tpu.memref_slice %arg8[%dma_wait3A_221, %dma_wait3A_228, %dma_wait3A_229] : memref<2x2x128xi32, #tpu.memory_space<vmem>> -> memref<1x2x128xi32, #tpu.memory_space<vmem>>
    %dma_wait3A_231 = tpu.memref_squeeze %dma_wait3A_230 : memref<1x2x128xi32, #tpu.memory_space<vmem>> -> memref<2x128xi32, #tpu.memory_space<vmem>>
    %dma_wait3A_232 = arith.constant 0 : i32
    %dma_wait3A_233 = tpu.memref_slice %arg4[%select_n3A_60, %dma_wait3A_232] : memref<6404x128xi32, #tpu.memory_space<hbm>> -> memref<2x128xi32, #tpu.memory_space<hbm>>
    tpu.wait_dma2 semaphore(%arg13 : memref<!tpu.dma_semaphore, #tpu.memory_space<semaphore_mem>>) src(%dma_wait3A_233 : memref<2x128xi32, #tpu.memory_space<hbm>>) dst(%dma_wait3A_231 : memref<2x128xi32, #tpu.memory_space<vmem>>)
    %dma_wait3A_234 = arith.constant 1 : i32
    %dma_wait3A_235 = arith.constant 0 : i32
    %dma_wait3A_236 = arith.constant 0 : i32
    %dma_wait3A_237 = tpu.memref_slice %arg7[%dma_wait3A_234, %dma_wait3A_235, %dma_wait3A_236] : memref<2x2x128xi32, #tpu.memory_space<vmem>> -> memref<1x2x128xi32, #tpu.memory_space<vmem>>
    %dma_wait3A_238 = tpu.memref_squeeze %dma_wait3A_237 : memref<1x2x128xi32, #tpu.memory_space<vmem>> -> memref<2x128xi32, #tpu.memory_space<vmem>>
    %dma_wait3A_239 = arith.constant 0 : i32
    %dma_wait3A_240 = tpu.memref_slice %arg3[%select_n3A, %dma_wait3A_239] : memref<12804x128xi32, #tpu.memory_space<hbm>> -> memref<2x128xi32, #tpu.memory_space<hbm>>
    %dma_wait3A_241 = arith.constant 0 : i32
    %dma_wait3A_242 = arith.constant 0 : i32
    %dma_wait3A_243 = tpu.memref_slice %arg7[%dma_wait3A_234, %dma_wait3A_241, %dma_wait3A_242] : memref<2x2x128xi32, #tpu.memory_space<vmem>> -> memref<1x2x128xi32, #tpu.memory_space<vmem>>
    %dma_wait3A_244 = tpu.memref_squeeze %dma_wait3A_243 : memref<1x2x128xi32, #tpu.memory_space<vmem>> -> memref<2x128xi32, #tpu.memory_space<vmem>>
    %dma_wait3A_245 = arith.constant 0 : i32
    %dma_wait3A_246 = tpu.memref_slice %arg3[%select_n3A, %dma_wait3A_245] : memref<12804x128xi32, #tpu.memory_space<hbm>> -> memref<2x128xi32, #tpu.memory_space<hbm>>
    tpu.wait_dma2 semaphore(%arg12 : memref<!tpu.dma_semaphore, #tpu.memory_space<semaphore_mem>>) src(%dma_wait3A_246 : memref<2x128xi32, #tpu.memory_space<hbm>>) dst(%dma_wait3A_244 : memref<2x128xi32, #tpu.memory_space<vmem>>)
    %dma_wait3A_247 = arith.constant 1 : i32
    %dma_wait3A_248 = arith.constant 0 : i32
    %dma_wait3A_249 = arith.constant 0 : i32
    %dma_wait3A_250 = tpu.memref_slice %arg8[%dma_wait3A_247, %dma_wait3A_248, %dma_wait3A_249] : memref<2x2x128xi32, #tpu.memory_space<vmem>> -> memref<1x2x128xi32, #tpu.memory_space<vmem>>
    %dma_wait3A_251 = tpu.memref_squeeze %dma_wait3A_250 : memref<1x2x128xi32, #tpu.memory_space<vmem>> -> memref<2x128xi32, #tpu.memory_space<vmem>>
    %dma_wait3A_252 = arith.constant 0 : i32
    %dma_wait3A_253 = tpu.memref_slice %arg4[%select_n3A_60, %dma_wait3A_252] : memref<6404x128xi32, #tpu.memory_space<hbm>> -> memref<2x128xi32, #tpu.memory_space<hbm>>
    %dma_wait3A_254 = arith.constant 0 : i32
    %dma_wait3A_255 = arith.constant 0 : i32
    %dma_wait3A_256 = tpu.memref_slice %arg8[%dma_wait3A_247, %dma_wait3A_254, %dma_wait3A_255] : memref<2x2x128xi32, #tpu.memory_space<vmem>> -> memref<1x2x128xi32, #tpu.memory_space<vmem>>
    %dma_wait3A_257 = tpu.memref_squeeze %dma_wait3A_256 : memref<1x2x128xi32, #tpu.memory_space<vmem>> -> memref<2x128xi32, #tpu.memory_space<vmem>>
    %dma_wait3A_258 = arith.constant 0 : i32
    %dma_wait3A_259 = tpu.memref_slice %arg4[%select_n3A_60, %dma_wait3A_258] : memref<6404x128xi32, #tpu.memory_space<hbm>> -> memref<2x128xi32, #tpu.memory_space<hbm>>
    tpu.wait_dma2 semaphore(%arg14 : memref<!tpu.dma_semaphore, #tpu.memory_space<semaphore_mem>>) src(%dma_wait3A_259 : memref<2x128xi32, #tpu.memory_space<hbm>>) dst(%dma_wait3A_257 : memref<2x128xi32, #tpu.memory_space<vmem>>)
    %barrier3A_260 = arith.constant 0 : index
    tpu.barrier barrier_id(%barrier3A_260)
    %mul3A_261 = arith.constant 3136 : i32
    %mul3A_262 = arith.muli %arg1, %mul3A_261 : i32
    %add3A_263 = arith.constant 0 : i32
    %add3A_264 = arith.addi %mul3A_262, %add3A_263 : i32
    %mul3A_265 = arith.constant 3136 : i32
    %mul3A_266 = arith.muli %arg1, %mul3A_265 : i32
    %add3A_267 = arith.constant 0 : i32
    %add3A_268 = arith.addi %mul3A_266, %add3A_267 : i32
    %mul3A_269 = arith.constant 32 : i32
    %mul3A_270 = arith.muli %arg0, %mul3A_269 : i32
    "tpu.region"() ({
      %run_scoped3A = tpu.sem_alloc : memref<!tpu.dma_semaphore, #tpu.memory_space<semaphore_mem>>
      %dma_start3A_301 = tpu.memref_slice %arg6[%add3A_268, %mul3A_270] : memref<50176x128xf32, #tpu.memory_space<hbm>> -> memref<1024x32xf32, #tpu.memory_space<hbm>>
      %dma_start3A_302 = arith.constant 0 : i32
      %dma_start3A_303 = tpu.memref_slice %arg10[%add3A_264, %dma_start3A_302] : memref<50688x32xf32, #tpu.memory_space<vmem_shared>> -> memref<1024x32xf32, #tpu.memory_space<vmem_shared>>
      tpu.enqueue_dma source(%dma_start3A_303 : memref<1024x32xf32, #tpu.memory_space<vmem_shared>>) target(%dma_start3A_301 : memref<1024x32xf32, #tpu.memory_space<hbm>>) target_semaphore(%run_scoped3A : memref<!tpu.dma_semaphore, #tpu.memory_space<semaphore_mem>>)
      %dma_wait3A_304 = tpu.memref_slice %arg6[%add3A_268, %mul3A_270] : memref<50176x128xf32, #tpu.memory_space<hbm>> -> memref<1024x32xf32, #tpu.memory_space<hbm>>
      %dma_wait3A_305 = arith.constant 0 : i32
      %dma_wait3A_306 = tpu.memref_slice %arg10[%add3A_264, %dma_wait3A_305] : memref<50688x32xf32, #tpu.memory_space<vmem_shared>> -> memref<1024x32xf32, #tpu.memory_space<vmem_shared>>
      tpu.wait_dma2 semaphore(%run_scoped3A : memref<!tpu.dma_semaphore, #tpu.memory_space<semaphore_mem>>) src(%dma_wait3A_306 : memref<1024x32xf32, #tpu.memory_space<vmem_shared>>) dst(%dma_wait3A_304 : memref<1024x32xf32, #tpu.memory_space<hbm>>)
      tpu.yield
    }) : () -> ()
    %mul3A_271 = arith.constant 3136 : i32
    %mul3A_272 = arith.muli %arg1, %mul3A_271 : i32
    %add3A_273 = arith.constant 1024 : i32
    %add3A_274 = arith.addi %mul3A_272, %add3A_273 : i32
    %mul3A_275 = arith.constant 3136 : i32
    %mul3A_276 = arith.muli %arg1, %mul3A_275 : i32
    %add3A_277 = arith.constant 1024 : i32
    %add3A_278 = arith.addi %mul3A_276, %add3A_277 : i32
    %mul3A_279 = arith.constant 32 : i32
    %mul3A_280 = arith.muli %arg0, %mul3A_279 : i32
    "tpu.region"() ({
      %run_scoped3A = tpu.sem_alloc : memref<!tpu.dma_semaphore, #tpu.memory_space<semaphore_mem>>
      %dma_start3A_301 = tpu.memref_slice %arg6[%add3A_278, %mul3A_280] : memref<50176x128xf32, #tpu.memory_space<hbm>> -> memref<1024x32xf32, #tpu.memory_space<hbm>>
      %dma_start3A_302 = arith.constant 0 : i32
      %dma_start3A_303 = tpu.memref_slice %arg10[%add3A_274, %dma_start3A_302] : memref<50688x32xf32, #tpu.memory_space<vmem_shared>> -> memref<1024x32xf32, #tpu.memory_space<vmem_shared>>
      tpu.enqueue_dma source(%dma_start3A_303 : memref<1024x32xf32, #tpu.memory_space<vmem_shared>>) target(%dma_start3A_301 : memref<1024x32xf32, #tpu.memory_space<hbm>>) target_semaphore(%run_scoped3A : memref<!tpu.dma_semaphore, #tpu.memory_space<semaphore_mem>>)
      %dma_wait3A_304 = tpu.memref_slice %arg6[%add3A_278, %mul3A_280] : memref<50176x128xf32, #tpu.memory_space<hbm>> -> memref<1024x32xf32, #tpu.memory_space<hbm>>
      %dma_wait3A_305 = arith.constant 0 : i32
      %dma_wait3A_306 = tpu.memref_slice %arg10[%add3A_274, %dma_wait3A_305] : memref<50688x32xf32, #tpu.memory_space<vmem_shared>> -> memref<1024x32xf32, #tpu.memory_space<vmem_shared>>
      tpu.wait_dma2 semaphore(%run_scoped3A : memref<!tpu.dma_semaphore, #tpu.memory_space<semaphore_mem>>) src(%dma_wait3A_306 : memref<1024x32xf32, #tpu.memory_space<vmem_shared>>) dst(%dma_wait3A_304 : memref<1024x32xf32, #tpu.memory_space<hbm>>)
      tpu.yield
    }) : () -> ()
    %mul3A_281 = arith.constant 3136 : i32
    %mul3A_282 = arith.muli %arg1, %mul3A_281 : i32
    %add3A_283 = arith.constant 2048 : i32
    %add3A_284 = arith.addi %mul3A_282, %add3A_283 : i32
    %mul3A_285 = arith.constant 3136 : i32
    %mul3A_286 = arith.muli %arg1, %mul3A_285 : i32
    %add3A_287 = arith.constant 2048 : i32
    %add3A_288 = arith.addi %mul3A_286, %add3A_287 : i32
    %mul3A_289 = arith.constant 32 : i32
    %mul3A_290 = arith.muli %arg0, %mul3A_289 : i32
    "tpu.region"() ({
      %run_scoped3A = tpu.sem_alloc : memref<!tpu.dma_semaphore, #tpu.memory_space<semaphore_mem>>
      %dma_start3A_301 = tpu.memref_slice %arg6[%add3A_288, %mul3A_290] : memref<50176x128xf32, #tpu.memory_space<hbm>> -> memref<1024x32xf32, #tpu.memory_space<hbm>>
      %dma_start3A_302 = arith.constant 0 : i32
      %dma_start3A_303 = tpu.memref_slice %arg10[%add3A_284, %dma_start3A_302] : memref<50688x32xf32, #tpu.memory_space<vmem_shared>> -> memref<1024x32xf32, #tpu.memory_space<vmem_shared>>
      tpu.enqueue_dma source(%dma_start3A_303 : memref<1024x32xf32, #tpu.memory_space<vmem_shared>>) target(%dma_start3A_301 : memref<1024x32xf32, #tpu.memory_space<hbm>>) target_semaphore(%run_scoped3A : memref<!tpu.dma_semaphore, #tpu.memory_space<semaphore_mem>>)
      %dma_wait3A_304 = tpu.memref_slice %arg6[%add3A_288, %mul3A_290] : memref<50176x128xf32, #tpu.memory_space<hbm>> -> memref<1024x32xf32, #tpu.memory_space<hbm>>
      %dma_wait3A_305 = arith.constant 0 : i32
      %dma_wait3A_306 = tpu.memref_slice %arg10[%add3A_284, %dma_wait3A_305] : memref<50688x32xf32, #tpu.memory_space<vmem_shared>> -> memref<1024x32xf32, #tpu.memory_space<vmem_shared>>
      tpu.wait_dma2 semaphore(%run_scoped3A : memref<!tpu.dma_semaphore, #tpu.memory_space<semaphore_mem>>) src(%dma_wait3A_306 : memref<1024x32xf32, #tpu.memory_space<vmem_shared>>) dst(%dma_wait3A_304 : memref<1024x32xf32, #tpu.memory_space<hbm>>)
      tpu.yield
    }) : () -> ()
    %mul3A_291 = arith.constant 3136 : i32
    %mul3A_292 = arith.muli %arg1, %mul3A_291 : i32
    %add3A_293 = arith.constant 3072 : i32
    %add3A_294 = arith.addi %mul3A_292, %add3A_293 : i32
    %mul3A_295 = arith.constant 3136 : i32
    %mul3A_296 = arith.muli %arg1, %mul3A_295 : i32
    %add3A_297 = arith.constant 3072 : i32
    %add3A_298 = arith.addi %mul3A_296, %add3A_297 : i32
    %mul3A_299 = arith.constant 32 : i32
    %mul3A_300 = arith.muli %arg0, %mul3A_299 : i32
    "tpu.region"() ({
      %run_scoped3A = tpu.sem_alloc : memref<!tpu.dma_semaphore, #tpu.memory_space<semaphore_mem>>
      %dma_start3A_301 = tpu.memref_slice %arg6[%add3A_298, %mul3A_300] : memref<50176x128xf32, #tpu.memory_space<hbm>> -> memref<64x32xf32, #tpu.memory_space<hbm>>
      %dma_start3A_302 = arith.constant 0 : i32
      %dma_start3A_303 = tpu.memref_slice %arg10[%add3A_294, %dma_start3A_302] : memref<50688x32xf32, #tpu.memory_space<vmem_shared>> -> memref<64x32xf32, #tpu.memory_space<vmem_shared>>
      tpu.enqueue_dma source(%dma_start3A_303 : memref<64x32xf32, #tpu.memory_space<vmem_shared>>) target(%dma_start3A_301 : memref<64x32xf32, #tpu.memory_space<hbm>>) target_semaphore(%run_scoped3A : memref<!tpu.dma_semaphore, #tpu.memory_space<semaphore_mem>>)
      %dma_wait3A_304 = tpu.memref_slice %arg6[%add3A_298, %mul3A_300] : memref<50176x128xf32, #tpu.memory_space<hbm>> -> memref<64x32xf32, #tpu.memory_space<hbm>>
      %dma_wait3A_305 = arith.constant 0 : i32
      %dma_wait3A_306 = tpu.memref_slice %arg10[%add3A_294, %dma_wait3A_305] : memref<50688x32xf32, #tpu.memory_space<vmem_shared>> -> memref<64x32xf32, #tpu.memory_space<vmem_shared>>
      tpu.wait_dma2 semaphore(%run_scoped3A : memref<!tpu.dma_semaphore, #tpu.memory_space<semaphore_mem>>) src(%dma_wait3A_306 : memref<64x32xf32, #tpu.memory_space<vmem_shared>>) dst(%dma_wait3A_304 : memref<64x32xf32, #tpu.memory_space<hbm>>)
      tpu.yield
    }) : () -> ()
    return
  }
}

#map = affine_map<(d0, d1) -> (0, 0)>
module attributes {stable_mosaic.version = 14 : i64} {
  func.func @_conv_body(%arg0: i32, %arg1: i32, %arg2: memref<200704x32xf32, #tpu.memory_space<hbm>>, %arg3: memref<12804x128xi32, #tpu.memory_space<hbm>>, %arg4: memref<6404x128xi32, #tpu.memory_space<hbm>>, %arg5: memref<1024x32xf32, #tpu.memory_space<hbm>>, %arg6: memref<50176x128xf32, #tpu.memory_space<hbm>>, %arg7: memref<2x2x128xi32, #tpu.memory_space<vmem>>, %arg8: memref<2x2x128xi32, #tpu.memory_space<vmem>>, %arg9: memref<2x2x128x32xf32, #tpu.memory_space<vmem>>, %arg10: memref<50688x32xf32, #tpu.memory_space<vmem_shared>>, %arg11: memref<!tpu.dma_semaphore, #tpu.memory_space<semaphore_mem>>, %arg12: memref<!tpu.dma_semaphore, #tpu.memory_space<semaphore_mem>>, %arg13: memref<!tpu.dma_semaphore, #tpu.memory_space<semaphore_mem>>, %arg14: memref<!tpu.dma_semaphore, #tpu.memory_space<semaphore_mem>>, %arg15: memref<!tpu.dma_semaphore, #tpu.memory_space<semaphore_mem>>, %arg16: memref<!tpu.dma_semaphore, #tpu.memory_space<semaphore_mem>>, %arg17: memref<!tpu.dma_semaphore, #tpu.memory_space<semaphore_mem>>, %arg18: memref<!tpu.dma_semaphore, #tpu.memory_space<semaphore_mem>>) attributes {dimension_semantics = [#tpu.dimension_semantics<core_parallel>, #tpu.dimension_semantics<subcore_parallel>], iteration_bounds = array<i64: 2, 16>, scalar_prefetch = 0 : i64, scratch_operands = 12 : i64, tpu.core_type = #tpu.core_type<sc_vector_subcore>, window_params = [{transform_indices = #map}, {transform_indices = #map}, {transform_indices = #map}, {transform_indices = #map}, {transform_indices = #map}]} {
    %mul3A = arith.constant 3136 : i32
    %mul3A_0 = arith.muli %arg1, %mul3A : i32
    %add3A = arith.constant 0 : i32
    %add3A_1 = arith.addi %mul3A_0, %add3A : i32
    "tpu.region"() ({
      %run_scoped3A = tpu.sem_alloc : memref<!tpu.dma_semaphore, #tpu.memory_space<semaphore_mem>>
      %dma_start3A_301 = arith.constant 0 : i32
      %dma_start3A_302 = tpu.memref_slice %arg10[%add3A_1, %dma_start3A_301] : memref<50688x32xf32, #tpu.memory_space<vmem_shared>> -> memref<1024x32xf32, #tpu.memory_space<vmem_shared>>
      %dma_start3A_303 = arith.constant 0 : i32
      %dma_start3A_304 = arith.constant 0 : i32
      %dma_start3A_305 = tpu.memref_slice %arg5[%dma_start3A_303, %dma_start3A_304] : memref<1024x32xf32, #tpu.memory_space<hbm>> -> memref<1024x32xf32, #tpu.memory_space<hbm>>
      tpu.enqueue_dma source(%dma_start3A_305 : memref<1024x32xf32, #tpu.memory_space<hbm>>) target(%dma_start3A_302 : memref<1024x32xf32, #tpu.memory_space<vmem_shared>>) target_semaphore(%run_scoped3A : memref<!tpu.dma_semaphore, #tpu.memory_space<semaphore_mem>>)
      %dma_wait3A_306 = arith.constant 0 : i32
      %dma_wait3A_307 = tpu.memref_slice %arg10[%add3A_1, %dma_wait3A_306] : memref<50688x32xf32, #tpu.memory_space<vmem_shared>> -> memref<1024x32xf32, #tpu.memory_space<vmem_shared>>
      %dma_wait3A_308 = arith.constant 0 : i32
      %dma_wait3A_309 = arith.constant 0 : i32
      %dma_wait3A_310 = tpu.memref_slice %arg5[%dma_wait3A_308, %dma_wait3A_309] : memref<1024x32xf32, #tpu.memory_space<hbm>> -> memref<1024x32xf32, #tpu.memory_space<hbm>>
      tpu.wait_dma2 semaphore(%run_scoped3A : memref<!tpu.dma_semaphore, #tpu.memory_space<semaphore_mem>>) src(%dma_wait3A_310 : memref<1024x32xf32, #tpu.memory_space<hbm>>) dst(%dma_wait3A_307 : memref<1024x32xf32, #tpu.memory_space<vmem_shared>>)
      tpu.yield
    }) : () -> ()
    %mul3A_2 = arith.constant 3136 : i32
    %mul3A_3 = arith.muli %arg1, %mul3A_2 : i32
    %add3A_4 = arith.constant 1024 : i32
    %add3A_5 = arith.addi %mul3A_3, %add3A_4 : i32
    "tpu.region"() ({
      %run_scoped3A = tpu.sem_alloc : memref<!tpu.dma_semaphore, #tpu.memory_space<semaphore_mem>>
      %dma_start3A_301 = arith.constant 0 : i32
      %dma_start3A_302 = tpu.memref_slice %arg10[%add3A_5, %dma_start3A_301] : memref<50688x32xf32, #tpu.memory_space<vmem_shared>> -> memref<1024x32xf32, #tpu.memory_space<vmem_shared>>
      %dma_start3A_303 = arith.constant 0 : i32
      %dma_start3A_304 = arith.constant 0 : i32
      %dma_start3A_305 = tpu.memref_slice %arg5[%dma_start3A_303, %dma_start3A_304] : memref<1024x32xf32, #tpu.memory_space<hbm>> -> memref<1024x32xf32, #tpu.memory_space<hbm>>
      tpu.enqueue_dma source(%dma_start3A_305 : memref<1024x32xf32, #tpu.memory_space<hbm>>) target(%dma_start3A_302 : memref<1024x32xf32, #tpu.memory_space<vmem_shared>>) target_semaphore(%run_scoped3A : memref<!tpu.dma_semaphore, #tpu.memory_space<semaphore_mem>>)
      %dma_wait3A_306 = arith.constant 0 : i32
      %dma_wait3A_307 = tpu.memref_slice %arg10[%add3A_5, %dma_wait3A_306] : memref<50688x32xf32, #tpu.memory_space<vmem_shared>> -> memref<1024x32xf32, #tpu.memory_space<vmem_shared>>
      %dma_wait3A_308 = arith.constant 0 : i32
      %dma_wait3A_309 = arith.constant 0 : i32
      %dma_wait3A_310 = tpu.memref_slice %arg5[%dma_wait3A_308, %dma_wait3A_309] : memref<1024x32xf32, #tpu.memory_space<hbm>> -> memref<1024x32xf32, #tpu.memory_space<hbm>>
      tpu.wait_dma2 semaphore(%run_scoped3A : memref<!tpu.dma_semaphore, #tpu.memory_space<semaphore_mem>>) src(%dma_wait3A_310 : memref<1024x32xf32, #tpu.memory_space<hbm>>) dst(%dma_wait3A_307 : memref<1024x32xf32, #tpu.memory_space<vmem_shared>>)
      tpu.yield
    }) : () -> ()
    %mul3A_6 = arith.constant 3136 : i32
    %mul3A_7 = arith.muli %arg1, %mul3A_6 : i32
    %add3A_8 = arith.constant 2048 : i32
    %add3A_9 = arith.addi %mul3A_7, %add3A_8 : i32
    "tpu.region"() ({
      %run_scoped3A = tpu.sem_alloc : memref<!tpu.dma_semaphore, #tpu.memory_space<semaphore_mem>>
      %dma_start3A_301 = arith.constant 0 : i32
      %dma_start3A_302 = tpu.memref_slice %arg10[%add3A_9, %dma_start3A_301] : memref<50688x32xf32, #tpu.memory_space<vmem_shared>> -> memref<1024x32xf32, #tpu.memory_space<vmem_shared>>
      %dma_start3A_303 = arith.constant 0 : i32
      %dma_start3A_304 = arith.constant 0 : i32
      %dma_start3A_305 = tpu.memref_slice %arg5[%dma_start3A_303, %dma_start3A_304] : memref<1024x32xf32, #tpu.memory_space<hbm>> -> memref<1024x32xf32, #tpu.memory_space<hbm>>
      tpu.enqueue_dma source(%dma_start3A_305 : memref<1024x32xf32, #tpu.memory_space<hbm>>) target(%dma_start3A_302 : memref<1024x32xf32, #tpu.memory_space<vmem_shared>>) target_semaphore(%run_scoped3A : memref<!tpu.dma_semaphore, #tpu.memory_space<semaphore_mem>>)
      %dma_wait3A_306 = arith.constant 0 : i32
      %dma_wait3A_307 = tpu.memref_slice %arg10[%add3A_9, %dma_wait3A_306] : memref<50688x32xf32, #tpu.memory_space<vmem_shared>> -> memref<1024x32xf32, #tpu.memory_space<vmem_shared>>
      %dma_wait3A_308 = arith.constant 0 : i32
      %dma_wait3A_309 = arith.constant 0 : i32
      %dma_wait3A_310 = tpu.memref_slice %arg5[%dma_wait3A_308, %dma_wait3A_309] : memref<1024x32xf32, #tpu.memory_space<hbm>> -> memref<1024x32xf32, #tpu.memory_space<hbm>>
      tpu.wait_dma2 semaphore(%run_scoped3A : memref<!tpu.dma_semaphore, #tpu.memory_space<semaphore_mem>>) src(%dma_wait3A_310 : memref<1024x32xf32, #tpu.memory_space<hbm>>) dst(%dma_wait3A_307 : memref<1024x32xf32, #tpu.memory_space<vmem_shared>>)
      tpu.yield
    }) : () -> ()
    %mul3A_10 = arith.constant 3136 : i32
    %mul3A_11 = arith.muli %arg1, %mul3A_10 : i32
    %add3A_12 = arith.constant 3072 : i32
    %add3A_13 = arith.addi %mul3A_11, %add3A_12 : i32
    "tpu.region"() ({
      %run_scoped3A = tpu.sem_alloc : memref<!tpu.dma_semaphore, #tpu.memory_space<semaphore_mem>>
      %dma_start3A_301 = arith.constant 0 : i32
      %dma_start3A_302 = tpu.memref_slice %arg10[%add3A_13, %dma_start3A_301] : memref<50688x32xf32, #tpu.memory_space<vmem_shared>> -> memref<64x32xf32, #tpu.memory_space<vmem_shared>>
      %dma_start3A_303 = arith.constant 0 : i32
      %dma_start3A_304 = arith.constant 0 : i32
      %dma_start3A_305 = tpu.memref_slice %arg5[%dma_start3A_303, %dma_start3A_304] : memref<1024x32xf32, #tpu.memory_space<hbm>> -> memref<64x32xf32, #tpu.memory_space<hbm>>
      tpu.enqueue_dma source(%dma_start3A_305 : memref<64x32xf32, #tpu.memory_space<hbm>>) target(%dma_start3A_302 : memref<64x32xf32, #tpu.memory_space<vmem_shared>>) target_semaphore(%run_scoped3A : memref<!tpu.dma_semaphore, #tpu.memory_space<semaphore_mem>>)
      %dma_wait3A_306 = arith.constant 0 : i32
      %dma_wait3A_307 = tpu.memref_slice %arg10[%add3A_13, %dma_wait3A_306] : memref<50688x32xf32, #tpu.memory_space<vmem_shared>> -> memref<64x32xf32, #tpu.memory_space<vmem_shared>>
      %dma_wait3A_308 = arith.constant 0 : i32
      %dma_wait3A_309 = arith.constant 0 : i32
      %dma_wait3A_310 = tpu.memref_slice %arg5[%dma_wait3A_308, %dma_wait3A_309] : memref<1024x32xf32, #tpu.memory_space<hbm>> -> memref<64x32xf32, #tpu.memory_space<hbm>>
      tpu.wait_dma2 semaphore(%run_scoped3A : memref<!tpu.dma_semaphore, #tpu.memory_space<semaphore_mem>>) src(%dma_wait3A_310 : memref<64x32xf32, #tpu.memory_space<hbm>>) dst(%dma_wait3A_307 : memref<64x32xf32, #tpu.memory_space<vmem_shared>>)
      tpu.yield
    }) : () -> ()
    %barrier3A = arith.constant 0 : index
    tpu.barrier barrier_id(%barrier3A)
    %mul3A_14 = arith.constant 819200 : i32
    %mul3A_15 = arith.muli %arg0, %mul3A_14 : i32
    %mul3A_16 = arith.constant 51200 : i32
    %mul3A_17 = arith.muli %arg1, %mul3A_16 : i32
    %add3A_18 = arith.addi %mul3A_15, %mul3A_17 : i32
    %jit3A = arith.constant 128 : i32
    %div3A = arith.divsi %add3A_18, %jit3A : i32
    %sign3A = arith.constant 0 : i32
    %sign3A_19 = arith.cmpi sgt, %add3A_18, %sign3A : i32
    %sign3A_20 = arith.extui %sign3A_19 : i1 to i32
    %sign3A_21 = arith.constant 0 : i32
    %sign3A_22 = arith.cmpi slt, %add3A_18, %sign3A_21 : i32
    %sign3A_23 = arith.extui %sign3A_22 : i1 to i32
    %sign3A_24 = arith.subi %sign3A_20, %sign3A_23 : i32
    %sign3A_25 = arith.constant 0 : i32
    %sign3A_26 = arith.cmpi sgt, %jit3A, %sign3A_25 : i32
    %sign3A_27 = arith.extui %sign3A_26 : i1 to i32
    %sign3A_28 = arith.constant 0 : i32
    %sign3A_29 = arith.cmpi slt, %jit3A, %sign3A_28 : i32
    %sign3A_30 = arith.extui %sign3A_29 : i1 to i32
    %sign3A_31 = arith.subi %sign3A_27, %sign3A_30 : i32
    %ne3A = arith.cmpi ne, %sign3A_24, %sign3A_31 : i32
    %rem3A = arith.remsi %add3A_18, %jit3A : i32
    %ne3A_32 = arith.constant 0 : i32
    %ne3A_33 = arith.cmpi ne, %rem3A, %ne3A_32 : i32
    %and3A = arith.andi %ne3A, %ne3A_33 : i1
    %sub3A = arith.constant 1 : i32
    %sub3A_34 = arith.subi %div3A, %sub3A : i32
    %select_n3A = arith.select %and3A, %sub3A_34, %div3A : i32
    %mul3A_35 = arith.constant 51200 : i32
    %mul3A_36 = arith.muli %arg1, %mul3A_35 : i32
    %jit3A_37 = arith.constant 128 : i32
    %div3A_38 = arith.divsi %mul3A_36, %jit3A_37 : i32
    %sign3A_39 = arith.constant 0 : i32
    %sign3A_40 = arith.cmpi sgt, %mul3A_36, %sign3A_39 : i32
    %sign3A_41 = arith.extui %sign3A_40 : i1 to i32
    %sign3A_42 = arith.constant 0 : i32
    %sign3A_43 = arith.cmpi slt, %mul3A_36, %sign3A_42 : i32
    %sign3A_44 = arith.extui %sign3A_43 : i1 to i32
    %sign3A_45 = arith.subi %sign3A_41, %sign3A_44 : i32
    %sign3A_46 = arith.constant 0 : i32
    %sign3A_47 = arith.cmpi sgt, %jit3A_37, %sign3A_46 : i32
    %sign3A_48 = arith.extui %sign3A_47 : i1 to i32
    %sign3A_49 = arith.constant 0 : i32
    %sign3A_50 = arith.cmpi slt, %jit3A_37, %sign3A_49 : i32
    %sign3A_51 = arith.extui %sign3A_50 : i1 to i32
    %sign3A_52 = arith.subi %sign3A_48, %sign3A_51 : i32
    %ne3A_53 = arith.cmpi ne, %sign3A_45, %sign3A_52 : i32
    %rem3A_54 = arith.remsi %mul3A_36, %jit3A_37 : i32
    %ne3A_55 = arith.constant 0 : i32
    %ne3A_56 = arith.cmpi ne, %rem3A_54, %ne3A_55 : i32
    %and3A_57 = arith.andi %ne3A_53, %ne3A_56 : i1
    %sub3A_58 = arith.constant 1 : i32
    %sub3A_59 = arith.subi %div3A_38, %sub3A_58 : i32
    %select_n3A_60 = arith.select %and3A_57, %sub3A_59, %div3A_38 : i32
    %add3A_61 = arith.constant 0 : i32
    %add3A_62 = arith.addi %select_n3A, %add3A_61 : i32
    %dma_start3A = arith.constant 0 : i32
    %dma_start3A_63 = arith.constant 0 : i32
    %dma_start3A_64 = arith.constant 0 : i32
    %dma_start3A_65 = tpu.memref_slice %arg7[%dma_start3A, %dma_start3A_63, %dma_start3A_64] : memref<2x2x128xi32, #tpu.memory_space<vmem>> -> memref<1x2x128xi32, #tpu.memory_space<vmem>>
    %dma_start3A_66 = tpu.memref_squeeze %dma_start3A_65 : memref<1x2x128xi32, #tpu.memory_space<vmem>> -> memref<2x128xi32, #tpu.memory_space<vmem>>
    %dma_start3A_67 = arith.constant 0 : i32
    %dma_start3A_68 = tpu.memref_slice %arg3[%add3A_62, %dma_start3A_67] : memref<12804x128xi32, #tpu.memory_space<hbm>> -> memref<2x128xi32, #tpu.memory_space<hbm>>
    %dma_start3A_69 = arith.constant 0 : i32
    %dma_start3A_70 = arith.constant 0 : i32
    %dma_start3A_71 = tpu.memref_slice %arg7[%dma_start3A, %dma_start3A_69, %dma_start3A_70] : memref<2x2x128xi32, #tpu.memory_space<vmem>> -> memref<1x2x128xi32, #tpu.memory_space<vmem>>
    %dma_start3A_72 = tpu.memref_squeeze %dma_start3A_71 : memref<1x2x128xi32, #tpu.memory_space<vmem>> -> memref<2x128xi32, #tpu.memory_space<vmem>>
    %dma_start3A_73 = arith.constant 0 : i32
    %dma_start3A_74 = tpu.memref_slice %arg3[%add3A_62, %dma_start3A_73] : memref<12804x128xi32, #tpu.memory_space<hbm>> -> memref<2x128xi32, #tpu.memory_space<hbm>>
    tpu.enqueue_dma source(%dma_start3A_74 : memref<2x128xi32, #tpu.memory_space<hbm>>) target(%dma_start3A_72 : memref<2x128xi32, #tpu.memory_space<vmem>>) target_semaphore(%arg11 : memref<!tpu.dma_semaphore, #tpu.memory_space<semaphore_mem>>)
    %add3A_75 = arith.constant 0 : i32
    %add3A_76 = arith.addi %select_n3A_60, %add3A_75 : i32
    %dma_start3A_77 = arith.constant 0 : i32
    %dma_start3A_78 = arith.constant 0 : i32
    %dma_start3A_79 = arith.constant 0 : i32
    %dma_start3A_80 = tpu.memref_slice %arg8[%dma_start3A_77, %dma_start3A_78, %dma_start3A_79] : memref<2x2x128xi32, #tpu.memory_space<vmem>> -> memref<1x2x128xi32, #tpu.memory_space<vmem>>
    %dma_start3A_81 = tpu.memref_squeeze %dma_start3A_80 : memref<1x2x128xi32, #tpu.memory_space<vmem>> -> memref<2x128xi32, #tpu.memory_space<vmem>>
    %dma_start3A_82 = arith.constant 0 : i32
    %dma_start3A_83 = tpu.memref_slice %arg4[%add3A_76, %dma_start3A_82] : memref<6404x128xi32, #tpu.memory_space<hbm>> -> memref<2x128xi32, #tpu.memory_space<hbm>>
    %dma_start3A_84 = arith.constant 0 : i32
    %dma_start3A_85 = arith.constant 0 : i32
    %dma_start3A_86 = tpu.memref_slice %arg8[%dma_start3A_77, %dma_start3A_84, %dma_start3A_85] : memref<2x2x128xi32, #tpu.memory_space<vmem>> -> memref<1x2x128xi32, #tpu.memory_space<vmem>>
    %dma_start3A_87 = tpu.memref_squeeze %dma_start3A_86 : memref<1x2x128xi32, #tpu.memory_space<vmem>> -> memref<2x128xi32, #tpu.memory_space<vmem>>
    %dma_start3A_88 = arith.constant 0 : i32
    %dma_start3A_89 = tpu.memref_slice %arg4[%add3A_76, %dma_start3A_88] : memref<6404x128xi32, #tpu.memory_space<hbm>> -> memref<2x128xi32, #tpu.memory_space<hbm>>
    tpu.enqueue_dma source(%dma_start3A_89 : memref<2x128xi32, #tpu.memory_space<hbm>>) target(%dma_start3A_87 : memref<2x128xi32, #tpu.memory_space<vmem>>) target_semaphore(%arg13 : memref<!tpu.dma_semaphore, #tpu.memory_space<semaphore_mem>>)
    %add3A_90 = arith.constant 2 : i32
    %add3A_91 = arith.addi %select_n3A, %add3A_90 : i32
    %dma_start3A_92 = arith.constant 1 : i32
    %dma_start3A_93 = arith.constant 0 : i32
    %dma_start3A_94 = arith.constant 0 : i32
    %dma_start3A_95 = tpu.memref_slice %arg7[%dma_start3A_92, %dma_start3A_93, %dma_start3A_94] : memref<2x2x128xi32, #tpu.memory_space<vmem>> -> memref<1x2x128xi32, #tpu.memory_space<vmem>>
    %dma_start3A_96 = tpu.memref_squeeze %dma_start3A_95 : memref<1x2x128xi32, #tpu.memory_space<vmem>> -> memref<2x128xi32, #tpu.memory_space<vmem>>
    %dma_start3A_97 = arith.constant 0 : i32
    %dma_start3A_98 = tpu.memref_slice %arg3[%add3A_91, %dma_start3A_97] : memref<12804x128xi32, #tpu.memory_space<hbm>> -> memref<2x128xi32, #tpu.memory_space<hbm>>
    %dma_start3A_99 = arith.constant 0 : i32
    %dma_start3A_100 = arith.constant 0 : i32
    %dma_start3A_101 = tpu.memref_slice %arg7[%dma_start3A_92, %dma_start3A_99, %dma_start3A_100] : memref<2x2x128xi32, #tpu.memory_space<vmem>> -> memref<1x2x128xi32, #tpu.memory_space<vmem>>
    %dma_start3A_102 = tpu.memref_squeeze %dma_start3A_101 : memref<1x2x128xi32, #tpu.memory_space<vmem>> -> memref<2x128xi32, #tpu.memory_space<vmem>>
    %dma_start3A_103 = arith.constant 0 : i32
    %dma_start3A_104 = tpu.memref_slice %arg3[%add3A_91, %dma_start3A_103] : memref<12804x128xi32, #tpu.memory_space<hbm>> -> memref<2x128xi32, #tpu.memory_space<hbm>>
    tpu.enqueue_dma source(%dma_start3A_104 : memref<2x128xi32, #tpu.memory_space<hbm>>) target(%dma_start3A_102 : memref<2x128xi32, #tpu.memory_space<vmem>>) target_semaphore(%arg12 : memref<!tpu.dma_semaphore, #tpu.memory_space<semaphore_mem>>)
    %add3A_105 = arith.constant 2 : i32
    %add3A_106 = arith.addi %select_n3A_60, %add3A_105 : i32
    %dma_start3A_107 = arith.constant 1 : i32
    %dma_start3A_108 = arith.constant 0 : i32
    %dma_start3A_109 = arith.constant 0 : i32
    %dma_start3A_110 = tpu.memref_slice %arg8[%dma_start3A_107, %dma_start3A_108, %dma_start3A_109] : memref<2x2x128xi32, #tpu.memory_space<vmem>> -> memref<1x2x128xi32, #tpu.memory_space<vmem>>
    %dma_start3A_111 = tpu.memref_squeeze %dma_start3A_110 : memref<1x2x128xi32, #tpu.memory_space<vmem>> -> memref<2x128xi32, #tpu.memory_space<vmem>>
    %dma_start3A_112 = arith.constant 0 : i32
    %dma_start3A_113 = tpu.memref_slice %arg4[%add3A_106, %dma_start3A_112] : memref<6404x128xi32, #tpu.memory_space<hbm>> -> memref<2x128xi32, #tpu.memory_space<hbm>>
    %dma_start3A_114 = arith.constant 0 : i32
    %dma_start3A_115 = arith.constant 0 : i32
    %dma_start3A_116 = tpu.memref_slice %arg8[%dma_start3A_107, %dma_start3A_114, %dma_start3A_115] : memref<2x2x128xi32, #tpu.memory_space<vmem>> -> memref<1x2x128xi32, #tpu.memory_space<vmem>>
    %dma_start3A_117 = tpu.memref_squeeze %dma_start3A_116 : memref<1x2x128xi32, #tpu.memory_space<vmem>> -> memref<2x128xi32, #tpu.memory_space<vmem>>
    %dma_start3A_118 = arith.constant 0 : i32
    %dma_start3A_119 = tpu.memref_slice %arg4[%add3A_106, %dma_start3A_118] : memref<6404x128xi32, #tpu.memory_space<hbm>> -> memref<2x128xi32, #tpu.memory_space<hbm>>
    tpu.enqueue_dma source(%dma_start3A_119 : memref<2x128xi32, #tpu.memory_space<hbm>>) target(%dma_start3A_117 : memref<2x128xi32, #tpu.memory_space<vmem>>) target_semaphore(%arg14 : memref<!tpu.dma_semaphore, #tpu.memory_space<semaphore_mem>>)
    %dma_wait3A = arith.constant 0 : i32
    %dma_wait3A_120 = arith.constant 0 : i32
    %dma_wait3A_121 = arith.constant 0 : i32
    %dma_wait3A_122 = tpu.memref_slice %arg7[%dma_wait3A, %dma_wait3A_120, %dma_wait3A_121] : memref<2x2x128xi32, #tpu.memory_space<vmem>> -> memref<1x2x128xi32, #tpu.memory_space<vmem>>
    %dma_wait3A_123 = tpu.memref_squeeze %dma_wait3A_122 : memref<1x2x128xi32, #tpu.memory_space<vmem>> -> memref<2x128xi32, #tpu.memory_space<vmem>>
    %dma_wait3A_124 = arith.constant 0 : i32
    %dma_wait3A_125 = tpu.memref_slice %arg3[%select_n3A, %dma_wait3A_124] : memref<12804x128xi32, #tpu.memory_space<hbm>> -> memref<2x128xi32, #tpu.memory_space<hbm>>
    %dma_wait3A_126 = arith.constant 0 : i32
    %dma_wait3A_127 = arith.constant 0 : i32
    %dma_wait3A_128 = tpu.memref_slice %arg7[%dma_wait3A, %dma_wait3A_126, %dma_wait3A_127] : memref<2x2x128xi32, #tpu.memory_space<vmem>> -> memref<1x2x128xi32, #tpu.memory_space<vmem>>
    %dma_wait3A_129 = tpu.memref_squeeze %dma_wait3A_128 : memref<1x2x128xi32, #tpu.memory_space<vmem>> -> memref<2x128xi32, #tpu.memory_space<vmem>>
    %dma_wait3A_130 = arith.constant 0 : i32
    %dma_wait3A_131 = tpu.memref_slice %arg3[%select_n3A, %dma_wait3A_130] : memref<12804x128xi32, #tpu.memory_space<hbm>> -> memref<2x128xi32, #tpu.memory_space<hbm>>
    tpu.wait_dma2 semaphore(%arg11 : memref<!tpu.dma_semaphore, #tpu.memory_space<semaphore_mem>>) src(%dma_wait3A_131 : memref<2x128xi32, #tpu.memory_space<hbm>>) dst(%dma_wait3A_129 : memref<2x128xi32, #tpu.memory_space<vmem>>)
    %dma_start3A_132 = arith.constant 0 : i32
    %dma_start3A_133 = arith.constant 0 : i32
    %dma_start3A_134 = arith.constant 0 : i32
    %dma_start3A_135 = arith.constant 0 : i32
    %dma_start3A_136 = arith.constant 0 : i32
    %dma_start3A_137 = arith.constant 0 : i32
    %dma_start3A_138 = tpu.memref_slice %arg9[%dma_start3A_134, %dma_start3A_135, %dma_start3A_136, %dma_start3A_137] : memref<2x2x128x32xf32, #tpu.memory_space<vmem>> -> memref<1x1x128x32xf32, #tpu.memory_space<vmem>>
    %dma_start3A_139 = tpu.memref_squeeze %dma_start3A_138 : memref<1x1x128x32xf32, #tpu.memory_space<vmem>> -> memref<128x32xf32, #tpu.memory_space<vmem>>
    %dma_start3A_140 = arith.constant 0 : i32
    %dma_start3A_141 = tpu.memref_slice %arg7[%dma_start3A_132, %dma_start3A_133, %dma_start3A_140] : memref<2x2x128xi32, #tpu.memory_space<vmem>> -> memref<1x1x128xi32, #tpu.memory_space<vmem>>
    %dma_start3A_142 = tpu.memref_squeeze %dma_start3A_141 : memref<1x1x128xi32, #tpu.memory_space<vmem>> -> memref<128xi32, #tpu.memory_space<vmem>>
    %dma_start3A_143 = arith.constant 0 : i32
    %dma_start3A_144 = arith.constant 0 : i32
    %dma_start3A_145 = tpu.memref_slice %arg2[%dma_start3A_143, %dma_start3A_144] : memref<200704x32xf32, #tpu.memory_space<hbm>> -> memref<200704x32xf32, #tpu.memory_space<hbm>>
    tpu.enqueue_indirect_dma source(%dma_start3A_145 : memref<200704x32xf32, #tpu.memory_space<hbm>>) target(%dma_start3A_139 : memref<128x32xf32, #tpu.memory_space<vmem>>) offsets(%dma_start3A_142 : memref<128xi32, #tpu.memory_space<vmem>>) semaphore(%arg15 : memref<!tpu.dma_semaphore, #tpu.memory_space<semaphore_mem>>)
    %dma_start3A_146 = arith.constant 0 : i32
    %dma_start3A_147 = arith.constant 1 : i32
    %dma_start3A_148 = arith.constant 0 : i32
    %dma_start3A_149 = arith.constant 1 : i32
    %dma_start3A_150 = arith.constant 0 : i32
    %dma_start3A_151 = arith.constant 0 : i32
    %dma_start3A_152 = tpu.memref_slice %arg9[%dma_start3A_148, %dma_start3A_149, %dma_start3A_150, %dma_start3A_151] : memref<2x2x128x32xf32, #tpu.memory_space<vmem>> -> memref<1x1x128x32xf32, #tpu.memory_space<vmem>>
    %dma_start3A_153 = tpu.memref_squeeze %dma_start3A_152 : memref<1x1x128x32xf32, #tpu.memory_space<vmem>> -> memref<128x32xf32, #tpu.memory_space<vmem>>
    %dma_start3A_154 = arith.constant 0 : i32
    %dma_start3A_155 = tpu.memref_slice %arg7[%dma_start3A_146, %dma_start3A_147, %dma_start3A_154] : memref<2x2x128xi32, #tpu.memory_space<vmem>> -> memref<1x1x128xi32, #tpu.memory_space<vmem>>
    %dma_start3A_156 = tpu.memref_squeeze %dma_start3A_155 : memref<1x1x128xi32, #tpu.memory_space<vmem>> -> memref<128xi32, #tpu.memory_space<vmem>>
    %dma_start3A_157 = arith.constant 0 : i32
    %dma_start3A_158 = arith.constant 0 : i32
    %dma_start3A_159 = tpu.memref_slice %arg2[%dma_start3A_157, %dma_start3A_158] : memref<200704x32xf32, #tpu.memory_space<hbm>> -> memref<200704x32xf32, #tpu.memory_space<hbm>>
    tpu.enqueue_indirect_dma source(%dma_start3A_159 : memref<200704x32xf32, #tpu.memory_space<hbm>>) target(%dma_start3A_153 : memref<128x32xf32, #tpu.memory_space<vmem>>) offsets(%dma_start3A_156 : memref<128xi32, #tpu.memory_space<vmem>>) semaphore(%arg15 : memref<!tpu.dma_semaphore, #tpu.memory_space<semaphore_mem>>)
    %scan3A = arith.constant 0 : i32
    %scan3A_160 = arith.constant 0 : i32
    %scan3A_161 = arith.constant 100 : i32
    %scan3A_162 = arith.addi %scan3A_160, %scan3A_161 : i32
    %scan3A_163 = arith.constant 1 : i32
    scf.for %scan3A_301 = %scan3A_160 to %scan3A_162 step %scan3A_163  : i32 {
      %mul3A_302 = arith.constant 2 : i32
      %mul3A_303 = arith.muli %mul3A_302, %scan3A_301 : i32
      %add3A_304 = arith.constant 0 : i32
      %add3A_305 = arith.addi %mul3A_303, %add3A_304 : i32
      %gt3A = arith.constant 0 : i32
      %gt3A_306 = arith.cmpi sgt, %scan3A_301, %gt3A : i32
      %convert_element_type3A = arith.extui %gt3A_306 : i1 to i32
      %cond3A = arith.constant 0 : i32
      %cond3A_307 = arith.cmpi ne, %convert_element_type3A, %cond3A : i32
      scf.if %cond3A_307 {
        %dma_wait3A_628 = arith.constant 1 : i32
        %dma_wait3A_629 = arith.constant 0 : i32
        %dma_wait3A_630 = arith.constant 1 : i32
        %dma_wait3A_631 = arith.constant 0 : i32
        %dma_wait3A_632 = arith.constant 0 : i32
        %dma_wait3A_633 = arith.constant 0 : i32
        %dma_wait3A_634 = tpu.memref_slice %arg9[%dma_wait3A_628, %dma_wait3A_629, %dma_wait3A_632, %dma_wait3A_633] : memref<2x2x128x32xf32, #tpu.memory_space<vmem>> -> memref<1x1x128x32xf32, #tpu.memory_space<vmem>>
        %dma_wait3A_635 = tpu.memref_squeeze %dma_wait3A_634 : memref<1x1x128x32xf32, #tpu.memory_space<vmem>> -> memref<128x32xf32, #tpu.memory_space<vmem>>
        %dma_wait3A_636 = arith.constant 0 : i32
        %dma_wait3A_637 = tpu.memref_slice %arg8[%dma_wait3A_630, %dma_wait3A_631, %dma_wait3A_636] : memref<2x2x128xi32, #tpu.memory_space<vmem>> -> memref<1x1x128xi32, #tpu.memory_space<vmem>>
        %dma_wait3A_638 = tpu.memref_squeeze %dma_wait3A_637 : memref<1x1x128xi32, #tpu.memory_space<vmem>> -> memref<128xi32, #tpu.memory_space<vmem>>
        %dma_wait3A_639 = arith.constant 0 : i32
        %dma_wait3A_640 = arith.constant 0 : i32
        %dma_wait3A_641 = tpu.memref_slice %arg10[%dma_wait3A_639, %dma_wait3A_640] : memref<50688x32xf32, #tpu.memory_space<vmem_shared>> -> memref<50688x32xf32, #tpu.memory_space<vmem_shared>>
        tpu.wait_indirect_dma semaphore(%arg18 : memref<!tpu.dma_semaphore, #tpu.memory_space<semaphore_mem>>) src(%dma_wait3A_635 : memref<128x32xf32, #tpu.memory_space<vmem>>) dst(%dma_wait3A_641 : memref<50688x32xf32, #tpu.memory_space<vmem_shared>>)
        %dma_wait3A_642 = arith.constant 1 : i32
        %dma_wait3A_643 = arith.constant 1 : i32
        %dma_wait3A_644 = arith.constant 1 : i32
        %dma_wait3A_645 = arith.constant 1 : i32
        %dma_wait3A_646 = arith.constant 0 : i32
        %dma_wait3A_647 = arith.constant 0 : i32
        %dma_wait3A_648 = tpu.memref_slice %arg9[%dma_wait3A_642, %dma_wait3A_643, %dma_wait3A_646, %dma_wait3A_647] : memref<2x2x128x32xf32, #tpu.memory_space<vmem>> -> memref<1x1x128x32xf32, #tpu.memory_space<vmem>>
        %dma_wait3A_649 = tpu.memref_squeeze %dma_wait3A_648 : memref<1x1x128x32xf32, #tpu.memory_space<vmem>> -> memref<128x32xf32, #tpu.memory_space<vmem>>
        %dma_wait3A_650 = arith.constant 0 : i32
        %dma_wait3A_651 = tpu.memref_slice %arg8[%dma_wait3A_644, %dma_wait3A_645, %dma_wait3A_650] : memref<2x2x128xi32, #tpu.memory_space<vmem>> -> memref<1x1x128xi32, #tpu.memory_space<vmem>>
        %dma_wait3A_652 = tpu.memref_squeeze %dma_wait3A_651 : memref<1x1x128xi32, #tpu.memory_space<vmem>> -> memref<128xi32, #tpu.memory_space<vmem>>
        %dma_wait3A_653 = arith.constant 0 : i32
        %dma_wait3A_654 = arith.constant 0 : i32
        %dma_wait3A_655 = tpu.memref_slice %arg10[%dma_wait3A_653, %dma_wait3A_654] : memref<50688x32xf32, #tpu.memory_space<vmem_shared>> -> memref<50688x32xf32, #tpu.memory_space<vmem_shared>>
        tpu.wait_indirect_dma semaphore(%arg18 : memref<!tpu.dma_semaphore, #tpu.memory_space<semaphore_mem>>) src(%dma_wait3A_649 : memref<128x32xf32, #tpu.memory_space<vmem>>) dst(%dma_wait3A_655 : memref<50688x32xf32, #tpu.memory_space<vmem_shared>>)
      } else {
      }
      %dma_wait3A_308 = arith.constant 1 : i32
      %dma_wait3A_309 = arith.constant 0 : i32
      %dma_wait3A_310 = arith.constant 0 : i32
      %dma_wait3A_311 = tpu.memref_slice %arg7[%dma_wait3A_308, %dma_wait3A_309, %dma_wait3A_310] : memref<2x2x128xi32, #tpu.memory_space<vmem>> -> memref<1x2x128xi32, #tpu.memory_space<vmem>>
      %dma_wait3A_312 = tpu.memref_squeeze %dma_wait3A_311 : memref<1x2x128xi32, #tpu.memory_space<vmem>> -> memref<2x128xi32, #tpu.memory_space<vmem>>
      %dma_wait3A_313 = arith.constant 0 : i32
      %dma_wait3A_314 = tpu.memref_slice %arg3[%select_n3A, %dma_wait3A_313] : memref<12804x128xi32, #tpu.memory_space<hbm>> -> memref<2x128xi32, #tpu.memory_space<hbm>>
      %dma_wait3A_315 = arith.constant 0 : i32
      %dma_wait3A_316 = arith.constant 0 : i32
      %dma_wait3A_317 = tpu.memref_slice %arg7[%dma_wait3A_308, %dma_wait3A_315, %dma_wait3A_316] : memref<2x2x128xi32, #tpu.memory_space<vmem>> -> memref<1x2x128xi32, #tpu.memory_space<vmem>>
      %dma_wait3A_318 = tpu.memref_squeeze %dma_wait3A_317 : memref<1x2x128xi32, #tpu.memory_space<vmem>> -> memref<2x128xi32, #tpu.memory_space<vmem>>
      %dma_wait3A_319 = arith.constant 0 : i32
      %dma_wait3A_320 = tpu.memref_slice %arg3[%select_n3A, %dma_wait3A_319] : memref<12804x128xi32, #tpu.memory_space<hbm>> -> memref<2x128xi32, #tpu.memory_space<hbm>>
      tpu.wait_dma2 semaphore(%arg12 : memref<!tpu.dma_semaphore, #tpu.memory_space<semaphore_mem>>) src(%dma_wait3A_320 : memref<2x128xi32, #tpu.memory_space<hbm>>) dst(%dma_wait3A_318 : memref<2x128xi32, #tpu.memory_space<vmem>>)
      %dma_start3A_321 = arith.constant 1 : i32
      %dma_start3A_322 = arith.constant 0 : i32
      %dma_start3A_323 = arith.constant 1 : i32
      %dma_start3A_324 = arith.constant 0 : i32
      %dma_start3A_325 = arith.constant 0 : i32
      %dma_start3A_326 = arith.constant 0 : i32
      %dma_start3A_327 = tpu.memref_slice %arg9[%dma_start3A_323, %dma_start3A_324, %dma_start3A_325, %dma_start3A_326] : memref<2x2x128x32xf32, #tpu.memory_space<vmem>> -> memref<1x1x128x32xf32, #tpu.memory_space<vmem>>
      %dma_start3A_328 = tpu.memref_squeeze %dma_start3A_327 : memref<1x1x128x32xf32, #tpu.memory_space<vmem>> -> memref<128x32xf32, #tpu.memory_space<vmem>>
      %dma_start3A_329 = arith.constant 0 : i32
      %dma_start3A_330 = tpu.memref_slice %arg7[%dma_start3A_321, %dma_start3A_322, %dma_start3A_329] : memref<2x2x128xi32, #tpu.memory_space<vmem>> -> memref<1x1x128xi32, #tpu.memory_space<vmem>>
      %dma_start3A_331 = tpu.memref_squeeze %dma_start3A_330 : memref<1x1x128xi32, #tpu.memory_space<vmem>> -> memref<128xi32, #tpu.memory_space<vmem>>
      %dma_start3A_332 = arith.constant 0 : i32
      %dma_start3A_333 = arith.constant 0 : i32
      %dma_start3A_334 = tpu.memref_slice %arg2[%dma_start3A_332, %dma_start3A_333] : memref<200704x32xf32, #tpu.memory_space<hbm>> -> memref<200704x32xf32, #tpu.memory_space<hbm>>
      tpu.enqueue_indirect_dma source(%dma_start3A_334 : memref<200704x32xf32, #tpu.memory_space<hbm>>) target(%dma_start3A_328 : memref<128x32xf32, #tpu.memory_space<vmem>>) offsets(%dma_start3A_331 : memref<128xi32, #tpu.memory_space<vmem>>) semaphore(%arg16 : memref<!tpu.dma_semaphore, #tpu.memory_space<semaphore_mem>>)
      %dma_start3A_335 = arith.constant 1 : i32
      %dma_start3A_336 = arith.constant 1 : i32
      %dma_start3A_337 = arith.constant 1 : i32
      %dma_start3A_338 = arith.constant 1 : i32
      %dma_start3A_339 = arith.constant 0 : i32
      %dma_start3A_340 = arith.constant 0 : i32
      %dma_start3A_341 = tpu.memref_slice %arg9[%dma_start3A_337, %dma_start3A_338, %dma_start3A_339, %dma_start3A_340] : memref<2x2x128x32xf32, #tpu.memory_space<vmem>> -> memref<1x1x128x32xf32, #tpu.memory_space<vmem>>
      %dma_start3A_342 = tpu.memref_squeeze %dma_start3A_341 : memref<1x1x128x32xf32, #tpu.memory_space<vmem>> -> memref<128x32xf32, #tpu.memory_space<vmem>>
      %dma_start3A_343 = arith.constant 0 : i32
      %dma_start3A_344 = tpu.memref_slice %arg7[%dma_start3A_335, %dma_start3A_336, %dma_start3A_343] : memref<2x2x128xi32, #tpu.memory_space<vmem>> -> memref<1x1x128xi32, #tpu.memory_space<vmem>>
      %dma_start3A_345 = tpu.memref_squeeze %dma_start3A_344 : memref<1x1x128xi32, #tpu.memory_space<vmem>> -> memref<128xi32, #tpu.memory_space<vmem>>
      %dma_start3A_346 = arith.constant 0 : i32
      %dma_start3A_347 = arith.constant 0 : i32
      %dma_start3A_348 = tpu.memref_slice %arg2[%dma_start3A_346, %dma_start3A_347] : memref<200704x32xf32, #tpu.memory_space<hbm>> -> memref<200704x32xf32, #tpu.memory_space<hbm>>
      tpu.enqueue_indirect_dma source(%dma_start3A_348 : memref<200704x32xf32, #tpu.memory_space<hbm>>) target(%dma_start3A_342 : memref<128x32xf32, #tpu.memory_space<vmem>>) offsets(%dma_start3A_345 : memref<128xi32, #tpu.memory_space<vmem>>) semaphore(%arg16 : memref<!tpu.dma_semaphore, #tpu.memory_space<semaphore_mem>>)
      %dma_wait3A_349 = arith.constant 0 : i32
      %dma_wait3A_350 = arith.constant 0 : i32
      %dma_wait3A_351 = arith.constant 0 : i32
      %dma_wait3A_352 = arith.constant 0 : i32
      %dma_wait3A_353 = arith.constant 0 : i32
      %dma_wait3A_354 = arith.constant 0 : i32
      %dma_wait3A_355 = tpu.memref_slice %arg9[%dma_wait3A_351, %dma_wait3A_352, %dma_wait3A_353, %dma_wait3A_354] : memref<2x2x128x32xf32, #tpu.memory_space<vmem>> -> memref<1x1x128x32xf32, #tpu.memory_space<vmem>>
      %dma_wait3A_356 = tpu.memref_squeeze %dma_wait3A_355 : memref<1x1x128x32xf32, #tpu.memory_space<vmem>> -> memref<128x32xf32, #tpu.memory_space<vmem>>
      %dma_wait3A_357 = arith.constant 0 : i32
      %dma_wait3A_358 = tpu.memref_slice %arg7[%dma_wait3A_349, %dma_wait3A_350, %dma_wait3A_357] : memref<2x2x128xi32, #tpu.memory_space<vmem>> -> memref<1x1x128xi32, #tpu.memory_space<vmem>>
      %dma_wait3A_359 = tpu.memref_squeeze %dma_wait3A_358 : memref<1x1x128xi32, #tpu.memory_space<vmem>> -> memref<128xi32, #tpu.memory_space<vmem>>
      %dma_wait3A_360 = arith.constant 0 : i32
      %dma_wait3A_361 = arith.constant 0 : i32
      %dma_wait3A_362 = tpu.memref_slice %arg2[%dma_wait3A_360, %dma_wait3A_361] : memref<200704x32xf32, #tpu.memory_space<hbm>> -> memref<200704x32xf32, #tpu.memory_space<hbm>>
      tpu.wait_indirect_dma semaphore(%arg15 : memref<!tpu.dma_semaphore, #tpu.memory_space<semaphore_mem>>) src(%dma_wait3A_362 : memref<200704x32xf32, #tpu.memory_space<hbm>>) dst(%dma_wait3A_356 : memref<128x32xf32, #tpu.memory_space<vmem>>)
      %dma_wait3A_363 = arith.constant 0 : i32
      %dma_wait3A_364 = arith.constant 1 : i32
      %dma_wait3A_365 = arith.constant 0 : i32
      %dma_wait3A_366 = arith.constant 1 : i32
      %dma_wait3A_367 = arith.constant 0 : i32
      %dma_wait3A_368 = arith.constant 0 : i32
      %dma_wait3A_369 = tpu.memref_slice %arg9[%dma_wait3A_365, %dma_wait3A_366, %dma_wait3A_367, %dma_wait3A_368] : memref<2x2x128x32xf32, #tpu.memory_space<vmem>> -> memref<1x1x128x32xf32, #tpu.memory_space<vmem>>
      %dma_wait3A_370 = tpu.memref_squeeze %dma_wait3A_369 : memref<1x1x128x32xf32, #tpu.memory_space<vmem>> -> memref<128x32xf32, #tpu.memory_space<vmem>>
      %dma_wait3A_371 = arith.constant 0 : i32
      %dma_wait3A_372 = tpu.memref_slice %arg7[%dma_wait3A_363, %dma_wait3A_364, %dma_wait3A_371] : memref<2x2x128xi32, #tpu.memory_space<vmem>> -> memref<1x1x128xi32, #tpu.memory_space<vmem>>
      %dma_wait3A_373 = tpu.memref_squeeze %dma_wait3A_372 : memref<1x1x128xi32, #tpu.memory_space<vmem>> -> memref<128xi32, #tpu.memory_space<vmem>>
      %dma_wait3A_374 = arith.constant 0 : i32
      %dma_wait3A_375 = arith.constant 0 : i32
      %dma_wait3A_376 = tpu.memref_slice %arg2[%dma_wait3A_374, %dma_wait3A_375] : memref<200704x32xf32, #tpu.memory_space<hbm>> -> memref<200704x32xf32, #tpu.memory_space<hbm>>
      tpu.wait_indirect_dma semaphore(%arg15 : memref<!tpu.dma_semaphore, #tpu.memory_space<semaphore_mem>>) src(%dma_wait3A_376 : memref<200704x32xf32, #tpu.memory_space<hbm>>) dst(%dma_wait3A_370 : memref<128x32xf32, #tpu.memory_space<vmem>>)
      %dma_wait3A_377 = arith.constant 0 : i32
      %dma_wait3A_378 = arith.constant 0 : i32
      %dma_wait3A_379 = arith.constant 0 : i32
      %dma_wait3A_380 = tpu.memref_slice %arg8[%dma_wait3A_377, %dma_wait3A_378, %dma_wait3A_379] : memref<2x2x128xi32, #tpu.memory_space<vmem>> -> memref<1x2x128xi32, #tpu.memory_space<vmem>>
      %dma_wait3A_381 = tpu.memref_squeeze %dma_wait3A_380 : memref<1x2x128xi32, #tpu.memory_space<vmem>> -> memref<2x128xi32, #tpu.memory_space<vmem>>
      %dma_wait3A_382 = arith.constant 0 : i32
      %dma_wait3A_383 = tpu.memref_slice %arg4[%select_n3A_60, %dma_wait3A_382] : memref<6404x128xi32, #tpu.memory_space<hbm>> -> memref<2x128xi32, #tpu.memory_space<hbm>>
      %dma_wait3A_384 = arith.constant 0 : i32
      %dma_wait3A_385 = arith.constant 0 : i32
      %dma_wait3A_386 = tpu.memref_slice %arg8[%dma_wait3A_377, %dma_wait3A_384, %dma_wait3A_385] : memref<2x2x128xi32, #tpu.memory_space<vmem>> -> memref<1x2x128xi32, #tpu.memory_space<vmem>>
      %dma_wait3A_387 = tpu.memref_squeeze %dma_wait3A_386 : memref<1x2x128xi32, #tpu.memory_space<vmem>> -> memref<2x128xi32, #tpu.memory_space<vmem>>
      %dma_wait3A_388 = arith.constant 0 : i32
      %dma_wait3A_389 = tpu.memref_slice %arg4[%select_n3A_60, %dma_wait3A_388] : memref<6404x128xi32, #tpu.memory_space<hbm>> -> memref<2x128xi32, #tpu.memory_space<hbm>>
      tpu.wait_dma2 semaphore(%arg13 : memref<!tpu.dma_semaphore, #tpu.memory_space<semaphore_mem>>) src(%dma_wait3A_389 : memref<2x128xi32, #tpu.memory_space<hbm>>) dst(%dma_wait3A_387 : memref<2x128xi32, #tpu.memory_space<vmem>>)
      %dma_start3A_390 = arith.constant 0 : i32
      %dma_start3A_391 = arith.constant 0 : i32
      %dma_start3A_392 = arith.constant 0 : i32
      %dma_start3A_393 = arith.constant 0 : i32
      %dma_start3A_394 = arith.constant 0 : i32
      %dma_start3A_395 = arith.constant 0 : i32
      %dma_start3A_396 = tpu.memref_slice %arg9[%dma_start3A_390, %dma_start3A_391, %dma_start3A_394, %dma_start3A_395] : memref<2x2x128x32xf32, #tpu.memory_space<vmem>> -> memref<1x1x128x32xf32, #tpu.memory_space<vmem>>
      %dma_start3A_397 = tpu.memref_squeeze %dma_start3A_396 : memref<1x1x128x32xf32, #tpu.memory_space<vmem>> -> memref<128x32xf32, #tpu.memory_space<vmem>>
      %dma_start3A_398 = arith.constant 0 : i32
      %dma_start3A_399 = tpu.memref_slice %arg8[%dma_start3A_392, %dma_start3A_393, %dma_start3A_398] : memref<2x2x128xi32, #tpu.memory_space<vmem>> -> memref<1x1x128xi32, #tpu.memory_space<vmem>>
      %dma_start3A_400 = tpu.memref_squeeze %dma_start3A_399 : memref<1x1x128xi32, #tpu.memory_space<vmem>> -> memref<128xi32, #tpu.memory_space<vmem>>
      %dma_start3A_401 = arith.constant 0 : i32
      %dma_start3A_402 = arith.constant 0 : i32
      %dma_start3A_403 = tpu.memref_slice %arg10[%dma_start3A_401, %dma_start3A_402] : memref<50688x32xf32, #tpu.memory_space<vmem_shared>> -> memref<50688x32xf32, #tpu.memory_space<vmem_shared>>
      tpu.enqueue_indirect_dma source(%dma_start3A_397 : memref<128x32xf32, #tpu.memory_space<vmem>>) target(%dma_start3A_403 : memref<50688x32xf32, #tpu.memory_space<vmem_shared>>) offsets(%dma_start3A_400 : memref<128xi32, #tpu.memory_space<vmem>>) semaphore(%arg17 : memref<!tpu.dma_semaphore, #tpu.memory_space<semaphore_mem>>) {add = true}
      %dma_start3A_404 = arith.constant 0 : i32
      %dma_start3A_405 = arith.constant 1 : i32
      %dma_start3A_406 = arith.constant 0 : i32
      %dma_start3A_407 = arith.constant 1 : i32
      %dma_start3A_408 = arith.constant 0 : i32
      %dma_start3A_409 = arith.constant 0 : i32
      %dma_start3A_410 = tpu.memref_slice %arg9[%dma_start3A_404, %dma_start3A_405, %dma_start3A_408, %dma_start3A_409] : memref<2x2x128x32xf32, #tpu.memory_space<vmem>> -> memref<1x1x128x32xf32, #tpu.memory_space<vmem>>
      %dma_start3A_411 = tpu.memref_squeeze %dma_start3A_410 : memref<1x1x128x32xf32, #tpu.memory_space<vmem>> -> memref<128x32xf32, #tpu.memory_space<vmem>>
      %dma_start3A_412 = arith.constant 0 : i32
      %dma_start3A_413 = tpu.memref_slice %arg8[%dma_start3A_406, %dma_start3A_407, %dma_start3A_412] : memref<2x2x128xi32, #tpu.memory_space<vmem>> -> memref<1x1x128xi32, #tpu.memory_space<vmem>>
      %dma_start3A_414 = tpu.memref_squeeze %dma_start3A_413 : memref<1x1x128xi32, #tpu.memory_space<vmem>> -> memref<128xi32, #tpu.memory_space<vmem>>
      %dma_start3A_415 = arith.constant 0 : i32
      %dma_start3A_416 = arith.constant 0 : i32
      %dma_start3A_417 = tpu.memref_slice %arg10[%dma_start3A_415, %dma_start3A_416] : memref<50688x32xf32, #tpu.memory_space<vmem_shared>> -> memref<50688x32xf32, #tpu.memory_space<vmem_shared>>
      tpu.enqueue_indirect_dma source(%dma_start3A_411 : memref<128x32xf32, #tpu.memory_space<vmem>>) target(%dma_start3A_417 : memref<50688x32xf32, #tpu.memory_space<vmem_shared>>) offsets(%dma_start3A_414 : memref<128xi32, #tpu.memory_space<vmem>>) semaphore(%arg17 : memref<!tpu.dma_semaphore, #tpu.memory_space<semaphore_mem>>) {add = true}
      %add3A_418 = arith.constant 2 : i32
      %add3A_419 = arith.addi %add3A_305, %add3A_418 : i32
      %mul3A_420 = arith.constant 2 : i32
      %mul3A_421 = arith.muli %add3A_419, %mul3A_420 : i32
      %add3A_422 = arith.addi %select_n3A, %mul3A_421 : i32
      %dma_start3A_423 = arith.constant 0 : i32
      %dma_start3A_424 = arith.constant 0 : i32
      %dma_start3A_425 = arith.constant 0 : i32
      %dma_start3A_426 = tpu.memref_slice %arg7[%dma_start3A_423, %dma_start3A_424, %dma_start3A_425] : memref<2x2x128xi32, #tpu.memory_space<vmem>> -> memref<1x2x128xi32, #tpu.memory_space<vmem>>
      %dma_start3A_427 = tpu.memref_squeeze %dma_start3A_426 : memref<1x2x128xi32, #tpu.memory_space<vmem>> -> memref<2x128xi32, #tpu.memory_space<vmem>>
      %dma_start3A_428 = arith.constant 0 : i32
      %dma_start3A_429 = tpu.memref_slice %arg3[%add3A_422, %dma_start3A_428] : memref<12804x128xi32, #tpu.memory_space<hbm>> -> memref<2x128xi32, #tpu.memory_space<hbm>>
      %dma_start3A_430 = arith.constant 0 : i32
      %dma_start3A_431 = arith.constant 0 : i32
      %dma_start3A_432 = tpu.memref_slice %arg7[%dma_start3A_423, %dma_start3A_430, %dma_start3A_431] : memref<2x2x128xi32, #tpu.memory_space<vmem>> -> memref<1x2x128xi32, #tpu.memory_space<vmem>>
      %dma_start3A_433 = tpu.memref_squeeze %dma_start3A_432 : memref<1x2x128xi32, #tpu.memory_space<vmem>> -> memref<2x128xi32, #tpu.memory_space<vmem>>
      %dma_start3A_434 = arith.constant 0 : i32
      %dma_start3A_435 = tpu.memref_slice %arg3[%add3A_422, %dma_start3A_434] : memref<12804x128xi32, #tpu.memory_space<hbm>> -> memref<2x128xi32, #tpu.memory_space<hbm>>
      tpu.enqueue_dma source(%dma_start3A_435 : memref<2x128xi32, #tpu.memory_space<hbm>>) target(%dma_start3A_433 : memref<2x128xi32, #tpu.memory_space<vmem>>) target_semaphore(%arg11 : memref<!tpu.dma_semaphore, #tpu.memory_space<semaphore_mem>>)
      %mul3A_436 = arith.constant 2 : i32
      %mul3A_437 = arith.muli %add3A_419, %mul3A_436 : i32
      %add3A_438 = arith.addi %select_n3A_60, %mul3A_437 : i32
      %dma_start3A_439 = arith.constant 0 : i32
      %dma_start3A_440 = arith.constant 0 : i32
      %dma_start3A_441 = arith.constant 0 : i32
      %dma_start3A_442 = tpu.memref_slice %arg8[%dma_start3A_439, %dma_start3A_440, %dma_start3A_441] : memref<2x2x128xi32, #tpu.memory_space<vmem>> -> memref<1x2x128xi32, #tpu.memory_space<vmem>>
      %dma_start3A_443 = tpu.memref_squeeze %dma_start3A_442 : memref<1x2x128xi32, #tpu.memory_space<vmem>> -> memref<2x128xi32, #tpu.memory_space<vmem>>
      %dma_start3A_444 = arith.constant 0 : i32
      %dma_start3A_445 = tpu.memref_slice %arg4[%add3A_438, %dma_start3A_444] : memref<6404x128xi32, #tpu.memory_space<hbm>> -> memref<2x128xi32, #tpu.memory_space<hbm>>
      %dma_start3A_446 = arith.constant 0 : i32
      %dma_start3A_447 = arith.constant 0 : i32
      %dma_start3A_448 = tpu.memref_slice %arg8[%dma_start3A_439, %dma_start3A_446, %dma_start3A_447] : memref<2x2x128xi32, #tpu.memory_space<vmem>> -> memref<1x2x128xi32, #tpu.memory_space<vmem>>
      %dma_start3A_449 = tpu.memref_squeeze %dma_start3A_448 : memref<1x2x128xi32, #tpu.memory_space<vmem>> -> memref<2x128xi32, #tpu.memory_space<vmem>>
      %dma_start3A_450 = arith.constant 0 : i32
      %dma_start3A_451 = tpu.memref_slice %arg4[%add3A_438, %dma_start3A_450] : memref<6404x128xi32, #tpu.memory_space<hbm>> -> memref<2x128xi32, #tpu.memory_space<hbm>>
      tpu.enqueue_dma source(%dma_start3A_451 : memref<2x128xi32, #tpu.memory_space<hbm>>) target(%dma_start3A_449 : memref<2x128xi32, #tpu.memory_space<vmem>>) target_semaphore(%arg13 : memref<!tpu.dma_semaphore, #tpu.memory_space<semaphore_mem>>)
      %mul3A_452 = arith.constant 2 : i32
      %mul3A_453 = arith.muli %mul3A_452, %scan3A_301 : i32
      %add3A_454 = arith.constant 1 : i32
      %add3A_455 = arith.addi %mul3A_453, %add3A_454 : i32
      %dma_wait3A_456 = arith.constant 0 : i32
      %dma_wait3A_457 = arith.constant 0 : i32
      %dma_wait3A_458 = arith.constant 0 : i32
      %dma_wait3A_459 = arith.constant 0 : i32
      %dma_wait3A_460 = arith.constant 0 : i32
      %dma_wait3A_461 = arith.constant 0 : i32
      %dma_wait3A_462 = tpu.memref_slice %arg9[%dma_wait3A_456, %dma_wait3A_457, %dma_wait3A_460, %dma_wait3A_461] : memref<2x2x128x32xf32, #tpu.memory_space<vmem>> -> memref<1x1x128x32xf32, #tpu.memory_space<vmem>>
      %dma_wait3A_463 = tpu.memref_squeeze %dma_wait3A_462 : memref<1x1x128x32xf32, #tpu.memory_space<vmem>> -> memref<128x32xf32, #tpu.memory_space<vmem>>
      %dma_wait3A_464 = arith.constant 0 : i32
      %dma_wait3A_465 = tpu.memref_slice %arg8[%dma_wait3A_458, %dma_wait3A_459, %dma_wait3A_464] : memref<2x2x128xi32, #tpu.memory_space<vmem>> -> memref<1x1x128xi32, #tpu.memory_space<vmem>>
      %dma_wait3A_466 = tpu.memref_squeeze %dma_wait3A_465 : memref<1x1x128xi32, #tpu.memory_space<vmem>> -> memref<128xi32, #tpu.memory_space<vmem>>
      %dma_wait3A_467 = arith.constant 0 : i32
      %dma_wait3A_468 = arith.constant 0 : i32
      %dma_wait3A_469 = tpu.memref_slice %arg10[%dma_wait3A_467, %dma_wait3A_468] : memref<50688x32xf32, #tpu.memory_space<vmem_shared>> -> memref<50688x32xf32, #tpu.memory_space<vmem_shared>>
      tpu.wait_indirect_dma semaphore(%arg17 : memref<!tpu.dma_semaphore, #tpu.memory_space<semaphore_mem>>) src(%dma_wait3A_463 : memref<128x32xf32, #tpu.memory_space<vmem>>) dst(%dma_wait3A_469 : memref<50688x32xf32, #tpu.memory_space<vmem_shared>>)
      %dma_wait3A_470 = arith.constant 0 : i32
      %dma_wait3A_471 = arith.constant 1 : i32
      %dma_wait3A_472 = arith.constant 0 : i32
      %dma_wait3A_473 = arith.constant 1 : i32
      %dma_wait3A_474 = arith.constant 0 : i32
      %dma_wait3A_475 = arith.constant 0 : i32
      %dma_wait3A_476 = tpu.memref_slice %arg9[%dma_wait3A_470, %dma_wait3A_471, %dma_wait3A_474, %dma_wait3A_475] : memref<2x2x128x32xf32, #tpu.memory_space<vmem>> -> memref<1x1x128x32xf32, #tpu.memory_space<vmem>>
      %dma_wait3A_477 = tpu.memref_squeeze %dma_wait3A_476 : memref<1x1x128x32xf32, #tpu.memory_space<vmem>> -> memref<128x32xf32, #tpu.memory_space<vmem>>
      %dma_wait3A_478 = arith.constant 0 : i32
      %dma_wait3A_479 = tpu.memref_slice %arg8[%dma_wait3A_472, %dma_wait3A_473, %dma_wait3A_478] : memref<2x2x128xi32, #tpu.memory_space<vmem>> -> memref<1x1x128xi32, #tpu.memory_space<vmem>>
      %dma_wait3A_480 = tpu.memref_squeeze %dma_wait3A_479 : memref<1x1x128xi32, #tpu.memory_space<vmem>> -> memref<128xi32, #tpu.memory_space<vmem>>
      %dma_wait3A_481 = arith.constant 0 : i32
      %dma_wait3A_482 = arith.constant 0 : i32
      %dma_wait3A_483 = tpu.memref_slice %arg10[%dma_wait3A_481, %dma_wait3A_482] : memref<50688x32xf32, #tpu.memory_space<vmem_shared>> -> memref<50688x32xf32, #tpu.memory_space<vmem_shared>>
      tpu.wait_indirect_dma semaphore(%arg17 : memref<!tpu.dma_semaphore, #tpu.memory_space<semaphore_mem>>) src(%dma_wait3A_477 : memref<128x32xf32, #tpu.memory_space<vmem>>) dst(%dma_wait3A_483 : memref<50688x32xf32, #tpu.memory_space<vmem_shared>>)
      %dma_wait3A_484 = arith.constant 0 : i32
      %dma_wait3A_485 = arith.constant 0 : i32
      %dma_wait3A_486 = arith.constant 0 : i32
      %dma_wait3A_487 = tpu.memref_slice %arg7[%dma_wait3A_484, %dma_wait3A_485, %dma_wait3A_486] : memref<2x2x128xi32, #tpu.memory_space<vmem>> -> memref<1x2x128xi32, #tpu.memory_space<vmem>>
      %dma_wait3A_488 = tpu.memref_squeeze %dma_wait3A_487 : memref<1x2x128xi32, #tpu.memory_space<vmem>> -> memref<2x128xi32, #tpu.memory_space<vmem>>
      %dma_wait3A_489 = arith.constant 0 : i32
      %dma_wait3A_490 = tpu.memref_slice %arg3[%select_n3A, %dma_wait3A_489] : memref<12804x128xi32, #tpu.memory_space<hbm>> -> memref<2x128xi32, #tpu.memory_space<hbm>>
      %dma_wait3A_491 = arith.constant 0 : i32
      %dma_wait3A_492 = arith.constant 0 : i32
      %dma_wait3A_493 = tpu.memref_slice %arg7[%dma_wait3A_484, %dma_wait3A_491, %dma_wait3A_492] : memref<2x2x128xi32, #tpu.memory_space<vmem>> -> memref<1x2x128xi32, #tpu.memory_space<vmem>>
      %dma_wait3A_494 = tpu.memref_squeeze %dma_wait3A_493 : memref<1x2x128xi32, #tpu.memory_space<vmem>> -> memref<2x128xi32, #tpu.memory_space<vmem>>
      %dma_wait3A_495 = arith.constant 0 : i32
      %dma_wait3A_496 = tpu.memref_slice %arg3[%select_n3A, %dma_wait3A_495] : memref<12804x128xi32, #tpu.memory_space<hbm>> -> memref<2x128xi32, #tpu.memory_space<hbm>>
      tpu.wait_dma2 semaphore(%arg11 : memref<!tpu.dma_semaphore, #tpu.memory_space<semaphore_mem>>) src(%dma_wait3A_496 : memref<2x128xi32, #tpu.memory_space<hbm>>) dst(%dma_wait3A_494 : memref<2x128xi32, #tpu.memory_space<vmem>>)
      %dma_start3A_497 = arith.constant 0 : i32
      %dma_start3A_498 = arith.constant 0 : i32
      %dma_start3A_499 = arith.constant 0 : i32
      %dma_start3A_500 = arith.constant 0 : i32
      %dma_start3A_501 = arith.constant 0 : i32
      %dma_start3A_502 = arith.constant 0 : i32
      %dma_start3A_503 = tpu.memref_slice %arg9[%dma_start3A_499, %dma_start3A_500, %dma_start3A_501, %dma_start3A_502] : memref<2x2x128x32xf32, #tpu.memory_space<vmem>> -> memref<1x1x128x32xf32, #tpu.memory_space<vmem>>
      %dma_start3A_504 = tpu.memref_squeeze %dma_start3A_503 : memref<1x1x128x32xf32, #tpu.memory_space<vmem>> -> memref<128x32xf32, #tpu.memory_space<vmem>>
      %dma_start3A_505 = arith.constant 0 : i32
      %dma_start3A_506 = tpu.memref_slice %arg7[%dma_start3A_497, %dma_start3A_498, %dma_start3A_505] : memref<2x2x128xi32, #tpu.memory_space<vmem>> -> memref<1x1x128xi32, #tpu.memory_space<vmem>>
      %dma_start3A_507 = tpu.memref_squeeze %dma_start3A_506 : memref<1x1x128xi32, #tpu.memory_space<vmem>> -> memref<128xi32, #tpu.memory_space<vmem>>
      %dma_start3A_508 = arith.constant 0 : i32
      %dma_start3A_509 = arith.constant 0 : i32
      %dma_start3A_510 = tpu.memref_slice %arg2[%dma_start3A_508, %dma_start3A_509] : memref<200704x32xf32, #tpu.memory_space<hbm>> -> memref<200704x32xf32, #tpu.memory_space<hbm>>
      tpu.enqueue_indirect_dma source(%dma_start3A_510 : memref<200704x32xf32, #tpu.memory_space<hbm>>) target(%dma_start3A_504 : memref<128x32xf32, #tpu.memory_space<vmem>>) offsets(%dma_start3A_507 : memref<128xi32, #tpu.memory_space<vmem>>) semaphore(%arg15 : memref<!tpu.dma_semaphore, #tpu.memory_space<semaphore_mem>>)
      %dma_start3A_511 = arith.constant 0 : i32
      %dma_start3A_512 = arith.constant 1 : i32
      %dma_start3A_513 = arith.constant 0 : i32
      %dma_start3A_514 = arith.constant 1 : i32
      %dma_start3A_515 = arith.constant 0 : i32
      %dma_start3A_516 = arith.constant 0 : i32
      %dma_start3A_517 = tpu.memref_slice %arg9[%dma_start3A_513, %dma_start3A_514, %dma_start3A_515, %dma_start3A_516] : memref<2x2x128x32xf32, #tpu.memory_space<vmem>> -> memref<1x1x128x32xf32, #tpu.memory_space<vmem>>
      %dma_start3A_518 = tpu.memref_squeeze %dma_start3A_517 : memref<1x1x128x32xf32, #tpu.memory_space<vmem>> -> memref<128x32xf32, #tpu.memory_space<vmem>>
      %dma_start3A_519 = arith.constant 0 : i32
      %dma_start3A_520 = tpu.memref_slice %arg7[%dma_start3A_511, %dma_start3A_512, %dma_start3A_519] : memref<2x2x128xi32, #tpu.memory_space<vmem>> -> memref<1x1x128xi32, #tpu.memory_space<vmem>>
      %dma_start3A_521 = tpu.memref_squeeze %dma_start3A_520 : memref<1x1x128xi32, #tpu.memory_space<vmem>> -> memref<128xi32, #tpu.memory_space<vmem>>
      %dma_start3A_522 = arith.constant 0 : i32
      %dma_start3A_523 = arith.constant 0 : i32
      %dma_start3A_524 = tpu.memref_slice %arg2[%dma_start3A_522, %dma_start3A_523] : memref<200704x32xf32, #tpu.memory_space<hbm>> -> memref<200704x32xf32, #tpu.memory_space<hbm>>
      tpu.enqueue_indirect_dma source(%dma_start3A_524 : memref<200704x32xf32, #tpu.memory_space<hbm>>) target(%dma_start3A_518 : memref<128x32xf32, #tpu.memory_space<vmem>>) offsets(%dma_start3A_521 : memref<128xi32, #tpu.memory_space<vmem>>) semaphore(%arg15 : memref<!tpu.dma_semaphore, #tpu.memory_space<semaphore_mem>>)
      %dma_wait3A_525 = arith.constant 1 : i32
      %dma_wait3A_526 = arith.constant 0 : i32
      %dma_wait3A_527 = arith.constant 1 : i32
      %dma_wait3A_528 = arith.constant 0 : i32
      %dma_wait3A_529 = arith.constant 0 : i32
      %dma_wait3A_530 = arith.constant 0 : i32
      %dma_wait3A_531 = tpu.memref_slice %arg9[%dma_wait3A_527, %dma_wait3A_528, %dma_wait3A_529, %dma_wait3A_530] : memref<2x2x128x32xf32, #tpu.memory_space<vmem>> -> memref<1x1x128x32xf32, #tpu.memory_space<vmem>>
      %dma_wait3A_532 = tpu.memref_squeeze %dma_wait3A_531 : memref<1x1x128x32xf32, #tpu.memory_space<vmem>> -> memref<128x32xf32, #tpu.memory_space<vmem>>
      %dma_wait3A_533 = arith.constant 0 : i32
      %dma_wait3A_534 = tpu.memref_slice %arg7[%dma_wait3A_525, %dma_wait3A_526, %dma_wait3A_533] : memref<2x2x128xi32, #tpu.memory_space<vmem>> -> memref<1x1x128xi32, #tpu.memory_space<vmem>>
      %dma_wait3A_535 = tpu.memref_squeeze %dma_wait3A_534 : memref<1x1x128xi32, #tpu.memory_space<vmem>> -> memref<128xi32, #tpu.memory_space<vmem>>
      %dma_wait3A_536 = arith.constant 0 : i32
      %dma_wait3A_537 = arith.constant 0 : i32
      %dma_wait3A_538 = tpu.memref_slice %arg2[%dma_wait3A_536, %dma_wait3A_537] : memref<200704x32xf32, #tpu.memory_space<hbm>> -> memref<200704x32xf32, #tpu.memory_space<hbm>>
      tpu.wait_indirect_dma semaphore(%arg16 : memref<!tpu.dma_semaphore, #tpu.memory_space<semaphore_mem>>) src(%dma_wait3A_538 : memref<200704x32xf32, #tpu.memory_space<hbm>>) dst(%dma_wait3A_532 : memref<128x32xf32, #tpu.memory_space<vmem>>)
      %dma_wait3A_539 = arith.constant 1 : i32
      %dma_wait3A_540 = arith.constant 1 : i32
      %dma_wait3A_541 = arith.constant 1 : i32
      %dma_wait3A_542 = arith.constant 1 : i32
      %dma_wait3A_543 = arith.constant 0 : i32
      %dma_wait3A_544 = arith.constant 0 : i32
      %dma_wait3A_545 = tpu.memref_slice %arg9[%dma_wait3A_541, %dma_wait3A_542, %dma_wait3A_543, %dma_wait3A_544] : memref<2x2x128x32xf32, #tpu.memory_space<vmem>> -> memref<1x1x128x32xf32, #tpu.memory_space<vmem>>
      %dma_wait3A_546 = tpu.memref_squeeze %dma_wait3A_545 : memref<1x1x128x32xf32, #tpu.memory_space<vmem>> -> memref<128x32xf32, #tpu.memory_space<vmem>>
      %dma_wait3A_547 = arith.constant 0 : i32
      %dma_wait3A_548 = tpu.memref_slice %arg7[%dma_wait3A_539, %dma_wait3A_540, %dma_wait3A_547] : memref<2x2x128xi32, #tpu.memory_space<vmem>> -> memref<1x1x128xi32, #tpu.memory_space<vmem>>
      %dma_wait3A_549 = tpu.memref_squeeze %dma_wait3A_548 : memref<1x1x128xi32, #tpu.memory_space<vmem>> -> memref<128xi32, #tpu.memory_space<vmem>>
      %dma_wait3A_550 = arith.constant 0 : i32
      %dma_wait3A_551 = arith.constant 0 : i32
      %dma_wait3A_552 = tpu.memref_slice %arg2[%dma_wait3A_550, %dma_wait3A_551] : memref<200704x32xf32, #tpu.memory_space<hbm>> -> memref<200704x32xf32, #tpu.memory_space<hbm>>
      tpu.wait_indirect_dma semaphore(%arg16 : memref<!tpu.dma_semaphore, #tpu.memory_space<semaphore_mem>>) src(%dma_wait3A_552 : memref<200704x32xf32, #tpu.memory_space<hbm>>) dst(%dma_wait3A_546 : memref<128x32xf32, #tpu.memory_space<vmem>>)
      %dma_wait3A_553 = arith.constant 1 : i32
      %dma_wait3A_554 = arith.constant 0 : i32
      %dma_wait3A_555 = arith.constant 0 : i32
      %dma_wait3A_556 = tpu.memref_slice %arg8[%dma_wait3A_553, %dma_wait3A_554, %dma_wait3A_555] : memref<2x2x128xi32, #tpu.memory_space<vmem>> -> memref<1x2x128xi32, #tpu.memory_space<vmem>>
      %dma_wait3A_557 = tpu.memref_squeeze %dma_wait3A_556 : memref<1x2x128xi32, #tpu.memory_space<vmem>> -> memref<2x128xi32, #tpu.memory_space<vmem>>
      %dma_wait3A_558 = arith.constant 0 : i32
      %dma_wait3A_559 = tpu.memref_slice %arg4[%select_n3A_60, %dma_wait3A_558] : memref<6404x128xi32, #tpu.memory_space<hbm>> -> memref<2x128xi32, #tpu.memory_space<hbm>>
      %dma_wait3A_560 = arith.constant 0 : i32
      %dma_wait3A_561 = arith.constant 0 : i32
      %dma_wait3A_562 = tpu.memref_slice %arg8[%dma_wait3A_553, %dma_wait3A_560, %dma_wait3A_561] : memref<2x2x128xi32, #tpu.memory_space<vmem>> -> memref<1x2x128xi32, #tpu.memory_space<vmem>>
      %dma_wait3A_563 = tpu.memref_squeeze %dma_wait3A_562 : memref<1x2x128xi32, #tpu.memory_space<vmem>> -> memref<2x128xi32, #tpu.memory_space<vmem>>
      %dma_wait3A_564 = arith.constant 0 : i32
      %dma_wait3A_565 = tpu.memref_slice %arg4[%select_n3A_60, %dma_wait3A_564] : memref<6404x128xi32, #tpu.memory_space<hbm>> -> memref<2x128xi32, #tpu.memory_space<hbm>>
      tpu.wait_dma2 semaphore(%arg14 : memref<!tpu.dma_semaphore, #tpu.memory_space<semaphore_mem>>) src(%dma_wait3A_565 : memref<2x128xi32, #tpu.memory_space<hbm>>) dst(%dma_wait3A_563 : memref<2x128xi32, #tpu.memory_space<vmem>>)
      %dma_start3A_566 = arith.constant 1 : i32
      %dma_start3A_567 = arith.constant 0 : i32
      %dma_start3A_568 = arith.constant 1 : i32
      %dma_start3A_569 = arith.constant 0 : i32
      %dma_start3A_570 = arith.constant 0 : i32
      %dma_start3A_571 = arith.constant 0 : i32
      %dma_start3A_572 = tpu.memref_slice %arg9[%dma_start3A_566, %dma_start3A_567, %dma_start3A_570, %dma_start3A_571] : memref<2x2x128x32xf32, #tpu.memory_space<vmem>> -> memref<1x1x128x32xf32, #tpu.memory_space<vmem>>
      %dma_start3A_573 = tpu.memref_squeeze %dma_start3A_572 : memref<1x1x128x32xf32, #tpu.memory_space<vmem>> -> memref<128x32xf32, #tpu.memory_space<vmem>>
      %dma_start3A_574 = arith.constant 0 : i32
      %dma_start3A_575 = tpu.memref_slice %arg8[%dma_start3A_568, %dma_start3A_569, %dma_start3A_574] : memref<2x2x128xi32, #tpu.memory_space<vmem>> -> memref<1x1x128xi32, #tpu.memory_space<vmem>>
      %dma_start3A_576 = tpu.memref_squeeze %dma_start3A_575 : memref<1x1x128xi32, #tpu.memory_space<vmem>> -> memref<128xi32, #tpu.memory_space<vmem>>
      %dma_start3A_577 = arith.constant 0 : i32
      %dma_start3A_578 = arith.constant 0 : i32
      %dma_start3A_579 = tpu.memref_slice %arg10[%dma_start3A_577, %dma_start3A_578] : memref<50688x32xf32, #tpu.memory_space<vmem_shared>> -> memref<50688x32xf32, #tpu.memory_space<vmem_shared>>
      tpu.enqueue_indirect_dma source(%dma_start3A_573 : memref<128x32xf32, #tpu.memory_space<vmem>>) target(%dma_start3A_579 : memref<50688x32xf32, #tpu.memory_space<vmem_shared>>) offsets(%dma_start3A_576 : memref<128xi32, #tpu.memory_space<vmem>>) semaphore(%arg18 : memref<!tpu.dma_semaphore, #tpu.memory_space<semaphore_mem>>) {add = true}
      %dma_start3A_580 = arith.constant 1 : i32
      %dma_start3A_581 = arith.constant 1 : i32
      %dma_start3A_582 = arith.constant 1 : i32
      %dma_start3A_583 = arith.constant 1 : i32
      %dma_start3A_584 = arith.constant 0 : i32
      %dma_start3A_585 = arith.constant 0 : i32
      %dma_start3A_586 = tpu.memref_slice %arg9[%dma_start3A_580, %dma_start3A_581, %dma_start3A_584, %dma_start3A_585] : memref<2x2x128x32xf32, #tpu.memory_space<vmem>> -> memref<1x1x128x32xf32, #tpu.memory_space<vmem>>
      %dma_start3A_587 = tpu.memref_squeeze %dma_start3A_586 : memref<1x1x128x32xf32, #tpu.memory_space<vmem>> -> memref<128x32xf32, #tpu.memory_space<vmem>>
      %dma_start3A_588 = arith.constant 0 : i32
      %dma_start3A_589 = tpu.memref_slice %arg8[%dma_start3A_582, %dma_start3A_583, %dma_start3A_588] : memref<2x2x128xi32, #tpu.memory_space<vmem>> -> memref<1x1x128xi32, #tpu.memory_space<vmem>>
      %dma_start3A_590 = tpu.memref_squeeze %dma_start3A_589 : memref<1x1x128xi32, #tpu.memory_space<vmem>> -> memref<128xi32, #tpu.memory_space<vmem>>
      %dma_start3A_591 = arith.constant 0 : i32
      %dma_start3A_592 = arith.constant 0 : i32
      %dma_start3A_593 = tpu.memref_slice %arg10[%dma_start3A_591, %dma_start3A_592] : memref<50688x32xf32, #tpu.memory_space<vmem_shared>> -> memref<50688x32xf32, #tpu.memory_space<vmem_shared>>
      tpu.enqueue_indirect_dma source(%dma_start3A_587 : memref<128x32xf32, #tpu.memory_space<vmem>>) target(%dma_start3A_593 : memref<50688x32xf32, #tpu.memory_space<vmem_shared>>) offsets(%dma_start3A_590 : memref<128xi32, #tpu.memory_space<vmem>>) semaphore(%arg18 : memref<!tpu.dma_semaphore, #tpu.memory_space<semaphore_mem>>) {add = true}
      %add3A_594 = arith.constant 2 : i32
      %add3A_595 = arith.addi %add3A_455, %add3A_594 : i32
      %mul3A_596 = arith.constant 2 : i32
      %mul3A_597 = arith.muli %add3A_595, %mul3A_596 : i32
      %add3A_598 = arith.addi %select_n3A, %mul3A_597 : i32
      %dma_start3A_599 = arith.constant 1 : i32
      %dma_start3A_600 = arith.constant 0 : i32
      %dma_start3A_601 = arith.constant 0 : i32
      %dma_start3A_602 = tpu.memref_slice %arg7[%dma_start3A_599, %dma_start3A_600, %dma_start3A_601] : memref<2x2x128xi32, #tpu.memory_space<vmem>> -> memref<1x2x128xi32, #tpu.memory_space<vmem>>
      %dma_start3A_603 = tpu.memref_squeeze %dma_start3A_602 : memref<1x2x128xi32, #tpu.memory_space<vmem>> -> memref<2x128xi32, #tpu.memory_space<vmem>>
      %dma_start3A_604 = arith.constant 0 : i32
      %dma_start3A_605 = tpu.memref_slice %arg3[%add3A_598, %dma_start3A_604] : memref<12804x128xi32, #tpu.memory_space<hbm>> -> memref<2x128xi32, #tpu.memory_space<hbm>>
      %dma_start3A_606 = arith.constant 0 : i32
      %dma_start3A_607 = arith.constant 0 : i32
      %dma_start3A_608 = tpu.memref_slice %arg7[%dma_start3A_599, %dma_start3A_606, %dma_start3A_607] : memref<2x2x128xi32, #tpu.memory_space<vmem>> -> memref<1x2x128xi32, #tpu.memory_space<vmem>>
      %dma_start3A_609 = tpu.memref_squeeze %dma_start3A_608 : memref<1x2x128xi32, #tpu.memory_space<vmem>> -> memref<2x128xi32, #tpu.memory_space<vmem>>
      %dma_start3A_610 = arith.constant 0 : i32
      %dma_start3A_611 = tpu.memref_slice %arg3[%add3A_598, %dma_start3A_610] : memref<12804x128xi32, #tpu.memory_space<hbm>> -> memref<2x128xi32, #tpu.memory_space<hbm>>
      tpu.enqueue_dma source(%dma_start3A_611 : memref<2x128xi32, #tpu.memory_space<hbm>>) target(%dma_start3A_609 : memref<2x128xi32, #tpu.memory_space<vmem>>) target_semaphore(%arg12 : memref<!tpu.dma_semaphore, #tpu.memory_space<semaphore_mem>>)
      %mul3A_612 = arith.constant 2 : i32
      %mul3A_613 = arith.muli %add3A_595, %mul3A_612 : i32
      %add3A_614 = arith.addi %select_n3A_60, %mul3A_613 : i32
      %dma_start3A_615 = arith.constant 1 : i32
      %dma_start3A_616 = arith.constant 0 : i32
      %dma_start3A_617 = arith.constant 0 : i32
      %dma_start3A_618 = tpu.memref_slice %arg8[%dma_start3A_615, %dma_start3A_616, %dma_start3A_617] : memref<2x2x128xi32, #tpu.memory_space<vmem>> -> memref<1x2x128xi32, #tpu.memory_space<vmem>>
      %dma_start3A_619 = tpu.memref_squeeze %dma_start3A_618 : memref<1x2x128xi32, #tpu.memory_space<vmem>> -> memref<2x128xi32, #tpu.memory_space<vmem>>
      %dma_start3A_620 = arith.constant 0 : i32
      %dma_start3A_621 = tpu.memref_slice %arg4[%add3A_614, %dma_start3A_620] : memref<6404x128xi32, #tpu.memory_space<hbm>> -> memref<2x128xi32, #tpu.memory_space<hbm>>
      %dma_start3A_622 = arith.constant 0 : i32
      %dma_start3A_623 = arith.constant 0 : i32
      %dma_start3A_624 = tpu.memref_slice %arg8[%dma_start3A_615, %dma_start3A_622, %dma_start3A_623] : memref<2x2x128xi32, #tpu.memory_space<vmem>> -> memref<1x2x128xi32, #tpu.memory_space<vmem>>
      %dma_start3A_625 = tpu.memref_squeeze %dma_start3A_624 : memref<1x2x128xi32, #tpu.memory_space<vmem>> -> memref<2x128xi32, #tpu.memory_space<vmem>>
      %dma_start3A_626 = arith.constant 0 : i32
      %dma_start3A_627 = tpu.memref_slice %arg4[%add3A_614, %dma_start3A_626] : memref<6404x128xi32, #tpu.memory_space<hbm>> -> memref<2x128xi32, #tpu.memory_space<hbm>>
      tpu.enqueue_dma source(%dma_start3A_627 : memref<2x128xi32, #tpu.memory_space<hbm>>) target(%dma_start3A_625 : memref<2x128xi32, #tpu.memory_space<vmem>>) target_semaphore(%arg14 : memref<!tpu.dma_semaphore, #tpu.memory_space<semaphore_mem>>)
    }
    %scan3A_164 = arith.constant 100 : i32
    %dma_wait3A_165 = arith.constant 1 : i32
    %dma_wait3A_166 = arith.constant 0 : i32
    %dma_wait3A_167 = arith.constant 1 : i32
    %dma_wait3A_168 = arith.constant 0 : i32
    %dma_wait3A_169 = arith.constant 0 : i32
    %dma_wait3A_170 = arith.constant 0 : i32
    %dma_wait3A_171 = tpu.memref_slice %arg9[%dma_wait3A_165, %dma_wait3A_166, %dma_wait3A_169, %dma_wait3A_170] : memref<2x2x128x32xf32, #tpu.memory_space<vmem>> -> memref<1x1x128x32xf32, #tpu.memory_space<vmem>>
    %dma_wait3A_172 = tpu.memref_squeeze %dma_wait3A_171 : memref<1x1x128x32xf32, #tpu.memory_space<vmem>> -> memref<128x32xf32, #tpu.memory_space<vmem>>
    %dma_wait3A_173 = arith.constant 0 : i32
    %dma_wait3A_174 = tpu.memref_slice %arg8[%dma_wait3A_167, %dma_wait3A_168, %dma_wait3A_173] : memref<2x2x128xi32, #tpu.memory_space<vmem>> -> memref<1x1x128xi32, #tpu.memory_space<vmem>>
    %dma_wait3A_175 = tpu.memref_squeeze %dma_wait3A_174 : memref<1x1x128xi32, #tpu.memory_space<vmem>> -> memref<128xi32, #tpu.memory_space<vmem>>
    %dma_wait3A_176 = arith.constant 0 : i32
    %dma_wait3A_177 = arith.constant 0 : i32
    %dma_wait3A_178 = tpu.memref_slice %arg10[%dma_wait3A_176, %dma_wait3A_177] : memref<50688x32xf32, #tpu.memory_space<vmem_shared>> -> memref<50688x32xf32, #tpu.memory_space<vmem_shared>>
    tpu.wait_indirect_dma semaphore(%arg18 : memref<!tpu.dma_semaphore, #tpu.memory_space<semaphore_mem>>) src(%dma_wait3A_172 : memref<128x32xf32, #tpu.memory_space<vmem>>) dst(%dma_wait3A_178 : memref<50688x32xf32, #tpu.memory_space<vmem_shared>>)
    %dma_wait3A_179 = arith.constant 1 : i32
    %dma_wait3A_180 = arith.constant 1 : i32
    %dma_wait3A_181 = arith.constant 1 : i32
    %dma_wait3A_182 = arith.constant 1 : i32
    %dma_wait3A_183 = arith.constant 0 : i32
    %dma_wait3A_184 = arith.constant 0 : i32
    %dma_wait3A_185 = tpu.memref_slice %arg9[%dma_wait3A_179, %dma_wait3A_180, %dma_wait3A_183, %dma_wait3A_184] : memref<2x2x128x32xf32, #tpu.memory_space<vmem>> -> memref<1x1x128x32xf32, #tpu.memory_space<vmem>>
    %dma_wait3A_186 = tpu.memref_squeeze %dma_wait3A_185 : memref<1x1x128x32xf32, #tpu.memory_space<vmem>> -> memref<128x32xf32, #tpu.memory_space<vmem>>
    %dma_wait3A_187 = arith.constant 0 : i32
    %dma_wait3A_188 = tpu.memref_slice %arg8[%dma_wait3A_181, %dma_wait3A_182, %dma_wait3A_187] : memref<2x2x128xi32, #tpu.memory_space<vmem>> -> memref<1x1x128xi32, #tpu.memory_space<vmem>>
    %dma_wait3A_189 = tpu.memref_squeeze %dma_wait3A_188 : memref<1x1x128xi32, #tpu.memory_space<vmem>> -> memref<128xi32, #tpu.memory_space<vmem>>
    %dma_wait3A_190 = arith.constant 0 : i32
    %dma_wait3A_191 = arith.constant 0 : i32
    %dma_wait3A_192 = tpu.memref_slice %arg10[%dma_wait3A_190, %dma_wait3A_191] : memref<50688x32xf32, #tpu.memory_space<vmem_shared>> -> memref<50688x32xf32, #tpu.memory_space<vmem_shared>>
    tpu.wait_indirect_dma semaphore(%arg18 : memref<!tpu.dma_semaphore, #tpu.memory_space<semaphore_mem>>) src(%dma_wait3A_186 : memref<128x32xf32, #tpu.memory_space<vmem>>) dst(%dma_wait3A_192 : memref<50688x32xf32, #tpu.memory_space<vmem_shared>>)
    %dma_wait3A_193 = arith.constant 0 : i32
    %dma_wait3A_194 = arith.constant 0 : i32
    %dma_wait3A_195 = arith.constant 0 : i32
    %dma_wait3A_196 = arith.constant 0 : i32
    %dma_wait3A_197 = arith.constant 0 : i32
    %dma_wait3A_198 = arith.constant 0 : i32
    %dma_wait3A_199 = tpu.memref_slice %arg9[%dma_wait3A_195, %dma_wait3A_196, %dma_wait3A_197, %dma_wait3A_198] : memref<2x2x128x32xf32, #tpu.memory_space<vmem>> -> memref<1x1x128x32xf32, #tpu.memory_space<vmem>>
    %dma_wait3A_200 = tpu.memref_squeeze %dma_wait3A_199 : memref<1x1x128x32xf32, #tpu.memory_space<vmem>> -> memref<128x32xf32, #tpu.memory_space<vmem>>
    %dma_wait3A_201 = arith.constant 0 : i32
    %dma_wait3A_202 = tpu.memref_slice %arg7[%dma_wait3A_193, %dma_wait3A_194, %dma_wait3A_201] : memref<2x2x128xi32, #tpu.memory_space<vmem>> -> memref<1x1x128xi32, #tpu.memory_space<vmem>>
    %dma_wait3A_203 = tpu.memref_squeeze %dma_wait3A_202 : memref<1x1x128xi32, #tpu.memory_space<vmem>> -> memref<128xi32, #tpu.memory_space<vmem>>
    %dma_wait3A_204 = arith.constant 0 : i32
    %dma_wait3A_205 = arith.constant 0 : i32
    %dma_wait3A_206 = tpu.memref_slice %arg2[%dma_wait3A_204, %dma_wait3A_205] : memref<200704x32xf32, #tpu.memory_space<hbm>> -> memref<200704x32xf32, #tpu.memory_space<hbm>>
    tpu.wait_indirect_dma semaphore(%arg15 : memref<!tpu.dma_semaphore, #tpu.memory_space<semaphore_mem>>) src(%dma_wait3A_206 : memref<200704x32xf32, #tpu.memory_space<hbm>>) dst(%dma_wait3A_200 : memref<128x32xf32, #tpu.memory_space<vmem>>)
    %dma_wait3A_207 = arith.constant 0 : i32
    %dma_wait3A_208 = arith.constant 1 : i32
    %dma_wait3A_209 = arith.constant 0 : i32
    %dma_wait3A_210 = arith.constant 1 : i32
    %dma_wait3A_211 = arith.constant 0 : i32
    %dma_wait3A_212 = arith.constant 0 : i32
    %dma_wait3A_213 = tpu.memref_slice %arg9[%dma_wait3A_209, %dma_wait3A_210, %dma_wait3A_211, %dma_wait3A_212] : memref<2x2x128x32xf32, #tpu.memory_space<vmem>> -> memref<1x1x128x32xf32, #tpu.memory_space<vmem>>
    %dma_wait3A_214 = tpu.memref_squeeze %dma_wait3A_213 : memref<1x1x128x32xf32, #tpu.memory_space<vmem>> -> memref<128x32xf32, #tpu.memory_space<vmem>>
    %dma_wait3A_215 = arith.constant 0 : i32
    %dma_wait3A_216 = tpu.memref_slice %arg7[%dma_wait3A_207, %dma_wait3A_208, %dma_wait3A_215] : memref<2x2x128xi32, #tpu.memory_space<vmem>> -> memref<1x1x128xi32, #tpu.memory_space<vmem>>
    %dma_wait3A_217 = tpu.memref_squeeze %dma_wait3A_216 : memref<1x1x128xi32, #tpu.memory_space<vmem>> -> memref<128xi32, #tpu.memory_space<vmem>>
    %dma_wait3A_218 = arith.constant 0 : i32
    %dma_wait3A_219 = arith.constant 0 : i32
    %dma_wait3A_220 = tpu.memref_slice %arg2[%dma_wait3A_218, %dma_wait3A_219] : memref<200704x32xf32, #tpu.memory_space<hbm>> -> memref<200704x32xf32, #tpu.memory_space<hbm>>
    tpu.wait_indirect_dma semaphore(%arg15 : memref<!tpu.dma_semaphore, #tpu.memory_space<semaphore_mem>>) src(%dma_wait3A_220 : memref<200704x32xf32, #tpu.memory_space<hbm>>) dst(%dma_wait3A_214 : memref<128x32xf32, #tpu.memory_space<vmem>>)
    %dma_wait3A_221 = arith.constant 0 : i32
    %dma_wait3A_222 = arith.constant 0 : i32
    %dma_wait3A_223 = arith.constant 0 : i32
    %dma_wait3A_224 = tpu.memref_slice %arg8[%dma_wait3A_221, %dma_wait3A_222, %dma_wait3A_223] : memref<2x2x128xi32, #tpu.memory_space<vmem>> -> memref<1x2x128xi32, #tpu.memory_space<vmem>>
    %dma_wait3A_225 = tpu.memref_squeeze %dma_wait3A_224 : memref<1x2x128xi32, #tpu.memory_space<vmem>> -> memref<2x128xi32, #tpu.memory_space<vmem>>
    %dma_wait3A_226 = arith.constant 0 : i32
    %dma_wait3A_227 = tpu.memref_slice %arg4[%select_n3A_60, %dma_wait3A_226] : memref<6404x128xi32, #tpu.memory_space<hbm>> -> memref<2x128xi32, #tpu.memory_space<hbm>>
    %dma_wait3A_228 = arith.constant 0 : i32
    %dma_wait3A_229 = arith.constant 0 : i32
    %dma_wait3A_230 = tpu.memref_slice %arg8[%dma_wait3A_221, %dma_wait3A_228, %dma_wait3A_229] : memref<2x2x128xi32, #tpu.memory_space<vmem>> -> memref<1x2x128xi32, #tpu.memory_space<vmem>>
    %dma_wait3A_231 = tpu.memref_squeeze %dma_wait3A_230 : memref<1x2x128xi32, #tpu.memory_space<vmem>> -> memref<2x128xi32, #tpu.memory_space<vmem>>
    %dma_wait3A_232 = arith.constant 0 : i32
    %dma_wait3A_233 = tpu.memref_slice %arg4[%select_n3A_60, %dma_wait3A_232] : memref<6404x128xi32, #tpu.memory_space<hbm>> -> memref<2x128xi32, #tpu.memory_space<hbm>>
    tpu.wait_dma2 semaphore(%arg13 : memref<!tpu.dma_semaphore, #tpu.memory_space<semaphore_mem>>) src(%dma_wait3A_233 : memref<2x128xi32, #tpu.memory_space<hbm>>) dst(%dma_wait3A_231 : memref<2x128xi32, #tpu.memory_space<vmem>>)
    %dma_wait3A_234 = arith.constant 1 : i32
    %dma_wait3A_235 = arith.constant 0 : i32
    %dma_wait3A_236 = arith.constant 0 : i32
    %dma_wait3A_237 = tpu.memref_slice %arg7[%dma_wait3A_234, %dma_wait3A_235, %dma_wait3A_236] : memref<2x2x128xi32, #tpu.memory_space<vmem>> -> memref<1x2x128xi32, #tpu.memory_space<vmem>>
    %dma_wait3A_238 = tpu.memref_squeeze %dma_wait3A_237 : memref<1x2x128xi32, #tpu.memory_space<vmem>> -> memref<2x128xi32, #tpu.memory_space<vmem>>
    %dma_wait3A_239 = arith.constant 0 : i32
    %dma_wait3A_240 = tpu.memref_slice %arg3[%select_n3A, %dma_wait3A_239] : memref<12804x128xi32, #tpu.memory_space<hbm>> -> memref<2x128xi32, #tpu.memory_space<hbm>>
    %dma_wait3A_241 = arith.constant 0 : i32
    %dma_wait3A_242 = arith.constant 0 : i32
    %dma_wait3A_243 = tpu.memref_slice %arg7[%dma_wait3A_234, %dma_wait3A_241, %dma_wait3A_242] : memref<2x2x128xi32, #tpu.memory_space<vmem>> -> memref<1x2x128xi32, #tpu.memory_space<vmem>>
    %dma_wait3A_244 = tpu.memref_squeeze %dma_wait3A_243 : memref<1x2x128xi32, #tpu.memory_space<vmem>> -> memref<2x128xi32, #tpu.memory_space<vmem>>
    %dma_wait3A_245 = arith.constant 0 : i32
    %dma_wait3A_246 = tpu.memref_slice %arg3[%select_n3A, %dma_wait3A_245] : memref<12804x128xi32, #tpu.memory_space<hbm>> -> memref<2x128xi32, #tpu.memory_space<hbm>>
    tpu.wait_dma2 semaphore(%arg12 : memref<!tpu.dma_semaphore, #tpu.memory_space<semaphore_mem>>) src(%dma_wait3A_246 : memref<2x128xi32, #tpu.memory_space<hbm>>) dst(%dma_wait3A_244 : memref<2x128xi32, #tpu.memory_space<vmem>>)
    %dma_wait3A_247 = arith.constant 1 : i32
    %dma_wait3A_248 = arith.constant 0 : i32
    %dma_wait3A_249 = arith.constant 0 : i32
    %dma_wait3A_250 = tpu.memref_slice %arg8[%dma_wait3A_247, %dma_wait3A_248, %dma_wait3A_249] : memref<2x2x128xi32, #tpu.memory_space<vmem>> -> memref<1x2x128xi32, #tpu.memory_space<vmem>>
    %dma_wait3A_251 = tpu.memref_squeeze %dma_wait3A_250 : memref<1x2x128xi32, #tpu.memory_space<vmem>> -> memref<2x128xi32, #tpu.memory_space<vmem>>
    %dma_wait3A_252 = arith.constant 0 : i32
    %dma_wait3A_253 = tpu.memref_slice %arg4[%select_n3A_60, %dma_wait3A_252] : memref<6404x128xi32, #tpu.memory_space<hbm>> -> memref<2x128xi32, #tpu.memory_space<hbm>>
    %dma_wait3A_254 = arith.constant 0 : i32
    %dma_wait3A_255 = arith.constant 0 : i32
    %dma_wait3A_256 = tpu.memref_slice %arg8[%dma_wait3A_247, %dma_wait3A_254, %dma_wait3A_255] : memref<2x2x128xi32, #tpu.memory_space<vmem>> -> memref<1x2x128xi32, #tpu.memory_space<vmem>>
    %dma_wait3A_257 = tpu.memref_squeeze %dma_wait3A_256 : memref<1x2x128xi32, #tpu.memory_space<vmem>> -> memref<2x128xi32, #tpu.memory_space<vmem>>
    %dma_wait3A_258 = arith.constant 0 : i32
    %dma_wait3A_259 = tpu.memref_slice %arg4[%select_n3A_60, %dma_wait3A_258] : memref<6404x128xi32, #tpu.memory_space<hbm>> -> memref<2x128xi32, #tpu.memory_space<hbm>>
    tpu.wait_dma2 semaphore(%arg14 : memref<!tpu.dma_semaphore, #tpu.memory_space<semaphore_mem>>) src(%dma_wait3A_259 : memref<2x128xi32, #tpu.memory_space<hbm>>) dst(%dma_wait3A_257 : memref<2x128xi32, #tpu.memory_space<vmem>>)
    %barrier3A_260 = arith.constant 0 : index
    tpu.barrier barrier_id(%barrier3A_260)
    %mul3A_261 = arith.constant 3136 : i32
    %mul3A_262 = arith.muli %arg1, %mul3A_261 : i32
    %add3A_263 = arith.constant 0 : i32
    %add3A_264 = arith.addi %mul3A_262, %add3A_263 : i32
    %mul3A_265 = arith.constant 3136 : i32
    %mul3A_266 = arith.muli %arg1, %mul3A_265 : i32
    %add3A_267 = arith.constant 0 : i32
    %add3A_268 = arith.addi %mul3A_266, %add3A_267 : i32
    %mul3A_269 = arith.constant 32 : i32
    %mul3A_270 = arith.muli %arg0, %mul3A_269 : i32
    "tpu.region"() ({
      %run_scoped3A = tpu.sem_alloc : memref<!tpu.dma_semaphore, #tpu.memory_space<semaphore_mem>>
      %dma_start3A_301 = tpu.memref_slice %arg6[%add3A_268, %mul3A_270] : memref<50176x128xf32, #tpu.memory_space<hbm>> -> memref<1024x32xf32, #tpu.memory_space<hbm>>
      %dma_start3A_302 = arith.constant 0 : i32
      %dma_start3A_303 = tpu.memref_slice %arg10[%add3A_264, %dma_start3A_302] : memref<50688x32xf32, #tpu.memory_space<vmem_shared>> -> memref<1024x32xf32, #tpu.memory_space<vmem_shared>>
      tpu.enqueue_dma source(%dma_start3A_303 : memref<1024x32xf32, #tpu.memory_space<vmem_shared>>) target(%dma_start3A_301 : memref<1024x32xf32, #tpu.memory_space<hbm>>) target_semaphore(%run_scoped3A : memref<!tpu.dma_semaphore, #tpu.memory_space<semaphore_mem>>)
      %dma_wait3A_304 = tpu.memref_slice %arg6[%add3A_268, %mul3A_270] : memref<50176x128xf32, #tpu.memory_space<hbm>> -> memref<1024x32xf32, #tpu.memory_space<hbm>>
      %dma_wait3A_305 = arith.constant 0 : i32
      %dma_wait3A_306 = tpu.memref_slice %arg10[%add3A_264, %dma_wait3A_305] : memref<50688x32xf32, #tpu.memory_space<vmem_shared>> -> memref<1024x32xf32, #tpu.memory_space<vmem_shared>>
      tpu.wait_dma2 semaphore(%run_scoped3A : memref<!tpu.dma_semaphore, #tpu.memory_space<semaphore_mem>>) src(%dma_wait3A_306 : memref<1024x32xf32, #tpu.memory_space<vmem_shared>>) dst(%dma_wait3A_304 : memref<1024x32xf32, #tpu.memory_space<hbm>>)
      tpu.yield
    }) : () -> ()
    %mul3A_271 = arith.constant 3136 : i32
    %mul3A_272 = arith.muli %arg1, %mul3A_271 : i32
    %add3A_273 = arith.constant 1024 : i32
    %add3A_274 = arith.addi %mul3A_272, %add3A_273 : i32
    %mul3A_275 = arith.constant 3136 : i32
    %mul3A_276 = arith.muli %arg1, %mul3A_275 : i32
    %add3A_277 = arith.constant 1024 : i32
    %add3A_278 = arith.addi %mul3A_276, %add3A_277 : i32
    %mul3A_279 = arith.constant 32 : i32
    %mul3A_280 = arith.muli %arg0, %mul3A_279 : i32
    "tpu.region"() ({
      %run_scoped3A = tpu.sem_alloc : memref<!tpu.dma_semaphore, #tpu.memory_space<semaphore_mem>>
      %dma_start3A_301 = tpu.memref_slice %arg6[%add3A_278, %mul3A_280] : memref<50176x128xf32, #tpu.memory_space<hbm>> -> memref<1024x32xf32, #tpu.memory_space<hbm>>
      %dma_start3A_302 = arith.constant 0 : i32
      %dma_start3A_303 = tpu.memref_slice %arg10[%add3A_274, %dma_start3A_302] : memref<50688x32xf32, #tpu.memory_space<vmem_shared>> -> memref<1024x32xf32, #tpu.memory_space<vmem_shared>>
      tpu.enqueue_dma source(%dma_start3A_303 : memref<1024x32xf32, #tpu.memory_space<vmem_shared>>) target(%dma_start3A_301 : memref<1024x32xf32, #tpu.memory_space<hbm>>) target_semaphore(%run_scoped3A : memref<!tpu.dma_semaphore, #tpu.memory_space<semaphore_mem>>)
      %dma_wait3A_304 = tpu.memref_slice %arg6[%add3A_278, %mul3A_280] : memref<50176x128xf32, #tpu.memory_space<hbm>> -> memref<1024x32xf32, #tpu.memory_space<hbm>>
      %dma_wait3A_305 = arith.constant 0 : i32
      %dma_wait3A_306 = tpu.memref_slice %arg10[%add3A_274, %dma_wait3A_305] : memref<50688x32xf32, #tpu.memory_space<vmem_shared>> -> memref<1024x32xf32, #tpu.memory_space<vmem_shared>>
      tpu.wait_dma2 semaphore(%run_scoped3A : memref<!tpu.dma_semaphore, #tpu.memory_space<semaphore_mem>>) src(%dma_wait3A_306 : memref<1024x32xf32, #tpu.memory_space<vmem_shared>>) dst(%dma_wait3A_304 : memref<1024x32xf32, #tpu.memory_space<hbm>>)
      tpu.yield
    }) : () -> ()
    %mul3A_281 = arith.constant 3136 : i32
    %mul3A_282 = arith.muli %arg1, %mul3A_281 : i32
    %add3A_283 = arith.constant 2048 : i32
    %add3A_284 = arith.addi %mul3A_282, %add3A_283 : i32
    %mul3A_285 = arith.constant 3136 : i32
    %mul3A_286 = arith.muli %arg1, %mul3A_285 : i32
    %add3A_287 = arith.constant 2048 : i32
    %add3A_288 = arith.addi %mul3A_286, %add3A_287 : i32
    %mul3A_289 = arith.constant 32 : i32
    %mul3A_290 = arith.muli %arg0, %mul3A_289 : i32
    "tpu.region"() ({
      %run_scoped3A = tpu.sem_alloc : memref<!tpu.dma_semaphore, #tpu.memory_space<semaphore_mem>>
      %dma_start3A_301 = tpu.memref_slice %arg6[%add3A_288, %mul3A_290] : memref<50176x128xf32, #tpu.memory_space<hbm>> -> memref<1024x32xf32, #tpu.memory_space<hbm>>
      %dma_start3A_302 = arith.constant 0 : i32
      %dma_start3A_303 = tpu.memref_slice %arg10[%add3A_284, %dma_start3A_302] : memref<50688x32xf32, #tpu.memory_space<vmem_shared>> -> memref<1024x32xf32, #tpu.memory_space<vmem_shared>>
      tpu.enqueue_dma source(%dma_start3A_303 : memref<1024x32xf32, #tpu.memory_space<vmem_shared>>) target(%dma_start3A_301 : memref<1024x32xf32, #tpu.memory_space<hbm>>) target_semaphore(%run_scoped3A : memref<!tpu.dma_semaphore, #tpu.memory_space<semaphore_mem>>)
      %dma_wait3A_304 = tpu.memref_slice %arg6[%add3A_288, %mul3A_290] : memref<50176x128xf32, #tpu.memory_space<hbm>> -> memref<1024x32xf32, #tpu.memory_space<hbm>>
      %dma_wait3A_305 = arith.constant 0 : i32
      %dma_wait3A_306 = tpu.memref_slice %arg10[%add3A_284, %dma_wait3A_305] : memref<50688x32xf32, #tpu.memory_space<vmem_shared>> -> memref<1024x32xf32, #tpu.memory_space<vmem_shared>>
      tpu.wait_dma2 semaphore(%run_scoped3A : memref<!tpu.dma_semaphore, #tpu.memory_space<semaphore_mem>>) src(%dma_wait3A_306 : memref<1024x32xf32, #tpu.memory_space<vmem_shared>>) dst(%dma_wait3A_304 : memref<1024x32xf32, #tpu.memory_space<hbm>>)
      tpu.yield
    }) : () -> ()
    %mul3A_291 = arith.constant 3136 : i32
    %mul3A_292 = arith.muli %arg1, %mul3A_291 : i32
    %add3A_293 = arith.constant 3072 : i32
    %add3A_294 = arith.addi %mul3A_292, %add3A_293 : i32
    %mul3A_295 = arith.constant 3136 : i32
    %mul3A_296 = arith.muli %arg1, %mul3A_295 : i32
    %add3A_297 = arith.constant 3072 : i32
    %add3A_298 = arith.addi %mul3A_296, %add3A_297 : i32
    %mul3A_299 = arith.constant 32 : i32
    %mul3A_300 = arith.muli %arg0, %mul3A_299 : i32
    "tpu.region"() ({
      %run_scoped3A = tpu.sem_alloc : memref<!tpu.dma_semaphore, #tpu.memory_space<semaphore_mem>>
      %dma_start3A_301 = tpu.memref_slice %arg6[%add3A_298, %mul3A_300] : memref<50176x128xf32, #tpu.memory_space<hbm>> -> memref<64x32xf32, #tpu.memory_space<hbm>>
      %dma_start3A_302 = arith.constant 0 : i32
      %dma_start3A_303 = tpu.memref_slice %arg10[%add3A_294, %dma_start3A_302] : memref<50688x32xf32, #tpu.memory_space<vmem_shared>> -> memref<64x32xf32, #tpu.memory_space<vmem_shared>>
      tpu.enqueue_dma source(%dma_start3A_303 : memref<64x32xf32, #tpu.memory_space<vmem_shared>>) target(%dma_start3A_301 : memref<64x32xf32, #tpu.memory_space<hbm>>) target_semaphore(%run_scoped3A : memref<!tpu.dma_semaphore, #tpu.memory_space<semaphore_mem>>)
      %dma_wait3A_304 = tpu.memref_slice %arg6[%add3A_298, %mul3A_300] : memref<50176x128xf32, #tpu.memory_space<hbm>> -> memref<64x32xf32, #tpu.memory_space<hbm>>
      %dma_wait3A_305 = arith.constant 0 : i32
      %dma_wait3A_306 = tpu.memref_slice %arg10[%add3A_294, %dma_wait3A_305] : memref<50688x32xf32, #tpu.memory_space<vmem_shared>> -> memref<64x32xf32, #tpu.memory_space<vmem_shared>>
      tpu.wait_dma2 semaphore(%run_scoped3A : memref<!tpu.dma_semaphore, #tpu.memory_space<semaphore_mem>>) src(%dma_wait3A_306 : memref<64x32xf32, #tpu.memory_space<vmem_shared>>) dst(%dma_wait3A_304 : memref<64x32xf32, #tpu.memory_space<hbm>>)
      tpu.yield
    }) : () -> ()
    return
  }
}

#map = affine_map<(d0, d1) -> (0, 0)>
module attributes {stable_mosaic.version = 14 : i64} {
  func.func @_conv_body(%arg0: i32, %arg1: i32, %arg2: memref<200704x32xf32, #tpu.memory_space<hbm>>, %arg3: memref<12804x128xi32, #tpu.memory_space<hbm>>, %arg4: memref<6404x128xi32, #tpu.memory_space<hbm>>, %arg5: memref<1024x32xf32, #tpu.memory_space<hbm>>, %arg6: memref<50176x128xf32, #tpu.memory_space<hbm>>, %arg7: memref<2x2x128xi32, #tpu.memory_space<vmem>>, %arg8: memref<2x2x128xi32, #tpu.memory_space<vmem>>, %arg9: memref<2x2x128x32xf32, #tpu.memory_space<vmem>>, %arg10: memref<50688x32xf32, #tpu.memory_space<vmem_shared>>, %arg11: memref<!tpu.dma_semaphore, #tpu.memory_space<semaphore_mem>>, %arg12: memref<!tpu.dma_semaphore, #tpu.memory_space<semaphore_mem>>, %arg13: memref<!tpu.dma_semaphore, #tpu.memory_space<semaphore_mem>>, %arg14: memref<!tpu.dma_semaphore, #tpu.memory_space<semaphore_mem>>, %arg15: memref<!tpu.dma_semaphore, #tpu.memory_space<semaphore_mem>>, %arg16: memref<!tpu.dma_semaphore, #tpu.memory_space<semaphore_mem>>, %arg17: memref<!tpu.dma_semaphore, #tpu.memory_space<semaphore_mem>>, %arg18: memref<!tpu.dma_semaphore, #tpu.memory_space<semaphore_mem>>) attributes {dimension_semantics = [#tpu.dimension_semantics<core_parallel>, #tpu.dimension_semantics<subcore_parallel>], iteration_bounds = array<i64: 2, 16>, scalar_prefetch = 0 : i64, scratch_operands = 12 : i64, tpu.core_type = #tpu.core_type<sc_vector_subcore>, window_params = [{transform_indices = #map}, {transform_indices = #map}, {transform_indices = #map}, {transform_indices = #map}, {transform_indices = #map}]} {
    %mul3A = arith.constant 3136 : i32
    %mul3A_0 = arith.muli %arg1, %mul3A : i32
    %add3A = arith.constant 0 : i32
    %add3A_1 = arith.addi %mul3A_0, %add3A : i32
    "tpu.region"() ({
      %run_scoped3A = tpu.sem_alloc : memref<!tpu.dma_semaphore, #tpu.memory_space<semaphore_mem>>
      %dma_start3A_301 = arith.constant 0 : i32
      %dma_start3A_302 = tpu.memref_slice %arg10[%add3A_1, %dma_start3A_301] : memref<50688x32xf32, #tpu.memory_space<vmem_shared>> -> memref<1024x32xf32, #tpu.memory_space<vmem_shared>>
      %dma_start3A_303 = arith.constant 0 : i32
      %dma_start3A_304 = arith.constant 0 : i32
      %dma_start3A_305 = tpu.memref_slice %arg5[%dma_start3A_303, %dma_start3A_304] : memref<1024x32xf32, #tpu.memory_space<hbm>> -> memref<1024x32xf32, #tpu.memory_space<hbm>>
      tpu.enqueue_dma source(%dma_start3A_305 : memref<1024x32xf32, #tpu.memory_space<hbm>>) target(%dma_start3A_302 : memref<1024x32xf32, #tpu.memory_space<vmem_shared>>) target_semaphore(%run_scoped3A : memref<!tpu.dma_semaphore, #tpu.memory_space<semaphore_mem>>)
      %dma_wait3A_306 = arith.constant 0 : i32
      %dma_wait3A_307 = tpu.memref_slice %arg10[%add3A_1, %dma_wait3A_306] : memref<50688x32xf32, #tpu.memory_space<vmem_shared>> -> memref<1024x32xf32, #tpu.memory_space<vmem_shared>>
      %dma_wait3A_308 = arith.constant 0 : i32
      %dma_wait3A_309 = arith.constant 0 : i32
      %dma_wait3A_310 = tpu.memref_slice %arg5[%dma_wait3A_308, %dma_wait3A_309] : memref<1024x32xf32, #tpu.memory_space<hbm>> -> memref<1024x32xf32, #tpu.memory_space<hbm>>
      tpu.wait_dma2 semaphore(%run_scoped3A : memref<!tpu.dma_semaphore, #tpu.memory_space<semaphore_mem>>) src(%dma_wait3A_310 : memref<1024x32xf32, #tpu.memory_space<hbm>>) dst(%dma_wait3A_307 : memref<1024x32xf32, #tpu.memory_space<vmem_shared>>)
      tpu.yield
    }) : () -> ()
    %mul3A_2 = arith.constant 3136 : i32
    %mul3A_3 = arith.muli %arg1, %mul3A_2 : i32
    %add3A_4 = arith.constant 1024 : i32
    %add3A_5 = arith.addi %mul3A_3, %add3A_4 : i32
    "tpu.region"() ({
      %run_scoped3A = tpu.sem_alloc : memref<!tpu.dma_semaphore, #tpu.memory_space<semaphore_mem>>
      %dma_start3A_301 = arith.constant 0 : i32
      %dma_start3A_302 = tpu.memref_slice %arg10[%add3A_5, %dma_start3A_301] : memref<50688x32xf32, #tpu.memory_space<vmem_shared>> -> memref<1024x32xf32, #tpu.memory_space<vmem_shared>>
      %dma_start3A_303 = arith.constant 0 : i32
      %dma_start3A_304 = arith.constant 0 : i32
      %dma_start3A_305 = tpu.memref_slice %arg5[%dma_start3A_303, %dma_start3A_304] : memref<1024x32xf32, #tpu.memory_space<hbm>> -> memref<1024x32xf32, #tpu.memory_space<hbm>>
      tpu.enqueue_dma source(%dma_start3A_305 : memref<1024x32xf32, #tpu.memory_space<hbm>>) target(%dma_start3A_302 : memref<1024x32xf32, #tpu.memory_space<vmem_shared>>) target_semaphore(%run_scoped3A : memref<!tpu.dma_semaphore, #tpu.memory_space<semaphore_mem>>)
      %dma_wait3A_306 = arith.constant 0 : i32
      %dma_wait3A_307 = tpu.memref_slice %arg10[%add3A_5, %dma_wait3A_306] : memref<50688x32xf32, #tpu.memory_space<vmem_shared>> -> memref<1024x32xf32, #tpu.memory_space<vmem_shared>>
      %dma_wait3A_308 = arith.constant 0 : i32
      %dma_wait3A_309 = arith.constant 0 : i32
      %dma_wait3A_310 = tpu.memref_slice %arg5[%dma_wait3A_308, %dma_wait3A_309] : memref<1024x32xf32, #tpu.memory_space<hbm>> -> memref<1024x32xf32, #tpu.memory_space<hbm>>
      tpu.wait_dma2 semaphore(%run_scoped3A : memref<!tpu.dma_semaphore, #tpu.memory_space<semaphore_mem>>) src(%dma_wait3A_310 : memref<1024x32xf32, #tpu.memory_space<hbm>>) dst(%dma_wait3A_307 : memref<1024x32xf32, #tpu.memory_space<vmem_shared>>)
      tpu.yield
    }) : () -> ()
    %mul3A_6 = arith.constant 3136 : i32
    %mul3A_7 = arith.muli %arg1, %mul3A_6 : i32
    %add3A_8 = arith.constant 2048 : i32
    %add3A_9 = arith.addi %mul3A_7, %add3A_8 : i32
    "tpu.region"() ({
      %run_scoped3A = tpu.sem_alloc : memref<!tpu.dma_semaphore, #tpu.memory_space<semaphore_mem>>
      %dma_start3A_301 = arith.constant 0 : i32
      %dma_start3A_302 = tpu.memref_slice %arg10[%add3A_9, %dma_start3A_301] : memref<50688x32xf32, #tpu.memory_space<vmem_shared>> -> memref<1024x32xf32, #tpu.memory_space<vmem_shared>>
      %dma_start3A_303 = arith.constant 0 : i32
      %dma_start3A_304 = arith.constant 0 : i32
      %dma_start3A_305 = tpu.memref_slice %arg5[%dma_start3A_303, %dma_start3A_304] : memref<1024x32xf32, #tpu.memory_space<hbm>> -> memref<1024x32xf32, #tpu.memory_space<hbm>>
      tpu.enqueue_dma source(%dma_start3A_305 : memref<1024x32xf32, #tpu.memory_space<hbm>>) target(%dma_start3A_302 : memref<1024x32xf32, #tpu.memory_space<vmem_shared>>) target_semaphore(%run_scoped3A : memref<!tpu.dma_semaphore, #tpu.memory_space<semaphore_mem>>)
      %dma_wait3A_306 = arith.constant 0 : i32
      %dma_wait3A_307 = tpu.memref_slice %arg10[%add3A_9, %dma_wait3A_306] : memref<50688x32xf32, #tpu.memory_space<vmem_shared>> -> memref<1024x32xf32, #tpu.memory_space<vmem_shared>>
      %dma_wait3A_308 = arith.constant 0 : i32
      %dma_wait3A_309 = arith.constant 0 : i32
      %dma_wait3A_310 = tpu.memref_slice %arg5[%dma_wait3A_308, %dma_wait3A_309] : memref<1024x32xf32, #tpu.memory_space<hbm>> -> memref<1024x32xf32, #tpu.memory_space<hbm>>
      tpu.wait_dma2 semaphore(%run_scoped3A : memref<!tpu.dma_semaphore, #tpu.memory_space<semaphore_mem>>) src(%dma_wait3A_310 : memref<1024x32xf32, #tpu.memory_space<hbm>>) dst(%dma_wait3A_307 : memref<1024x32xf32, #tpu.memory_space<vmem_shared>>)
      tpu.yield
    }) : () -> ()
    %mul3A_10 = arith.constant 3136 : i32
    %mul3A_11 = arith.muli %arg1, %mul3A_10 : i32
    %add3A_12 = arith.constant 3072 : i32
    %add3A_13 = arith.addi %mul3A_11, %add3A_12 : i32
    "tpu.region"() ({
      %run_scoped3A = tpu.sem_alloc : memref<!tpu.dma_semaphore, #tpu.memory_space<semaphore_mem>>
      %dma_start3A_301 = arith.constant 0 : i32
      %dma_start3A_302 = tpu.memref_slice %arg10[%add3A_13, %dma_start3A_301] : memref<50688x32xf32, #tpu.memory_space<vmem_shared>> -> memref<64x32xf32, #tpu.memory_space<vmem_shared>>
      %dma_start3A_303 = arith.constant 0 : i32
      %dma_start3A_304 = arith.constant 0 : i32
      %dma_start3A_305 = tpu.memref_slice %arg5[%dma_start3A_303, %dma_start3A_304] : memref<1024x32xf32, #tpu.memory_space<hbm>> -> memref<64x32xf32, #tpu.memory_space<hbm>>
      tpu.enqueue_dma source(%dma_start3A_305 : memref<64x32xf32, #tpu.memory_space<hbm>>) target(%dma_start3A_302 : memref<64x32xf32, #tpu.memory_space<vmem_shared>>) target_semaphore(%run_scoped3A : memref<!tpu.dma_semaphore, #tpu.memory_space<semaphore_mem>>)
      %dma_wait3A_306 = arith.constant 0 : i32
      %dma_wait3A_307 = tpu.memref_slice %arg10[%add3A_13, %dma_wait3A_306] : memref<50688x32xf32, #tpu.memory_space<vmem_shared>> -> memref<64x32xf32, #tpu.memory_space<vmem_shared>>
      %dma_wait3A_308 = arith.constant 0 : i32
      %dma_wait3A_309 = arith.constant 0 : i32
      %dma_wait3A_310 = tpu.memref_slice %arg5[%dma_wait3A_308, %dma_wait3A_309] : memref<1024x32xf32, #tpu.memory_space<hbm>> -> memref<64x32xf32, #tpu.memory_space<hbm>>
      tpu.wait_dma2 semaphore(%run_scoped3A : memref<!tpu.dma_semaphore, #tpu.memory_space<semaphore_mem>>) src(%dma_wait3A_310 : memref<64x32xf32, #tpu.memory_space<hbm>>) dst(%dma_wait3A_307 : memref<64x32xf32, #tpu.memory_space<vmem_shared>>)
      tpu.yield
    }) : () -> ()
    %barrier3A = arith.constant 0 : index
    tpu.barrier barrier_id(%barrier3A)
    %mul3A_14 = arith.constant 819200 : i32
    %mul3A_15 = arith.muli %arg0, %mul3A_14 : i32
    %mul3A_16 = arith.constant 51200 : i32
    %mul3A_17 = arith.muli %arg1, %mul3A_16 : i32
    %add3A_18 = arith.addi %mul3A_15, %mul3A_17 : i32
    %jit3A = arith.constant 128 : i32
    %div3A = arith.divsi %add3A_18, %jit3A : i32
    %sign3A = arith.constant 0 : i32
    %sign3A_19 = arith.cmpi sgt, %add3A_18, %sign3A : i32
    %sign3A_20 = arith.extui %sign3A_19 : i1 to i32
    %sign3A_21 = arith.constant 0 : i32
    %sign3A_22 = arith.cmpi slt, %add3A_18, %sign3A_21 : i32
    %sign3A_23 = arith.extui %sign3A_22 : i1 to i32
    %sign3A_24 = arith.subi %sign3A_20, %sign3A_23 : i32
    %sign3A_25 = arith.constant 0 : i32
    %sign3A_26 = arith.cmpi sgt, %jit3A, %sign3A_25 : i32
    %sign3A_27 = arith.extui %sign3A_26 : i1 to i32
    %sign3A_28 = arith.constant 0 : i32
    %sign3A_29 = arith.cmpi slt, %jit3A, %sign3A_28 : i32
    %sign3A_30 = arith.extui %sign3A_29 : i1 to i32
    %sign3A_31 = arith.subi %sign3A_27, %sign3A_30 : i32
    %ne3A = arith.cmpi ne, %sign3A_24, %sign3A_31 : i32
    %rem3A = arith.remsi %add3A_18, %jit3A : i32
    %ne3A_32 = arith.constant 0 : i32
    %ne3A_33 = arith.cmpi ne, %rem3A, %ne3A_32 : i32
    %and3A = arith.andi %ne3A, %ne3A_33 : i1
    %sub3A = arith.constant 1 : i32
    %sub3A_34 = arith.subi %div3A, %sub3A : i32
    %select_n3A = arith.select %and3A, %sub3A_34, %div3A : i32
    %mul3A_35 = arith.constant 51200 : i32
    %mul3A_36 = arith.muli %arg1, %mul3A_35 : i32
    %jit3A_37 = arith.constant 128 : i32
    %div3A_38 = arith.divsi %mul3A_36, %jit3A_37 : i32
    %sign3A_39 = arith.constant 0 : i32
    %sign3A_40 = arith.cmpi sgt, %mul3A_36, %sign3A_39 : i32
    %sign3A_41 = arith.extui %sign3A_40 : i1 to i32
    %sign3A_42 = arith.constant 0 : i32
    %sign3A_43 = arith.cmpi slt, %mul3A_36, %sign3A_42 : i32
    %sign3A_44 = arith.extui %sign3A_43 : i1 to i32
    %sign3A_45 = arith.subi %sign3A_41, %sign3A_44 : i32
    %sign3A_46 = arith.constant 0 : i32
    %sign3A_47 = arith.cmpi sgt, %jit3A_37, %sign3A_46 : i32
    %sign3A_48 = arith.extui %sign3A_47 : i1 to i32
    %sign3A_49 = arith.constant 0 : i32
    %sign3A_50 = arith.cmpi slt, %jit3A_37, %sign3A_49 : i32
    %sign3A_51 = arith.extui %sign3A_50 : i1 to i32
    %sign3A_52 = arith.subi %sign3A_48, %sign3A_51 : i32
    %ne3A_53 = arith.cmpi ne, %sign3A_45, %sign3A_52 : i32
    %rem3A_54 = arith.remsi %mul3A_36, %jit3A_37 : i32
    %ne3A_55 = arith.constant 0 : i32
    %ne3A_56 = arith.cmpi ne, %rem3A_54, %ne3A_55 : i32
    %and3A_57 = arith.andi %ne3A_53, %ne3A_56 : i1
    %sub3A_58 = arith.constant 1 : i32
    %sub3A_59 = arith.subi %div3A_38, %sub3A_58 : i32
    %select_n3A_60 = arith.select %and3A_57, %sub3A_59, %div3A_38 : i32
    %add3A_61 = arith.constant 0 : i32
    %add3A_62 = arith.addi %select_n3A, %add3A_61 : i32
    %dma_start3A = arith.constant 0 : i32
    %dma_start3A_63 = arith.constant 0 : i32
    %dma_start3A_64 = arith.constant 0 : i32
    %dma_start3A_65 = tpu.memref_slice %arg7[%dma_start3A, %dma_start3A_63, %dma_start3A_64] : memref<2x2x128xi32, #tpu.memory_space<vmem>> -> memref<1x2x128xi32, #tpu.memory_space<vmem>>
    %dma_start3A_66 = tpu.memref_squeeze %dma_start3A_65 : memref<1x2x128xi32, #tpu.memory_space<vmem>> -> memref<2x128xi32, #tpu.memory_space<vmem>>
    %dma_start3A_67 = arith.constant 0 : i32
    %dma_start3A_68 = tpu.memref_slice %arg3[%add3A_62, %dma_start3A_67] : memref<12804x128xi32, #tpu.memory_space<hbm>> -> memref<2x128xi32, #tpu.memory_space<hbm>>
    %dma_start3A_69 = arith.constant 0 : i32
    %dma_start3A_70 = arith.constant 0 : i32
    %dma_start3A_71 = tpu.memref_slice %arg7[%dma_start3A, %dma_start3A_69, %dma_start3A_70] : memref<2x2x128xi32, #tpu.memory_space<vmem>> -> memref<1x2x128xi32, #tpu.memory_space<vmem>>
    %dma_start3A_72 = tpu.memref_squeeze %dma_start3A_71 : memref<1x2x128xi32, #tpu.memory_space<vmem>> -> memref<2x128xi32, #tpu.memory_space<vmem>>
    %dma_start3A_73 = arith.constant 0 : i32
    %dma_start3A_74 = tpu.memref_slice %arg3[%add3A_62, %dma_start3A_73] : memref<12804x128xi32, #tpu.memory_space<hbm>> -> memref<2x128xi32, #tpu.memory_space<hbm>>
    tpu.enqueue_dma source(%dma_start3A_74 : memref<2x128xi32, #tpu.memory_space<hbm>>) target(%dma_start3A_72 : memref<2x128xi32, #tpu.memory_space<vmem>>) target_semaphore(%arg11 : memref<!tpu.dma_semaphore, #tpu.memory_space<semaphore_mem>>)
    %add3A_75 = arith.constant 0 : i32
    %add3A_76 = arith.addi %select_n3A_60, %add3A_75 : i32
    %dma_start3A_77 = arith.constant 0 : i32
    %dma_start3A_78 = arith.constant 0 : i32
    %dma_start3A_79 = arith.constant 0 : i32
    %dma_start3A_80 = tpu.memref_slice %arg8[%dma_start3A_77, %dma_start3A_78, %dma_start3A_79] : memref<2x2x128xi32, #tpu.memory_space<vmem>> -> memref<1x2x128xi32, #tpu.memory_space<vmem>>
    %dma_start3A_81 = tpu.memref_squeeze %dma_start3A_80 : memref<1x2x128xi32, #tpu.memory_space<vmem>> -> memref<2x128xi32, #tpu.memory_space<vmem>>
    %dma_start3A_82 = arith.constant 0 : i32
    %dma_start3A_83 = tpu.memref_slice %arg4[%add3A_76, %dma_start3A_82] : memref<6404x128xi32, #tpu.memory_space<hbm>> -> memref<2x128xi32, #tpu.memory_space<hbm>>
    %dma_start3A_84 = arith.constant 0 : i32
    %dma_start3A_85 = arith.constant 0 : i32
    %dma_start3A_86 = tpu.memref_slice %arg8[%dma_start3A_77, %dma_start3A_84, %dma_start3A_85] : memref<2x2x128xi32, #tpu.memory_space<vmem>> -> memref<1x2x128xi32, #tpu.memory_space<vmem>>
    %dma_start3A_87 = tpu.memref_squeeze %dma_start3A_86 : memref<1x2x128xi32, #tpu.memory_space<vmem>> -> memref<2x128xi32, #tpu.memory_space<vmem>>
    %dma_start3A_88 = arith.constant 0 : i32
    %dma_start3A_89 = tpu.memref_slice %arg4[%add3A_76, %dma_start3A_88] : memref<6404x128xi32, #tpu.memory_space<hbm>> -> memref<2x128xi32, #tpu.memory_space<hbm>>
    tpu.enqueue_dma source(%dma_start3A_89 : memref<2x128xi32, #tpu.memory_space<hbm>>) target(%dma_start3A_87 : memref<2x128xi32, #tpu.memory_space<vmem>>) target_semaphore(%arg13 : memref<!tpu.dma_semaphore, #tpu.memory_space<semaphore_mem>>)
    %add3A_90 = arith.constant 2 : i32
    %add3A_91 = arith.addi %select_n3A, %add3A_90 : i32
    %dma_start3A_92 = arith.constant 1 : i32
    %dma_start3A_93 = arith.constant 0 : i32
    %dma_start3A_94 = arith.constant 0 : i32
    %dma_start3A_95 = tpu.memref_slice %arg7[%dma_start3A_92, %dma_start3A_93, %dma_start3A_94] : memref<2x2x128xi32, #tpu.memory_space<vmem>> -> memref<1x2x128xi32, #tpu.memory_space<vmem>>
    %dma_start3A_96 = tpu.memref_squeeze %dma_start3A_95 : memref<1x2x128xi32, #tpu.memory_space<vmem>> -> memref<2x128xi32, #tpu.memory_space<vmem>>
    %dma_start3A_97 = arith.constant 0 : i32
    %dma_start3A_98 = tpu.memref_slice %arg3[%add3A_91, %dma_start3A_97] : memref<12804x128xi32, #tpu.memory_space<hbm>> -> memref<2x128xi32, #tpu.memory_space<hbm>>
    %dma_start3A_99 = arith.constant 0 : i32
    %dma_start3A_100 = arith.constant 0 : i32
    %dma_start3A_101 = tpu.memref_slice %arg7[%dma_start3A_92, %dma_start3A_99, %dma_start3A_100] : memref<2x2x128xi32, #tpu.memory_space<vmem>> -> memref<1x2x128xi32, #tpu.memory_space<vmem>>
    %dma_start3A_102 = tpu.memref_squeeze %dma_start3A_101 : memref<1x2x128xi32, #tpu.memory_space<vmem>> -> memref<2x128xi32, #tpu.memory_space<vmem>>
    %dma_start3A_103 = arith.constant 0 : i32
    %dma_start3A_104 = tpu.memref_slice %arg3[%add3A_91, %dma_start3A_103] : memref<12804x128xi32, #tpu.memory_space<hbm>> -> memref<2x128xi32, #tpu.memory_space<hbm>>
    tpu.enqueue_dma source(%dma_start3A_104 : memref<2x128xi32, #tpu.memory_space<hbm>>) target(%dma_start3A_102 : memref<2x128xi32, #tpu.memory_space<vmem>>) target_semaphore(%arg12 : memref<!tpu.dma_semaphore, #tpu.memory_space<semaphore_mem>>)
    %add3A_105 = arith.constant 2 : i32
    %add3A_106 = arith.addi %select_n3A_60, %add3A_105 : i32
    %dma_start3A_107 = arith.constant 1 : i32
    %dma_start3A_108 = arith.constant 0 : i32
    %dma_start3A_109 = arith.constant 0 : i32
    %dma_start3A_110 = tpu.memref_slice %arg8[%dma_start3A_107, %dma_start3A_108, %dma_start3A_109] : memref<2x2x128xi32, #tpu.memory_space<vmem>> -> memref<1x2x128xi32, #tpu.memory_space<vmem>>
    %dma_start3A_111 = tpu.memref_squeeze %dma_start3A_110 : memref<1x2x128xi32, #tpu.memory_space<vmem>> -> memref<2x128xi32, #tpu.memory_space<vmem>>
    %dma_start3A_112 = arith.constant 0 : i32
    %dma_start3A_113 = tpu.memref_slice %arg4[%add3A_106, %dma_start3A_112] : memref<6404x128xi32, #tpu.memory_space<hbm>> -> memref<2x128xi32, #tpu.memory_space<hbm>>
    %dma_start3A_114 = arith.constant 0 : i32
    %dma_start3A_115 = arith.constant 0 : i32
    %dma_start3A_116 = tpu.memref_slice %arg8[%dma_start3A_107, %dma_start3A_114, %dma_start3A_115] : memref<2x2x128xi32, #tpu.memory_space<vmem>> -> memref<1x2x128xi32, #tpu.memory_space<vmem>>
    %dma_start3A_117 = tpu.memref_squeeze %dma_start3A_116 : memref<1x2x128xi32, #tpu.memory_space<vmem>> -> memref<2x128xi32, #tpu.memory_space<vmem>>
    %dma_start3A_118 = arith.constant 0 : i32
    %dma_start3A_119 = tpu.memref_slice %arg4[%add3A_106, %dma_start3A_118] : memref<6404x128xi32, #tpu.memory_space<hbm>> -> memref<2x128xi32, #tpu.memory_space<hbm>>
    tpu.enqueue_dma source(%dma_start3A_119 : memref<2x128xi32, #tpu.memory_space<hbm>>) target(%dma_start3A_117 : memref<2x128xi32, #tpu.memory_space<vmem>>) target_semaphore(%arg14 : memref<!tpu.dma_semaphore, #tpu.memory_space<semaphore_mem>>)
    %dma_wait3A = arith.constant 0 : i32
    %dma_wait3A_120 = arith.constant 0 : i32
    %dma_wait3A_121 = arith.constant 0 : i32
    %dma_wait3A_122 = tpu.memref_slice %arg7[%dma_wait3A, %dma_wait3A_120, %dma_wait3A_121] : memref<2x2x128xi32, #tpu.memory_space<vmem>> -> memref<1x2x128xi32, #tpu.memory_space<vmem>>
    %dma_wait3A_123 = tpu.memref_squeeze %dma_wait3A_122 : memref<1x2x128xi32, #tpu.memory_space<vmem>> -> memref<2x128xi32, #tpu.memory_space<vmem>>
    %dma_wait3A_124 = arith.constant 0 : i32
    %dma_wait3A_125 = tpu.memref_slice %arg3[%select_n3A, %dma_wait3A_124] : memref<12804x128xi32, #tpu.memory_space<hbm>> -> memref<2x128xi32, #tpu.memory_space<hbm>>
    %dma_wait3A_126 = arith.constant 0 : i32
    %dma_wait3A_127 = arith.constant 0 : i32
    %dma_wait3A_128 = tpu.memref_slice %arg7[%dma_wait3A, %dma_wait3A_126, %dma_wait3A_127] : memref<2x2x128xi32, #tpu.memory_space<vmem>> -> memref<1x2x128xi32, #tpu.memory_space<vmem>>
    %dma_wait3A_129 = tpu.memref_squeeze %dma_wait3A_128 : memref<1x2x128xi32, #tpu.memory_space<vmem>> -> memref<2x128xi32, #tpu.memory_space<vmem>>
    %dma_wait3A_130 = arith.constant 0 : i32
    %dma_wait3A_131 = tpu.memref_slice %arg3[%select_n3A, %dma_wait3A_130] : memref<12804x128xi32, #tpu.memory_space<hbm>> -> memref<2x128xi32, #tpu.memory_space<hbm>>
    tpu.wait_dma2 semaphore(%arg11 : memref<!tpu.dma_semaphore, #tpu.memory_space<semaphore_mem>>) src(%dma_wait3A_131 : memref<2x128xi32, #tpu.memory_space<hbm>>) dst(%dma_wait3A_129 : memref<2x128xi32, #tpu.memory_space<vmem>>)
    %dma_start3A_132 = arith.constant 0 : i32
    %dma_start3A_133 = arith.constant 0 : i32
    %dma_start3A_134 = arith.constant 0 : i32
    %dma_start3A_135 = arith.constant 0 : i32
    %dma_start3A_136 = arith.constant 0 : i32
    %dma_start3A_137 = arith.constant 0 : i32
    %dma_start3A_138 = tpu.memref_slice %arg9[%dma_start3A_134, %dma_start3A_135, %dma_start3A_136, %dma_start3A_137] : memref<2x2x128x32xf32, #tpu.memory_space<vmem>> -> memref<1x1x128x32xf32, #tpu.memory_space<vmem>>
    %dma_start3A_139 = tpu.memref_squeeze %dma_start3A_138 : memref<1x1x128x32xf32, #tpu.memory_space<vmem>> -> memref<128x32xf32, #tpu.memory_space<vmem>>
    %dma_start3A_140 = arith.constant 0 : i32
    %dma_start3A_141 = tpu.memref_slice %arg7[%dma_start3A_132, %dma_start3A_133, %dma_start3A_140] : memref<2x2x128xi32, #tpu.memory_space<vmem>> -> memref<1x1x128xi32, #tpu.memory_space<vmem>>
    %dma_start3A_142 = tpu.memref_squeeze %dma_start3A_141 : memref<1x1x128xi32, #tpu.memory_space<vmem>> -> memref<128xi32, #tpu.memory_space<vmem>>
    %dma_start3A_143 = arith.constant 0 : i32
    %dma_start3A_144 = arith.constant 0 : i32
    %dma_start3A_145 = tpu.memref_slice %arg2[%dma_start3A_143, %dma_start3A_144] : memref<200704x32xf32, #tpu.memory_space<hbm>> -> memref<200704x32xf32, #tpu.memory_space<hbm>>
    tpu.enqueue_indirect_dma source(%dma_start3A_145 : memref<200704x32xf32, #tpu.memory_space<hbm>>) target(%dma_start3A_139 : memref<128x32xf32, #tpu.memory_space<vmem>>) offsets(%dma_start3A_142 : memref<128xi32, #tpu.memory_space<vmem>>) semaphore(%arg15 : memref<!tpu.dma_semaphore, #tpu.memory_space<semaphore_mem>>)
    %dma_start3A_146 = arith.constant 0 : i32
    %dma_start3A_147 = arith.constant 1 : i32
    %dma_start3A_148 = arith.constant 0 : i32
    %dma_start3A_149 = arith.constant 1 : i32
    %dma_start3A_150 = arith.constant 0 : i32
    %dma_start3A_151 = arith.constant 0 : i32
    %dma_start3A_152 = tpu.memref_slice %arg9[%dma_start3A_148, %dma_start3A_149, %dma_start3A_150, %dma_start3A_151] : memref<2x2x128x32xf32, #tpu.memory_space<vmem>> -> memref<1x1x128x32xf32, #tpu.memory_space<vmem>>
    %dma_start3A_153 = tpu.memref_squeeze %dma_start3A_152 : memref<1x1x128x32xf32, #tpu.memory_space<vmem>> -> memref<128x32xf32, #tpu.memory_space<vmem>>
    %dma_start3A_154 = arith.constant 0 : i32
    %dma_start3A_155 = tpu.memref_slice %arg7[%dma_start3A_146, %dma_start3A_147, %dma_start3A_154] : memref<2x2x128xi32, #tpu.memory_space<vmem>> -> memref<1x1x128xi32, #tpu.memory_space<vmem>>
    %dma_start3A_156 = tpu.memref_squeeze %dma_start3A_155 : memref<1x1x128xi32, #tpu.memory_space<vmem>> -> memref<128xi32, #tpu.memory_space<vmem>>
    %dma_start3A_157 = arith.constant 0 : i32
    %dma_start3A_158 = arith.constant 0 : i32
    %dma_start3A_159 = tpu.memref_slice %arg2[%dma_start3A_157, %dma_start3A_158] : memref<200704x32xf32, #tpu.memory_space<hbm>> -> memref<200704x32xf32, #tpu.memory_space<hbm>>
    tpu.enqueue_indirect_dma source(%dma_start3A_159 : memref<200704x32xf32, #tpu.memory_space<hbm>>) target(%dma_start3A_153 : memref<128x32xf32, #tpu.memory_space<vmem>>) offsets(%dma_start3A_156 : memref<128xi32, #tpu.memory_space<vmem>>) semaphore(%arg15 : memref<!tpu.dma_semaphore, #tpu.memory_space<semaphore_mem>>)
    %scan3A = arith.constant 0 : i32
    %scan3A_160 = arith.constant 0 : i32
    %scan3A_161 = arith.constant 100 : i32
    %scan3A_162 = arith.addi %scan3A_160, %scan3A_161 : i32
    %scan3A_163 = arith.constant 1 : i32
    scf.for %scan3A_301 = %scan3A_160 to %scan3A_162 step %scan3A_163  : i32 {
      %mul3A_302 = arith.constant 2 : i32
      %mul3A_303 = arith.muli %mul3A_302, %scan3A_301 : i32
      %add3A_304 = arith.constant 0 : i32
      %add3A_305 = arith.addi %mul3A_303, %add3A_304 : i32
      %gt3A = arith.constant 0 : i32
      %gt3A_306 = arith.cmpi sgt, %scan3A_301, %gt3A : i32
      %convert_element_type3A = arith.extui %gt3A_306 : i1 to i32
      %cond3A = arith.constant 0 : i32
      %cond3A_307 = arith.cmpi ne, %convert_element_type3A, %cond3A : i32
      scf.if %cond3A_307 {
        %dma_wait3A_628 = arith.constant 1 : i32
        %dma_wait3A_629 = arith.constant 0 : i32
        %dma_wait3A_630 = arith.constant 1 : i32
        %dma_wait3A_631 = arith.constant 0 : i32
        %dma_wait3A_632 = arith.constant 0 : i32
        %dma_wait3A_633 = arith.constant 0 : i32
        %dma_wait3A_634 = tpu.memref_slice %arg9[%dma_wait3A_628, %dma_wait3A_629, %dma_wait3A_632, %dma_wait3A_633] : memref<2x2x128x32xf32, #tpu.memory_space<vmem>> -> memref<1x1x128x32xf32, #tpu.memory_space<vmem>>
        %dma_wait3A_635 = tpu.memref_squeeze %dma_wait3A_634 : memref<1x1x128x32xf32, #tpu.memory_space<vmem>> -> memref<128x32xf32, #tpu.memory_space<vmem>>
        %dma_wait3A_636 = arith.constant 0 : i32
        %dma_wait3A_637 = tpu.memref_slice %arg8[%dma_wait3A_630, %dma_wait3A_631, %dma_wait3A_636] : memref<2x2x128xi32, #tpu.memory_space<vmem>> -> memref<1x1x128xi32, #tpu.memory_space<vmem>>
        %dma_wait3A_638 = tpu.memref_squeeze %dma_wait3A_637 : memref<1x1x128xi32, #tpu.memory_space<vmem>> -> memref<128xi32, #tpu.memory_space<vmem>>
        %dma_wait3A_639 = arith.constant 0 : i32
        %dma_wait3A_640 = arith.constant 0 : i32
        %dma_wait3A_641 = tpu.memref_slice %arg10[%dma_wait3A_639, %dma_wait3A_640] : memref<50688x32xf32, #tpu.memory_space<vmem_shared>> -> memref<50688x32xf32, #tpu.memory_space<vmem_shared>>
        tpu.wait_indirect_dma semaphore(%arg18 : memref<!tpu.dma_semaphore, #tpu.memory_space<semaphore_mem>>) src(%dma_wait3A_635 : memref<128x32xf32, #tpu.memory_space<vmem>>) dst(%dma_wait3A_641 : memref<50688x32xf32, #tpu.memory_space<vmem_shared>>)
        %dma_wait3A_642 = arith.constant 1 : i32
        %dma_wait3A_643 = arith.constant 1 : i32
        %dma_wait3A_644 = arith.constant 1 : i32
        %dma_wait3A_645 = arith.constant 1 : i32
        %dma_wait3A_646 = arith.constant 0 : i32
        %dma_wait3A_647 = arith.constant 0 : i32
        %dma_wait3A_648 = tpu.memref_slice %arg9[%dma_wait3A_642, %dma_wait3A_643, %dma_wait3A_646, %dma_wait3A_647] : memref<2x2x128x32xf32, #tpu.memory_space<vmem>> -> memref<1x1x128x32xf32, #tpu.memory_space<vmem>>
        %dma_wait3A_649 = tpu.memref_squeeze %dma_wait3A_648 : memref<1x1x128x32xf32, #tpu.memory_space<vmem>> -> memref<128x32xf32, #tpu.memory_space<vmem>>
        %dma_wait3A_650 = arith.constant 0 : i32
        %dma_wait3A_651 = tpu.memref_slice %arg8[%dma_wait3A_644, %dma_wait3A_645, %dma_wait3A_650] : memref<2x2x128xi32, #tpu.memory_space<vmem>> -> memref<1x1x128xi32, #tpu.memory_space<vmem>>
        %dma_wait3A_652 = tpu.memref_squeeze %dma_wait3A_651 : memref<1x1x128xi32, #tpu.memory_space<vmem>> -> memref<128xi32, #tpu.memory_space<vmem>>
        %dma_wait3A_653 = arith.constant 0 : i32
        %dma_wait3A_654 = arith.constant 0 : i32
        %dma_wait3A_655 = tpu.memref_slice %arg10[%dma_wait3A_653, %dma_wait3A_654] : memref<50688x32xf32, #tpu.memory_space<vmem_shared>> -> memref<50688x32xf32, #tpu.memory_space<vmem_shared>>
        tpu.wait_indirect_dma semaphore(%arg18 : memref<!tpu.dma_semaphore, #tpu.memory_space<semaphore_mem>>) src(%dma_wait3A_649 : memref<128x32xf32, #tpu.memory_space<vmem>>) dst(%dma_wait3A_655 : memref<50688x32xf32, #tpu.memory_space<vmem_shared>>)
      } else {
      }
      %dma_wait3A_308 = arith.constant 1 : i32
      %dma_wait3A_309 = arith.constant 0 : i32
      %dma_wait3A_310 = arith.constant 0 : i32
      %dma_wait3A_311 = tpu.memref_slice %arg7[%dma_wait3A_308, %dma_wait3A_309, %dma_wait3A_310] : memref<2x2x128xi32, #tpu.memory_space<vmem>> -> memref<1x2x128xi32, #tpu.memory_space<vmem>>
      %dma_wait3A_312 = tpu.memref_squeeze %dma_wait3A_311 : memref<1x2x128xi32, #tpu.memory_space<vmem>> -> memref<2x128xi32, #tpu.memory_space<vmem>>
      %dma_wait3A_313 = arith.constant 0 : i32
      %dma_wait3A_314 = tpu.memref_slice %arg3[%select_n3A, %dma_wait3A_313] : memref<12804x128xi32, #tpu.memory_space<hbm>> -> memref<2x128xi32, #tpu.memory_space<hbm>>
      %dma_wait3A_315 = arith.constant 0 : i32
      %dma_wait3A_316 = arith.constant 0 : i32
      %dma_wait3A_317 = tpu.memref_slice %arg7[%dma_wait3A_308, %dma_wait3A_315, %dma_wait3A_316] : memref<2x2x128xi32, #tpu.memory_space<vmem>> -> memref<1x2x128xi32, #tpu.memory_space<vmem>>
      %dma_wait3A_318 = tpu.memref_squeeze %dma_wait3A_317 : memref<1x2x128xi32, #tpu.memory_space<vmem>> -> memref<2x128xi32, #tpu.memory_space<vmem>>
      %dma_wait3A_319 = arith.constant 0 : i32
      %dma_wait3A_320 = tpu.memref_slice %arg3[%select_n3A, %dma_wait3A_319] : memref<12804x128xi32, #tpu.memory_space<hbm>> -> memref<2x128xi32, #tpu.memory_space<hbm>>
      tpu.wait_dma2 semaphore(%arg12 : memref<!tpu.dma_semaphore, #tpu.memory_space<semaphore_mem>>) src(%dma_wait3A_320 : memref<2x128xi32, #tpu.memory_space<hbm>>) dst(%dma_wait3A_318 : memref<2x128xi32, #tpu.memory_space<vmem>>)
      %dma_start3A_321 = arith.constant 1 : i32
      %dma_start3A_322 = arith.constant 0 : i32
      %dma_start3A_323 = arith.constant 1 : i32
      %dma_start3A_324 = arith.constant 0 : i32
      %dma_start3A_325 = arith.constant 0 : i32
      %dma_start3A_326 = arith.constant 0 : i32
      %dma_start3A_327 = tpu.memref_slice %arg9[%dma_start3A_323, %dma_start3A_324, %dma_start3A_325, %dma_start3A_326] : memref<2x2x128x32xf32, #tpu.memory_space<vmem>> -> memref<1x1x128x32xf32, #tpu.memory_space<vmem>>
      %dma_start3A_328 = tpu.memref_squeeze %dma_start3A_327 : memref<1x1x128x32xf32, #tpu.memory_space<vmem>> -> memref<128x32xf32, #tpu.memory_space<vmem>>
      %dma_start3A_329 = arith.constant 0 : i32
      %dma_start3A_330 = tpu.memref_slice %arg7[%dma_start3A_321, %dma_start3A_322, %dma_start3A_329] : memref<2x2x128xi32, #tpu.memory_space<vmem>> -> memref<1x1x128xi32, #tpu.memory_space<vmem>>
      %dma_start3A_331 = tpu.memref_squeeze %dma_start3A_330 : memref<1x1x128xi32, #tpu.memory_space<vmem>> -> memref<128xi32, #tpu.memory_space<vmem>>
      %dma_start3A_332 = arith.constant 0 : i32
      %dma_start3A_333 = arith.constant 0 : i32
      %dma_start3A_334 = tpu.memref_slice %arg2[%dma_start3A_332, %dma_start3A_333] : memref<200704x32xf32, #tpu.memory_space<hbm>> -> memref<200704x32xf32, #tpu.memory_space<hbm>>
      tpu.enqueue_indirect_dma source(%dma_start3A_334 : memref<200704x32xf32, #tpu.memory_space<hbm>>) target(%dma_start3A_328 : memref<128x32xf32, #tpu.memory_space<vmem>>) offsets(%dma_start3A_331 : memref<128xi32, #tpu.memory_space<vmem>>) semaphore(%arg16 : memref<!tpu.dma_semaphore, #tpu.memory_space<semaphore_mem>>)
      %dma_start3A_335 = arith.constant 1 : i32
      %dma_start3A_336 = arith.constant 1 : i32
      %dma_start3A_337 = arith.constant 1 : i32
      %dma_start3A_338 = arith.constant 1 : i32
      %dma_start3A_339 = arith.constant 0 : i32
      %dma_start3A_340 = arith.constant 0 : i32
      %dma_start3A_341 = tpu.memref_slice %arg9[%dma_start3A_337, %dma_start3A_338, %dma_start3A_339, %dma_start3A_340] : memref<2x2x128x32xf32, #tpu.memory_space<vmem>> -> memref<1x1x128x32xf32, #tpu.memory_space<vmem>>
      %dma_start3A_342 = tpu.memref_squeeze %dma_start3A_341 : memref<1x1x128x32xf32, #tpu.memory_space<vmem>> -> memref<128x32xf32, #tpu.memory_space<vmem>>
      %dma_start3A_343 = arith.constant 0 : i32
      %dma_start3A_344 = tpu.memref_slice %arg7[%dma_start3A_335, %dma_start3A_336, %dma_start3A_343] : memref<2x2x128xi32, #tpu.memory_space<vmem>> -> memref<1x1x128xi32, #tpu.memory_space<vmem>>
      %dma_start3A_345 = tpu.memref_squeeze %dma_start3A_344 : memref<1x1x128xi32, #tpu.memory_space<vmem>> -> memref<128xi32, #tpu.memory_space<vmem>>
      %dma_start3A_346 = arith.constant 0 : i32
      %dma_start3A_347 = arith.constant 0 : i32
      %dma_start3A_348 = tpu.memref_slice %arg2[%dma_start3A_346, %dma_start3A_347] : memref<200704x32xf32, #tpu.memory_space<hbm>> -> memref<200704x32xf32, #tpu.memory_space<hbm>>
      tpu.enqueue_indirect_dma source(%dma_start3A_348 : memref<200704x32xf32, #tpu.memory_space<hbm>>) target(%dma_start3A_342 : memref<128x32xf32, #tpu.memory_space<vmem>>) offsets(%dma_start3A_345 : memref<128xi32, #tpu.memory_space<vmem>>) semaphore(%arg16 : memref<!tpu.dma_semaphore, #tpu.memory_space<semaphore_mem>>)
      %dma_wait3A_349 = arith.constant 0 : i32
      %dma_wait3A_350 = arith.constant 0 : i32
      %dma_wait3A_351 = arith.constant 0 : i32
      %dma_wait3A_352 = arith.constant 0 : i32
      %dma_wait3A_353 = arith.constant 0 : i32
      %dma_wait3A_354 = arith.constant 0 : i32
      %dma_wait3A_355 = tpu.memref_slice %arg9[%dma_wait3A_351, %dma_wait3A_352, %dma_wait3A_353, %dma_wait3A_354] : memref<2x2x128x32xf32, #tpu.memory_space<vmem>> -> memref<1x1x128x32xf32, #tpu.memory_space<vmem>>
      %dma_wait3A_356 = tpu.memref_squeeze %dma_wait3A_355 : memref<1x1x128x32xf32, #tpu.memory_space<vmem>> -> memref<128x32xf32, #tpu.memory_space<vmem>>
      %dma_wait3A_357 = arith.constant 0 : i32
      %dma_wait3A_358 = tpu.memref_slice %arg7[%dma_wait3A_349, %dma_wait3A_350, %dma_wait3A_357] : memref<2x2x128xi32, #tpu.memory_space<vmem>> -> memref<1x1x128xi32, #tpu.memory_space<vmem>>
      %dma_wait3A_359 = tpu.memref_squeeze %dma_wait3A_358 : memref<1x1x128xi32, #tpu.memory_space<vmem>> -> memref<128xi32, #tpu.memory_space<vmem>>
      %dma_wait3A_360 = arith.constant 0 : i32
      %dma_wait3A_361 = arith.constant 0 : i32
      %dma_wait3A_362 = tpu.memref_slice %arg2[%dma_wait3A_360, %dma_wait3A_361] : memref<200704x32xf32, #tpu.memory_space<hbm>> -> memref<200704x32xf32, #tpu.memory_space<hbm>>
      tpu.wait_indirect_dma semaphore(%arg15 : memref<!tpu.dma_semaphore, #tpu.memory_space<semaphore_mem>>) src(%dma_wait3A_362 : memref<200704x32xf32, #tpu.memory_space<hbm>>) dst(%dma_wait3A_356 : memref<128x32xf32, #tpu.memory_space<vmem>>)
      %dma_wait3A_363 = arith.constant 0 : i32
      %dma_wait3A_364 = arith.constant 1 : i32
      %dma_wait3A_365 = arith.constant 0 : i32
      %dma_wait3A_366 = arith.constant 1 : i32
      %dma_wait3A_367 = arith.constant 0 : i32
      %dma_wait3A_368 = arith.constant 0 : i32
      %dma_wait3A_369 = tpu.memref_slice %arg9[%dma_wait3A_365, %dma_wait3A_366, %dma_wait3A_367, %dma_wait3A_368] : memref<2x2x128x32xf32, #tpu.memory_space<vmem>> -> memref<1x1x128x32xf32, #tpu.memory_space<vmem>>
      %dma_wait3A_370 = tpu.memref_squeeze %dma_wait3A_369 : memref<1x1x128x32xf32, #tpu.memory_space<vmem>> -> memref<128x32xf32, #tpu.memory_space<vmem>>
      %dma_wait3A_371 = arith.constant 0 : i32
      %dma_wait3A_372 = tpu.memref_slice %arg7[%dma_wait3A_363, %dma_wait3A_364, %dma_wait3A_371] : memref<2x2x128xi32, #tpu.memory_space<vmem>> -> memref<1x1x128xi32, #tpu.memory_space<vmem>>
      %dma_wait3A_373 = tpu.memref_squeeze %dma_wait3A_372 : memref<1x1x128xi32, #tpu.memory_space<vmem>> -> memref<128xi32, #tpu.memory_space<vmem>>
      %dma_wait3A_374 = arith.constant 0 : i32
      %dma_wait3A_375 = arith.constant 0 : i32
      %dma_wait3A_376 = tpu.memref_slice %arg2[%dma_wait3A_374, %dma_wait3A_375] : memref<200704x32xf32, #tpu.memory_space<hbm>> -> memref<200704x32xf32, #tpu.memory_space<hbm>>
      tpu.wait_indirect_dma semaphore(%arg15 : memref<!tpu.dma_semaphore, #tpu.memory_space<semaphore_mem>>) src(%dma_wait3A_376 : memref<200704x32xf32, #tpu.memory_space<hbm>>) dst(%dma_wait3A_370 : memref<128x32xf32, #tpu.memory_space<vmem>>)
      %dma_wait3A_377 = arith.constant 0 : i32
      %dma_wait3A_378 = arith.constant 0 : i32
      %dma_wait3A_379 = arith.constant 0 : i32
      %dma_wait3A_380 = tpu.memref_slice %arg8[%dma_wait3A_377, %dma_wait3A_378, %dma_wait3A_379] : memref<2x2x128xi32, #tpu.memory_space<vmem>> -> memref<1x2x128xi32, #tpu.memory_space<vmem>>
      %dma_wait3A_381 = tpu.memref_squeeze %dma_wait3A_380 : memref<1x2x128xi32, #tpu.memory_space<vmem>> -> memref<2x128xi32, #tpu.memory_space<vmem>>
      %dma_wait3A_382 = arith.constant 0 : i32
      %dma_wait3A_383 = tpu.memref_slice %arg4[%select_n3A_60, %dma_wait3A_382] : memref<6404x128xi32, #tpu.memory_space<hbm>> -> memref<2x128xi32, #tpu.memory_space<hbm>>
      %dma_wait3A_384 = arith.constant 0 : i32
      %dma_wait3A_385 = arith.constant 0 : i32
      %dma_wait3A_386 = tpu.memref_slice %arg8[%dma_wait3A_377, %dma_wait3A_384, %dma_wait3A_385] : memref<2x2x128xi32, #tpu.memory_space<vmem>> -> memref<1x2x128xi32, #tpu.memory_space<vmem>>
      %dma_wait3A_387 = tpu.memref_squeeze %dma_wait3A_386 : memref<1x2x128xi32, #tpu.memory_space<vmem>> -> memref<2x128xi32, #tpu.memory_space<vmem>>
      %dma_wait3A_388 = arith.constant 0 : i32
      %dma_wait3A_389 = tpu.memref_slice %arg4[%select_n3A_60, %dma_wait3A_388] : memref<6404x128xi32, #tpu.memory_space<hbm>> -> memref<2x128xi32, #tpu.memory_space<hbm>>
      tpu.wait_dma2 semaphore(%arg13 : memref<!tpu.dma_semaphore, #tpu.memory_space<semaphore_mem>>) src(%dma_wait3A_389 : memref<2x128xi32, #tpu.memory_space<hbm>>) dst(%dma_wait3A_387 : memref<2x128xi32, #tpu.memory_space<vmem>>)
      %dma_start3A_390 = arith.constant 0 : i32
      %dma_start3A_391 = arith.constant 0 : i32
      %dma_start3A_392 = arith.constant 0 : i32
      %dma_start3A_393 = arith.constant 0 : i32
      %dma_start3A_394 = arith.constant 0 : i32
      %dma_start3A_395 = arith.constant 0 : i32
      %dma_start3A_396 = tpu.memref_slice %arg9[%dma_start3A_390, %dma_start3A_391, %dma_start3A_394, %dma_start3A_395] : memref<2x2x128x32xf32, #tpu.memory_space<vmem>> -> memref<1x1x128x32xf32, #tpu.memory_space<vmem>>
      %dma_start3A_397 = tpu.memref_squeeze %dma_start3A_396 : memref<1x1x128x32xf32, #tpu.memory_space<vmem>> -> memref<128x32xf32, #tpu.memory_space<vmem>>
      %dma_start3A_398 = arith.constant 0 : i32
      %dma_start3A_399 = tpu.memref_slice %arg8[%dma_start3A_392, %dma_start3A_393, %dma_start3A_398] : memref<2x2x128xi32, #tpu.memory_space<vmem>> -> memref<1x1x128xi32, #tpu.memory_space<vmem>>
      %dma_start3A_400 = tpu.memref_squeeze %dma_start3A_399 : memref<1x1x128xi32, #tpu.memory_space<vmem>> -> memref<128xi32, #tpu.memory_space<vmem>>
      %dma_start3A_401 = arith.constant 0 : i32
      %dma_start3A_402 = arith.constant 0 : i32
      %dma_start3A_403 = tpu.memref_slice %arg10[%dma_start3A_401, %dma_start3A_402] : memref<50688x32xf32, #tpu.memory_space<vmem_shared>> -> memref<50688x32xf32, #tpu.memory_space<vmem_shared>>
      tpu.enqueue_indirect_dma source(%dma_start3A_397 : memref<128x32xf32, #tpu.memory_space<vmem>>) target(%dma_start3A_403 : memref<50688x32xf32, #tpu.memory_space<vmem_shared>>) offsets(%dma_start3A_400 : memref<128xi32, #tpu.memory_space<vmem>>) semaphore(%arg17 : memref<!tpu.dma_semaphore, #tpu.memory_space<semaphore_mem>>) {add = true}
      %dma_start3A_404 = arith.constant 0 : i32
      %dma_start3A_405 = arith.constant 1 : i32
      %dma_start3A_406 = arith.constant 0 : i32
      %dma_start3A_407 = arith.constant 1 : i32
      %dma_start3A_408 = arith.constant 0 : i32
      %dma_start3A_409 = arith.constant 0 : i32
      %dma_start3A_410 = tpu.memref_slice %arg9[%dma_start3A_404, %dma_start3A_405, %dma_start3A_408, %dma_start3A_409] : memref<2x2x128x32xf32, #tpu.memory_space<vmem>> -> memref<1x1x128x32xf32, #tpu.memory_space<vmem>>
      %dma_start3A_411 = tpu.memref_squeeze %dma_start3A_410 : memref<1x1x128x32xf32, #tpu.memory_space<vmem>> -> memref<128x32xf32, #tpu.memory_space<vmem>>
      %dma_start3A_412 = arith.constant 0 : i32
      %dma_start3A_413 = tpu.memref_slice %arg8[%dma_start3A_406, %dma_start3A_407, %dma_start3A_412] : memref<2x2x128xi32, #tpu.memory_space<vmem>> -> memref<1x1x128xi32, #tpu.memory_space<vmem>>
      %dma_start3A_414 = tpu.memref_squeeze %dma_start3A_413 : memref<1x1x128xi32, #tpu.memory_space<vmem>> -> memref<128xi32, #tpu.memory_space<vmem>>
      %dma_start3A_415 = arith.constant 0 : i32
      %dma_start3A_416 = arith.constant 0 : i32
      %dma_start3A_417 = tpu.memref_slice %arg10[%dma_start3A_415, %dma_start3A_416] : memref<50688x32xf32, #tpu.memory_space<vmem_shared>> -> memref<50688x32xf32, #tpu.memory_space<vmem_shared>>
      tpu.enqueue_indirect_dma source(%dma_start3A_411 : memref<128x32xf32, #tpu.memory_space<vmem>>) target(%dma_start3A_417 : memref<50688x32xf32, #tpu.memory_space<vmem_shared>>) offsets(%dma_start3A_414 : memref<128xi32, #tpu.memory_space<vmem>>) semaphore(%arg17 : memref<!tpu.dma_semaphore, #tpu.memory_space<semaphore_mem>>) {add = true}
      %add3A_418 = arith.constant 2 : i32
      %add3A_419 = arith.addi %add3A_305, %add3A_418 : i32
      %mul3A_420 = arith.constant 2 : i32
      %mul3A_421 = arith.muli %add3A_419, %mul3A_420 : i32
      %add3A_422 = arith.addi %select_n3A, %mul3A_421 : i32
      %dma_start3A_423 = arith.constant 0 : i32
      %dma_start3A_424 = arith.constant 0 : i32
      %dma_start3A_425 = arith.constant 0 : i32
      %dma_start3A_426 = tpu.memref_slice %arg7[%dma_start3A_423, %dma_start3A_424, %dma_start3A_425] : memref<2x2x128xi32, #tpu.memory_space<vmem>> -> memref<1x2x128xi32, #tpu.memory_space<vmem>>
      %dma_start3A_427 = tpu.memref_squeeze %dma_start3A_426 : memref<1x2x128xi32, #tpu.memory_space<vmem>> -> memref<2x128xi32, #tpu.memory_space<vmem>>
      %dma_start3A_428 = arith.constant 0 : i32
      %dma_start3A_429 = tpu.memref_slice %arg3[%add3A_422, %dma_start3A_428] : memref<12804x128xi32, #tpu.memory_space<hbm>> -> memref<2x128xi32, #tpu.memory_space<hbm>>
      %dma_start3A_430 = arith.constant 0 : i32
      %dma_start3A_431 = arith.constant 0 : i32
      %dma_start3A_432 = tpu.memref_slice %arg7[%dma_start3A_423, %dma_start3A_430, %dma_start3A_431] : memref<2x2x128xi32, #tpu.memory_space<vmem>> -> memref<1x2x128xi32, #tpu.memory_space<vmem>>
      %dma_start3A_433 = tpu.memref_squeeze %dma_start3A_432 : memref<1x2x128xi32, #tpu.memory_space<vmem>> -> memref<2x128xi32, #tpu.memory_space<vmem>>
      %dma_start3A_434 = arith.constant 0 : i32
      %dma_start3A_435 = tpu.memref_slice %arg3[%add3A_422, %dma_start3A_434] : memref<12804x128xi32, #tpu.memory_space<hbm>> -> memref<2x128xi32, #tpu.memory_space<hbm>>
      tpu.enqueue_dma source(%dma_start3A_435 : memref<2x128xi32, #tpu.memory_space<hbm>>) target(%dma_start3A_433 : memref<2x128xi32, #tpu.memory_space<vmem>>) target_semaphore(%arg11 : memref<!tpu.dma_semaphore, #tpu.memory_space<semaphore_mem>>)
      %mul3A_436 = arith.constant 2 : i32
      %mul3A_437 = arith.muli %add3A_419, %mul3A_436 : i32
      %add3A_438 = arith.addi %select_n3A_60, %mul3A_437 : i32
      %dma_start3A_439 = arith.constant 0 : i32
      %dma_start3A_440 = arith.constant 0 : i32
      %dma_start3A_441 = arith.constant 0 : i32
      %dma_start3A_442 = tpu.memref_slice %arg8[%dma_start3A_439, %dma_start3A_440, %dma_start3A_441] : memref<2x2x128xi32, #tpu.memory_space<vmem>> -> memref<1x2x128xi32, #tpu.memory_space<vmem>>
      %dma_start3A_443 = tpu.memref_squeeze %dma_start3A_442 : memref<1x2x128xi32, #tpu.memory_space<vmem>> -> memref<2x128xi32, #tpu.memory_space<vmem>>
      %dma_start3A_444 = arith.constant 0 : i32
      %dma_start3A_445 = tpu.memref_slice %arg4[%add3A_438, %dma_start3A_444] : memref<6404x128xi32, #tpu.memory_space<hbm>> -> memref<2x128xi32, #tpu.memory_space<hbm>>
      %dma_start3A_446 = arith.constant 0 : i32
      %dma_start3A_447 = arith.constant 0 : i32
      %dma_start3A_448 = tpu.memref_slice %arg8[%dma_start3A_439, %dma_start3A_446, %dma_start3A_447] : memref<2x2x128xi32, #tpu.memory_space<vmem>> -> memref<1x2x128xi32, #tpu.memory_space<vmem>>
      %dma_start3A_449 = tpu.memref_squeeze %dma_start3A_448 : memref<1x2x128xi32, #tpu.memory_space<vmem>> -> memref<2x128xi32, #tpu.memory_space<vmem>>
      %dma_start3A_450 = arith.constant 0 : i32
      %dma_start3A_451 = tpu.memref_slice %arg4[%add3A_438, %dma_start3A_450] : memref<6404x128xi32, #tpu.memory_space<hbm>> -> memref<2x128xi32, #tpu.memory_space<hbm>>
      tpu.enqueue_dma source(%dma_start3A_451 : memref<2x128xi32, #tpu.memory_space<hbm>>) target(%dma_start3A_449 : memref<2x128xi32, #tpu.memory_space<vmem>>) target_semaphore(%arg13 : memref<!tpu.dma_semaphore, #tpu.memory_space<semaphore_mem>>)
      %mul3A_452 = arith.constant 2 : i32
      %mul3A_453 = arith.muli %mul3A_452, %scan3A_301 : i32
      %add3A_454 = arith.constant 1 : i32
      %add3A_455 = arith.addi %mul3A_453, %add3A_454 : i32
      %dma_wait3A_456 = arith.constant 0 : i32
      %dma_wait3A_457 = arith.constant 0 : i32
      %dma_wait3A_458 = arith.constant 0 : i32
      %dma_wait3A_459 = arith.constant 0 : i32
      %dma_wait3A_460 = arith.constant 0 : i32
      %dma_wait3A_461 = arith.constant 0 : i32
      %dma_wait3A_462 = tpu.memref_slice %arg9[%dma_wait3A_456, %dma_wait3A_457, %dma_wait3A_460, %dma_wait3A_461] : memref<2x2x128x32xf32, #tpu.memory_space<vmem>> -> memref<1x1x128x32xf32, #tpu.memory_space<vmem>>
      %dma_wait3A_463 = tpu.memref_squeeze %dma_wait3A_462 : memref<1x1x128x32xf32, #tpu.memory_space<vmem>> -> memref<128x32xf32, #tpu.memory_space<vmem>>
      %dma_wait3A_464 = arith.constant 0 : i32
      %dma_wait3A_465 = tpu.memref_slice %arg8[%dma_wait3A_458, %dma_wait3A_459, %dma_wait3A_464] : memref<2x2x128xi32, #tpu.memory_space<vmem>> -> memref<1x1x128xi32, #tpu.memory_space<vmem>>
      %dma_wait3A_466 = tpu.memref_squeeze %dma_wait3A_465 : memref<1x1x128xi32, #tpu.memory_space<vmem>> -> memref<128xi32, #tpu.memory_space<vmem>>
      %dma_wait3A_467 = arith.constant 0 : i32
      %dma_wait3A_468 = arith.constant 0 : i32
      %dma_wait3A_469 = tpu.memref_slice %arg10[%dma_wait3A_467, %dma_wait3A_468] : memref<50688x32xf32, #tpu.memory_space<vmem_shared>> -> memref<50688x32xf32, #tpu.memory_space<vmem_shared>>
      tpu.wait_indirect_dma semaphore(%arg17 : memref<!tpu.dma_semaphore, #tpu.memory_space<semaphore_mem>>) src(%dma_wait3A_463 : memref<128x32xf32, #tpu.memory_space<vmem>>) dst(%dma_wait3A_469 : memref<50688x32xf32, #tpu.memory_space<vmem_shared>>)
      %dma_wait3A_470 = arith.constant 0 : i32
      %dma_wait3A_471 = arith.constant 1 : i32
      %dma_wait3A_472 = arith.constant 0 : i32
      %dma_wait3A_473 = arith.constant 1 : i32
      %dma_wait3A_474 = arith.constant 0 : i32
      %dma_wait3A_475 = arith.constant 0 : i32
      %dma_wait3A_476 = tpu.memref_slice %arg9[%dma_wait3A_470, %dma_wait3A_471, %dma_wait3A_474, %dma_wait3A_475] : memref<2x2x128x32xf32, #tpu.memory_space<vmem>> -> memref<1x1x128x32xf32, #tpu.memory_space<vmem>>
      %dma_wait3A_477 = tpu.memref_squeeze %dma_wait3A_476 : memref<1x1x128x32xf32, #tpu.memory_space<vmem>> -> memref<128x32xf32, #tpu.memory_space<vmem>>
      %dma_wait3A_478 = arith.constant 0 : i32
      %dma_wait3A_479 = tpu.memref_slice %arg8[%dma_wait3A_472, %dma_wait3A_473, %dma_wait3A_478] : memref<2x2x128xi32, #tpu.memory_space<vmem>> -> memref<1x1x128xi32, #tpu.memory_space<vmem>>
      %dma_wait3A_480 = tpu.memref_squeeze %dma_wait3A_479 : memref<1x1x128xi32, #tpu.memory_space<vmem>> -> memref<128xi32, #tpu.memory_space<vmem>>
      %dma_wait3A_481 = arith.constant 0 : i32
      %dma_wait3A_482 = arith.constant 0 : i32
      %dma_wait3A_483 = tpu.memref_slice %arg10[%dma_wait3A_481, %dma_wait3A_482] : memref<50688x32xf32, #tpu.memory_space<vmem_shared>> -> memref<50688x32xf32, #tpu.memory_space<vmem_shared>>
      tpu.wait_indirect_dma semaphore(%arg17 : memref<!tpu.dma_semaphore, #tpu.memory_space<semaphore_mem>>) src(%dma_wait3A_477 : memref<128x32xf32, #tpu.memory_space<vmem>>) dst(%dma_wait3A_483 : memref<50688x32xf32, #tpu.memory_space<vmem_shared>>)
      %dma_wait3A_484 = arith.constant 0 : i32
      %dma_wait3A_485 = arith.constant 0 : i32
      %dma_wait3A_486 = arith.constant 0 : i32
      %dma_wait3A_487 = tpu.memref_slice %arg7[%dma_wait3A_484, %dma_wait3A_485, %dma_wait3A_486] : memref<2x2x128xi32, #tpu.memory_space<vmem>> -> memref<1x2x128xi32, #tpu.memory_space<vmem>>
      %dma_wait3A_488 = tpu.memref_squeeze %dma_wait3A_487 : memref<1x2x128xi32, #tpu.memory_space<vmem>> -> memref<2x128xi32, #tpu.memory_space<vmem>>
      %dma_wait3A_489 = arith.constant 0 : i32
      %dma_wait3A_490 = tpu.memref_slice %arg3[%select_n3A, %dma_wait3A_489] : memref<12804x128xi32, #tpu.memory_space<hbm>> -> memref<2x128xi32, #tpu.memory_space<hbm>>
      %dma_wait3A_491 = arith.constant 0 : i32
      %dma_wait3A_492 = arith.constant 0 : i32
      %dma_wait3A_493 = tpu.memref_slice %arg7[%dma_wait3A_484, %dma_wait3A_491, %dma_wait3A_492] : memref<2x2x128xi32, #tpu.memory_space<vmem>> -> memref<1x2x128xi32, #tpu.memory_space<vmem>>
      %dma_wait3A_494 = tpu.memref_squeeze %dma_wait3A_493 : memref<1x2x128xi32, #tpu.memory_space<vmem>> -> memref<2x128xi32, #tpu.memory_space<vmem>>
      %dma_wait3A_495 = arith.constant 0 : i32
      %dma_wait3A_496 = tpu.memref_slice %arg3[%select_n3A, %dma_wait3A_495] : memref<12804x128xi32, #tpu.memory_space<hbm>> -> memref<2x128xi32, #tpu.memory_space<hbm>>
      tpu.wait_dma2 semaphore(%arg11 : memref<!tpu.dma_semaphore, #tpu.memory_space<semaphore_mem>>) src(%dma_wait3A_496 : memref<2x128xi32, #tpu.memory_space<hbm>>) dst(%dma_wait3A_494 : memref<2x128xi32, #tpu.memory_space<vmem>>)
      %dma_start3A_497 = arith.constant 0 : i32
      %dma_start3A_498 = arith.constant 0 : i32
      %dma_start3A_499 = arith.constant 0 : i32
      %dma_start3A_500 = arith.constant 0 : i32
      %dma_start3A_501 = arith.constant 0 : i32
      %dma_start3A_502 = arith.constant 0 : i32
      %dma_start3A_503 = tpu.memref_slice %arg9[%dma_start3A_499, %dma_start3A_500, %dma_start3A_501, %dma_start3A_502] : memref<2x2x128x32xf32, #tpu.memory_space<vmem>> -> memref<1x1x128x32xf32, #tpu.memory_space<vmem>>
      %dma_start3A_504 = tpu.memref_squeeze %dma_start3A_503 : memref<1x1x128x32xf32, #tpu.memory_space<vmem>> -> memref<128x32xf32, #tpu.memory_space<vmem>>
      %dma_start3A_505 = arith.constant 0 : i32
      %dma_start3A_506 = tpu.memref_slice %arg7[%dma_start3A_497, %dma_start3A_498, %dma_start3A_505] : memref<2x2x128xi32, #tpu.memory_space<vmem>> -> memref<1x1x128xi32, #tpu.memory_space<vmem>>
      %dma_start3A_507 = tpu.memref_squeeze %dma_start3A_506 : memref<1x1x128xi32, #tpu.memory_space<vmem>> -> memref<128xi32, #tpu.memory_space<vmem>>
      %dma_start3A_508 = arith.constant 0 : i32
      %dma_start3A_509 = arith.constant 0 : i32
      %dma_start3A_510 = tpu.memref_slice %arg2[%dma_start3A_508, %dma_start3A_509] : memref<200704x32xf32, #tpu.memory_space<hbm>> -> memref<200704x32xf32, #tpu.memory_space<hbm>>
      tpu.enqueue_indirect_dma source(%dma_start3A_510 : memref<200704x32xf32, #tpu.memory_space<hbm>>) target(%dma_start3A_504 : memref<128x32xf32, #tpu.memory_space<vmem>>) offsets(%dma_start3A_507 : memref<128xi32, #tpu.memory_space<vmem>>) semaphore(%arg15 : memref<!tpu.dma_semaphore, #tpu.memory_space<semaphore_mem>>)
      %dma_start3A_511 = arith.constant 0 : i32
      %dma_start3A_512 = arith.constant 1 : i32
      %dma_start3A_513 = arith.constant 0 : i32
      %dma_start3A_514 = arith.constant 1 : i32
      %dma_start3A_515 = arith.constant 0 : i32
      %dma_start3A_516 = arith.constant 0 : i32
      %dma_start3A_517 = tpu.memref_slice %arg9[%dma_start3A_513, %dma_start3A_514, %dma_start3A_515, %dma_start3A_516] : memref<2x2x128x32xf32, #tpu.memory_space<vmem>> -> memref<1x1x128x32xf32, #tpu.memory_space<vmem>>
      %dma_start3A_518 = tpu.memref_squeeze %dma_start3A_517 : memref<1x1x128x32xf32, #tpu.memory_space<vmem>> -> memref<128x32xf32, #tpu.memory_space<vmem>>
      %dma_start3A_519 = arith.constant 0 : i32
      %dma_start3A_520 = tpu.memref_slice %arg7[%dma_start3A_511, %dma_start3A_512, %dma_start3A_519] : memref<2x2x128xi32, #tpu.memory_space<vmem>> -> memref<1x1x128xi32, #tpu.memory_space<vmem>>
      %dma_start3A_521 = tpu.memref_squeeze %dma_start3A_520 : memref<1x1x128xi32, #tpu.memory_space<vmem>> -> memref<128xi32, #tpu.memory_space<vmem>>
      %dma_start3A_522 = arith.constant 0 : i32
      %dma_start3A_523 = arith.constant 0 : i32
      %dma_start3A_524 = tpu.memref_slice %arg2[%dma_start3A_522, %dma_start3A_523] : memref<200704x32xf32, #tpu.memory_space<hbm>> -> memref<200704x32xf32, #tpu.memory_space<hbm>>
      tpu.enqueue_indirect_dma source(%dma_start3A_524 : memref<200704x32xf32, #tpu.memory_space<hbm>>) target(%dma_start3A_518 : memref<128x32xf32, #tpu.memory_space<vmem>>) offsets(%dma_start3A_521 : memref<128xi32, #tpu.memory_space<vmem>>) semaphore(%arg15 : memref<!tpu.dma_semaphore, #tpu.memory_space<semaphore_mem>>)
      %dma_wait3A_525 = arith.constant 1 : i32
      %dma_wait3A_526 = arith.constant 0 : i32
      %dma_wait3A_527 = arith.constant 1 : i32
      %dma_wait3A_528 = arith.constant 0 : i32
      %dma_wait3A_529 = arith.constant 0 : i32
      %dma_wait3A_530 = arith.constant 0 : i32
      %dma_wait3A_531 = tpu.memref_slice %arg9[%dma_wait3A_527, %dma_wait3A_528, %dma_wait3A_529, %dma_wait3A_530] : memref<2x2x128x32xf32, #tpu.memory_space<vmem>> -> memref<1x1x128x32xf32, #tpu.memory_space<vmem>>
      %dma_wait3A_532 = tpu.memref_squeeze %dma_wait3A_531 : memref<1x1x128x32xf32, #tpu.memory_space<vmem>> -> memref<128x32xf32, #tpu.memory_space<vmem>>
      %dma_wait3A_533 = arith.constant 0 : i32
      %dma_wait3A_534 = tpu.memref_slice %arg7[%dma_wait3A_525, %dma_wait3A_526, %dma_wait3A_533] : memref<2x2x128xi32, #tpu.memory_space<vmem>> -> memref<1x1x128xi32, #tpu.memory_space<vmem>>
      %dma_wait3A_535 = tpu.memref_squeeze %dma_wait3A_534 : memref<1x1x128xi32, #tpu.memory_space<vmem>> -> memref<128xi32, #tpu.memory_space<vmem>>
      %dma_wait3A_536 = arith.constant 0 : i32
      %dma_wait3A_537 = arith.constant 0 : i32
      %dma_wait3A_538 = tpu.memref_slice %arg2[%dma_wait3A_536, %dma_wait3A_537] : memref<200704x32xf32, #tpu.memory_space<hbm>> -> memref<200704x32xf32, #tpu.memory_space<hbm>>
      tpu.wait_indirect_dma semaphore(%arg16 : memref<!tpu.dma_semaphore, #tpu.memory_space<semaphore_mem>>) src(%dma_wait3A_538 : memref<200704x32xf32, #tpu.memory_space<hbm>>) dst(%dma_wait3A_532 : memref<128x32xf32, #tpu.memory_space<vmem>>)
      %dma_wait3A_539 = arith.constant 1 : i32
      %dma_wait3A_540 = arith.constant 1 : i32
      %dma_wait3A_541 = arith.constant 1 : i32
      %dma_wait3A_542 = arith.constant 1 : i32
      %dma_wait3A_543 = arith.constant 0 : i32
      %dma_wait3A_544 = arith.constant 0 : i32
      %dma_wait3A_545 = tpu.memref_slice %arg9[%dma_wait3A_541, %dma_wait3A_542, %dma_wait3A_543, %dma_wait3A_544] : memref<2x2x128x32xf32, #tpu.memory_space<vmem>> -> memref<1x1x128x32xf32, #tpu.memory_space<vmem>>
      %dma_wait3A_546 = tpu.memref_squeeze %dma_wait3A_545 : memref<1x1x128x32xf32, #tpu.memory_space<vmem>> -> memref<128x32xf32, #tpu.memory_space<vmem>>
      %dma_wait3A_547 = arith.constant 0 : i32
      %dma_wait3A_548 = tpu.memref_slice %arg7[%dma_wait3A_539, %dma_wait3A_540, %dma_wait3A_547] : memref<2x2x128xi32, #tpu.memory_space<vmem>> -> memref<1x1x128xi32, #tpu.memory_space<vmem>>
      %dma_wait3A_549 = tpu.memref_squeeze %dma_wait3A_548 : memref<1x1x128xi32, #tpu.memory_space<vmem>> -> memref<128xi32, #tpu.memory_space<vmem>>
      %dma_wait3A_550 = arith.constant 0 : i32
      %dma_wait3A_551 = arith.constant 0 : i32
      %dma_wait3A_552 = tpu.memref_slice %arg2[%dma_wait3A_550, %dma_wait3A_551] : memref<200704x32xf32, #tpu.memory_space<hbm>> -> memref<200704x32xf32, #tpu.memory_space<hbm>>
      tpu.wait_indirect_dma semaphore(%arg16 : memref<!tpu.dma_semaphore, #tpu.memory_space<semaphore_mem>>) src(%dma_wait3A_552 : memref<200704x32xf32, #tpu.memory_space<hbm>>) dst(%dma_wait3A_546 : memref<128x32xf32, #tpu.memory_space<vmem>>)
      %dma_wait3A_553 = arith.constant 1 : i32
      %dma_wait3A_554 = arith.constant 0 : i32
      %dma_wait3A_555 = arith.constant 0 : i32
      %dma_wait3A_556 = tpu.memref_slice %arg8[%dma_wait3A_553, %dma_wait3A_554, %dma_wait3A_555] : memref<2x2x128xi32, #tpu.memory_space<vmem>> -> memref<1x2x128xi32, #tpu.memory_space<vmem>>
      %dma_wait3A_557 = tpu.memref_squeeze %dma_wait3A_556 : memref<1x2x128xi32, #tpu.memory_space<vmem>> -> memref<2x128xi32, #tpu.memory_space<vmem>>
      %dma_wait3A_558 = arith.constant 0 : i32
      %dma_wait3A_559 = tpu.memref_slice %arg4[%select_n3A_60, %dma_wait3A_558] : memref<6404x128xi32, #tpu.memory_space<hbm>> -> memref<2x128xi32, #tpu.memory_space<hbm>>
      %dma_wait3A_560 = arith.constant 0 : i32
      %dma_wait3A_561 = arith.constant 0 : i32
      %dma_wait3A_562 = tpu.memref_slice %arg8[%dma_wait3A_553, %dma_wait3A_560, %dma_wait3A_561] : memref<2x2x128xi32, #tpu.memory_space<vmem>> -> memref<1x2x128xi32, #tpu.memory_space<vmem>>
      %dma_wait3A_563 = tpu.memref_squeeze %dma_wait3A_562 : memref<1x2x128xi32, #tpu.memory_space<vmem>> -> memref<2x128xi32, #tpu.memory_space<vmem>>
      %dma_wait3A_564 = arith.constant 0 : i32
      %dma_wait3A_565 = tpu.memref_slice %arg4[%select_n3A_60, %dma_wait3A_564] : memref<6404x128xi32, #tpu.memory_space<hbm>> -> memref<2x128xi32, #tpu.memory_space<hbm>>
      tpu.wait_dma2 semaphore(%arg14 : memref<!tpu.dma_semaphore, #tpu.memory_space<semaphore_mem>>) src(%dma_wait3A_565 : memref<2x128xi32, #tpu.memory_space<hbm>>) dst(%dma_wait3A_563 : memref<2x128xi32, #tpu.memory_space<vmem>>)
      %dma_start3A_566 = arith.constant 1 : i32
      %dma_start3A_567 = arith.constant 0 : i32
      %dma_start3A_568 = arith.constant 1 : i32
      %dma_start3A_569 = arith.constant 0 : i32
      %dma_start3A_570 = arith.constant 0 : i32
      %dma_start3A_571 = arith.constant 0 : i32
      %dma_start3A_572 = tpu.memref_slice %arg9[%dma_start3A_566, %dma_start3A_567, %dma_start3A_570, %dma_start3A_571] : memref<2x2x128x32xf32, #tpu.memory_space<vmem>> -> memref<1x1x128x32xf32, #tpu.memory_space<vmem>>
      %dma_start3A_573 = tpu.memref_squeeze %dma_start3A_572 : memref<1x1x128x32xf32, #tpu.memory_space<vmem>> -> memref<128x32xf32, #tpu.memory_space<vmem>>
      %dma_start3A_574 = arith.constant 0 : i32
      %dma_start3A_575 = tpu.memref_slice %arg8[%dma_start3A_568, %dma_start3A_569, %dma_start3A_574] : memref<2x2x128xi32, #tpu.memory_space<vmem>> -> memref<1x1x128xi32, #tpu.memory_space<vmem>>
      %dma_start3A_576 = tpu.memref_squeeze %dma_start3A_575 : memref<1x1x128xi32, #tpu.memory_space<vmem>> -> memref<128xi32, #tpu.memory_space<vmem>>
      %dma_start3A_577 = arith.constant 0 : i32
      %dma_start3A_578 = arith.constant 0 : i32
      %dma_start3A_579 = tpu.memref_slice %arg10[%dma_start3A_577, %dma_start3A_578] : memref<50688x32xf32, #tpu.memory_space<vmem_shared>> -> memref<50688x32xf32, #tpu.memory_space<vmem_shared>>
      tpu.enqueue_indirect_dma source(%dma_start3A_573 : memref<128x32xf32, #tpu.memory_space<vmem>>) target(%dma_start3A_579 : memref<50688x32xf32, #tpu.memory_space<vmem_shared>>) offsets(%dma_start3A_576 : memref<128xi32, #tpu.memory_space<vmem>>) semaphore(%arg18 : memref<!tpu.dma_semaphore, #tpu.memory_space<semaphore_mem>>) {add = true}
      %dma_start3A_580 = arith.constant 1 : i32
      %dma_start3A_581 = arith.constant 1 : i32
      %dma_start3A_582 = arith.constant 1 : i32
      %dma_start3A_583 = arith.constant 1 : i32
      %dma_start3A_584 = arith.constant 0 : i32
      %dma_start3A_585 = arith.constant 0 : i32
      %dma_start3A_586 = tpu.memref_slice %arg9[%dma_start3A_580, %dma_start3A_581, %dma_start3A_584, %dma_start3A_585] : memref<2x2x128x32xf32, #tpu.memory_space<vmem>> -> memref<1x1x128x32xf32, #tpu.memory_space<vmem>>
      %dma_start3A_587 = tpu.memref_squeeze %dma_start3A_586 : memref<1x1x128x32xf32, #tpu.memory_space<vmem>> -> memref<128x32xf32, #tpu.memory_space<vmem>>
      %dma_start3A_588 = arith.constant 0 : i32
      %dma_start3A_589 = tpu.memref_slice %arg8[%dma_start3A_582, %dma_start3A_583, %dma_start3A_588] : memref<2x2x128xi32, #tpu.memory_space<vmem>> -> memref<1x1x128xi32, #tpu.memory_space<vmem>>
      %dma_start3A_590 = tpu.memref_squeeze %dma_start3A_589 : memref<1x1x128xi32, #tpu.memory_space<vmem>> -> memref<128xi32, #tpu.memory_space<vmem>>
      %dma_start3A_591 = arith.constant 0 : i32
      %dma_start3A_592 = arith.constant 0 : i32
      %dma_start3A_593 = tpu.memref_slice %arg10[%dma_start3A_591, %dma_start3A_592] : memref<50688x32xf32, #tpu.memory_space<vmem_shared>> -> memref<50688x32xf32, #tpu.memory_space<vmem_shared>>
      tpu.enqueue_indirect_dma source(%dma_start3A_587 : memref<128x32xf32, #tpu.memory_space<vmem>>) target(%dma_start3A_593 : memref<50688x32xf32, #tpu.memory_space<vmem_shared>>) offsets(%dma_start3A_590 : memref<128xi32, #tpu.memory_space<vmem>>) semaphore(%arg18 : memref<!tpu.dma_semaphore, #tpu.memory_space<semaphore_mem>>) {add = true}
      %add3A_594 = arith.constant 2 : i32
      %add3A_595 = arith.addi %add3A_455, %add3A_594 : i32
      %mul3A_596 = arith.constant 2 : i32
      %mul3A_597 = arith.muli %add3A_595, %mul3A_596 : i32
      %add3A_598 = arith.addi %select_n3A, %mul3A_597 : i32
      %dma_start3A_599 = arith.constant 1 : i32
      %dma_start3A_600 = arith.constant 0 : i32
      %dma_start3A_601 = arith.constant 0 : i32
      %dma_start3A_602 = tpu.memref_slice %arg7[%dma_start3A_599, %dma_start3A_600, %dma_start3A_601] : memref<2x2x128xi32, #tpu.memory_space<vmem>> -> memref<1x2x128xi32, #tpu.memory_space<vmem>>
      %dma_start3A_603 = tpu.memref_squeeze %dma_start3A_602 : memref<1x2x128xi32, #tpu.memory_space<vmem>> -> memref<2x128xi32, #tpu.memory_space<vmem>>
      %dma_start3A_604 = arith.constant 0 : i32
      %dma_start3A_605 = tpu.memref_slice %arg3[%add3A_598, %dma_start3A_604] : memref<12804x128xi32, #tpu.memory_space<hbm>> -> memref<2x128xi32, #tpu.memory_space<hbm>>
      %dma_start3A_606 = arith.constant 0 : i32
      %dma_start3A_607 = arith.constant 0 : i32
      %dma_start3A_608 = tpu.memref_slice %arg7[%dma_start3A_599, %dma_start3A_606, %dma_start3A_607] : memref<2x2x128xi32, #tpu.memory_space<vmem>> -> memref<1x2x128xi32, #tpu.memory_space<vmem>>
      %dma_start3A_609 = tpu.memref_squeeze %dma_start3A_608 : memref<1x2x128xi32, #tpu.memory_space<vmem>> -> memref<2x128xi32, #tpu.memory_space<vmem>>
      %dma_start3A_610 = arith.constant 0 : i32
      %dma_start3A_611 = tpu.memref_slice %arg3[%add3A_598, %dma_start3A_610] : memref<12804x128xi32, #tpu.memory_space<hbm>> -> memref<2x128xi32, #tpu.memory_space<hbm>>
      tpu.enqueue_dma source(%dma_start3A_611 : memref<2x128xi32, #tpu.memory_space<hbm>>) target(%dma_start3A_609 : memref<2x128xi32, #tpu.memory_space<vmem>>) target_semaphore(%arg12 : memref<!tpu.dma_semaphore, #tpu.memory_space<semaphore_mem>>)
      %mul3A_612 = arith.constant 2 : i32
      %mul3A_613 = arith.muli %add3A_595, %mul3A_612 : i32
      %add3A_614 = arith.addi %select_n3A_60, %mul3A_613 : i32
      %dma_start3A_615 = arith.constant 1 : i32
      %dma_start3A_616 = arith.constant 0 : i32
      %dma_start3A_617 = arith.constant 0 : i32
      %dma_start3A_618 = tpu.memref_slice %arg8[%dma_start3A_615, %dma_start3A_616, %dma_start3A_617] : memref<2x2x128xi32, #tpu.memory_space<vmem>> -> memref<1x2x128xi32, #tpu.memory_space<vmem>>
      %dma_start3A_619 = tpu.memref_squeeze %dma_start3A_618 : memref<1x2x128xi32, #tpu.memory_space<vmem>> -> memref<2x128xi32, #tpu.memory_space<vmem>>
      %dma_start3A_620 = arith.constant 0 : i32
      %dma_start3A_621 = tpu.memref_slice %arg4[%add3A_614, %dma_start3A_620] : memref<6404x128xi32, #tpu.memory_space<hbm>> -> memref<2x128xi32, #tpu.memory_space<hbm>>
      %dma_start3A_622 = arith.constant 0 : i32
      %dma_start3A_623 = arith.constant 0 : i32
      %dma_start3A_624 = tpu.memref_slice %arg8[%dma_start3A_615, %dma_start3A_622, %dma_start3A_623] : memref<2x2x128xi32, #tpu.memory_space<vmem>> -> memref<1x2x128xi32, #tpu.memory_space<vmem>>
      %dma_start3A_625 = tpu.memref_squeeze %dma_start3A_624 : memref<1x2x128xi32, #tpu.memory_space<vmem>> -> memref<2x128xi32, #tpu.memory_space<vmem>>
      %dma_start3A_626 = arith.constant 0 : i32
      %dma_start3A_627 = tpu.memref_slice %arg4[%add3A_614, %dma_start3A_626] : memref<6404x128xi32, #tpu.memory_space<hbm>> -> memref<2x128xi32, #tpu.memory_space<hbm>>
      tpu.enqueue_dma source(%dma_start3A_627 : memref<2x128xi32, #tpu.memory_space<hbm>>) target(%dma_start3A_625 : memref<2x128xi32, #tpu.memory_space<vmem>>) target_semaphore(%arg14 : memref<!tpu.dma_semaphore, #tpu.memory_space<semaphore_mem>>)
    }
    %scan3A_164 = arith.constant 100 : i32
    %dma_wait3A_165 = arith.constant 1 : i32
    %dma_wait3A_166 = arith.constant 0 : i32
    %dma_wait3A_167 = arith.constant 1 : i32
    %dma_wait3A_168 = arith.constant 0 : i32
    %dma_wait3A_169 = arith.constant 0 : i32
    %dma_wait3A_170 = arith.constant 0 : i32
    %dma_wait3A_171 = tpu.memref_slice %arg9[%dma_wait3A_165, %dma_wait3A_166, %dma_wait3A_169, %dma_wait3A_170] : memref<2x2x128x32xf32, #tpu.memory_space<vmem>> -> memref<1x1x128x32xf32, #tpu.memory_space<vmem>>
    %dma_wait3A_172 = tpu.memref_squeeze %dma_wait3A_171 : memref<1x1x128x32xf32, #tpu.memory_space<vmem>> -> memref<128x32xf32, #tpu.memory_space<vmem>>
    %dma_wait3A_173 = arith.constant 0 : i32
    %dma_wait3A_174 = tpu.memref_slice %arg8[%dma_wait3A_167, %dma_wait3A_168, %dma_wait3A_173] : memref<2x2x128xi32, #tpu.memory_space<vmem>> -> memref<1x1x128xi32, #tpu.memory_space<vmem>>
    %dma_wait3A_175 = tpu.memref_squeeze %dma_wait3A_174 : memref<1x1x128xi32, #tpu.memory_space<vmem>> -> memref<128xi32, #tpu.memory_space<vmem>>
    %dma_wait3A_176 = arith.constant 0 : i32
    %dma_wait3A_177 = arith.constant 0 : i32
    %dma_wait3A_178 = tpu.memref_slice %arg10[%dma_wait3A_176, %dma_wait3A_177] : memref<50688x32xf32, #tpu.memory_space<vmem_shared>> -> memref<50688x32xf32, #tpu.memory_space<vmem_shared>>
    tpu.wait_indirect_dma semaphore(%arg18 : memref<!tpu.dma_semaphore, #tpu.memory_space<semaphore_mem>>) src(%dma_wait3A_172 : memref<128x32xf32, #tpu.memory_space<vmem>>) dst(%dma_wait3A_178 : memref<50688x32xf32, #tpu.memory_space<vmem_shared>>)
    %dma_wait3A_179 = arith.constant 1 : i32
    %dma_wait3A_180 = arith.constant 1 : i32
    %dma_wait3A_181 = arith.constant 1 : i32
    %dma_wait3A_182 = arith.constant 1 : i32
    %dma_wait3A_183 = arith.constant 0 : i32
    %dma_wait3A_184 = arith.constant 0 : i32
    %dma_wait3A_185 = tpu.memref_slice %arg9[%dma_wait3A_179, %dma_wait3A_180, %dma_wait3A_183, %dma_wait3A_184] : memref<2x2x128x32xf32, #tpu.memory_space<vmem>> -> memref<1x1x128x32xf32, #tpu.memory_space<vmem>>
    %dma_wait3A_186 = tpu.memref_squeeze %dma_wait3A_185 : memref<1x1x128x32xf32, #tpu.memory_space<vmem>> -> memref<128x32xf32, #tpu.memory_space<vmem>>
    %dma_wait3A_187 = arith.constant 0 : i32
    %dma_wait3A_188 = tpu.memref_slice %arg8[%dma_wait3A_181, %dma_wait3A_182, %dma_wait3A_187] : memref<2x2x128xi32, #tpu.memory_space<vmem>> -> memref<1x1x128xi32, #tpu.memory_space<vmem>>
    %dma_wait3A_189 = tpu.memref_squeeze %dma_wait3A_188 : memref<1x1x128xi32, #tpu.memory_space<vmem>> -> memref<128xi32, #tpu.memory_space<vmem>>
    %dma_wait3A_190 = arith.constant 0 : i32
    %dma_wait3A_191 = arith.constant 0 : i32
    %dma_wait3A_192 = tpu.memref_slice %arg10[%dma_wait3A_190, %dma_wait3A_191] : memref<50688x32xf32, #tpu.memory_space<vmem_shared>> -> memref<50688x32xf32, #tpu.memory_space<vmem_shared>>
    tpu.wait_indirect_dma semaphore(%arg18 : memref<!tpu.dma_semaphore, #tpu.memory_space<semaphore_mem>>) src(%dma_wait3A_186 : memref<128x32xf32, #tpu.memory_space<vmem>>) dst(%dma_wait3A_192 : memref<50688x32xf32, #tpu.memory_space<vmem_shared>>)
    %dma_wait3A_193 = arith.constant 0 : i32
    %dma_wait3A_194 = arith.constant 0 : i32
    %dma_wait3A_195 = arith.constant 0 : i32
    %dma_wait3A_196 = arith.constant 0 : i32
    %dma_wait3A_197 = arith.constant 0 : i32
    %dma_wait3A_198 = arith.constant 0 : i32
    %dma_wait3A_199 = tpu.memref_slice %arg9[%dma_wait3A_195, %dma_wait3A_196, %dma_wait3A_197, %dma_wait3A_198] : memref<2x2x128x32xf32, #tpu.memory_space<vmem>> -> memref<1x1x128x32xf32, #tpu.memory_space<vmem>>
    %dma_wait3A_200 = tpu.memref_squeeze %dma_wait3A_199 : memref<1x1x128x32xf32, #tpu.memory_space<vmem>> -> memref<128x32xf32, #tpu.memory_space<vmem>>
    %dma_wait3A_201 = arith.constant 0 : i32
    %dma_wait3A_202 = tpu.memref_slice %arg7[%dma_wait3A_193, %dma_wait3A_194, %dma_wait3A_201] : memref<2x2x128xi32, #tpu.memory_space<vmem>> -> memref<1x1x128xi32, #tpu.memory_space<vmem>>
    %dma_wait3A_203 = tpu.memref_squeeze %dma_wait3A_202 : memref<1x1x128xi32, #tpu.memory_space<vmem>> -> memref<128xi32, #tpu.memory_space<vmem>>
    %dma_wait3A_204 = arith.constant 0 : i32
    %dma_wait3A_205 = arith.constant 0 : i32
    %dma_wait3A_206 = tpu.memref_slice %arg2[%dma_wait3A_204, %dma_wait3A_205] : memref<200704x32xf32, #tpu.memory_space<hbm>> -> memref<200704x32xf32, #tpu.memory_space<hbm>>
    tpu.wait_indirect_dma semaphore(%arg15 : memref<!tpu.dma_semaphore, #tpu.memory_space<semaphore_mem>>) src(%dma_wait3A_206 : memref<200704x32xf32, #tpu.memory_space<hbm>>) dst(%dma_wait3A_200 : memref<128x32xf32, #tpu.memory_space<vmem>>)
    %dma_wait3A_207 = arith.constant 0 : i32
    %dma_wait3A_208 = arith.constant 1 : i32
    %dma_wait3A_209 = arith.constant 0 : i32
    %dma_wait3A_210 = arith.constant 1 : i32
    %dma_wait3A_211 = arith.constant 0 : i32
    %dma_wait3A_212 = arith.constant 0 : i32
    %dma_wait3A_213 = tpu.memref_slice %arg9[%dma_wait3A_209, %dma_wait3A_210, %dma_wait3A_211, %dma_wait3A_212] : memref<2x2x128x32xf32, #tpu.memory_space<vmem>> -> memref<1x1x128x32xf32, #tpu.memory_space<vmem>>
    %dma_wait3A_214 = tpu.memref_squeeze %dma_wait3A_213 : memref<1x1x128x32xf32, #tpu.memory_space<vmem>> -> memref<128x32xf32, #tpu.memory_space<vmem>>
    %dma_wait3A_215 = arith.constant 0 : i32
    %dma_wait3A_216 = tpu.memref_slice %arg7[%dma_wait3A_207, %dma_wait3A_208, %dma_wait3A_215] : memref<2x2x128xi32, #tpu.memory_space<vmem>> -> memref<1x1x128xi32, #tpu.memory_space<vmem>>
    %dma_wait3A_217 = tpu.memref_squeeze %dma_wait3A_216 : memref<1x1x128xi32, #tpu.memory_space<vmem>> -> memref<128xi32, #tpu.memory_space<vmem>>
    %dma_wait3A_218 = arith.constant 0 : i32
    %dma_wait3A_219 = arith.constant 0 : i32
    %dma_wait3A_220 = tpu.memref_slice %arg2[%dma_wait3A_218, %dma_wait3A_219] : memref<200704x32xf32, #tpu.memory_space<hbm>> -> memref<200704x32xf32, #tpu.memory_space<hbm>>
    tpu.wait_indirect_dma semaphore(%arg15 : memref<!tpu.dma_semaphore, #tpu.memory_space<semaphore_mem>>) src(%dma_wait3A_220 : memref<200704x32xf32, #tpu.memory_space<hbm>>) dst(%dma_wait3A_214 : memref<128x32xf32, #tpu.memory_space<vmem>>)
    %dma_wait3A_221 = arith.constant 0 : i32
    %dma_wait3A_222 = arith.constant 0 : i32
    %dma_wait3A_223 = arith.constant 0 : i32
    %dma_wait3A_224 = tpu.memref_slice %arg8[%dma_wait3A_221, %dma_wait3A_222, %dma_wait3A_223] : memref<2x2x128xi32, #tpu.memory_space<vmem>> -> memref<1x2x128xi32, #tpu.memory_space<vmem>>
    %dma_wait3A_225 = tpu.memref_squeeze %dma_wait3A_224 : memref<1x2x128xi32, #tpu.memory_space<vmem>> -> memref<2x128xi32, #tpu.memory_space<vmem>>
    %dma_wait3A_226 = arith.constant 0 : i32
    %dma_wait3A_227 = tpu.memref_slice %arg4[%select_n3A_60, %dma_wait3A_226] : memref<6404x128xi32, #tpu.memory_space<hbm>> -> memref<2x128xi32, #tpu.memory_space<hbm>>
    %dma_wait3A_228 = arith.constant 0 : i32
    %dma_wait3A_229 = arith.constant 0 : i32
    %dma_wait3A_230 = tpu.memref_slice %arg8[%dma_wait3A_221, %dma_wait3A_228, %dma_wait3A_229] : memref<2x2x128xi32, #tpu.memory_space<vmem>> -> memref<1x2x128xi32, #tpu.memory_space<vmem>>
    %dma_wait3A_231 = tpu.memref_squeeze %dma_wait3A_230 : memref<1x2x128xi32, #tpu.memory_space<vmem>> -> memref<2x128xi32, #tpu.memory_space<vmem>>
    %dma_wait3A_232 = arith.constant 0 : i32
    %dma_wait3A_233 = tpu.memref_slice %arg4[%select_n3A_60, %dma_wait3A_232] : memref<6404x128xi32, #tpu.memory_space<hbm>> -> memref<2x128xi32, #tpu.memory_space<hbm>>
    tpu.wait_dma2 semaphore(%arg13 : memref<!tpu.dma_semaphore, #tpu.memory_space<semaphore_mem>>) src(%dma_wait3A_233 : memref<2x128xi32, #tpu.memory_space<hbm>>) dst(%dma_wait3A_231 : memref<2x128xi32, #tpu.memory_space<vmem>>)
    %dma_wait3A_234 = arith.constant 1 : i32
    %dma_wait3A_235 = arith.constant 0 : i32
    %dma_wait3A_236 = arith.constant 0 : i32
    %dma_wait3A_237 = tpu.memref_slice %arg7[%dma_wait3A_234, %dma_wait3A_235, %dma_wait3A_236] : memref<2x2x128xi32, #tpu.memory_space<vmem>> -> memref<1x2x128xi32, #tpu.memory_space<vmem>>
    %dma_wait3A_238 = tpu.memref_squeeze %dma_wait3A_237 : memref<1x2x128xi32, #tpu.memory_space<vmem>> -> memref<2x128xi32, #tpu.memory_space<vmem>>
    %dma_wait3A_239 = arith.constant 0 : i32
    %dma_wait3A_240 = tpu.memref_slice %arg3[%select_n3A, %dma_wait3A_239] : memref<12804x128xi32, #tpu.memory_space<hbm>> -> memref<2x128xi32, #tpu.memory_space<hbm>>
    %dma_wait3A_241 = arith.constant 0 : i32
    %dma_wait3A_242 = arith.constant 0 : i32
    %dma_wait3A_243 = tpu.memref_slice %arg7[%dma_wait3A_234, %dma_wait3A_241, %dma_wait3A_242] : memref<2x2x128xi32, #tpu.memory_space<vmem>> -> memref<1x2x128xi32, #tpu.memory_space<vmem>>
    %dma_wait3A_244 = tpu.memref_squeeze %dma_wait3A_243 : memref<1x2x128xi32, #tpu.memory_space<vmem>> -> memref<2x128xi32, #tpu.memory_space<vmem>>
    %dma_wait3A_245 = arith.constant 0 : i32
    %dma_wait3A_246 = tpu.memref_slice %arg3[%select_n3A, %dma_wait3A_245] : memref<12804x128xi32, #tpu.memory_space<hbm>> -> memref<2x128xi32, #tpu.memory_space<hbm>>
    tpu.wait_dma2 semaphore(%arg12 : memref<!tpu.dma_semaphore, #tpu.memory_space<semaphore_mem>>) src(%dma_wait3A_246 : memref<2x128xi32, #tpu.memory_space<hbm>>) dst(%dma_wait3A_244 : memref<2x128xi32, #tpu.memory_space<vmem>>)
    %dma_wait3A_247 = arith.constant 1 : i32
    %dma_wait3A_248 = arith.constant 0 : i32
    %dma_wait3A_249 = arith.constant 0 : i32
    %dma_wait3A_250 = tpu.memref_slice %arg8[%dma_wait3A_247, %dma_wait3A_248, %dma_wait3A_249] : memref<2x2x128xi32, #tpu.memory_space<vmem>> -> memref<1x2x128xi32, #tpu.memory_space<vmem>>
    %dma_wait3A_251 = tpu.memref_squeeze %dma_wait3A_250 : memref<1x2x128xi32, #tpu.memory_space<vmem>> -> memref<2x128xi32, #tpu.memory_space<vmem>>
    %dma_wait3A_252 = arith.constant 0 : i32
    %dma_wait3A_253 = tpu.memref_slice %arg4[%select_n3A_60, %dma_wait3A_252] : memref<6404x128xi32, #tpu.memory_space<hbm>> -> memref<2x128xi32, #tpu.memory_space<hbm>>
    %dma_wait3A_254 = arith.constant 0 : i32
    %dma_wait3A_255 = arith.constant 0 : i32
    %dma_wait3A_256 = tpu.memref_slice %arg8[%dma_wait3A_247, %dma_wait3A_254, %dma_wait3A_255] : memref<2x2x128xi32, #tpu.memory_space<vmem>> -> memref<1x2x128xi32, #tpu.memory_space<vmem>>
    %dma_wait3A_257 = tpu.memref_squeeze %dma_wait3A_256 : memref<1x2x128xi32, #tpu.memory_space<vmem>> -> memref<2x128xi32, #tpu.memory_space<vmem>>
    %dma_wait3A_258 = arith.constant 0 : i32
    %dma_wait3A_259 = tpu.memref_slice %arg4[%select_n3A_60, %dma_wait3A_258] : memref<6404x128xi32, #tpu.memory_space<hbm>> -> memref<2x128xi32, #tpu.memory_space<hbm>>
    tpu.wait_dma2 semaphore(%arg14 : memref<!tpu.dma_semaphore, #tpu.memory_space<semaphore_mem>>) src(%dma_wait3A_259 : memref<2x128xi32, #tpu.memory_space<hbm>>) dst(%dma_wait3A_257 : memref<2x128xi32, #tpu.memory_space<vmem>>)
    %barrier3A_260 = arith.constant 0 : index
    tpu.barrier barrier_id(%barrier3A_260)
    %mul3A_261 = arith.constant 3136 : i32
    %mul3A_262 = arith.muli %arg1, %mul3A_261 : i32
    %add3A_263 = arith.constant 0 : i32
    %add3A_264 = arith.addi %mul3A_262, %add3A_263 : i32
    %mul3A_265 = arith.constant 3136 : i32
    %mul3A_266 = arith.muli %arg1, %mul3A_265 : i32
    %add3A_267 = arith.constant 0 : i32
    %add3A_268 = arith.addi %mul3A_266, %add3A_267 : i32
    %mul3A_269 = arith.constant 32 : i32
    %mul3A_270 = arith.muli %arg0, %mul3A_269 : i32
    "tpu.region"() ({
      %run_scoped3A = tpu.sem_alloc : memref<!tpu.dma_semaphore, #tpu.memory_space<semaphore_mem>>
      %dma_start3A_301 = tpu.memref_slice %arg6[%add3A_268, %mul3A_270] : memref<50176x128xf32, #tpu.memory_space<hbm>> -> memref<1024x32xf32, #tpu.memory_space<hbm>>
      %dma_start3A_302 = arith.constant 0 : i32
      %dma_start3A_303 = tpu.memref_slice %arg10[%add3A_264, %dma_start3A_302] : memref<50688x32xf32, #tpu.memory_space<vmem_shared>> -> memref<1024x32xf32, #tpu.memory_space<vmem_shared>>
      tpu.enqueue_dma source(%dma_start3A_303 : memref<1024x32xf32, #tpu.memory_space<vmem_shared>>) target(%dma_start3A_301 : memref<1024x32xf32, #tpu.memory_space<hbm>>) target_semaphore(%run_scoped3A : memref<!tpu.dma_semaphore, #tpu.memory_space<semaphore_mem>>)
      %dma_wait3A_304 = tpu.memref_slice %arg6[%add3A_268, %mul3A_270] : memref<50176x128xf32, #tpu.memory_space<hbm>> -> memref<1024x32xf32, #tpu.memory_space<hbm>>
      %dma_wait3A_305 = arith.constant 0 : i32
      %dma_wait3A_306 = tpu.memref_slice %arg10[%add3A_264, %dma_wait3A_305] : memref<50688x32xf32, #tpu.memory_space<vmem_shared>> -> memref<1024x32xf32, #tpu.memory_space<vmem_shared>>
      tpu.wait_dma2 semaphore(%run_scoped3A : memref<!tpu.dma_semaphore, #tpu.memory_space<semaphore_mem>>) src(%dma_wait3A_306 : memref<1024x32xf32, #tpu.memory_space<vmem_shared>>) dst(%dma_wait3A_304 : memref<1024x32xf32, #tpu.memory_space<hbm>>)
      tpu.yield
    }) : () -> ()
    %mul3A_271 = arith.constant 3136 : i32
    %mul3A_272 = arith.muli %arg1, %mul3A_271 : i32
    %add3A_273 = arith.constant 1024 : i32
    %add3A_274 = arith.addi %mul3A_272, %add3A_273 : i32
    %mul3A_275 = arith.constant 3136 : i32
    %mul3A_276 = arith.muli %arg1, %mul3A_275 : i32
    %add3A_277 = arith.constant 1024 : i32
    %add3A_278 = arith.addi %mul3A_276, %add3A_277 : i32
    %mul3A_279 = arith.constant 32 : i32
    %mul3A_280 = arith.muli %arg0, %mul3A_279 : i32
    "tpu.region"() ({
      %run_scoped3A = tpu.sem_alloc : memref<!tpu.dma_semaphore, #tpu.memory_space<semaphore_mem>>
      %dma_start3A_301 = tpu.memref_slice %arg6[%add3A_278, %mul3A_280] : memref<50176x128xf32, #tpu.memory_space<hbm>> -> memref<1024x32xf32, #tpu.memory_space<hbm>>
      %dma_start3A_302 = arith.constant 0 : i32
      %dma_start3A_303 = tpu.memref_slice %arg10[%add3A_274, %dma_start3A_302] : memref<50688x32xf32, #tpu.memory_space<vmem_shared>> -> memref<1024x32xf32, #tpu.memory_space<vmem_shared>>
      tpu.enqueue_dma source(%dma_start3A_303 : memref<1024x32xf32, #tpu.memory_space<vmem_shared>>) target(%dma_start3A_301 : memref<1024x32xf32, #tpu.memory_space<hbm>>) target_semaphore(%run_scoped3A : memref<!tpu.dma_semaphore, #tpu.memory_space<semaphore_mem>>)
      %dma_wait3A_304 = tpu.memref_slice %arg6[%add3A_278, %mul3A_280] : memref<50176x128xf32, #tpu.memory_space<hbm>> -> memref<1024x32xf32, #tpu.memory_space<hbm>>
      %dma_wait3A_305 = arith.constant 0 : i32
      %dma_wait3A_306 = tpu.memref_slice %arg10[%add3A_274, %dma_wait3A_305] : memref<50688x32xf32, #tpu.memory_space<vmem_shared>> -> memref<1024x32xf32, #tpu.memory_space<vmem_shared>>
      tpu.wait_dma2 semaphore(%run_scoped3A : memref<!tpu.dma_semaphore, #tpu.memory_space<semaphore_mem>>) src(%dma_wait3A_306 : memref<1024x32xf32, #tpu.memory_space<vmem_shared>>) dst(%dma_wait3A_304 : memref<1024x32xf32, #tpu.memory_space<hbm>>)
      tpu.yield
    }) : () -> ()
    %mul3A_281 = arith.constant 3136 : i32
    %mul3A_282 = arith.muli %arg1, %mul3A_281 : i32
    %add3A_283 = arith.constant 2048 : i32
    %add3A_284 = arith.addi %mul3A_282, %add3A_283 : i32
    %mul3A_285 = arith.constant 3136 : i32
    %mul3A_286 = arith.muli %arg1, %mul3A_285 : i32
    %add3A_287 = arith.constant 2048 : i32
    %add3A_288 = arith.addi %mul3A_286, %add3A_287 : i32
    %mul3A_289 = arith.constant 32 : i32
    %mul3A_290 = arith.muli %arg0, %mul3A_289 : i32
    "tpu.region"() ({
      %run_scoped3A = tpu.sem_alloc : memref<!tpu.dma_semaphore, #tpu.memory_space<semaphore_mem>>
      %dma_start3A_301 = tpu.memref_slice %arg6[%add3A_288, %mul3A_290] : memref<50176x128xf32, #tpu.memory_space<hbm>> -> memref<1024x32xf32, #tpu.memory_space<hbm>>
      %dma_start3A_302 = arith.constant 0 : i32
      %dma_start3A_303 = tpu.memref_slice %arg10[%add3A_284, %dma_start3A_302] : memref<50688x32xf32, #tpu.memory_space<vmem_shared>> -> memref<1024x32xf32, #tpu.memory_space<vmem_shared>>
      tpu.enqueue_dma source(%dma_start3A_303 : memref<1024x32xf32, #tpu.memory_space<vmem_shared>>) target(%dma_start3A_301 : memref<1024x32xf32, #tpu.memory_space<hbm>>) target_semaphore(%run_scoped3A : memref<!tpu.dma_semaphore, #tpu.memory_space<semaphore_mem>>)
      %dma_wait3A_304 = tpu.memref_slice %arg6[%add3A_288, %mul3A_290] : memref<50176x128xf32, #tpu.memory_space<hbm>> -> memref<1024x32xf32, #tpu.memory_space<hbm>>
      %dma_wait3A_305 = arith.constant 0 : i32
      %dma_wait3A_306 = tpu.memref_slice %arg10[%add3A_284, %dma_wait3A_305] : memref<50688x32xf32, #tpu.memory_space<vmem_shared>> -> memref<1024x32xf32, #tpu.memory_space<vmem_shared>>
      tpu.wait_dma2 semaphore(%run_scoped3A : memref<!tpu.dma_semaphore, #tpu.memory_space<semaphore_mem>>) src(%dma_wait3A_306 : memref<1024x32xf32, #tpu.memory_space<vmem_shared>>) dst(%dma_wait3A_304 : memref<1024x32xf32, #tpu.memory_space<hbm>>)
      tpu.yield
    }) : () -> ()
    %mul3A_291 = arith.constant 3136 : i32
    %mul3A_292 = arith.muli %arg1, %mul3A_291 : i32
    %add3A_293 = arith.constant 3072 : i32
    %add3A_294 = arith.addi %mul3A_292, %add3A_293 : i32
    %mul3A_295 = arith.constant 3136 : i32
    %mul3A_296 = arith.muli %arg1, %mul3A_295 : i32
    %add3A_297 = arith.constant 3072 : i32
    %add3A_298 = arith.addi %mul3A_296, %add3A_297 : i32
    %mul3A_299 = arith.constant 32 : i32
    %mul3A_300 = arith.muli %arg0, %mul3A_299 : i32
    "tpu.region"() ({
      %run_scoped3A = tpu.sem_alloc : memref<!tpu.dma_semaphore, #tpu.memory_space<semaphore_mem>>
      %dma_start3A_301 = tpu.memref_slice %arg6[%add3A_298, %mul3A_300] : memref<50176x128xf32, #tpu.memory_space<hbm>> -> memref<64x32xf32, #tpu.memory_space<hbm>>
      %dma_start3A_302 = arith.constant 0 : i32
      %dma_start3A_303 = tpu.memref_slice %arg10[%add3A_294, %dma_start3A_302] : memref<50688x32xf32, #tpu.memory_space<vmem_shared>> -> memref<64x32xf32, #tpu.memory_space<vmem_shared>>
      tpu.enqueue_dma source(%dma_start3A_303 : memref<64x32xf32, #tpu.memory_space<vmem_shared>>) target(%dma_start3A_301 : memref<64x32xf32, #tpu.memory_space<hbm>>) target_semaphore(%run_scoped3A : memref<!tpu.dma_semaphore, #tpu.memory_space<semaphore_mem>>)
      %dma_wait3A_304 = tpu.memref_slice %arg6[%add3A_298, %mul3A_300] : memref<50176x128xf32, #tpu.memory_space<hbm>> -> memref<64x32xf32, #tpu.memory_space<hbm>>
      %dma_wait3A_305 = arith.constant 0 : i32
      %dma_wait3A_306 = tpu.memref_slice %arg10[%add3A_294, %dma_wait3A_305] : memref<50688x32xf32, #tpu.memory_space<vmem_shared>> -> memref<64x32xf32, #tpu.memory_space<vmem_shared>>
      tpu.wait_dma2 semaphore(%run_scoped3A : memref<!tpu.dma_semaphore, #tpu.memory_space<semaphore_mem>>) src(%dma_wait3A_306 : memref<64x32xf32, #tpu.memory_space<vmem_shared>>) dst(%dma_wait3A_304 : memref<64x32xf32, #tpu.memory_space<hbm>>)
      tpu.yield
    }) : () -> ()
    return
  }
}

#map = affine_map<(d0, d1) -> (0, 0)>
#map1 = affine_map<(d0, d1) -> (0)>
module attributes {stable_mosaic.version = 14 : i64} {
  func.func @_pool_body(%arg0: i32, %arg1: i32, %arg2: memref<53248x128xf32, #tpu.memory_space<hbm>>, %arg3: memref<53248xi32, #tpu.memory_space<hbm>>, %arg4: memref<1024x32xf32, #tpu.memory_space<hbm>>, %arg5: memref<2048x128xf32, #tpu.memory_space<hbm>>, %arg6: memref<128xi32, #tpu.memory_space<vmem>>, %arg7: memref<128x32xf32, #tpu.memory_space<vmem>>, %arg8: memref<2560x32xf32, #tpu.memory_space<vmem_shared>>) attributes {dimension_semantics = [#tpu.dimension_semantics<core_parallel>, #tpu.dimension_semantics<subcore_parallel>], iteration_bounds = array<i64: 2, 16>, scalar_prefetch = 0 : i64, scratch_operands = 3 : i64, tpu.core_type = #tpu.core_type<sc_vector_subcore>, window_params = [{transform_indices = #map}, {transform_indices = #map1}, {transform_indices = #map}, {transform_indices = #map}]} {
    %mul3A = arith.constant 128 : i32
    %mul3A_0 = arith.muli %arg1, %mul3A : i32
    "tpu.region"() ({
      %run_scoped3A = tpu.sem_alloc : memref<!tpu.dma_semaphore, #tpu.memory_space<semaphore_mem>>
      %dma_start3A = arith.constant 0 : i32
      %dma_start3A_15 = tpu.memref_slice %arg8[%mul3A_0, %dma_start3A] : memref<2560x32xf32, #tpu.memory_space<vmem_shared>> -> memref<128x32xf32, #tpu.memory_space<vmem_shared>>
      %dma_start3A_16 = arith.constant 0 : i32
      %dma_start3A_17 = arith.constant 0 : i32
      %dma_start3A_18 = tpu.memref_slice %arg4[%dma_start3A_16, %dma_start3A_17] : memref<1024x32xf32, #tpu.memory_space<hbm>> -> memref<128x32xf32, #tpu.memory_space<hbm>>
      tpu.enqueue_dma source(%dma_start3A_18 : memref<128x32xf32, #tpu.memory_space<hbm>>) target(%dma_start3A_15 : memref<128x32xf32, #tpu.memory_space<vmem_shared>>) target_semaphore(%run_scoped3A : memref<!tpu.dma_semaphore, #tpu.memory_space<semaphore_mem>>)
      %dma_wait3A = arith.constant 0 : i32
      %dma_wait3A_19 = tpu.memref_slice %arg8[%mul3A_0, %dma_wait3A] : memref<2560x32xf32, #tpu.memory_space<vmem_shared>> -> memref<128x32xf32, #tpu.memory_space<vmem_shared>>
      %dma_wait3A_20 = arith.constant 0 : i32
      %dma_wait3A_21 = arith.constant 0 : i32
      %dma_wait3A_22 = tpu.memref_slice %arg4[%dma_wait3A_20, %dma_wait3A_21] : memref<1024x32xf32, #tpu.memory_space<hbm>> -> memref<128x32xf32, #tpu.memory_space<hbm>>
      tpu.wait_dma2 semaphore(%run_scoped3A : memref<!tpu.dma_semaphore, #tpu.memory_space<semaphore_mem>>) src(%dma_wait3A_22 : memref<128x32xf32, #tpu.memory_space<hbm>>) dst(%dma_wait3A_19 : memref<128x32xf32, #tpu.memory_space<vmem_shared>>)
      tpu.yield
    }) : () -> ()
    %barrier3A = arith.constant 0 : index
    tpu.barrier barrier_id(%barrier3A)
    %mul3A_1 = arith.constant 3328 : i32
    %mul3A_2 = arith.muli %arg1, %mul3A_1 : i32
    %scan3A = arith.constant 0 : i32
    %scan3A_3 = arith.constant 0 : i32
    %scan3A_4 = arith.constant 26 : i32
    %scan3A_5 = arith.addi %scan3A_3, %scan3A_4 : i32
    %scan3A_6 = arith.constant 1 : i32
    scf.for %scan3A_15 = %scan3A_3 to %scan3A_5 step %scan3A_6  : i32 {
      %mul3A_16 = arith.constant 128 : i32
      %mul3A_17 = arith.muli %scan3A_15, %mul3A_16 : i32
      %add3A = arith.addi %mul3A_2, %mul3A_17 : i32
      "tpu.region"() ({
        %run_scoped3A = tpu.sem_alloc : memref<!tpu.dma_semaphore, #tpu.memory_space<semaphore_mem>>
        %dma_start3A = tpu.memref_slice %arg3[%add3A] : memref<53248xi32, #tpu.memory_space<hbm>> -> memref<128xi32, #tpu.memory_space<hbm>>
        %dma_start3A_20 = tpu.memref_slice %arg3[%add3A] : memref<53248xi32, #tpu.memory_space<hbm>> -> memref<128xi32, #tpu.memory_space<hbm>>
        tpu.enqueue_dma source(%dma_start3A_20 : memref<128xi32, #tpu.memory_space<hbm>>) target(%arg6 : memref<128xi32, #tpu.memory_space<vmem>>) target_semaphore(%run_scoped3A : memref<!tpu.dma_semaphore, #tpu.memory_space<semaphore_mem>>)
        %dma_wait3A = tpu.memref_slice %arg3[%add3A] : memref<53248xi32, #tpu.memory_space<hbm>> -> memref<128xi32, #tpu.memory_space<hbm>>
        %dma_wait3A_21 = tpu.memref_slice %arg3[%add3A] : memref<53248xi32, #tpu.memory_space<hbm>> -> memref<128xi32, #tpu.memory_space<hbm>>
        tpu.wait_dma2 semaphore(%run_scoped3A : memref<!tpu.dma_semaphore, #tpu.memory_space<semaphore_mem>>) src(%dma_wait3A_21 : memref<128xi32, #tpu.memory_space<hbm>>) dst(%arg6 : memref<128xi32, #tpu.memory_space<vmem>>)
        tpu.yield
      }) : () -> ()
      %mul3A_18 = arith.constant 32 : i32
      %mul3A_19 = arith.muli %arg0, %mul3A_18 : i32
      "tpu.region"() ({
        %run_scoped3A = tpu.sem_alloc : memref<!tpu.dma_semaphore, #tpu.memory_space<semaphore_mem>>
        %dma_start3A = tpu.memref_slice %arg2[%add3A, %mul3A_19] : memref<53248x128xf32, #tpu.memory_space<hbm>> -> memref<128x32xf32, #tpu.memory_space<hbm>>
        %dma_start3A_20 = tpu.memref_slice %arg2[%add3A, %mul3A_19] : memref<53248x128xf32, #tpu.memory_space<hbm>> -> memref<128x32xf32, #tpu.memory_space<hbm>>
        tpu.enqueue_dma source(%dma_start3A_20 : memref<128x32xf32, #tpu.memory_space<hbm>>) target(%arg7 : memref<128x32xf32, #tpu.memory_space<vmem>>) target_semaphore(%run_scoped3A : memref<!tpu.dma_semaphore, #tpu.memory_space<semaphore_mem>>)
        %dma_wait3A = tpu.memref_slice %arg2[%add3A, %mul3A_19] : memref<53248x128xf32, #tpu.memory_space<hbm>> -> memref<128x32xf32, #tpu.memory_space<hbm>>
        %dma_wait3A_21 = tpu.memref_slice %arg2[%add3A, %mul3A_19] : memref<53248x128xf32, #tpu.memory_space<hbm>> -> memref<128x32xf32, #tpu.memory_space<hbm>>
        tpu.wait_dma2 semaphore(%run_scoped3A : memref<!tpu.dma_semaphore, #tpu.memory_space<semaphore_mem>>) src(%dma_wait3A_21 : memref<128x32xf32, #tpu.memory_space<hbm>>) dst(%arg7 : memref<128x32xf32, #tpu.memory_space<vmem>>)
        tpu.yield
      }) : () -> ()
      "tpu.region"() ({
        %run_scoped3A = tpu.sem_alloc : memref<!tpu.dma_semaphore, #tpu.memory_space<semaphore_mem>>
        %dma_start3A = arith.constant 0 : i32
        %dma_start3A_20 = arith.constant 0 : i32
        %dma_start3A_21 = tpu.memref_slice %arg8[%dma_start3A, %dma_start3A_20] : memref<2560x32xf32, #tpu.memory_space<vmem_shared>> -> memref<2560x32xf32, #tpu.memory_space<vmem_shared>>
        tpu.enqueue_indirect_dma source(%arg7 : memref<128x32xf32, #tpu.memory_space<vmem>>) target(%dma_start3A_21 : memref<2560x32xf32, #tpu.memory_space<vmem_shared>>) offsets(%arg6 : memref<128xi32, #tpu.memory_space<vmem>>) semaphore(%run_scoped3A : memref<!tpu.dma_semaphore, #tpu.memory_space<semaphore_mem>>) {add = true}
        %dma_wait3A = arith.constant 0 : i32
        %dma_wait3A_22 = arith.constant 0 : i32
        %dma_wait3A_23 = tpu.memref_slice %arg8[%dma_wait3A, %dma_wait3A_22] : memref<2560x32xf32, #tpu.memory_space<vmem_shared>> -> memref<2560x32xf32, #tpu.memory_space<vmem_shared>>
        tpu.wait_indirect_dma semaphore(%run_scoped3A : memref<!tpu.dma_semaphore, #tpu.memory_space<semaphore_mem>>) src(%arg7 : memref<128x32xf32, #tpu.memory_space<vmem>>) dst(%dma_wait3A_23 : memref<2560x32xf32, #tpu.memory_space<vmem_shared>>)
        tpu.yield
      }) : () -> ()
    }
    %scan3A_7 = arith.constant 26 : i32
    %barrier3A_8 = arith.constant 0 : index
    tpu.barrier barrier_id(%barrier3A_8)
    %mul3A_9 = arith.constant 128 : i32
    %mul3A_10 = arith.muli %arg1, %mul3A_9 : i32
    %mul3A_11 = arith.constant 128 : i32
    %mul3A_12 = arith.muli %arg1, %mul3A_11 : i32
    %mul3A_13 = arith.constant 32 : i32
    %mul3A_14 = arith.muli %arg0, %mul3A_13 : i32
    "tpu.region"() ({
      %run_scoped3A = tpu.sem_alloc : memref<!tpu.dma_semaphore, #tpu.memory_space<semaphore_mem>>
      %dma_start3A = tpu.memref_slice %arg5[%mul3A_12, %mul3A_14] : memref<2048x128xf32, #tpu.memory_space<hbm>> -> memref<128x32xf32, #tpu.memory_space<hbm>>
      %dma_start3A_15 = arith.constant 0 : i32
      %dma_start3A_16 = tpu.memref_slice %arg8[%mul3A_10, %dma_start3A_15] : memref<2560x32xf32, #tpu.memory_space<vmem_shared>> -> memref<128x32xf32, #tpu.memory_space<vmem_shared>>
      tpu.enqueue_dma source(%dma_start3A_16 : memref<128x32xf32, #tpu.memory_space<vmem_shared>>) target(%dma_start3A : memref<128x32xf32, #tpu.memory_space<hbm>>) target_semaphore(%run_scoped3A : memref<!tpu.dma_semaphore, #tpu.memory_space<semaphore_mem>>)
      %dma_wait3A = tpu.memref_slice %arg5[%mul3A_12, %mul3A_14] : memref<2048x128xf32, #tpu.memory_space<hbm>> -> memref<128x32xf32, #tpu.memory_space<hbm>>
      %dma_wait3A_17 = arith.constant 0 : i32
      %dma_wait3A_18 = tpu.memref_slice %arg8[%mul3A_10, %dma_wait3A_17] : memref<2560x32xf32, #tpu.memory_space<vmem_shared>> -> memref<128x32xf32, #tpu.memory_space<vmem_shared>>
      tpu.wait_dma2 semaphore(%run_scoped3A : memref<!tpu.dma_semaphore, #tpu.memory_space<semaphore_mem>>) src(%dma_wait3A_18 : memref<128x32xf32, #tpu.memory_space<vmem_shared>>) dst(%dma_wait3A : memref<128x32xf32, #tpu.memory_space<hbm>>)
      tpu.yield
    }) : () -> ()
    return
  }
}

module attributes {stable_mosaic.version = 14 : i64} {
  func.func @_enc_body(%arg0: i32, %arg1: memref<8x1024xi32, #tpu.memory_space<vmem>>, %arg2: memref<50x1024xf32, #tpu.memory_space<vmem>>, %arg3: memref<1000x1024xf32, #tpu.memory_space<vmem>>, %arg4: memref<1024x128xf32, #tpu.memory_space<vmem>>, %arg5: memref<160x64xf32, #tpu.memory_space<vmem>>, %arg6: memref<50x64xf32, #tpu.memory_space<vmem>>, %arg7: memref<1000x64xf32, #tpu.memory_space<vmem>>, %arg8: memref<64x64xf32, #tpu.memory_space<vmem>>, %arg9: memref<64x64xf32, #tpu.memory_space<vmem>>, %arg10: memref<1024x128xf32, #tpu.memory_space<vmem>>) attributes {dimension_semantics = [#tpu.dimension_semantics<arbitrary>], iteration_bounds = array<i64: 49>, scalar_prefetch = 0 : i64, scratch_operands = 0 : i64, tpu.core_type = #tpu.core_type<tc>, window_params = [{transform_indices = @transform_0, window_bounds = array<i64: 8, 1024>}, {transform_indices = @transform_1, window_bounds = array<i64: 50, 1024>}, {transform_indices = @transform_2, window_bounds = array<i64: 1000, 1024>}, {transform_indices = @transform_3, window_bounds = array<i64: 1024, 128>}, {pipeline_mode = #tpu.pipeline_mode<synchronous>, transform_indices = @transform_4, window_bounds = array<i64: 160, 64>}, {pipeline_mode = #tpu.pipeline_mode<synchronous>, transform_indices = @transform_5, window_bounds = array<i64: 50, 64>}, {pipeline_mode = #tpu.pipeline_mode<synchronous>, transform_indices = @transform_6, window_bounds = array<i64: 1000, 64>}, {pipeline_mode = #tpu.pipeline_mode<synchronous>, transform_indices = @transform_7, window_bounds = array<i64: 64, 64>}, {pipeline_mode = #tpu.pipeline_mode<synchronous>, transform_indices = @transform_8, window_bounds = array<i64: 64, 64>}, {transform_indices = @transform_9, window_bounds = array<i64: 1024, 128>}]} {
    %get3A = arith.constant 0 : index
    %get3A_0 = arith.constant 0 : index
    %get3A_1 = vector.load %arg1[%get3A, %get3A_0] : memref<8x1024xi32, #tpu.memory_space<vmem>>, vector<8x1024xi32>
    %iota3A = tpu.iota {dimensions = array<i32: 1>} : vector<1024x160xi32>
    %broadcast_in_dim3A = arith.constant 0.000000e+00 : f32
    %broadcast_in_dim3A_2 = vector.broadcast %broadcast_in_dim3A : f32 to vector<1024x160xf32>
    %slice3A = vector.extract_strided_slice %get3A_1 {offsets = [0, 0], sizes = [1, 1024], strides = [1, 1]} : vector<8x1024xi32> to vector<1x1024xi32>
    %squeeze3A = vector.shape_cast %slice3A : vector<1x1024xi32> to vector<1024xi32>
    %broadcast_in_dim3A_3 = vector.shape_cast %squeeze3A : vector<1024xi32> to vector<1024x1xi32>
    %eq3A = vector.broadcast %broadcast_in_dim3A_3 : vector<1024x1xi32> to vector<1024x160xi32>
    %eq3A_4 = arith.cmpi eq, %iota3A, %eq3A : vector<1024x160xi32>
    %convert_element_type3A = arith.extui %eq3A_4 : vector<1024x160xi1> to vector<1024x160xi32>
    %convert_element_type3A_5 = arith.sitofp %convert_element_type3A : vector<1024x160xi32> to vector<1024x160xf32>
    %add3A = arith.addf %broadcast_in_dim3A_2, %convert_element_type3A_5 : vector<1024x160xf32>
    %slice3A_6 = vector.extract_strided_slice %get3A_1 {offsets = [1, 0], sizes = [1, 1024], strides = [1, 1]} : vector<8x1024xi32> to vector<1x1024xi32>
    %squeeze3A_7 = vector.shape_cast %slice3A_6 : vector<1x1024xi32> to vector<1024xi32>
    %broadcast_in_dim3A_8 = vector.shape_cast %squeeze3A_7 : vector<1024xi32> to vector<1024x1xi32>
    %eq3A_9 = vector.broadcast %broadcast_in_dim3A_8 : vector<1024x1xi32> to vector<1024x160xi32>
    %eq3A_10 = arith.cmpi eq, %iota3A, %eq3A_9 : vector<1024x160xi32>
    %convert_element_type3A_11 = arith.extui %eq3A_10 : vector<1024x160xi1> to vector<1024x160xi32>
    %convert_element_type3A_12 = arith.sitofp %convert_element_type3A_11 : vector<1024x160xi32> to vector<1024x160xf32>
    %add3A_13 = arith.addf %add3A, %convert_element_type3A_12 : vector<1024x160xf32>
    %slice3A_14 = vector.extract_strided_slice %get3A_1 {offsets = [2, 0], sizes = [1, 1024], strides = [1, 1]} : vector<8x1024xi32> to vector<1x1024xi32>
    %squeeze3A_15 = vector.shape_cast %slice3A_14 : vector<1x1024xi32> to vector<1024xi32>
    %broadcast_in_dim3A_16 = vector.shape_cast %squeeze3A_15 : vector<1024xi32> to vector<1024x1xi32>
    %eq3A_17 = vector.broadcast %broadcast_in_dim3A_16 : vector<1024x1xi32> to vector<1024x160xi32>
    %eq3A_18 = arith.cmpi eq, %iota3A, %eq3A_17 : vector<1024x160xi32>
    %convert_element_type3A_19 = arith.extui %eq3A_18 : vector<1024x160xi1> to vector<1024x160xi32>
    %convert_element_type3A_20 = arith.sitofp %convert_element_type3A_19 : vector<1024x160xi32> to vector<1024x160xf32>
    %add3A_21 = arith.addf %add3A_13, %convert_element_type3A_20 : vector<1024x160xf32>
    %slice3A_22 = vector.extract_strided_slice %get3A_1 {offsets = [3, 0], sizes = [1, 1024], strides = [1, 1]} : vector<8x1024xi32> to vector<1x1024xi32>
    %squeeze3A_23 = vector.shape_cast %slice3A_22 : vector<1x1024xi32> to vector<1024xi32>
    %broadcast_in_dim3A_24 = vector.shape_cast %squeeze3A_23 : vector<1024xi32> to vector<1024x1xi32>
    %eq3A_25 = vector.broadcast %broadcast_in_dim3A_24 : vector<1024x1xi32> to vector<1024x160xi32>
    %eq3A_26 = arith.cmpi eq, %iota3A, %eq3A_25 : vector<1024x160xi32>
    %convert_element_type3A_27 = arith.extui %eq3A_26 : vector<1024x160xi1> to vector<1024x160xi32>
    %convert_element_type3A_28 = arith.sitofp %convert_element_type3A_27 : vector<1024x160xi32> to vector<1024x160xf32>
    %add3A_29 = arith.addf %add3A_21, %convert_element_type3A_28 : vector<1024x160xf32>
    %slice3A_30 = vector.extract_strided_slice %get3A_1 {offsets = [4, 0], sizes = [1, 1024], strides = [1, 1]} : vector<8x1024xi32> to vector<1x1024xi32>
    %squeeze3A_31 = vector.shape_cast %slice3A_30 : vector<1x1024xi32> to vector<1024xi32>
    %broadcast_in_dim3A_32 = vector.shape_cast %squeeze3A_31 : vector<1024xi32> to vector<1024x1xi32>
    %eq3A_33 = vector.broadcast %broadcast_in_dim3A_32 : vector<1024x1xi32> to vector<1024x160xi32>
    %eq3A_34 = arith.cmpi eq, %iota3A, %eq3A_33 : vector<1024x160xi32>
    %convert_element_type3A_35 = arith.extui %eq3A_34 : vector<1024x160xi1> to vector<1024x160xi32>
    %convert_element_type3A_36 = arith.sitofp %convert_element_type3A_35 : vector<1024x160xi32> to vector<1024x160xf32>
    %add3A_37 = arith.addf %add3A_29, %convert_element_type3A_36 : vector<1024x160xf32>
    %get3A_38 = arith.constant 0 : index
    %get3A_39 = arith.constant 0 : index
    %get3A_40 = vector.load %arg5[%get3A_38, %get3A_39] : memref<160x64xf32, #tpu.memory_space<vmem>>, vector<160x64xf32>
    %dot_general3A = arith.constant dense<0.000000e+00> : vector<1024x64xf32>
    %dot_general3A_41 = tpu.matmul %add3A_37, %get3A_40, %dot_general3A {dimension_numbers = #tpu.dot_dimension_numbers<[1], [0], [0], [1], [0, 0, 1, 1], [], []>, transpose_lhs_hint = false} : vector<1024x160xf32>, vector<160x64xf32>, vector<1024x64xf32> -> vector<1024x64xf32>
    %get3A_42 = arith.constant 0 : index
    %get3A_43 = arith.constant 0 : index
    %get3A_44 = vector.load %arg2[%get3A_42, %get3A_43] : memref<50x1024xf32, #tpu.memory_space<vmem>>, vector<50x1024xf32>
    %get3A_45 = arith.constant 0 : index
    %get3A_46 = arith.constant 0 : index
    %get3A_47 = vector.load %arg6[%get3A_45, %get3A_46] : memref<50x64xf32, #tpu.memory_space<vmem>>, vector<50x64xf32>
    %dot_general3A_48 = arith.constant dense<0.000000e+00> : vector<1024x64xf32>
    %dot_general3A_49 = tpu.matmul %get3A_44, %get3A_47, %dot_general3A_48 {dimension_numbers = #tpu.dot_dimension_numbers<[0], [0], [1], [1], [0, 1, 1, 1], [], []>, transpose_lhs_hint = false} : vector<50x1024xf32>, vector<50x64xf32>, vector<1024x64xf32> -> vector<1024x64xf32>
    %add3A_50 = arith.addf %dot_general3A_41, %dot_general3A_49 : vector<1024x64xf32>
    %get3A_51 = arith.constant 0 : index
    %get3A_52 = arith.constant 0 : index
    %get3A_53 = vector.load %arg3[%get3A_51, %get3A_52] : memref<1000x1024xf32, #tpu.memory_space<vmem>>, vector<1000x1024xf32>
    %get3A_54 = arith.constant 0 : index
    %get3A_55 = arith.constant 0 : index
    %get3A_56 = vector.load %arg7[%get3A_54, %get3A_55] : memref<1000x64xf32, #tpu.memory_space<vmem>>, vector<1000x64xf32>
    %dot_general3A_57 = arith.constant dense<0.000000e+00> : vector<1024x64xf32>
    %dot_general3A_58 = tpu.matmul %get3A_53, %get3A_56, %dot_general3A_57 {dimension_numbers = #tpu.dot_dimension_numbers<[0], [0], [1], [1], [0, 1, 1, 1], [], []>, transpose_lhs_hint = false} : vector<1000x1024xf32>, vector<1000x64xf32>, vector<1024x64xf32> -> vector<1024x64xf32>
    %add3A_59 = arith.addf %add3A_50, %dot_general3A_58 : vector<1024x64xf32>
    %get3A_60 = arith.constant 0 : index
    %get3A_61 = arith.constant 0 : index
    %get3A_62 = vector.load %arg8[%get3A_60, %get3A_61] : memref<64x64xf32, #tpu.memory_space<vmem>>, vector<64x64xf32>
    %dot_general3A_63 = arith.constant dense<0.000000e+00> : vector<1024x64xf32>
    %dot_general3A_64 = tpu.matmul %add3A_59, %get3A_62, %dot_general3A_63 {dimension_numbers = #tpu.dot_dimension_numbers<[1], [0], [0], [1], [0, 0, 1, 1], [], []>, transpose_lhs_hint = false} : vector<1024x64xf32>, vector<64x64xf32>, vector<1024x64xf32> -> vector<1024x64xf32>
    %max3A = arith.constant 0.000000e+00 : f32
    %max3A_65 = vector.broadcast %max3A : f32 to vector<1024x64xf32>
    %max3A_66 = arith.maximumf %dot_general3A_64, %max3A_65 : vector<1024x64xf32>
    %get3A_67 = arith.constant 0 : index
    %get3A_68 = arith.constant 0 : index
    %get3A_69 = vector.load %arg4[%get3A_67, %get3A_68] : memref<1024x128xf32, #tpu.memory_space<vmem>>, vector<1024x128xf32>
    %slice3A_70 = vector.extract_strided_slice %get3A_69 {offsets = [0, 0], sizes = [1024, 1], strides = [1, 1]} : vector<1024x128xf32> to vector<1024x1xf32>
    %slice3A_71 = vector.extract_strided_slice %get3A_69 {offsets = [0, 8], sizes = [1024, 1], strides = [1, 1]} : vector<1024x128xf32> to vector<1024x1xf32>
    %add3A_72 = arith.addf %slice3A_70, %slice3A_71 : vector<1024x1xf32>
    %add3A_73 = arith.constant 1.000000e+00 : f32
    %add3A_74 = vector.broadcast %add3A_73 : f32 to vector<1024x1xf32>
    %add3A_75 = arith.addf %add3A_72, %add3A_74 : vector<1024x1xf32>
    %rsqrt3A = math.rsqrt %add3A_75 : vector<1024x1xf32>
    %get3A_76 = arith.constant 0 : index
    %get3A_77 = arith.constant 0 : index
    %get3A_78 = vector.load %arg9[%get3A_76, %get3A_77] : memref<64x64xf32, #tpu.memory_space<vmem>>, vector<64x64xf32>
    %dot_general3A_79 = arith.constant dense<0.000000e+00> : vector<1024x64xf32>
    %dot_general3A_80 = tpu.matmul %max3A_66, %get3A_78, %dot_general3A_79 {dimension_numbers = #tpu.dot_dimension_numbers<[1], [0], [0], [1], [0, 0, 1, 1], [], []>, transpose_lhs_hint = false} : vector<1024x64xf32>, vector<64x64xf32>, vector<1024x64xf32> -> vector<1024x64xf32>
    %mul3A = vector.broadcast %rsqrt3A : vector<1024x1xf32> to vector<1024x64xf32>
    %mul3A_81 = arith.mulf %mul3A, %dot_general3A_80 : vector<1024x64xf32>
    %swap3A = arith.constant 0 : index
    %swap3A_82 = arith.constant 0 : index
    %swap3A_83 = vector.load %arg10[%swap3A, %swap3A_82] : memref<1024x128xf32, #tpu.memory_space<vmem>>, vector<1024x64xf32>
    tpu.vector_store %arg10[%swap3A, %swap3A_82], %mul3A_81 {strides = array<i32>} : memref<1024x128xf32, #tpu.memory_space<vmem>>, vector<1024x64xf32>,
    return
  }
  func.func @transform_0(%arg0: i32) -> (i32, i32) {
    %c0_i32 = arith.constant 0 : i32
    %c0_i32_0 = arith.constant 0 : i32
    return %c0_i32, %arg0 : i32, i32
  }
  func.func @transform_1(%arg0: i32) -> (i32, i32) {
    %c0_i32 = arith.constant 0 : i32
    %c0_i32_0 = arith.constant 0 : i32
    return %c0_i32, %arg0 : i32, i32
  }
  func.func @transform_2(%arg0: i32) -> (i32, i32) {
    %c0_i32 = arith.constant 0 : i32
    %c0_i32_0 = arith.constant 0 : i32
    return %c0_i32, %arg0 : i32, i32
  }
  func.func @transform_3(%arg0: i32) -> (i32, i32) {
    %c0_i32 = arith.constant 0 : i32
    %c0_i32_0 = arith.constant 0 : i32
    return %arg0, %c0_i32 : i32, i32
  }
  func.func @transform_4(%arg0: i32) -> (i32, i32) {
    %c0_i32 = arith.constant 0 : i32
    %c0_i32_0 = arith.constant 0 : i32
    %c0_i32_1 = arith.constant 0 : i32
    return %c0_i32, %c0_i32_0 : i32, i32
  }
  func.func @transform_5(%arg0: i32) -> (i32, i32) {
    %c0_i32 = arith.constant 0 : i32
    %c0_i32_0 = arith.constant 0 : i32
    %c0_i32_1 = arith.constant 0 : i32
    return %c0_i32, %c0_i32_0 : i32, i32
  }
  func.func @transform_6(%arg0: i32) -> (i32, i32) {
    %c0_i32 = arith.constant 0 : i32
    %c0_i32_0 = arith.constant 0 : i32
    %c0_i32_1 = arith.constant 0 : i32
    return %c0_i32, %c0_i32_0 : i32, i32
  }
  func.func @transform_7(%arg0: i32) -> (i32, i32) {
    %c0_i32 = arith.constant 0 : i32
    %c0_i32_0 = arith.constant 0 : i32
    %c0_i32_1 = arith.constant 0 : i32
    return %c0_i32, %c0_i32_0 : i32, i32
  }
  func.func @transform_8(%arg0: i32) -> (i32, i32) {
    %c0_i32 = arith.constant 0 : i32
    %c0_i32_0 = arith.constant 0 : i32
    %c0_i32_1 = arith.constant 0 : i32
    return %c0_i32, %c0_i32_0 : i32, i32
  }
  func.func @transform_9(%arg0: i32) -> (i32, i32) {
    %c0_i32 = arith.constant 0 : i32
    %c0_i32_0 = arith.constant 0 : i32
    return %arg0, %c0_i32 : i32, i32
  }
}

module attributes {stable_mosaic.version = 14 : i64} {
  func.func @_mid_body(%arg0: i32, %arg1: memref<2048x128xf32, #tpu.memory_space<vmem>>, %arg2: memref<2048x128xf32, #tpu.memory_space<vmem>>, %arg3: memref<2048x128xf32, #tpu.memory_space<vmem>>, %arg4: memref<64x64xf32, #tpu.memory_space<vmem>>, %arg5: memref<2048x128xf32, #tpu.memory_space<vmem>>) attributes {dimension_semantics = [#tpu.dimension_semantics<arbitrary>], iteration_bounds = array<i64: 25>, scalar_prefetch = 0 : i64, scratch_operands = 0 : i64, tpu.core_type = #tpu.core_type<tc>, window_params = [{transform_indices = @transform_0, window_bounds = array<i64: 2048, 128>}, {transform_indices = @transform_1, window_bounds = array<i64: 2048, 128>}, {transform_indices = @transform_2, window_bounds = array<i64: 2048, 128>}, {pipeline_mode = #tpu.pipeline_mode<synchronous>, transform_indices = @transform_3, window_bounds = array<i64: 64, 64>}, {transform_indices = @transform_4, window_bounds = array<i64: 2048, 128>}]} {
    %get3A = arith.constant 0 : index
    %get3A_0 = arith.constant 0 : index
    %get3A_1 = vector.load %arg3[%get3A, %get3A_0] : memref<2048x128xf32, #tpu.memory_space<vmem>>, vector<2048x128xf32>
    %slice3A = vector.extract_strided_slice %get3A_1 {offsets = [0, 0], sizes = [2048, 1], strides = [1, 1]} : vector<2048x128xf32> to vector<2048x1xf32>
    %slice3A_2 = vector.extract_strided_slice %get3A_1 {offsets = [0, 8], sizes = [2048, 1], strides = [1, 1]} : vector<2048x128xf32> to vector<2048x1xf32>
    %add3A = arith.addf %slice3A, %slice3A_2 : vector<2048x1xf32>
    %add3A_3 = arith.constant 1.000000e+00 : f32
    %add3A_4 = vector.broadcast %add3A_3 : f32 to vector<2048x1xf32>
    %add3A_5 = arith.addf %add3A, %add3A_4 : vector<2048x1xf32>
    %rsqrt3A = math.rsqrt %add3A_5 : vector<2048x1xf32>
    %get3A_6 = arith.constant 0 : index
    %get3A_7 = arith.constant 0 : index
    %get3A_8 = vector.load %arg1[%get3A_6, %get3A_7] : memref<2048x128xf32, #tpu.memory_space<vmem>>, vector<2048x64xf32>
    %get3A_9 = arith.constant 0 : index
    %get3A_10 = arith.constant 0 : index
    %get3A_11 = vector.load %arg2[%get3A_9, %get3A_10] : memref<2048x128xf32, #tpu.memory_space<vmem>>, vector<2048x64xf32>
    %add3A_12 = arith.addf %get3A_8, %get3A_11 : vector<2048x64xf32>
    %mul3A = vector.broadcast %rsqrt3A : vector<2048x1xf32> to vector<2048x64xf32>
    %mul3A_13 = arith.mulf %mul3A, %add3A_12 : vector<2048x64xf32>
    %max3A = arith.constant 0.000000e+00 : f32
    %max3A_14 = vector.broadcast %max3A : f32 to vector<2048x64xf32>
    %max3A_15 = arith.maximumf %mul3A_13, %max3A_14 : vector<2048x64xf32>
    %get3A_16 = arith.constant 0 : index
    %get3A_17 = arith.constant 0 : index
    %get3A_18 = vector.load %arg4[%get3A_16, %get3A_17] : memref<64x64xf32, #tpu.memory_space<vmem>>, vector<64x64xf32>
    %dot_general3A = arith.constant dense<0.000000e+00> : vector<2048x64xf32>
    %dot_general3A_19 = tpu.matmul %max3A_15, %get3A_18, %dot_general3A {dimension_numbers = #tpu.dot_dimension_numbers<[1], [0], [0], [1], [0, 0, 1, 1], [], []>, transpose_lhs_hint = false} : vector<2048x64xf32>, vector<64x64xf32>, vector<2048x64xf32> -> vector<2048x64xf32>
    %mul3A_20 = vector.broadcast %rsqrt3A : vector<2048x1xf32> to vector<2048x64xf32>
    %mul3A_21 = arith.mulf %mul3A_20, %dot_general3A_19 : vector<2048x64xf32>
    %swap3A = arith.constant 0 : index
    %swap3A_22 = arith.constant 0 : index
    %swap3A_23 = vector.load %arg5[%swap3A, %swap3A_22] : memref<2048x128xf32, #tpu.memory_space<vmem>>, vector<2048x64xf32>
    tpu.vector_store %arg5[%swap3A, %swap3A_22], %mul3A_21 {strides = array<i32>} : memref<2048x128xf32, #tpu.memory_space<vmem>>, vector<2048x64xf32>,
    return
  }
  func.func @transform_0(%arg0: i32) -> (i32, i32) {
    %c0_i32 = arith.constant 0 : i32
    %c0_i32_0 = arith.constant 0 : i32
    return %arg0, %c0_i32 : i32, i32
  }
  func.func @transform_1(%arg0: i32) -> (i32, i32) {
    %c0_i32 = arith.constant 0 : i32
    %c0_i32_0 = arith.constant 0 : i32
    return %arg0, %c0_i32 : i32, i32
  }
  func.func @transform_2(%arg0: i32) -> (i32, i32) {
    %c0_i32 = arith.constant 0 : i32
    %c0_i32_0 = arith.constant 0 : i32
    return %arg0, %c0_i32 : i32, i32
  }
  func.func @transform_3(%arg0: i32) -> (i32, i32) {
    %c0_i32 = arith.constant 0 : i32
    %c0_i32_0 = arith.constant 0 : i32
    %c0_i32_1 = arith.constant 0 : i32
    return %c0_i32, %c0_i32_0 : i32, i32
  }
  func.func @transform_4(%arg0: i32) -> (i32, i32) {
    %c0_i32 = arith.constant 0 : i32
    %c0_i32_0 = arith.constant 0 : i32
    return %arg0, %c0_i32 : i32, i32
  }
}

module attributes {stable_mosaic.version = 14 : i64} {
  func.func @_fin_body(%arg0: i32, %arg1: memref<2048x128xf32, #tpu.memory_space<vmem>>, %arg2: memref<2048x128xf32, #tpu.memory_space<vmem>>, %arg3: memref<2048x128xf32, #tpu.memory_space<vmem>>, %arg4: memref<2048x128xf32, #tpu.memory_space<vmem>>) attributes {dimension_semantics = [#tpu.dimension_semantics<arbitrary>], iteration_bounds = array<i64: 25>, scalar_prefetch = 0 : i64, scratch_operands = 0 : i64, tpu.core_type = #tpu.core_type<tc>, window_params = [{transform_indices = @transform_0, window_bounds = array<i64: 2048, 128>}, {transform_indices = @transform_1, window_bounds = array<i64: 2048, 128>}, {transform_indices = @transform_2, window_bounds = array<i64: 2048, 128>}, {transform_indices = @transform_3, window_bounds = array<i64: 2048, 128>}]} {
    %get3A = arith.constant 0 : index
    %get3A_0 = arith.constant 0 : index
    %get3A_1 = vector.load %arg3[%get3A, %get3A_0] : memref<2048x128xf32, #tpu.memory_space<vmem>>, vector<2048x128xf32>
    %slice3A = vector.extract_strided_slice %get3A_1 {offsets = [0, 0], sizes = [2048, 1], strides = [1, 1]} : vector<2048x128xf32> to vector<2048x1xf32>
    %slice3A_2 = vector.extract_strided_slice %get3A_1 {offsets = [0, 8], sizes = [2048, 1], strides = [1, 1]} : vector<2048x128xf32> to vector<2048x1xf32>
    %add3A = arith.addf %slice3A, %slice3A_2 : vector<2048x1xf32>
    %add3A_3 = arith.constant 1.000000e+00 : f32
    %add3A_4 = vector.broadcast %add3A_3 : f32 to vector<2048x1xf32>
    %add3A_5 = arith.addf %add3A, %add3A_4 : vector<2048x1xf32>
    %rsqrt3A = math.rsqrt %add3A_5 : vector<2048x1xf32>
    %get3A_6 = arith.constant 0 : index
    %get3A_7 = arith.constant 0 : index
    %get3A_8 = vector.load %arg1[%get3A_6, %get3A_7] : memref<2048x128xf32, #tpu.memory_space<vmem>>, vector<2048x64xf32>
    %get3A_9 = arith.constant 0 : index
    %get3A_10 = arith.constant 0 : index
    %get3A_11 = vector.load %arg2[%get3A_9, %get3A_10] : memref<2048x128xf32, #tpu.memory_space<vmem>>, vector<2048x64xf32>
    %add3A_12 = arith.addf %get3A_8, %get3A_11 : vector<2048x64xf32>
    %mul3A = vector.broadcast %rsqrt3A : vector<2048x1xf32> to vector<2048x64xf32>
    %mul3A_13 = arith.mulf %mul3A, %add3A_12 : vector<2048x64xf32>
    %swap3A = arith.constant 0 : index
    %swap3A_14 = arith.constant 0 : index
    %swap3A_15 = vector.load %arg4[%swap3A, %swap3A_14] : memref<2048x128xf32, #tpu.memory_space<vmem>>, vector<2048x64xf32>
    tpu.vector_store %arg4[%swap3A, %swap3A_14], %mul3A_13 {strides = array<i32>} : memref<2048x128xf32, #tpu.memory_space<vmem>>, vector<2048x64xf32>,
    return
  }
  func.func @transform_0(%arg0: i32) -> (i32, i32) {
    %c0_i32 = arith.constant 0 : i32
    %c0_i32_0 = arith.constant 0 : i32
    return %arg0, %c0_i32 : i32, i32
  }
  func.func @transform_1(%arg0: i32) -> (i32, i32) {
    %c0_i32 = arith.constant 0 : i32
    %c0_i32_0 = arith.constant 0 : i32
    return %arg0, %c0_i32 : i32, i32
  }
  func.func @transform_2(%arg0: i32) -> (i32, i32) {
    %c0_i32 = arith.constant 0 : i32
    %c0_i32_0 = arith.constant 0 : i32
    return %arg0, %c0_i32 : i32, i32
  }
  func.func @transform_3(%arg0: i32) -> (i32, i32) {
    %c0_i32 = arith.constant 0 : i32
    %c0_i32_0 = arith.constant 0 : i32
    return %arg0, %c0_i32 : i32, i32
  }
}

module attributes {stable_mosaic.version = 14 : i64} {
  func.func @_head_body(%arg0: i32, %arg1: memref<2048x128xf32, #tpu.memory_space<vmem>>, %arg2: memref<2048x128xf32, #tpu.memory_space<vmem>>, %arg3: memref<8x64xf32, #tpu.memory_space<vmem>>, %arg4: memref<8x2048xf32, #tpu.memory_space<vmem>>) attributes {dimension_semantics = [#tpu.dimension_semantics<arbitrary>], iteration_bounds = array<i64: 1>, scalar_prefetch = 0 : i64, scratch_operands = 0 : i64, tpu.core_type = #tpu.core_type<tc>, window_params = [{pipeline_mode = #tpu.pipeline_mode<synchronous>, transform_indices = @transform_0, window_bounds = array<i64: 2048, 128>}, {pipeline_mode = #tpu.pipeline_mode<synchronous>, transform_indices = @transform_1, window_bounds = array<i64: 2048, 128>}, {pipeline_mode = #tpu.pipeline_mode<synchronous>, transform_indices = @transform_2, window_bounds = array<i64: 8, 64>}, {pipeline_mode = #tpu.pipeline_mode<synchronous>, transform_indices = @transform_3, window_bounds = array<i64: 8, 2048>}]} {
    %get3A = arith.constant 0 : index
    %get3A_0 = arith.constant 0 : index
    %get3A_1 = vector.load %arg1[%get3A, %get3A_0] : memref<2048x128xf32, #tpu.memory_space<vmem>>, vector<2048x64xf32>
    %get3A_2 = arith.constant 0 : index
    %get3A_3 = arith.constant 0 : index
    %get3A_4 = vector.load %arg2[%get3A_2, %get3A_3] : memref<2048x128xf32, #tpu.memory_space<vmem>>, vector<2048x128xf32>
    %slice3A = vector.extract_strided_slice %get3A_4 {offsets = [0, 0], sizes = [2048, 1], strides = [1, 1]} : vector<2048x128xf32> to vector<2048x1xf32>
    %slice3A_5 = vector.extract_strided_slice %get3A_4 {offsets = [0, 8], sizes = [2048, 1], strides = [1, 1]} : vector<2048x128xf32> to vector<2048x1xf32>
    %add3A = arith.addf %slice3A, %slice3A_5 : vector<2048x1xf32>
    %max3A = arith.constant 1.000000e+00 : f32
    %max3A_6 = vector.broadcast %max3A : f32 to vector<2048x1xf32>
    %max3A_7 = arith.maximumf %add3A, %max3A_6 : vector<2048x1xf32>
    %div3A = vector.broadcast %max3A_7 : vector<2048x1xf32> to vector<2048x64xf32>
    %div3A_8 = arith.divf %get3A_1, %div3A : vector<2048x64xf32>
    %get3A_9 = arith.constant 0 : index
    %get3A_10 = arith.constant 0 : index
    %get3A_11 = vector.load %arg3[%get3A_9, %get3A_10] : memref<8x64xf32, #tpu.memory_space<vmem>>, vector<1x64xf32>
    %mul3A = vector.broadcast %get3A_11 : vector<1x64xf32> to vector<2048x64xf32>
    %mul3A_12 = arith.mulf %div3A_8, %mul3A : vector<2048x64xf32>
    %reduce_sum3A = arith.constant dense<0.000000e+00> : vector<2048xf32>
    %reduce_sum3A_13 = vector.multi_reduction <add>, %mul3A_12, %reduce_sum3A [1] : vector<2048x64xf32> to vector<2048xf32>
    %broadcast_in_dim3A = vector.shape_cast %reduce_sum3A_13 : vector<2048xf32> to vector<2048x1xf32>
    %neg3A = arith.constant 0.000000e+00 : f32
    %neg3A_14 = vector.broadcast %neg3A : f32 to vector<2048x1xf32>
    %neg3A_15 = arith.subf %neg3A_14, %broadcast_in_dim3A : vector<2048x1xf32>
    %exp3A = math.exp %neg3A_15 : vector<2048x1xf32>
    %add3A_16 = arith.constant 1.000000e+00 : f32
    %add3A_17 = vector.broadcast %add3A_16 : f32 to vector<2048x1xf32>
    %add3A_18 = arith.addf %add3A_17, %exp3A : vector<2048x1xf32>
    %div3A_19 = arith.constant 1.000000e+00 : f32
    %div3A_20 = vector.broadcast %div3A_19 : f32 to vector<2048x1xf32>
    %div3A_21 = arith.divf %div3A_20, %add3A_18 : vector<2048x1xf32>
    %reshape3A = vector.shape_cast %div3A_21 : vector<2048x1xf32> to vector<1x2048xf32>
    %broadcast_in_dim3A_22 = vector.shape_cast %reshape3A : vector<1x2048xf32> to vector<1x2048xf32>
    %broadcast_in_dim3A_23 = vector.broadcast %broadcast_in_dim3A_22 : vector<1x2048xf32> to vector<8x2048xf32>
    %swap3A = arith.constant 0 : index
    %swap3A_24 = arith.constant 0 : index
    %swap3A_25 = vector.load %arg4[%swap3A, %swap3A_24] : memref<8x2048xf32, #tpu.memory_space<vmem>>, vector<8x2048xf32>
    tpu.vector_store %arg4[%swap3A, %swap3A_24], %broadcast_in_dim3A_23 {strides = array<i32>} : memref<8x2048xf32, #tpu.memory_space<vmem>>, vector<8x2048xf32>,
    return
  }
  func.func @transform_0(%arg0: i32) -> (i32, i32) {
    %c0_i32 = arith.constant 0 : i32
    %c0_i32_0 = arith.constant 0 : i32
    %c0_i32_1 = arith.constant 0 : i32
    return %c0_i32, %c0_i32_0 : i32, i32
  }
  func.func @transform_1(%arg0: i32) -> (i32, i32) {
    %c0_i32 = arith.constant 0 : i32
    %c0_i32_0 = arith.constant 0 : i32
    %c0_i32_1 = arith.constant 0 : i32
    return %c0_i32, %c0_i32_0 : i32, i32
  }
  func.func @transform_2(%arg0: i32) -> (i32, i32) {
    %c0_i32 = arith.constant 0 : i32
    %c0_i32_0 = arith.constant 0 : i32
    %c0_i32_1 = arith.constant 0 : i32
    return %c0_i32, %c0_i32_0 : i32, i32
  }
  func.func @transform_3(%arg0: i32) -> (i32, i32) {
    %c0_i32 = arith.constant 0 : i32
    %c0_i32_0 = arith.constant 0 : i32
    %c0_i32_1 = arith.constant 0 : i32
    return %c0_i32, %c0_i32_0 : i32, i32
  }
}

</mosaic_0001>

<sc_bundles>
// kernel: kernel.12.cloned.1.call-start
scs
__scs_entry_jumppad:
0x0: {  	(pc) =	sbr.rel $0x88, $3  }
0x1: {  	(tag) =	ssettag $0x0;
	lr =	simm.s32 $0x1  }
0x2: {  	[smem:$0x3F90] =	sst lr;
	_ =	strace $0xD0000000  }
0x3: {  	_ = 	snop  }
0x4: {  	_ = 	snop  }
0x5: {  	_ = 	snop  }
0x6: {  	_ = 	snop  }
0x7: {  	_ = 	snop  }
__scs_overlays_trampoline_lowered:
0x8: {  	[smem:$0x3F9F] =	sst s0  }
0x9: {  	[smem:$0x3FA0] =	sst s1  }
0xa: {  	[smem:$0x3FA1] =	sst s2  }
0xb: {  	[smem:$0x3FA2] =	sst s3  }
0xc: {  	[smem:$0x3FA3] =	sst s4  }
0xd: {  	[smem:$0x3FA4] =	sst s5  }
0xe: {  	[smem:$0x3FA5] =	sst s6  }
0xf: {  	[smem:$0x3FA6] =	sst s7  }
0x10: {  	[smem:$0x3FA7] =	sst s8  }
0x11: {  	[smem:$0x3FA8] =	sst s9;
	s0 =	simm.s32 @!p0 $0x0  }
0x12: {  	s1 =	sld [smem:$0x3F8E];
	s0 =	simm.s32 @p0 $0x1  }
0x13: {  	[smem:$0x3FA9] =	sst s0;
	s0 =	simm.s32 @!p1 $0x0  }
0x14: {  	s2 =	sld [smem:$0x3F8D];
	s0 =	simm.s32 @p1 $0x1  }
0x15: {  	[smem:$0x3FAA] =	sst s0;
	s0 =	simm.s32 @!p2 $0x0  }
0x16: {  	s3 =	sld [smem:$0x3FDB];
	s0 =	simm.s32 @p2 $0x1  }
0x17: {  	s4 =	simm.s32 $0x1BF5;
	[smem:$0x3FAC] =	sst s0  }
0x18: {  	s0 =	sld [smem:$0x3F8F];
	_ =	swait.ge [sflag:s4], $0x0  }
0x19: {  	s7 =	sld [smem:$0x3F90]  }
0x1a: {  	s8 =	sadd.s32 $0xFFFFE003, lr  }
0x1b: {  	s9 =	sadd.s32 $0xFFFFFEF7, lr;
	s5 =	simm.s32 $0xFFFFFFFF;
	p2 =	slt.u32 s8, $0xFFFFF086  }
0x1c: {  	p1 =	slt.u32 s9, $0xF7A;
	s5 =	simm.s32 @!p2 $0x0  }
0x1d: {  	s5 =	simm.s32 @p1 $0x1;
	p0 =	seq.s32 s7, s2  }
0x1e: {  	s7 =	smul.u32 @!p0 $0xF7A, s2;
	p2 =	seq.s32 @!p0 s5, $0x0  }
0x1f: {  	s9 =	smul.u32 $0xF7A, s1;
	s8 =	simm.s32 @!p0 $0x1BF5;
	p2 =	por !p2, p0  }
0x20: {  	[sflag:s8] =	ssyncset.s32 @!p0 $0xFFFFF086;
	s6 =	sadd.s32 @!p0 s3, s7;
	s7 =	simm.s32 @!p0 $0x108  }
0x21: {  	s3 =	sadd.s32 s3, s9;
	s6 =	sadd.s32 @!p0 $0x88, s6;
	s7 =	simm.s32 @p2 $0x1082  }
0x22: {  	[simem:s7], [sflag:s8] =	dma.local @!p0 [hbm:s6], $0xF7A  }
0x23: {  	s9 =	sor.u32 $0xD0000000, s2;
	s6 =	simm.s32 $0x108;
	_ =	swait.ge @!p0 [sflag:s8], $0x0  }
0x24: {  	s3 =	sadd.s32 $0x88, s3;
	s6 =	simm.s32 @!p1 $0x1082;
	[sflag:s4] =	ssyncset.s32 $0xFFFFF086  }
0x25: {  	[simem:s6], [sflag:s4] =	dma.local [hbm:s3], $0xF7A  }
0x26: {  	[smem:$0x3F90] =	sst s1;
	(tag) =	ssettag s2;
	_ =	strace s9  }
0x27: {  	s1 =	sld [smem:$0x3FA0]  }
0x28: {  	s2 =	sld [smem:$0x3FA1]  }
0x29: {  	s4 =	sld [smem:$0x3FA3]  }
0x2a: {  	p0 =	seq.s32 s5, $0x0;
	s5 =	sld [smem:$0x3FA4]  }
0x2b: {  	s6 =	sld [smem:$0x3FA5]  }
0x2c: {  	s7 =	sld [smem:$0x3FA6]  }
0x2d: {  	s3 =	simm.s32 $0x108;
	s8 =	sld [smem:$0x3FA7]  }
0x2e: {  	s3 =	simm.s32 @!p0 $0x1082;
	s9 =	sld [smem:$0x3FA8]  }
0x2f: {  	lr =	sadd.s32 s0, s3;
	s0 =	sld [smem:$0x3F9F]  }
0x30: {  	s3 =	sld [smem:$0x3FA2]  }
0x31: {  	[smem:$0x3FAB] =	sst s10  }
0x32: {  	s10 =	sld [smem:$0x3FA9];
	_ =	sdelay $0x3  }
0x33: {  	p0 =	seq.s32 s10, $0x1;
	s10 =	sld [smem:$0x3FAB];
	_ =	sdelay $0x3  }
0x34: {  	[smem:$0x3FAB] =	sst s10  }
0x35: {  	s10 =	sld [smem:$0x3FAA];
	_ =	sdelay $0x3  }
0x36: {  	p1 =	seq.s32 s10, $0x1;
	s10 =	sld [smem:$0x3FAB];
	_ =	sdelay $0x3  }
0x37: {  	[smem:$0x3FAB] =	sst s10  }
0x38: {  	s10 =	sld [smem:$0x3FAC]  }
0x39: {  	_ = 	snop;
	(pc) =	sbr.ind lr, $3  }
0x3a: {  	_ = 	snop  }
0x3b: {  	_ = 	snop  }
0x3c: {  	p2 =	seq.s32 s10, $0x1;
	s10 =	sld [smem:$0x3FAB]  }
0x3d: {  	_ =	shalt  }
0x3e: {  	_ =	shalt  }
0x3f: {  	_ =	shalt  }
0x40: {  	_ =	shalt  }
0x41: {  	_ =	shalt  }
0x42: {  	_ =	shalt  }
0x43: {  	_ =	shalt  }
0x44: {  	_ =	shalt  }
0x45: {  	_ =	shalt  }
0x46: {  	_ =	shalt  }
0x47: {  	_ =	shalt  }
0x48: {  	_ =	shalt  }
0x49: {  	_ =	shalt  }
0x4a: {  	_ =	shalt  }
0x4b: {  	_ =	shalt  }
0x4c: {  	_ =	shalt  }
0x4d: {  	_ =	shalt  }
0x4e: {  	_ =	shalt  }
0x4f: {  	_ =	shalt  }
0x50: {  	_ =	shalt  }
0x51: {  	_ =	shalt  }
0x52: {  	_ =	shalt  }
0x53: {  	_ =	shalt  }
0x54: {  	_ =	shalt  }
0x55: {  	_ =	shalt  }
0x56: {  	_ =	shalt  }
0x57: {  	_ =	shalt  }
0x58: {  	_ =	shalt  }
0x59: {  	_ =	shalt  }
0x5a: {  	_ =	shalt  }
0x5b: {  	_ =	shalt  }
0x5c: {  	_ =	shalt  }
0x5d: {  	_ =	shalt  }
0x5e: {  	_ =	shalt  }
0x5f: {  	_ =	shalt  }
0x60: {  	_ =	shalt  }
0x61: {  	_ =	shalt  }
0x62: {  	_ =	shalt  }
0x63: {  	_ =	shalt  }
0x64: {  	_ =	shalt  }
0x65: {  	_ =	shalt  }
0x66: {  	_ =	shalt  }
0x67: {  	_ =	shalt  }
0x68: {  	_ =	shalt  }
0x69: {  	_ =	shalt  }
0x6a: {  	_ =	shalt  }
0x6b: {  	_ =	shalt  }
0x6c: {  	_ =	shalt  }
0x6d: {  	_ =	shalt  }
0x6e: {  	_ =	shalt  }
0x6f: {  	_ =	shalt  }
0x70: {  	_ =	shalt  }
0x71: {  	_ =	shalt  }
0x72: {  	_ =	shalt  }
0x73: {  	_ =	shalt  }
0x74: {  	_ =	shalt  }
0x75: {  	_ =	shalt  }
0x76: {  	_ =	shalt  }
0x77: {  	_ =	shalt  }
0x78: {  	_ =	shalt  }
0x79: {  	_ =	shalt  }
0x7a: {  	_ =	shalt  }
0x7b: {  	_ =	shalt  }
0x7c: {  	_ =	shalt  }
0x7d: {  	_ =	shalt  }
0x7e: {  	_ =	shalt  }
0x7f: {  	_ =	shalt  }
0x80: {  	_ =	shalt  }
0x81: {  	_ =	shalt  }
0x82: {  	_ =	shalt  }
0x83: {  	_ =	shalt  }
0x84: {  	_ =	shalt  }
0x85: {  	_ =	shalt  }
0x86: {  	_ =	shalt  }
0x87: {  	_ =	shalt  }
.Lfunc_end0:
.L_simem_size_0:
called_computation_lowered:
.L_overlay_start_0:
0x88: {  	s2 =	sld [smem:$0x3FD9]  }
0x89: {  	s3 =	sld [smem:$0x3FFE];
	_ =	sdelay $0x1  }
0x8a: {  	s1 =	srdreg.scid  }
0x8b: {  	s0 =	sand.u32 $0x1, s1  }
0x8c: {  	s17 =	sshll.u32 s0, $0xA;
	s2 =	sadd.s32 s3, s2  }
0x8d: {  	s2 =	sadd.s32 s2, s17  }
0x8e: {  	[smem:$0x3FB7] =	sst s2  }
0x8f: {  	_ = 	snop  }
0x90: {  	s2 =	sld [smem:$0x3FD0];
	(tm) =	ssettm $0x1  }
0x91: {  	s18 =	sld [smem:$0x3FFB];
	_ =	sdelay $0x3  }
0x92: {  	_ =	strace s18  }
0x93: {  	s3 =	sld [smem:$0x3FFC];
	_ =	sdelay $0x3  }
0x94: {  	_ =	strace s3  }
0x95: {  	s3 =	sld [smem:$0x3FFD];
	_ =	sdelay $0x3  }
0x96: {  	_ =	strace s3  }
0x97: {  	_ =	strace $0x8FFFFFFF  }
0x98: {  	s19 =	sld [smem:$0x3FDB];
	_ =	sdelay $0x1  }
0x99: {  	s4 =	simm.s32 $_scs_section_size  }
0x9a: {  	s5 =	simm.s32 $_size__tile_overlayer_lowered;
	s6 =	simm.s32 $_tile_overlayer_lowered  }
0x9b: {  	s22 =	simm.s32 $0x1BFF;
	s21 =	sshll.u32 s6, $0x1;
	s3 =	sadd.s32 s4, s19  }
0x9c: {  	s7 =	simm.s32 $0x0;
	s20 =	sshll.u32 s5, $0x1;
	s5 =	sadd.s32 s21, s3  }
0x9d: {  	[timem:s7], [sflag:s22] =	dma.local [hbm:s5], s20  }
0x9e: {  	_ =	swait.ge [sflag:s22], s20  }
0x9f: {  	s4 =	ssub.s32 $0x0, s20;
	[sflag:s22] =	ssyncset.done $0x0  }
0xa0: {  	[sflag:s22] =	ssyncadd.s32 s4;
	_ =	sdelay $0x1  }
0xa1: {  	s23 =	simm.s32 $0x1B8B  }
0xa2: {  	_ =	swait.ge [sflag:s23], $0x1  }
0xa3: {  	[sflag:s23] =	ssyncset.done $0x0  }
0xa4: {  	s25 =	simm.s32 $0x1B8E;
	s24 =	sld [smem:$0x3FFE];
	[sflag:s23] =	ssyncadd.s32 $0xFFFFFFFF  }
0xa5: {  	s26 =	simm.s32 $execute0_lowered;
	[smem:$0x3FD2] =	sst s25  }
0xa6: {  	s5 =	sshll.u32 s26, $0x1;
	_ =	strace $0x80000046;
	[dreg:$0x1] =	wrdreg $0xFFFFFFFF  }
0xa7: {  	s28 =	simm.s32 $_size_execute0_lowered;
	s3 =	sadd.s32 s3, s5;
	[dreg:$0x0] =	wrdreg $0x0  }
0xa8: {  	s5 =	sshll.u32 s28, $0x1;
	[dreg:$0x2] =	wrdreg s3  }
0xa9: {  	[dreg:$0x3] =	wrdreg s5  }
0xaa: {  	[dreg:$0x4] =	wrdreg $0xC0  }
0xab: {  	_ =	task [dreg:s7], $0x5FFFF  }
0xac: {  	[dreg:$0x1] =	wrdreg $0xFFFFFFFF  }
0xad: {  	[dreg:$0x0] =	wrdreg $0x60  }
0xae: {  	[dreg:$0x2] =	wrdreg s24  }
0xaf: {  	[dreg:$0x3] =	wrdreg s2  }
0xb0: {  	[dreg:$0x4] =	wrdreg $0x6E800  }
0xb1: {  	[dreg:$0x5] =	wrdreg $0xD1800  }
0xb2: {  	[dreg:$0x6] =	wrdreg $0x9  }
0xb3: {  	_ =	task.clear_ibuf [dreg:s7], $0x7FFFF;
	_ =	strace $0x90000046  }
0xb4: {  	s29 =	simm.s32 $0x9;
	_ =	strace $0x80000048  }
0xb5: {  	_ =	swait.ge [sflag:s29], $0x1  }
0xb6: {  	[sflag:s29] =	ssyncadd.s32 $0xFFFFFFFF  }
0xb7: {  	_ =	strace $0x90000048  }
0xb8: {  	_ =	sfence  }
0xb9: {  	s30 =	sld [smem:$0x0];
	_ =	sdelay $0x2  }
0xba: {  	s31 =	sshll.u32 s1, $0xD;
	s1 =	sshrl.u32 s1, $0x2  }
0xbb: {  	s3 =	sand.u32 $0x4000, s31;
	s1 =	sadd.s32 s1, s30  }
0xbc: {  	s0 =	sor.u32 s3, s0;
	s1 =	sshll.u32 s1, $0x11  }
0xbd: {  	s0 =	sor.u32 s1, s0  }
0xbe: {  	s0 =	sadd.s32 $0x8F2B, s0  }
0xbf: {  	[sflag:s0] =	ssyncadd.remote.s32 $0x1  }
0xc0: {  	_ =	sfence.sel $0xFFFF  }
0xc1: {  	[dreg:$0x0] =	wrdreg $0xFFFFFFFF;
	(pc) =	sbr.abs _section_cstart, $3  }
0xc2: {  	[dreg:$0x1] =	wrdreg $0xFFFFFFFF  }
0xc3: {  	_ =	task.clear_ibuf [dreg:s7], $0x2FFFF;
	_ =	strace $0x9FFFFFFF  }
0xc4: {  	(tm) =	ssettm $0x7FFFFFFF  }
0xc5: {  	_ =	shalt  }
tec
execute0_lowered:
.L_overlay_start_1:
0x0: {  	(tag) =	ssettag $0x1  }
0x1: {  	s1 =	rddreg [dreg:$0x0]  }
0x2: {  	s0 =	srdreg.scid;
	s3 =	rddreg [dreg:$0x2]  }
0x3: {  	s18 =	stileid.u32;
	s4 =	rddreg [dreg:$0x3];
	s5 =	simm.s32 $0x0  }
0x4: {  	s30 =	simm.s32 $0x10;
	s31 =	simm.s32 $0x0;
	s9 =	smul.u32 $0x18800, s18  }
0x5: {  	s0 =	sand.u32 $0x1, s0;
	[smem:$0x7FF] =	sst s5;
	s10 =	smul.u32 $0xC40, s18  }
0x6: {  	s25 =	smul.u32 $0xC400, s18;
	s13 =	sshll.u32 s18, $0xA;
	s29 =	sshll.u32 s18, $0xB  }
0x7: {  	s2 =	sshll.u32 s0, $0x4;
	_ =	strace $0x80000047;
	s8 =	ssub.s32 $0x2, s0  }
0x8: {  	s0 =	sadd.s32 s0, s1;
	s13 =	sadd.s32 s13, s4;
	s2 =	sor.u32 s18, s2  }
0x9: {  	s17 =	sshrl.u32 s8, $0x1;
	s19 =	sshrl.u32 s9, $0x2;
	s21 =	sadd.s32 $0x400, s10  }
0xa: {  	s23 =	sadd.s32 $0x800, s10;
	s16 =	sadd.s32 $0xC00, s10;
	s6 =	smul.u32 $0xC80, s2  }
0xb: {  	s2 =	smul.u32 $0xD0, s2;
	s20 =	sadd.s32 s19, s3;
	s22 =	sshll.u32 s21, $0x3  }
0xc: {  	s24 =	sshll.u32 s23, $0x3;
	s12 =	sshll.u32 s16, $0x3;
	s26 =	sshll.u32 s23, $0x4  }
0xd: {  	s28 =	sshll.u32 s16, $0x4;
	s23 =	simm.s32 $0x1;
	[dreg:$0x7] =	wrdreg s20  }
0xe: {  	s10 =	sadd.s32 s22, s3;
	s11 =	sadd.s32 s24, s3;
	s12 =	sadd.s32 s12, s3  }
0xf: {  	s20 =	simm.s32 $0x6400;
	s22 =	simm.s32 $0x2;
	s24 =	simm.s32 $0x80  }
0x10: {  	s7 =	sadd.s32 s6, s1;
	s2 =	sadd.s32 s2, s1;
	s6 =	sadd.s32 $0x1EC00, s1  }
0x11: {  	s1 =	ssub.s32 s8, s17;
	s17 =	sadd.s32 $0x1F000, s0;
	s0 =	sadd.s32 s29, s0  }
0x12: {  	s7 =	sadd.s32 $0x5A00, s7;
	s2 =	sadd.s32 $0x4000, s2;
	s14 =	sadd.s32 s25, s17  }
0x13: {  	s16 =	sadd.s32 s26, s17;
	s18 =	sadd.s32 $0xE3000, s0;
	[dreg:$0x5] =	wrdreg s7  }
0x14: {  	s19 =	smax.u32 s1, $0x1;
	[dreg:$0x6] =	wrdreg s2;
	s2 =	sshll.u32 s21, $0x4  }
0x15: {  	s21 =	simm.s32 $0x6A80;
	s15 =	sadd.s32 s2, s17;
	s17 =	sadd.s32 s28, s17  }
.LBB2_1:
0x16: {  	s0 =	rddreg [dreg:$0x5]  }
0x17: {  	[tilespmem:s5], [sflag:$0x1] =	stream.linear.gather [hbm4b:s0+s5], $0x6400, $0x38;
	[tilespmem:$0xD680] =	vst v63  }
0x18: {  	s1 =	rddreg [dreg:$0x6]  }
0x19: {  	[tilespmem:s20], [sflag:$0x1] =	stream.linear.gather [hbm4b:s1+s5], $0x680, $0x38;
	[tilespmem:$0xD680] =	vst v63  }
0x1a: {  	s2 =	rddreg [dreg:$0x1]  }
0x1b: {  	[tilespmem:s21], [sflag:$0x2] =	stream.linear.gather [hbm4b:s2+s5], $0x400, $0x38;
	[tilespmem:$0xD680] =	vst v63  }
0x1c: {  	s7 =	stileid.u32;
	_ =	swait.ge [sflag:s22], $0x400  }
0x1d: {  	s0 =	sshll.u32 s7, $0x6;
	[sflag:s22] =	ssyncset.done $0x0;
	s8 =	rddreg [dreg:$0x7]  }
0x1e: {  	s2 =	sor.u32 $0x1C02, s0;
	[sflag:s22] =	ssyncadd.s32 $0xFFFFFC00;
	s1 =	sshrl.u32 s8, $0x3  }
0x1f: {  	[spmem:s1], [sflag:s2] =	dma.local [hbm:s6], $0x400  }
0x20: {  	_ =	swait.ge [sflag:s22], $0x400  }
0x21: {  	[sflag:s22] =	ssyncset.done $0x0  }
0x22: {  	s25 =	sshrl.u32 s10, $0x3;
	[sflag:s22] =	ssyncadd.s32 $0xFFFFFC00  }
0x23: {  	[spmem:s25], [sflag:s2] =	dma.local [hbm:s6], $0x400  }
0x24: {  	_ =	swait.ge [sflag:s22], $0x400  }
0x25: {  	[sflag:s22] =	ssyncset.done $0x0  }
0x26: {  	s26 =	sshrl.u32 s11, $0x3;
	[sflag:s22] =	ssyncadd.s32 $0xFFFFFC00  }
0x27: {  	[spmem:s26], [sflag:s2] =	dma.local [hbm:s6], $0x400  }
0x28: {  	_ =	swait.ge [sflag:s22], $0x400  }
0x29: {  	[sflag:s22] =	ssyncset.done $0x0  }
0x2a: {  	s0 =	sshrl.u32 s12, $0x3;
	[sflag:s22] =	ssyncadd.s32 $0xFFFFFC00  }
0x2b: {  	[spmem:s0], [sflag:s2] =	dma.local [hbm:s6], $0x40  }
0x2c: {  	_ =	swait.ge [sflag:s22], $0x40  }
0x2d: {  	[sflag:s22] =	ssyncset.done $0x0  }
0x2e: {  	s28 =	sshrl.u32 s13, $0x3;
	[sflag:s22] =	ssyncadd.s32 $0xFFFFFFC0  }
0x2f: {  	[spmem:s28], [sflag:s2] =	dma.local [hbm:s6], $0x80  }
0x30: {  	_ =	swait.ge [sflag:s22], $0x80  }
0x31: {  	[sflag:s22] =	ssyncset.done $0x0  }
0x32: {  	[sflag:s22] =	ssyncadd.s32 $0xFFFFFF80  }
0x33: {  	[bflag:$0x0] =	sbarrier.arrive $0xFFFF  }
0x34: {  	_ =	swait.ge [sflag:s23], $0x6400  }
0x35: {  	[sflag:s23] =	ssyncset.done $0x0  }
0x36: {  	[sflag:s23] =	ssyncadd.s32 $0xFFFF9C00  }
0x37: {  	_ =	swait.ge [sflag:s23], $0x680  }
0x38: {  	[sflag:s23] =	ssyncset.done $0x0  }
0x39: {  	s7 =	simm.s32 $0x0;
	[sflag:s23] =	ssyncadd.s32 $0xFFFFF980  }
0x3a: {  	[spmem:s3] =	stream.indirect.scatter.add.f32 [tilespmem:s21], [sflag:$0x1], $0x8, s7, s24, $0xb8;
	[tilespmem:$0xD680] =	vst v63  }
0x3b: {  	s9 =	simm.s32 $0x80  }
0x3c: {  	[spmem:s3] =	stream.indirect.scatter.add.f32 [tilespmem:s21], [sflag:$0x1], $0x8, s9, s24, $0xb8;
	[tilespmem:$0xD680] =	vst v63  }
0x3d: {  	s8 =	simm.s32 $0x100  }
0x3e: {  	[spmem:s3] =	stream.indirect.scatter.add.f32 [tilespmem:s21], [sflag:$0x1], $0x8, s8, s24, $0xb8;
	[tilespmem:$0xD680] =	vst v63  }
0x3f: {  	s9 =	simm.s32 $0x180  }
0x40: {  	[spmem:s3] =	stream.indirect.scatter.add.f32 [tilespmem:s21], [sflag:$0x1], $0x8, s9, s24, $0xb8;
	[tilespmem:$0xD680] =	vst v63  }
0x41: {  	s8 =	simm.s32 $0x200  }
0x42: {  	[spmem:s3] =	stream.indirect.scatter.add.f32 [tilespmem:s21], [sflag:$0x1], $0x8, s8, s24, $0xb8;
	[tilespmem:$0xD680] =	vst v63  }
0x43: {  	s9 =	simm.s32 $0x280  }
0x44: {  	[spmem:s3] =	stream.indirect.scatter.add.f32 [tilespmem:s21], [sflag:$0x1], $0x8, s9, s24, $0xb8;
	[tilespmem:$0xD680] =	vst v63  }
0x45: {  	s8 =	simm.s32 $0x300  }
0x46: {  	[spmem:s3] =	stream.indirect.scatter.add.f32 [tilespmem:s21], [sflag:$0x1], $0x8, s8, s24, $0xb8;
	[tilespmem:$0xD680] =	vst v63  }
0x47: {  	s9 =	simm.s32 $0x380  }
0x48: {  	[spmem:s3] =	stream.indirect.scatter.add.f32 [tilespmem:s21], [sflag:$0x1], $0x8, s9, s24, $0xb8;
	[tilespmem:$0xD680] =	vst v63  }
0x49: {  	_ =	swait.ge [sflag:s23], $0x400  }
0x4a: {  	[sflag:s23] =	ssyncset.done $0x0  }
0x4b: {  	[sflag:s23] =	ssyncadd.s32 $0xFFFFFC00  }
0x4c: {  	_ =	swait.ge [sflag:s23], $0x400  }
0x4d: {  	[sflag:s23] =	ssyncset.done $0x0  }
0x4e: {  	[sflag:s23] =	ssyncadd.s32 $0xFFFFFC00  }
0x4f: {  	_ =	swait.ge [sflag:s23], $0x400  }
0x50: {  	[sflag:s23] =	ssyncset.done $0x0  }
0x51: {  	[sflag:s23] =	ssyncadd.s32 $0xFFFFFC00  }
0x52: {  	_ =	swait.ge [sflag:s23], $0x400  }
0x53: {  	[sflag:s23] =	ssyncset.done $0x0  }
0x54: {  	[sflag:s23] =	ssyncadd.s32 $0xFFFFFC00  }
0x55: {  	_ =	swait.ge [sflag:s23], $0x400  }
0x56: {  	[sflag:s23] =	ssyncset.done $0x0  }
0x57: {  	[sflag:s23] =	ssyncadd.s32 $0xFFFFFC00  }
0x58: {  	_ =	swait.ge [sflag:s23], $0x400  }
0x59: {  	[sflag:s23] =	ssyncset.done $0x0  }
0x5a: {  	[sflag:s23] =	ssyncadd.s32 $0xFFFFFC00  }
0x5b: {  	_ =	swait.ge [sflag:s23], $0x400  }
0x5c: {  	[sflag:s23] =	ssyncset.done $0x0  }
0x5d: {  	[sflag:s23] =	ssyncadd.s32 $0xFFFFFC00  }
0x5e: {  	_ =	swait.ge [sflag:s23], $0x400  }
0x5f: {  	s29 =	simm.s32 $0x1000;
	s7 =	simm.s32 $0x2000;
	[sflag:s23] =	ssyncset.done $0x0  }
.LBB2_2:
0x60: {  	s9 =	sshra.s32 s29, $0x2  }
0x61: {  	[sflag:s23] =	ssyncadd.s32 $0xFFFFFC00;
	s29 =	smov.u32 s7;
	s8 =	sadd.s32 $0x1000, s7  }
0x62: {  	[spmem:s3] =	stream.indirect.scatter.add.f32 [tilespmem:s21], [sflag:$0x1], $0x8, s9, s24, $0xb8;
	[tilespmem:$0xD680] =	vst v63  }
0x63: {  	p0 =	sne.s32 s7, $0x18000;
	s7 =	sadd.s32 $0x80, s9  }
0x64: {  	[spmem:s3] =	stream.indirect.scatter.add.f32 [tilespmem:s21], [sflag:$0x1], $0x8, s7, s24, $0xb8;
	[tilespmem:$0xD680] =	vst v63  }
0x65: {  	s7 =	sadd.s32 $0x100, s9  }
0x66: {  	[spmem:s3] =	stream.indirect.scatter.add.f32 [tilespmem:s21], [sflag:$0x1], $0x8, s7, s24, $0xb8;
	[tilespmem:$0xD680] =	vst v63  }
0x67: {  	s7 =	sadd.s32 $0x180, s9  }
0x68: {  	[spmem:s3] =	stream.indirect.scatter.add.f32 [tilespmem:s21], [sflag:$0x1], $0x8, s7, s24, $0xb8;
	[tilespmem:$0xD680] =	vst v63  }
0x69: {  	s7 =	sadd.s32 $0x200, s9  }
0x6a: {  	[spmem:s3] =	stream.indirect.scatter.add.f32 [tilespmem:s21], [sflag:$0x1], $0x8, s7, s24, $0xb8;
	[tilespmem:$0xD680] =	vst v63  }
0x6b: {  	s7 =	sadd.s32 $0x280, s9  }
0x6c: {  	[spmem:s3] =	stream.indirect.scatter.add.f32 [tilespmem:s21], [sflag:$0x1], $0x8, s7, s24, $0xb8;
	[tilespmem:$0xD680] =	vst v63  }
0x6d: {  	s7 =	sadd.s32 $0x300, s9  }
0x6e: {  	[spmem:s3] =	stream.indirect.scatter.add.f32 [tilespmem:s21], [sflag:$0x1], $0x8, s7, s24, $0xb8;
	[tilespmem:$0xD680] =	vst v63  }
0x6f: {  	s7 =	sadd.s32 $0x380, s9  }
0x70: {  	[spmem:s3] =	stream.indirect.scatter.add.f32 [tilespmem:s21], [sflag:$0x1], $0x8, s7, s24, $0xb8;
	[tilespmem:$0xD680] =	vst v63  }
0x71: {  	_ =	swait.ge [sflag:s23], $0x400  }
0x72: {  	[sflag:s23] =	ssyncset.done $0x0  }
0x73: {  	[sflag:s23] =	ssyncadd.s32 $0xFFFFFC00  }
0x74: {  	_ =	swait.ge [sflag:s23], $0x400  }
0x75: {  	[sflag:s23] =	ssyncset.done $0x0  }
0x76: {  	[sflag:s23] =	ssyncadd.s32 $0xFFFFFC00  }
0x77: {  	_ =	swait.ge [sflag:s23], $0x400  }
0x78: {  	[sflag:s23] =	ssyncset.done $0x0  }
0x79: {  	[sflag:s23] =	ssyncadd.s32 $0xFFFFFC00  }
0x7a: {  	_ =	swait.ge [sflag:s23], $0x400  }
0x7b: {  	[sflag:s23] =	ssyncset.done $0x0  }
0x7c: {  	[sflag:s23] =	ssyncadd.s32 $0xFFFFFC00  }
0x7d: {  	_ =	swait.ge [sflag:s23], $0x400  }
0x7e: {  	[sflag:s23] =	ssyncset.done $0x0  }
0x7f: {  	[sflag:s23] =	ssyncadd.s32 $0xFFFFFC00  }
0x80: {  	_ =	swait.ge [sflag:s23], $0x400  }
0x81: {  	[sflag:s23] =	ssyncset.done $0x0  }
0x82: {  	[sflag:s23] =	ssyncadd.s32 $0xFFFFFC00  }
.Ltmp0:
0x83: {  	_ =	swait.ge [sflag:s23], $0x400;
	(pc) =	sbr.rel @p0 .LBB2_2-.Ltmp0, $4  }
0x84: {  	[sflag:s23] =	ssyncset.done $0x0  }
0x85: {  	[sflag:s23] =	ssyncadd.s32 $0xFFFFFC00  }
0x86: {  	_ =	swait.ge [sflag:s23], $0x400  }
0x87: {  	s7 =	smov.u32 s8;
	[sflag:s23] =	ssyncset.done $0x0  }
0x88: {  	s7 =	sshra.s32 s29, $0x2;
	[sflag:s23] =	ssyncadd.s32 $0xFFFFFC00  }
0x89: {  	[spmem:s3] =	stream.indirect.scatter.add.f32 [tilespmem:s21], [sflag:$0x1], $0x8, s7, s24, $0xb8;
	[tilespmem:$0xD680] =	vst v63  }
0x8a: {  	s8 =	sadd.s32 $0x80, s7  }
0x8b: {  	[spmem:s3] =	stream.indirect.scatter.add.f32 [tilespmem:s21], [sflag:$0x1], $0x8, s8, s24, $0xb8;
	[tilespmem:$0xD680] =	vst v63  }
0x8c: {  	s29 =	sadd.s32 $0x100, s7  }
0x8d: {  	[spmem:s3] =	stream.indirect.scatter.add.f32 [tilespmem:s21], [sflag:$0x1], $0x8, s29, s24, $0xb8;
	[tilespmem:$0xD680] =	vst v63  }
0x8e: {  	s9 =	sadd.s32 $0x180, s7  }
0x8f: {  	[spmem:s3] =	stream.indirect.scatter.add.f32 [tilespmem:s21], [sflag:$0x1], $0x8, s9, s24, $0xb8;
	[tilespmem:$0xD680] =	vst v63  }
0x90: {  	s29 =	sadd.s32 $0x200, s7  }
0x91: {  	[spmem:s3] =	stream.indirect.scatter.add.f32 [tilespmem:s21], [sflag:$0x1], $0x8, s29, s24, $0xb8;
	[tilespmem:$0xD680] =	vst v63  }
0x92: {  	s9 =	sadd.s32 $0x280, s7  }
0x93: {  	[spmem:s3] =	stream.indirect.scatter.add.f32 [tilespmem:s21], [sflag:$0x1], $0x8, s9, s24, $0xb8;
	[tilespmem:$0xD680] =	vst v63  }
0x94: {  	s29 =	sadd.s32 $0x300, s7  }
0x95: {  	[spmem:s3] =	stream.indirect.scatter.add.f32 [tilespmem:s21], [sflag:$0x1], $0x8, s29, s24, $0xb8;
	[tilespmem:$0xD680] =	vst v63  }
0x96: {  	s7 =	sadd.s32 $0x380, s7  }
0x97: {  	[spmem:s3] =	stream.indirect.scatter.add.f32 [tilespmem:s21], [sflag:$0x1], $0x8, s7, s24, $0xb8;
	[tilespmem:$0xD680] =	vst v63  }
0x98: {  	_ =	swait.ge [sflag:s23], $0x400  }
0x99: {  	[sflag:s23] =	ssyncset.done $0x0  }
0x9a: {  	[sflag:s23] =	ssyncadd.s32 $0xFFFFFC00  }
0x9b: {  	_ =	swait.ge [sflag:s23], $0x400  }
0x9c: {  	[sflag:s23] =	ssyncset.done $0x0  }
0x9d: {  	[sflag:s23] =	ssyncadd.s32 $0xFFFFFC00  }
0x9e: {  	_ =	swait.ge [sflag:s23], $0x400  }
0x9f: {  	[sflag:s23] =	ssyncset.done $0x0  }
0xa0: {  	[sflag:s23] =	ssyncadd.s32 $0xFFFFFC00  }
0xa1: {  	_ =	swait.ge [sflag:s23], $0x400  }
0xa2: {  	[sflag:s23] =	ssyncset.done $0x0  }
0xa3: {  	[sflag:s23] =	ssyncadd.s32 $0xFFFFFC00  }
0xa4: {  	_ =	swait.ge [sflag:s23], $0x400  }
0xa5: {  	[sflag:s23] =	ssyncset.done $0x0  }
0xa6: {  	[sflag:s23] =	ssyncadd.s32 $0xFFFFFC00  }
0xa7: {  	_ =	swait.ge [sflag:s23], $0x400  }
0xa8: {  	[sflag:s23] =	ssyncset.done $0x0  }
0xa9: {  	[sflag:s23] =	ssyncadd.s32 $0xFFFFFC00  }
0xaa: {  	_ =	swait.ge [sflag:s23], $0x400  }
0xab: {  	[sflag:s23] =	ssyncset.done $0x0  }
0xac: {  	[sflag:s23] =	ssyncadd.s32 $0xFFFFFC00  }
0xad: {  	_ =	swait.ge [sflag:s23], $0x400  }
0xae: {  	[sflag:s23] =	ssyncset.done $0x0  }
0xaf: {  	[sflag:s23] =	ssyncadd.s32 $0xFFFFFC00  }
0xb0: {  	[spmem:s4] =	stream.indirect.scatter.add.f32 [tilespmem:s21], [sflag:$0x1], $0x8, s20, s24, $0xb8;
	[tilespmem:$0xD680] =	vst v63  }
0xb1: {  	s8 =	simm.s32 $0x6480  }
0xb2: {  	[spmem:s4] =	stream.indirect.scatter.add.f32 [tilespmem:s21], [sflag:$0x1], $0x8, s8, s24, $0xb8;
	[tilespmem:$0xD680] =	vst v63  }
0xb3: {  	s9 =	simm.s32 $0x6500  }
0xb4: {  	[spmem:s4] =	stream.indirect.scatter.add.f32 [tilespmem:s21], [sflag:$0x1], $0x8, s9, s24, $0xb8;
	[tilespmem:$0xD680] =	vst v63  }
0xb5: {  	s29 =	simm.s32 $0x6580  }
0xb6: {  	[spmem:s4] =	stream.indirect.scatter.add.f32 [tilespmem:s21], [sflag:$0x1], $0x8, s29, s24, $0xb8;
	[tilespmem:$0xD680] =	vst v63  }
0xb7: {  	s8 =	simm.s32 $0x6600  }
0xb8: {  	[spmem:s4] =	stream.indirect.scatter.add.f32 [tilespmem:s21], [sflag:$0x1], $0x8, s8, s24, $0xb8;
	[tilespmem:$0xD680] =	vst v63  }
0xb9: {  	s9 =	simm.s32 $0x6680  }
0xba: {  	[spmem:s4] =	stream.indirect.scatter.add.f32 [tilespmem:s21], [sflag:$0x1], $0x8, s9, s24, $0xb8;
	[tilespmem:$0xD680] =	vst v63  }
0xbb: {  	s29 =	simm.s32 $0x6700  }
0xbc: {  	[spmem:s4] =	stream.indirect.scatter.add.f32 [tilespmem:s21], [sflag:$0x1], $0x8, s29, s24, $0xb8;
	[tilespmem:$0xD680] =	vst v63  }
0xbd: {  	s8 =	simm.s32 $0x6780  }
0xbe: {  	[spmem:s4] =	stream.indirect.scatter.add.f32 [tilespmem:s21], [sflag:$0x1], $0x8, s8, s24, $0xb8;
	[tilespmem:$0xD680] =	vst v63  }
0xbf: {  	s9 =	simm.s32 $0x6800  }
0xc0: {  	[spmem:s4] =	stream.indirect.scatter.add.f32 [tilespmem:s21], [sflag:$0x1], $0x8, s9, s24, $0xb8;
	[tilespmem:$0xD680] =	vst v63  }
0xc1: {  	s29 =	simm.s32 $0x6880  }
0xc2: {  	[spmem:s4] =	stream.indirect.scatter.add.f32 [tilespmem:s21], [sflag:$0x1], $0x8, s29, s24, $0xb8;
	[tilespmem:$0xD680] =	vst v63  }
0xc3: {  	s8 =	simm.s32 $0x6900  }
0xc4: {  	[spmem:s4] =	stream.indirect.scatter.add.f32 [tilespmem:s21], [sflag:$0x1], $0x8, s8, s24, $0xb8;
	[tilespmem:$0xD680] =	vst v63  }
0xc5: {  	s9 =	simm.s32 $0x6980  }
0xc6: {  	[spmem:s4] =	stream.indirect.scatter.add.f32 [tilespmem:s21], [sflag:$0x1], $0x8, s9, s24, $0xb8;
	[tilespmem:$0xD680] =	vst v63  }
0xc7: {  	s29 =	simm.s32 $0x6A00  }
0xc8: {  	[spmem:s4] =	stream.indirect.scatter.add.f32 [tilespmem:s21], [sflag:$0x1], $0x8, s29, s24, $0xb8;
	[tilespmem:$0xD680] =	vst v63  }
0xc9: {  	_ =	swait.ge [sflag:s23], $0x400  }
0xca: {  	[sflag:s23] =	ssyncset.done $0x0  }
0xcb: {  	[sflag:s23] =	ssyncadd.s32 $0xFFFFFC00  }
0xcc: {  	_ =	swait.ge [sflag:s23], $0x400  }
0xcd: {  	[sflag:s23] =	ssyncset.done $0x0  }
0xce: {  	[sflag:s23] =	ssyncadd.s32 $0xFFFFFC00  }
0xcf: {  	_ =	swait.ge [sflag:s23], $0x400  }
0xd0: {  	[sflag:s23] =	ssyncset.done $0x0  }
0xd1: {  	[sflag:s23] =	ssyncadd.s32 $0xFFFFFC00  }
0xd2: {  	_ =	swait.ge [sflag:s23], $0x400  }
0xd3: {  	[sflag:s23] =	ssyncset.done $0x0  }
0xd4: {  	[sflag:s23] =	ssyncadd.s32 $0xFFFFFC00  }
0xd5: {  	_ =	swait.ge [sflag:s23], $0x400  }
0xd6: {  	[sflag:s23] =	ssyncset.done $0x0  }
0xd7: {  	[sflag:s23] =	ssyncadd.s32 $0xFFFFFC00  }
0xd8: {  	_ =	swait.ge [sflag:s23], $0x400  }
0xd9: {  	[sflag:s23] =	ssyncset.done $0x0  }
0xda: {  	[sflag:s23] =	ssyncadd.s32 $0xFFFFFC00  }
0xdb: {  	_ =	swait.ge [sflag:s23], $0x400  }
0xdc: {  	[sflag:s23] =	ssyncset.done $0x0  }
0xdd: {  	[sflag:s23] =	ssyncadd.s32 $0xFFFFFC00  }
0xde: {  	_ =	swait.ge [sflag:s23], $0x400  }
0xdf: {  	[sflag:s23] =	ssyncset.done $0x0  }
0xe0: {  	[sflag:s23] =	ssyncadd.s32 $0xFFFFFC00  }
0xe1: {  	_ =	swait.ge [sflag:s23], $0x400  }
0xe2: {  	[sflag:s23] =	ssyncset.done $0x0  }
0xe3: {  	[sflag:s23] =	ssyncadd.s32 $0xFFFFFC00  }
0xe4: {  	_ =	swait.ge [sflag:s23], $0x400  }
0xe5: {  	[sflag:s23] =	ssyncset.done $0x0  }
0xe6: {  	[sflag:s23] =	ssyncadd.s32 $0xFFFFFC00  }
0xe7: {  	_ =	swait.ge [sflag:s23], $0x400  }
0xe8: {  	[sflag:s23] =	ssyncset.done $0x0  }
0xe9: {  	[sflag:s23] =	ssyncadd.s32 $0xFFFFFC00  }
0xea: {  	_ =	swait.ge [sflag:s23], $0x400  }
0xeb: {  	[sflag:s23] =	ssyncset.done $0x0  }
0xec: {  	[sflag:s23] =	ssyncadd.s32 $0xFFFFFC00  }
0xed: {  	_ =	swait.ge [sflag:s23], $0x400  }
0xee: {  	[sflag:s23] =	ssyncset.done $0x0  }
0xef: {  	[sflag:s23] =	ssyncadd.s32 $0xFFFFFC00  }
0xf0: {  	[bflag:$0x0] =	sbarrier.arrive $0xFFFF  }
0xf1: {  	[hbm:s14@s30], [sflag:s2] =	dma.strided [spmem:s1@s23], $0x400, s23, $0x1   }
0xf2: {  	_ =	swait.ge [sflag:s22], $0x400  }
0xf3: {  	[sflag:s22] =	ssyncset.done $0x0  }
0xf4: {  	[sflag:s22] =	ssyncadd.s32 $0xFFFFFC00  }
0xf5: {  	[hbm:s15@s30], [sflag:s2] =	dma.strided [spmem:s25@s23], $0x400, s23, $0x1   }
0xf6: {  	_ =	swait.ge [sflag:s22], $0x400  }
0xf7: {  	[sflag:s22] =	ssyncset.done $0x0  }
0xf8: {  	[sflag:s22] =	ssyncadd.s32 $0xFFFFFC00  }
0xf9: {  	[hbm:s16@s30], [sflag:s2] =	dma.strided [spmem:s26@s23], $0x400, s23, $0x1   }
0xfa: {  	_ =	swait.ge [sflag:s22], $0x400  }
0xfb: {  	[sflag:s22] =	ssyncset.done $0x0  }
0xfc: {  	[sflag:s22] =	ssyncadd.s32 $0xFFFFFC00  }
0xfd: {  	[hbm:s17@s30], [sflag:s2] =	dma.strided [spmem:s0@s23], $0x40, s23, $0x1   }
0xfe: {  	s31 =	sadd.s32 $0x1, s31;
	_ =	swait.ge [sflag:s22], $0x40  }
0xff: {  	p0 =	sne.s32 s31, s19;
	[sflag:s22] =	ssyncset.done $0x0  }
.Ltmp1:
0x100: {  	[sflag:s22] =	ssyncadd.s32 $0xFFFFFFC0;
	(pc) =	sbr.rel @p0 .LBB2_1-.Ltmp1, $4  }
0x101: {  	[hbm:s18@s30], [sflag:s2] =	dma.strided [spmem:s28@s23], $0x80, s23, $0x1   }
0x102: {  	_ =	swait.ge [sflag:s22], $0x80  }
0x103: {  	[sflag:s22] =	ssyncset.done $0x0  }
0x104: {  	[sflag:s22] =	ssyncadd.s32 $0xFFFFFF80  }
0x105: {  	_ =	sfence.sel $0x180000  }
0x106: {  	[bflag:$0x0] =	sbarrier.arrive $0xFFFF  }
0x107: {  	_ =	strace $0x90000047  }
0x108: {  	s0 =	stileid.u32;
	[bflag:$0x2] =	sbarrier.arrive $0xFFFF  }
0x109: {  	p0 =	sne.s32 s0, $0x0;
	s0 =	rddreg [dreg:$0x4]  }
0x10a: {  	s0 =	sadd.s32 @!p0 $0x100000, s0  }
0x10b: {  	[sflag:s0] =	ssyncadd.tile.s32 @!p0 $0x1;
	_ =	shalt  }
.Lfunc_end2:
_tile_overlayer_lowered:
.L_overlay_start_2:
0x10c: {  	(tag) =	ssettag $0x2  }
0x10d: {  	s0 =	rddreg [dreg:$0x0];
	s2 =	stileid.u32  }
0x10e: {  	s1 =	rddreg [dreg:$0x1];
	p0 =	sne.s32 s2, $0x0  }
0x10f: {  	s3 =	rddreg [dreg:$0x2];
	[bflag:$0x3] =	sbarrier.arrive $0xFFFF;
	s2 =	simm.s32 @!p0 $0x1C02  }
0x110: {  	[timem:s3], [sflag:s2] =	dma.local @!p0 [hbm:s0], s1  }
0x111: {  	s0 =	simm.s32 @!p0 $0x2  }
0x112: {  	_ =	swait.ge @!p0 [sflag:s0], s1  }
0x113: {  	s1 =	ssub.s32 @!p0 $0x0, s1;
	[sflag:s0] =	ssyncset.done @!p0 $0x0  }
0x114: {  	[sflag:s0] =	ssyncadd.s32 @!p0 s1  }
0x115: {  	[bflag:$0x3] =	sbarrier.arrive $0xFFFF  }
0x116: {  	_ =	shalt  }

// kernel: kernel.15.cloned.1.call-start
scs
__scs_entry_jumppad:
0x0: {  	(pc) =	sbr.rel $0x88, $3  }
0x1: {  	(tag) =	ssettag $0x0;
	lr =	simm.s32 $0x1  }
0x2: {  	[smem:$0x3F90] =	sst lr;
	_ =	strace $0xD0000000  }
0x3: {  	_ = 	snop  }
0x4: {  	_ = 	snop  }
0x5: {  	_ = 	snop  }
0x6: {  	_ = 	snop  }
0x7: {  	_ = 	snop  }
__scs_overlays_trampoline_lowered:
0x8: {  	[smem:$0x3F9F] =	sst s0  }
0x9: {  	[smem:$0x3FA0] =	sst s1  }
0xa: {  	[smem:$0x3FA1] =	sst s2  }
0xb: {  	[smem:$0x3FA2] =	sst s3  }
0xc: {  	[smem:$0x3FA3] =	sst s4  }
0xd: {  	[smem:$0x3FA4] =	sst s5  }
0xe: {  	[smem:$0x3FA5] =	sst s6  }
0xf: {  	[smem:$0x3FA6] =	sst s7  }
0x10: {  	[smem:$0x3FA7] =	sst s8  }
0x11: {  	[smem:$0x3FA8] =	sst s9;
	s0 =	simm.s32 @!p0 $0x0  }
0x12: {  	s1 =	sld [smem:$0x3F8E];
	s0 =	simm.s32 @p0 $0x1  }
0x13: {  	[smem:$0x3FA9] =	sst s0;
	s0 =	simm.s32 @!p1 $0x0  }
0x14: {  	s2 =	sld [smem:$0x3F8D];
	s0 =	simm.s32 @p1 $0x1  }
0x15: {  	[smem:$0x3FAA] =	sst s0;
	s0 =	simm.s32 @!p2 $0x0  }
0x16: {  	s3 =	sld [smem:$0x3FDB];
	s0 =	simm.s32 @p2 $0x1  }
0x17: {  	s4 =	simm.s32 $0x1BF5;
	[smem:$0x3FAC] =	sst s0  }
0x18: {  	s0 =	sld [smem:$0x3F8F];
	_ =	swait.ge [sflag:s4], $0x0  }
0x19: {  	s7 =	sld [smem:$0x3F90]  }
0x1a: {  	s8 =	sadd.s32 $0xFFFFE003, lr  }
0x1b: {  	s9 =	sadd.s32 $0xFFFFFEF7, lr;
	s5 =	simm.s32 $0xFFFFFFFF;
	p2 =	slt.u32 s8, $0xFFFFF086  }
0x1c: {  	p1 =	slt.u32 s9, $0xF7A;
	s5 =	simm.s32 @!p2 $0x0  }
0x1d: {  	s5 =	simm.s32 @p1 $0x1;
	p0 =	seq.s32 s7, s2  }
0x1e: {  	s7 =	smul.u32 @!p0 $0xF7A, s2;
	p2 =	seq.s32 @!p0 s5, $0x0  }
0x1f: {  	s9 =	smul.u32 $0xF7A, s1;
	s8 =	simm.s32 @!p0 $0x1BF5;
	p2 =	por !p2, p0  }
0x20: {  	[sflag:s8] =	ssyncset.s32 @!p0 $0xFFFFF086;
	s6 =	sadd.s32 @!p0 s3, s7;
	s7 =	simm.s32 @!p0 $0x108  }
0x21: {  	s3 =	sadd.s32 s3, s9;
	s6 =	sadd.s32 @!p0 $0x88, s6;
	s7 =	simm.s32 @p2 $0x1082  }
0x22: {  	[simem:s7], [sflag:s8] =	dma.local @!p0 [hbm:s6], $0xF7A  }
0x23: {  	s9 =	sor.u32 $0xD0000000, s2;
	s6 =	simm.s32 $0x108;
	_ =	swait.ge @!p0 [sflag:s8], $0x0  }
0x24: {  	s3 =	sadd.s32 $0x88, s3;
	s6 =	simm.s32 @!p1 $0x1082;
	[sflag:s4] =	ssyncset.s32 $0xFFFFF086  }
0x25: {  	[simem:s6], [sflag:s4] =	dma.local [hbm:s3], $0xF7A  }
0x26: {  	[smem:$0x3F90] =	sst s1;
	(tag) =	ssettag s2;
	_ =	strace s9  }
0x27: {  	s1 =	sld [smem:$0x3FA0]  }
0x28: {  	s2 =	sld [smem:$0x3FA1]  }
0x29: {  	s4 =	sld [smem:$0x3FA3]  }
0x2a: {  	p0 =	seq.s32 s5, $0x0;
	s5 =	sld [smem:$0x3FA4]  }
0x2b: {  	s6 =	sld [smem:$0x3FA5]  }
0x2c: {  	s7 =	sld [smem:$0x3FA6]  }
0x2d: {  	s3 =	simm.s32 $0x108;
	s8 =	sld [smem:$0x3FA7]  }
0x2e: {  	s3 =	simm.s32 @!p0 $0x1082;
	s9 =	sld [smem:$0x3FA8]  }
0x2f: {  	lr =	sadd.s32 s0, s3;
	s0 =	sld [smem:$0x3F9F]  }
0x30: {  	s3 =	sld [smem:$0x3FA2]  }
0x31: {  	[smem:$0x3FAB] =	sst s10  }
0x32: {  	s10 =	sld [smem:$0x3FA9];
	_ =	sdelay $0x3  }
0x33: {  	p0 =	seq.s32 s10, $0x1;
	s10 =	sld [smem:$0x3FAB];
	_ =	sdelay $0x3  }
0x34: {  	[smem:$0x3FAB] =	sst s10  }
0x35: {  	s10 =	sld [smem:$0x3FAA];
	_ =	sdelay $0x3  }
0x36: {  	p1 =	seq.s32 s10, $0x1;
	s10 =	sld [smem:$0x3FAB];
	_ =	sdelay $0x3  }
0x37: {  	[smem:$0x3FAB] =	sst s10  }
0x38: {  	s10 =	sld [smem:$0x3FAC]  }
0x39: {  	_ = 	snop;
	(pc) =	sbr.ind lr, $3  }
0x3a: {  	_ = 	snop  }
0x3b: {  	_ = 	snop  }
0x3c: {  	p2 =	seq.s32 s10, $0x1;
	s10 =	sld [smem:$0x3FAB]  }
0x3d: {  	_ =	shalt  }
0x3e: {  	_ =	shalt  }
0x3f: {  	_ =	shalt  }
0x40: {  	_ =	shalt  }
0x41: {  	_ =	shalt  }
0x42: {  	_ =	shalt  }
0x43: {  	_ =	shalt  }
0x44: {  	_ =	shalt  }
0x45: {  	_ =	shalt  }
0x46: {  	_ =	shalt  }
0x47: {  	_ =	shalt  }
0x48: {  	_ =	shalt  }
0x49: {  	_ =	shalt  }
0x4a: {  	_ =	shalt  }
0x4b: {  	_ =	shalt  }
0x4c: {  	_ =	shalt  }
0x4d: {  	_ =	shalt  }
0x4e: {  	_ =	shalt  }
0x4f: {  	_ =	shalt  }
0x50: {  	_ =	shalt  }
0x51: {  	_ =	shalt  }
0x52: {  	_ =	shalt  }
0x53: {  	_ =	shalt  }
0x54: {  	_ =	shalt  }
0x55: {  	_ =	shalt  }
0x56: {  	_ =	shalt  }
0x57: {  	_ =	shalt  }
0x58: {  	_ =	shalt  }
0x59: {  	_ =	shalt  }
0x5a: {  	_ =	shalt  }
0x5b: {  	_ =	shalt  }
0x5c: {  	_ =	shalt  }
0x5d: {  	_ =	shalt  }
0x5e: {  	_ =	shalt  }
0x5f: {  	_ =	shalt  }
0x60: {  	_ =	shalt  }
0x61: {  	_ =	shalt  }
0x62: {  	_ =	shalt  }
0x63: {  	_ =	shalt  }
0x64: {  	_ =	shalt  }
0x65: {  	_ =	shalt  }
0x66: {  	_ =	shalt  }
0x67: {  	_ =	shalt  }
0x68: {  	_ =	shalt  }
0x69: {  	_ =	shalt  }
0x6a: {  	_ =	shalt  }
0x6b: {  	_ =	shalt  }
0x6c: {  	_ =	shalt  }
0x6d: {  	_ =	shalt  }
0x6e: {  	_ =	shalt  }
0x6f: {  	_ =	shalt  }
0x70: {  	_ =	shalt  }
0x71: {  	_ =	shalt  }
0x72: {  	_ =	shalt  }
0x73: {  	_ =	shalt  }
0x74: {  	_ =	shalt  }
0x75: {  	_ =	shalt  }
0x76: {  	_ =	shalt  }
0x77: {  	_ =	shalt  }
0x78: {  	_ =	shalt  }
0x79: {  	_ =	shalt  }
0x7a: {  	_ =	shalt  }
0x7b: {  	_ =	shalt  }
0x7c: {  	_ =	shalt  }
0x7d: {  	_ =	shalt  }
0x7e: {  	_ =	shalt  }
0x7f: {  	_ =	shalt  }
0x80: {  	_ =	shalt  }
0x81: {  	_ =	shalt  }
0x82: {  	_ =	shalt  }
0x83: {  	_ =	shalt  }
0x84: {  	_ =	shalt  }
0x85: {  	_ =	shalt  }
0x86: {  	_ =	shalt  }
0x87: {  	_ =	shalt  }
.Lfunc_end0:
.L_simem_size_0:
called_computation.1_lowered:
.L_overlay_start_0:
0x88: {  	s2 =	sld [smem:$0x3FD9]  }
0x89: {  	s3 =	sld [smem:$0x3FFE];
	_ =	sdelay $0x1  }
0x8a: {  	s1 =	srdreg.scid  }
0x8b: {  	s0 =	sand.u32 $0x1, s1  }
0x8c: {  	s16 =	sshll.u32 s0, $0xA;
	s2 =	sadd.s32 s3, s2  }
0x8d: {  	s2 =	sadd.s32 s2, s16  }
0x8e: {  	[smem:$0x3FB7] =	sst s2  }
0x8f: {  	_ = 	snop  }
0x90: {  	(tm) =	ssettm $0x1  }
0x91: {  	s17 =	sld [smem:$0x3FFB];
	_ =	sdelay $0x3  }
0x92: {  	_ =	strace s17  }
0x93: {  	s2 =	sld [smem:$0x3FFC];
	_ =	sdelay $0x3  }
0x94: {  	_ =	strace s2  }
0x95: {  	s2 =	sld [smem:$0x3FFD];
	_ =	sdelay $0x3  }
0x96: {  	_ =	strace s2  }
0x97: {  	_ =	strace $0x8FFFFFFF  }
0x98: {  	s18 =	sld [smem:$0x3FDB];
	_ =	sdelay $0x1  }
0x99: {  	s19 =	simm.s32 $_scs_section_size  }
0x9a: {  	s4 =	simm.s32 $_size__tile_overlayer_lowered;
	s5 =	simm.s32 $_tile_overlayer_lowered  }
0x9b: {  	s22 =	simm.s32 $0x1BFF;
	s21 =	sshll.u32 s5, $0x1;
	s2 =	sadd.s32 s19, s18  }
0x9c: {  	s6 =	simm.s32 $0x0;
	s20 =	sshll.u32 s4, $0x1;
	s4 =	sadd.s32 s21, s2  }
0x9d: {  	[timem:s6], [sflag:s22] =	dma.local [hbm:s4], s20  }
0x9e: {  	_ =	swait.ge [sflag:s22], s20  }
0x9f: {  	s3 =	ssub.s32 $0x0, s20;
	[sflag:s22] =	ssyncset.done $0x0  }
0xa0: {  	[sflag:s22] =	ssyncadd.s32 s3;
	_ =	sdelay $0x1  }
0xa1: {  	s23 =	simm.s32 $0x1B8B  }
0xa2: {  	_ =	swait.ge [sflag:s23], $0x1  }
0xa3: {  	[sflag:s23] =	ssyncset.done $0x0  }
0xa4: {  	s25 =	simm.s32 $0x1B8E;
	s24 =	sld [smem:$0x3FFE];
	[sflag:s23] =	ssyncadd.s32 $0xFFFFFFFF  }
0xa5: {  	s26 =	simm.s32 $execute0_lowered;
	[smem:$0x3FD2] =	sst s25  }
0xa6: {  	s4 =	sshll.u32 s26, $0x1;
	_ =	strace $0x80000049;
	[dreg:$0x1] =	wrdreg $0xFFFFFFFF  }
0xa7: {  	s28 =	simm.s32 $_size_execute0_lowered;
	s2 =	sadd.s32 s2, s4;
	[dreg:$0x0] =	wrdreg $0x0  }
0xa8: {  	s4 =	sshll.u32 s28, $0x1;
	[dreg:$0x2] =	wrdreg s2  }
0xa9: {  	[dreg:$0x3] =	wrdreg s4  }
0xaa: {  	[dreg:$0x4] =	wrdreg $0xC0  }
0xab: {  	_ =	task [dreg:s6], $0x5FFFF  }
0xac: {  	[dreg:$0x1] =	wrdreg $0xFFFFFFFF  }
0xad: {  	[dreg:$0x0] =	wrdreg $0x60  }
0xae: {  	[dreg:$0x2] =	wrdreg s24  }
0xaf: {  	[dreg:$0x3] =	wrdreg $0x44000  }
0xb0: {  	[dreg:$0x4] =	wrdreg $0x9  }
0xb1: {  	_ =	task.clear_ibuf [dreg:s6], $0x5FFFF;
	_ =	strace $0x90000049  }
0xb2: {  	s29 =	simm.s32 $0x9;
	_ =	strace $0x8000004B  }
0xb3: {  	_ =	swait.ge [sflag:s29], $0x1  }
0xb4: {  	[sflag:s29] =	ssyncadd.s32 $0xFFFFFFFF  }
0xb5: {  	_ =	strace $0x9000004B  }
0xb6: {  	_ =	sfence  }
0xb7: {  	s30 =	sld [smem:$0x0];
	_ =	sdelay $0x2  }
0xb8: {  	s31 =	sshll.u32 s1, $0xD;
	s1 =	sshrl.u32 s1, $0x2  }
0xb9: {  	s3 =	sand.u32 $0x4000, s31;
	s1 =	sadd.s32 s1, s30  }
0xba: {  	s0 =	sor.u32 s3, s0;
	s1 =	sshll.u32 s1, $0x11  }
0xbb: {  	s0 =	sor.u32 s1, s0  }
0xbc: {  	s0 =	sadd.s32 $0x8F2B, s0  }
0xbd: {  	[sflag:s0] =	ssyncadd.remote.s32 $0x1  }
0xbe: {  	_ =	sfence.sel $0xFFFF  }
0xbf: {  	[dreg:$0x0] =	wrdreg $0xFFFFFFFF;
	(pc) =	sbr.abs _section_cstart, $3  }
0xc0: {  	[dreg:$0x1] =	wrdreg $0xFFFFFFFF  }
0xc1: {  	_ =	task.clear_ibuf [dreg:s6], $0x2FFFF;
	_ =	strace $0x9FFFFFFF  }
0xc2: {  	(tm) =	ssettm $0x7FFFFFFF  }
0xc3: {  	_ =	shalt  }
tec
execute0_lowered:
.L_overlay_start_1:
0x0: {  	(tag) =	ssettag $0x1  }
0x1: {  	s0 =	srdreg.scid;
	s1 =	rddreg [dreg:$0x0]  }
0x2: {  	s17 =	stileid.u32;
	s2 =	rddreg [dreg:$0x1];
	s3 =	simm.s32 $0x0  }
0x3: {  	s28 =	simm.s32 $0x1400;
	s29 =	simm.s32 $0x2;
	s30 =	simm.s32 $0x2400  }
0x4: {  	s31 =	simm.s32 $0x180;
	s0 =	sand.u32 $0x1, s0;
	s6 =	smul.u32 $0xC800, s17  }
0x5: {  	[smem:$0x7FF] =	sst s3;
	s9 =	smul.u32 $0x62000, s17;
	s10 =	sadd.s32 $0x5A00, s1  }
0x6: {  	s16 =	sadd.s32 $0x1E1200, s1;
	s19 =	sshll.u32 s17, $0x6;
	s4 =	smul.u32 $0xC8000, s0  }
0x7: {  	_ =	strace $0x8000004A;
	[dreg:$0x4] =	wrdreg s16;
	s7 =	ssub.s32 $0x2, s0  }
0x8: {  	s0 =	sshll.u32 s0, $0x5;
	s11 =	sshrl.u32 s7, $0x1;
	s12 =	sshrl.u32 s9, $0x2  }
0x9: {  	s20 =	sadd.s32 $0x20000, s9;
	s14 =	sadd.s32 $0x40000, s9;
	s16 =	sadd.s32 $0x60000, s9  }
0xa: {  	s9 =	sor.u32 s0, s9;
	s4 =	sadd.s32 s6, s4;
	s13 =	ssub.s32 s7, s11  }
0xb: {  	s18 =	sadd.s32 s12, s2;
	s7 =	sor.u32 $0x1C09, s19;
	s21 =	sshrl.u32 s20, $0x2  }
0xc: {  	s15 =	sshrl.u32 s14, $0x2;
	s24 =	sshrl.u32 s16, $0x2;
	s6 =	sshrl.u32 s6, $0x3  }
0xd: {  	s12 =	simm.s32 $0x0;
	s5 =	sshrl.u32 s4, $0x3;
	s4 =	sadd.s32 $0x11D200, s1  }
0xe: {  	[dreg:$0x5] =	wrdreg s18;
	s22 =	sadd.s32 s21, s2;
	s23 =	sadd.s32 s15, s2  }
0xf: {  	s25 =	sadd.s32 s24, s2;
	s26 =	sadd.s32 s10, s6;
	s6 =	sshrl.u32 s9, $0x3  }
0x10: {  	s15 =	sor.u32 s0, s20;
	s20 =	sor.u32 s0, s14;
	[dreg:$0x6] =	wrdreg s22  }
0x11: {  	s0 =	sor.u32 s0, s16;
	s21 =	smul.u32 $0x1900, s17;
	[dreg:$0x7] =	wrdreg s23  }
0x12: {  	s9 =	simm.s32 $0x7;
	s14 =	simm.s32 $0x380;
	[dreg:$0x8] =	wrdreg s25  }
0x13: {  	s8 =	sadd.s32 s5, s1;
	s1 =	sadd.s32 $0x1E2200, s1;
	[dreg:$0x9] =	wrdreg s26  }
0x14: {  	s5 =	sadd.s32 $0x20, s26;
	s19 =	sshrl.u32 s15, $0x3;
	s23 =	sshrl.u32 s20, $0x3  }
0x15: {  	s0 =	sshrl.u32 s0, $0x3;
	s26 =	smax.u32 s13, $0x1;
	s20 =	simm.s32 $0x9  }
0x16: {  	s13 =	simm.s32 $0x4;
	s11 =	sadd.s32 $0xEB000, s8;
	[dreg:$0xb] =	wrdreg s5  }
0x17: {  	s8 =	sadd.s32 $0xEB020, s8;
	s18 =	sadd.s32 s1, s6;
	[dreg:$0x10] =	wrdreg s26  }
0x18: {  	s22 =	sadd.s32 s1, s19;
	s24 =	sadd.s32 s1, s23;
	[dreg:$0xa] =	wrdreg s8  }
0x19: {  	s0 =	sadd.s32 s1, s0;
	s25 =	sadd.s32 s21, s10;
	[dreg:$0xc] =	wrdreg s18  }
0x1a: {  	s21 =	simm.s32 $0x200;
	s23 =	simm.s32 $0x300;
	[dreg:$0xd] =	wrdreg s22  }
0x1b: {  	s26 =	simm.s32 $0x400;
	s1 =	simm.s32 $0x3400;
	[dreg:$0xe] =	wrdreg s24  }
0x1c: {  	s6 =	simm.s32 $0x3;
	s10 =	simm.s32 $0x6;
	[dreg:$0xf] =	wrdreg s0  }
0x1d: {  	[dreg:$0x3] =	wrdreg s25;
	s22 =	simm.s32 $0x100;
	s24 =	simm.s32 $0x1  }
0x1e: {  	s25 =	simm.s32 $0x80;
	s0 =	simm.s32 $0x5;
	s8 =	simm.s32 $0x280  }
.LBB2_1:
0x1f: {  	s5 =	rddreg [dreg:$0x5]  }
0x20: {  	s18 =	rddreg [dreg:$0x4];
	s15 =	sshrl.u32 s5, $0x3  }
0x21: {  	[dreg:$0x11] =	wrdreg s15  }
0x22: {  	[spmem:s15], [sflag:s7] =	dma.local [hbm:s18], $0x1000  }
0x23: {  	_ =	swait.ge [sflag:s20], $0x1000  }
0x24: {  	s19 =	rddreg [dreg:$0x6]  }
0x25: {  	[sflag:s20] =	ssyncset.done $0x0;
	s15 =	sshrl.u32 s19, $0x3  }
0x26: {  	[sflag:s20] =	ssyncadd.s32 $0xFFFFF000;
	[dreg:$0x12] =	wrdreg s15  }
0x27: {  	[spmem:s15], [sflag:s7] =	dma.local [hbm:s18], $0x1000  }
0x28: {  	_ =	swait.ge [sflag:s20], $0x1000  }
0x29: {  	s16 =	rddreg [dreg:$0x7]  }
0x2a: {  	[sflag:s20] =	ssyncset.done $0x0;
	s15 =	sshrl.u32 s16, $0x3  }
0x2b: {  	[sflag:s20] =	ssyncadd.s32 $0xFFFFF000;
	[dreg:$0x13] =	wrdreg s15  }
0x2c: {  	[spmem:s15], [sflag:s7] =	dma.local [hbm:s18], $0x1000  }
0x2d: {  	_ =	swait.ge [sflag:s20], $0x1000  }
0x2e: {  	s17 =	rddreg [dreg:$0x8]  }
0x2f: {  	[sflag:s20] =	ssyncset.done $0x0;
	s15 =	sshrl.u32 s17, $0x3  }
0x30: {  	[sflag:s20] =	ssyncadd.s32 $0xFFFFF000;
	[dreg:$0x14] =	wrdreg s15  }
0x31: {  	[spmem:s15], [sflag:s7] =	dma.local [hbm:s18], $0x100  }
0x32: {  	_ =	swait.ge [sflag:s20], $0x100  }
0x33: {  	[sflag:s20] =	ssyncset.done $0x0  }
0x34: {  	[sflag:s20] =	ssyncadd.s32 $0xFFFFFF00  }
0x35: {  	[bflag:$0x0] =	sbarrier.arrive $0xFFFF  }
0x36: {  	[tilespmem:s3], [sflag:$0x1] =	stream.linear.gather [hbm4b:s11+s3], $0x100, $0x38;
	[tilespmem:$0x1D000] =	vst v63  }
0x37: {  	s18 =	rddreg [dreg:$0x9]  }
0x38: {  	[tilespmem:s21], [sflag:$0x3] =	stream.linear.gather [hbm4b:s18+s3], $0x100, $0x38;
	[tilespmem:$0x1D000] =	vst v63  }
0x39: {  	s19 =	rddreg [dreg:$0xa]  }
0x3a: {  	[tilespmem:s22], [sflag:$0x2] =	stream.linear.gather [hbm4b:s19+s3], $0x100, $0x38;
	[tilespmem:$0x1D000] =	vst v63  }
0x3b: {  	s15 =	rddreg [dreg:$0xb]  }
0x3c: {  	[tilespmem:s23], [sflag:$0x4] =	stream.linear.gather [hbm4b:s15+s3], $0x100, $0x38;
	[tilespmem:$0x1D000] =	vst v63  }
0x3d: {  	_ =	swait.ge [sflag:s24], $0x100  }
0x3e: {  	p0 =	por $0x1, $0x1;
	[sflag:s24] =	ssyncset.done $0x0  }
0x3f: {  	p0 =	por p0, p0;
	[sflag:s24] =	ssyncadd.s32 $0xFFFFFF00  }
0x40: {  	[tilespmem:s26], [sflag:$0x5] =	stream.indirect.gather [hbm4b:s4+s25], $0x20, s3, s25, $0xb8;
	[tilespmem:$0x1D000] =	vst v63  }
0x41: {  	s15 =	simm.s32 @!p0 $0x8  }
0x42: {  	[tilespmem:s28], [sflag:$0x5] =	stream.indirect.gather [hbm4b:s4+s25], $0x20, s25, s25, $0xb8;
	[tilespmem:$0x1D000] =	vst v63  }
0x43: {  	_ =	swait.ge @!p0 [sflag:s15], $0x1000  }
0x44: {  	[sflag:s15] =	ssyncset.done @!p0 $0x0  }
0x45: {  	[sflag:s15] =	ssyncadd.s32 @!p0 $0xFFFFF000  }
0x46: {  	_ =	swait.ge @!p0 [sflag:s15], $0x1000  }
0x47: {  	[sflag:s15] =	ssyncset.done @!p0 $0x0  }
0x48: {  	[sflag:s15] =	ssyncadd.s32 @!p0 $0xFFFFF000  }
0x49: {  	_ =	swait.ge [sflag:s29], $0x100  }
0x4a: {  	[sflag:s29] =	ssyncset.done $0x0  }
0x4b: {  	[sflag:s29] =	ssyncadd.s32 $0xFFFFFF00  }
0x4c: {  	[tilespmem:s30], [sflag:$0x6] =	stream.indirect.gather [hbm4b:s4+s25], $0x20, s22, s25, $0xb8;
	[tilespmem:$0x1D000] =	vst v63  }
0x4d: {  	_ = 	snop  }
0x4e: {  	[tilespmem:s1], [sflag:$0x6] =	stream.indirect.gather [hbm4b:s4+s25], $0x20, s31, s25, $0xb8;
	[tilespmem:$0x1D000] =	vst v63  }
0x4f: {  	_ =	swait.ge [sflag:s0], $0x1000  }
0x50: {  	[sflag:s0] =	ssyncset.done $0x0  }
0x51: {  	[sflag:s0] =	ssyncadd.s32 $0xFFFFF000  }
0x52: {  	_ =	swait.ge [sflag:s0], $0x1000  }
0x53: {  	[sflag:s0] =	ssyncset.done $0x0  }
0x54: {  	[sflag:s0] =	ssyncadd.s32 $0xFFFFF000  }
0x55: {  	_ =	swait.ge [sflag:s6], $0x100  }
0x56: {  	[sflag:s6] =	ssyncset.done $0x0  }
0x57: {  	[sflag:s6] =	ssyncadd.s32 $0xFFFFFF00  }
0x58: {  	[spmem:s2] =	stream.indirect.scatter.add.f32 [tilespmem:s26], [sflag:$0x7], $0x20, s21, s25, $0xb8;
	[tilespmem:$0x1D000] =	vst v63  }
0x59: {  	s16 =	sadd.s32 $0x0, s11;
	s17 =	rddreg [dreg:$0x3]  }
0x5a: {  	[spmem:s2] =	stream.indirect.scatter.add.f32 [tilespmem:s28], [sflag:$0x7], $0x20, s8, s25, $0xb8;
	[tilespmem:$0x1D000] =	vst v63  }
0x5b: {  	s18 =	sadd.s32 $0x40, s16;
	s19 =	sadd.s32 $0x0, s17  }
0x5c: {  	[tilespmem:s3], [sflag:$0x1] =	stream.linear.gather [hbm4b:s18+s3], $0x100, $0x38;
	[tilespmem:$0x1D000] =	vst v63  }
0x5d: {  	s17 =	sadd.s32 $0x40, s19  }
0x5e: {  	[tilespmem:s21], [sflag:$0x3] =	stream.linear.gather [hbm4b:s17+s3], $0x100, $0x38;
	[tilespmem:$0x1D000] =	vst v63  }
0x5f: {  	_ =	swait.ge [sflag:s9], $0x1000  }
0x60: {  	[sflag:s9] =	ssyncset.done $0x0  }
0x61: {  	[sflag:s9] =	ssyncadd.s32 $0xFFFFF000  }
0x62: {  	_ =	swait.ge [sflag:s9], $0x1000  }
0x63: {  	[sflag:s9] =	ssyncset.done $0x0  }
0x64: {  	[sflag:s9] =	ssyncadd.s32 $0xFFFFF000  }
0x65: {  	_ =	swait.ge [sflag:s24], $0x100  }
0x66: {  	[sflag:s24] =	ssyncset.done $0x0  }
0x67: {  	[sflag:s24] =	ssyncadd.s32 $0xFFFFFF00  }
0x68: {  	[tilespmem:s26], [sflag:$0x5] =	stream.indirect.gather [hbm4b:s4+s25], $0x20, s3, s25, $0xb8;
	[tilespmem:$0x1D000] =	vst v63  }
0x69: {  	_ = 	snop  }
0x6a: {  	[tilespmem:s28], [sflag:$0x5] =	stream.indirect.gather [hbm4b:s4+s25], $0x20, s25, s25, $0xb8;
	[tilespmem:$0x1D000] =	vst v63  }
0x6b: {  	_ =	swait.ge [sflag:s10], $0x1000  }
0x6c: {  	[sflag:s10] =	ssyncset.done $0x0  }
0x6d: {  	[sflag:s10] =	ssyncadd.s32 $0xFFFFF000  }
0x6e: {  	_ =	swait.ge [sflag:s10], $0x1000  }
0x6f: {  	[sflag:s10] =	ssyncset.done $0x0  }
0x70: {  	[sflag:s10] =	ssyncadd.s32 $0xFFFFF000  }
0x71: {  	_ =	swait.ge [sflag:s13], $0x100  }
0x72: {  	[sflag:s13] =	ssyncset.done $0x0  }
0x73: {  	[sflag:s13] =	ssyncadd.s32 $0xFFFFFF00  }
0x74: {  	[spmem:s2] =	stream.indirect.scatter.add.f32 [tilespmem:s30], [sflag:$0x8], $0x20, s23, s25, $0xb8;
	[tilespmem:$0x1D000] =	vst v63  }
0x75: {  	p6 =	por $0x0, $0x0  }
0x76: {  	[spmem:s2] =	stream.indirect.scatter.add.f32 [tilespmem:s1], [sflag:$0x8], $0x20, s14, s25, $0xb8;
	[tilespmem:$0x1D000] =	vst v63  }
0x77: {  	s15 =	sadd.s32 $0x60, s16;
	p0 =	por p6, p6  }
0x78: {  	[tilespmem:s22], [sflag:$0x2] =	stream.linear.gather [hbm4b:s15+s3], $0x100, $0x38;
	[tilespmem:$0x1D000] =	vst v63  }
0x79: {  	s18 =	sadd.s32 $0x60, s19;
	s17 =	simm.s32 $0x80;
	s15 =	simm.s32 $0x40  }
.LBB2_2:
0x7a: {  	s19 =	simm.s32 @!p0 $0x8  }
0x7b: {  	[tilespmem:s23], [sflag:$0x4] =	stream.linear.gather [hbm4b:s18+s3], $0x100, $0x38;
	[tilespmem:$0x1D000] =	vst v63  }
0x7c: {  	_ =	swait.ge @!p0 [sflag:s19], $0x1000  }
0x7d: {  	[sflag:s19] =	ssyncset.done @!p0 $0x0  }
0x7e: {  	[sflag:s19] =	ssyncadd.s32 @!p0 $0xFFFFF000  }
0x7f: {  	_ =	swait.ge @!p0 [sflag:s19], $0x1000  }
0x80: {  	[sflag:s19] =	ssyncset.done @!p0 $0x0  }
0x81: {  	[sflag:s19] =	ssyncadd.s32 @!p0 $0xFFFFF000  }
0x82: {  	_ =	swait.ge [sflag:s29], $0x100  }
0x83: {  	[sflag:s29] =	ssyncset.done $0x0  }
0x84: {  	[sflag:s29] =	ssyncadd.s32 $0xFFFFFF00  }
0x85: {  	[tilespmem:s30], [sflag:$0x6] =	stream.indirect.gather [hbm4b:s4+s25], $0x20, s22, s25, $0xb8;
	[tilespmem:$0x1D000] =	vst v63  }
0x86: {  	_ = 	snop  }
0x87: {  	[tilespmem:s1], [sflag:$0x6] =	stream.indirect.gather [hbm4b:s4+s25], $0x20, s31, s25, $0xb8;
	[tilespmem:$0x1D000] =	vst v63  }
0x88: {  	_ =	swait.ge [sflag:s0], $0x1000  }
0x89: {  	[sflag:s0] =	ssyncset.done $0x0  }
0x8a: {  	[sflag:s0] =	ssyncadd.s32 $0xFFFFF000  }
0x8b: {  	_ =	swait.ge [sflag:s0], $0x1000  }
0x8c: {  	[sflag:s0] =	ssyncset.done $0x0  }
0x8d: {  	[sflag:s0] =	ssyncadd.s32 $0xFFFFF000  }
0x8e: {  	_ =	swait.ge [sflag:s6], $0x100  }
0x8f: {  	[sflag:s6] =	ssyncset.done $0x0  }
0x90: {  	[sflag:s6] =	ssyncadd.s32 $0xFFFFFF00  }
0x91: {  	[spmem:s2] =	stream.indirect.scatter.add.f32 [tilespmem:s26], [sflag:$0x7], $0x20, s21, s25, $0xb8;
	[tilespmem:$0x1D000] =	vst v63  }
0x92: {  	s18 =	sadd.s32 s15, s11  }
0x93: {  	[spmem:s2] =	stream.indirect.scatter.add.f32 [tilespmem:s28], [sflag:$0x7], $0x20, s8, s25, $0xb8;
	[tilespmem:$0x1D000] =	vst v63  }
0x94: {  	s5 =	sadd.s32 $0x40, s18;
	s19 =	rddreg [dreg:$0x3]  }
0x95: {  	[tilespmem:s3], [sflag:$0x1] =	stream.linear.gather [hbm4b:s5+s3], $0x100, $0x38;
	[tilespmem:$0x1D000] =	vst v63  }
0x96: {  	s5 =	sadd.s32 s15, s19  }
0x97: {  	s19 =	sadd.s32 $0x40, s5  }
0x98: {  	[tilespmem:s21], [sflag:$0x3] =	stream.linear.gather [hbm4b:s19+s3], $0x100, $0x38;
	[tilespmem:$0x1D000] =	vst v63  }
0x99: {  	_ =	swait.ge [sflag:s9], $0x1000  }
0x9a: {  	[sflag:s9] =	ssyncset.done $0x0  }
0x9b: {  	[sflag:s9] =	ssyncadd.s32 $0xFFFFF000  }
0x9c: {  	_ =	swait.ge [sflag:s9], $0x1000  }
0x9d: {  	[sflag:s9] =	ssyncset.done $0x0  }
0x9e: {  	[sflag:s9] =	ssyncadd.s32 $0xFFFFF000  }
0x9f: {  	_ =	swait.ge [sflag:s24], $0x100  }
0xa0: {  	[sflag:s24] =	ssyncset.done $0x0  }
0xa1: {  	[sflag:s24] =	ssyncadd.s32 $0xFFFFFF00  }
0xa2: {  	[tilespmem:s26], [sflag:$0x5] =	stream.indirect.gather [hbm4b:s4+s25], $0x20, s3, s25, $0xb8;
	[tilespmem:$0x1D000] =	vst v63  }
0xa3: {  	_ = 	snop  }
0xa4: {  	[tilespmem:s28], [sflag:$0x5] =	stream.indirect.gather [hbm4b:s4+s25], $0x20, s25, s25, $0xb8;
	[tilespmem:$0x1D000] =	vst v63  }
0xa5: {  	_ =	swait.ge [sflag:s10], $0x1000  }
0xa6: {  	[sflag:s10] =	ssyncset.done $0x0  }
0xa7: {  	[sflag:s10] =	ssyncadd.s32 $0xFFFFF000  }
0xa8: {  	_ =	swait.ge [sflag:s10], $0x1000  }
0xa9: {  	[sflag:s10] =	ssyncset.done $0x0  }
0xaa: {  	[sflag:s10] =	ssyncadd.s32 $0xFFFFF000  }
0xab: {  	p2 =	seq.s32 s17, $0x0;
	_ =	swait.ge [sflag:s13], $0x100  }
0xac: {  	s16 =	smov.u32 s17;
	s17 =	sadd.s32 $0x40, s17;
	[sflag:s13] =	ssyncset.done $0x0  }
0xad: {  	p1 =	sne.s32 s17, $0x1900;
	[sflag:s13] =	ssyncadd.s32 $0xFFFFFF00  }
0xae: {  	[spmem:s2] =	stream.indirect.scatter.add.f32 [tilespmem:s30], [sflag:$0x8], $0x20, s23, s25, $0xb8;
	[tilespmem:$0x1D000] =	vst v63  }
.Ltmp0:
0xaf: {  	_ = 	snop;
	(pc) =	sbr.rel @p1 .LBB2_2-.Ltmp0, $4  }
0xb0: {  	p0 =	por p2, p2  }
0xb1: {  	[spmem:s2] =	stream.indirect.scatter.add.f32 [tilespmem:s1], [sflag:$0x8], $0x20, s14, s25, $0xb8;
	[tilespmem:$0x1D000] =	vst v63  }
0xb2: {  	s15 =	smov.u32 s16;
	s19 =	sadd.s32 $0x60, s18;
	s18 =	sadd.s32 $0x60, s5  }
0xb3: {  	[tilespmem:s22], [sflag:$0x2] =	stream.linear.gather [hbm4b:s19+s3], $0x100, $0x38;
	[tilespmem:$0x1D000] =	vst v63  }
0xb4: {  	s5 =	simm.s32 @!p0 $0x8  }
0xb5: {  	[tilespmem:s23], [sflag:$0x4] =	stream.linear.gather [hbm4b:s18+s3], $0x100, $0x38;
	[tilespmem:$0x1D000] =	vst v63  }
0xb6: {  	_ =	swait.ge @!p0 [sflag:s5], $0x1000  }
0xb7: {  	[sflag:s5] =	ssyncset.done @!p0 $0x0  }
0xb8: {  	[sflag:s5] =	ssyncadd.s32 @!p0 $0xFFFFF000  }
0xb9: {  	_ =	swait.ge @!p0 [sflag:s5], $0x1000  }
0xba: {  	[sflag:s5] =	ssyncset.done @!p0 $0x0  }
0xbb: {  	[sflag:s5] =	ssyncadd.s32 @!p0 $0xFFFFF000  }
0xbc: {  	_ =	swait.ge [sflag:s29], $0x100  }
0xbd: {  	[sflag:s29] =	ssyncset.done $0x0  }
0xbe: {  	[sflag:s29] =	ssyncadd.s32 $0xFFFFFF00  }
0xbf: {  	[tilespmem:s30], [sflag:$0x6] =	stream.indirect.gather [hbm4b:s4+s25], $0x20, s22, s25, $0xb8;
	[tilespmem:$0x1D000] =	vst v63  }
0xc0: {  	_ = 	snop  }
0xc1: {  	[tilespmem:s1], [sflag:$0x6] =	stream.indirect.gather [hbm4b:s4+s25], $0x20, s31, s25, $0xb8;
	[tilespmem:$0x1D000] =	vst v63  }
0xc2: {  	_ =	swait.ge [sflag:s0], $0x1000  }
0xc3: {  	[sflag:s0] =	ssyncset.done $0x0  }
0xc4: {  	[sflag:s0] =	ssyncadd.s32 $0xFFFFF000  }
0xc5: {  	_ =	swait.ge [sflag:s0], $0x1000  }
0xc6: {  	[sflag:s0] =	ssyncset.done $0x0  }
0xc7: {  	[sflag:s0] =	ssyncadd.s32 $0xFFFFF000  }
0xc8: {  	_ =	swait.ge [sflag:s6], $0x100  }
0xc9: {  	[sflag:s6] =	ssyncset.done $0x0  }
0xca: {  	[sflag:s6] =	ssyncadd.s32 $0xFFFFFF00  }
0xcb: {  	[spmem:s2] =	stream.indirect.scatter.add.f32 [tilespmem:s26], [sflag:$0x7], $0x20, s21, s25, $0xb8;
	[tilespmem:$0x1D000] =	vst v63  }
0xcc: {  	s18 =	sadd.s32 s15, s11;
	s16 =	rddreg [dreg:$0x3]  }
0xcd: {  	[spmem:s2] =	stream.indirect.scatter.add.f32 [tilespmem:s28], [sflag:$0x7], $0x20, s8, s25, $0xb8;
	[tilespmem:$0x1D000] =	vst v63  }
0xce: {  	s17 =	sadd.s32 $0x40, s18;
	s19 =	sadd.s32 s15, s16  }
0xcf: {  	[tilespmem:s3], [sflag:$0x1] =	stream.linear.gather [hbm4b:s17+s3], $0x100, $0x38;
	[tilespmem:$0x1D000] =	vst v63  }
0xd0: {  	s16 =	sadd.s32 $0x40, s19  }
0xd1: {  	[tilespmem:s21], [sflag:$0x3] =	stream.linear.gather [hbm4b:s16+s3], $0x100, $0x38;
	[tilespmem:$0x1D000] =	vst v63  }
0xd2: {  	_ =	swait.ge [sflag:s9], $0x1000  }
0xd3: {  	[sflag:s9] =	ssyncset.done $0x0  }
0xd4: {  	[sflag:s9] =	ssyncadd.s32 $0xFFFFF000  }
0xd5: {  	_ =	swait.ge [sflag:s9], $0x1000  }
0xd6: {  	[sflag:s9] =	ssyncset.done $0x0  }
0xd7: {  	[sflag:s9] =	ssyncadd.s32 $0xFFFFF000  }
0xd8: {  	_ =	swait.ge [sflag:s24], $0x100  }
0xd9: {  	[sflag:s24] =	ssyncset.done $0x0  }
0xda: {  	[sflag:s24] =	ssyncadd.s32 $0xFFFFFF00  }
0xdb: {  	[tilespmem:s26], [sflag:$0x5] =	stream.indirect.gather [hbm4b:s4+s25], $0x20, s3, s25, $0xb8;
	[tilespmem:$0x1D000] =	vst v63  }
0xdc: {  	_ = 	snop  }
0xdd: {  	[tilespmem:s28], [sflag:$0x5] =	stream.indirect.gather [hbm4b:s4+s25], $0x20, s25, s25, $0xb8;
	[tilespmem:$0x1D000] =	vst v63  }
0xde: {  	_ =	swait.ge [sflag:s10], $0x1000  }
0xdf: {  	[sflag:s10] =	ssyncset.done $0x0  }
0xe0: {  	[sflag:s10] =	ssyncadd.s32 $0xFFFFF000  }
0xe1: {  	_ =	swait.ge [sflag:s10], $0x1000  }
0xe2: {  	[sflag:s10] =	ssyncset.done $0x0  }
0xe3: {  	[sflag:s10] =	ssyncadd.s32 $0xFFFFF000  }
0xe4: {  	_ =	swait.ge [sflag:s13], $0x100  }
0xe5: {  	[sflag:s13] =	ssyncset.done $0x0  }
0xe6: {  	[sflag:s13] =	ssyncadd.s32 $0xFFFFFF00  }
0xe7: {  	[spmem:s2] =	stream.indirect.scatter.add.f32 [tilespmem:s30], [sflag:$0x8], $0x20, s23, s25, $0xb8;
	[tilespmem:$0x1D000] =	vst v63  }
0xe8: {  	_ = 	snop  }
0xe9: {  	[spmem:s2] =	stream.indirect.scatter.add.f32 [tilespmem:s1], [sflag:$0x8], $0x20, s14, s25, $0xb8;
	[tilespmem:$0x1D000] =	vst v63  }
0xea: {  	s5 =	sadd.s32 $0x60, s18  }
0xeb: {  	[tilespmem:s22], [sflag:$0x2] =	stream.linear.gather [hbm4b:s5+s3], $0x100, $0x38;
	[tilespmem:$0x1D000] =	vst v63  }
0xec: {  	s17 =	simm.s32 $0x8;
	s16 =	sadd.s32 $0x60, s19  }
0xed: {  	[tilespmem:s23], [sflag:$0x4] =	stream.linear.gather [hbm4b:s16+s3], $0x100, $0x38;
	[tilespmem:$0x1D000] =	vst v63  }
0xee: {  	_ =	swait.ge [sflag:s17], $0x1000  }
0xef: {  	[sflag:s17] =	ssyncset.done $0x0  }
0xf0: {  	[sflag:s17] =	ssyncadd.s32 $0xFFFFF000  }
0xf1: {  	_ =	swait.ge [sflag:s17], $0x1000  }
0xf2: {  	[sflag:s17] =	ssyncset.done $0x0  }
0xf3: {  	[sflag:s17] =	ssyncadd.s32 $0xFFFFF000  }
0xf4: {  	_ =	swait.ge [sflag:s0], $0x1000  }
0xf5: {  	[sflag:s0] =	ssyncset.done $0x0  }
0xf6: {  	[sflag:s0] =	ssyncadd.s32 $0xFFFFF000  }
0xf7: {  	_ =	swait.ge [sflag:s0], $0x1000  }
0xf8: {  	[sflag:s0] =	ssyncset.done $0x0  }
0xf9: {  	[sflag:s0] =	ssyncadd.s32 $0xFFFFF000  }
0xfa: {  	_ =	swait.ge [sflag:s6], $0x100  }
0xfb: {  	[sflag:s6] =	ssyncset.done $0x0  }
0xfc: {  	[sflag:s6] =	ssyncadd.s32 $0xFFFFFF00  }
0xfd: {  	_ =	swait.ge [sflag:s29], $0x100  }
0xfe: {  	[sflag:s29] =	ssyncset.done $0x0  }
0xff: {  	[sflag:s29] =	ssyncadd.s32 $0xFFFFFF00  }
0x100: {  	_ =	swait.ge [sflag:s13], $0x100  }
0x101: {  	[sflag:s13] =	ssyncset.done $0x0  }
0x102: {  	[sflag:s13] =	ssyncadd.s32 $0xFFFFFF00  }
0x103: {  	[bflag:$0x0] =	sbarrier.arrive $0xFFFF  }
0x104: {  	s18 =	rddreg [dreg:$0xc]  }
0x105: {  	s15 =	simm.s32 $0x10;
	s19 =	rddreg [dreg:$0x11]  }
0x106: {  	[hbm:s18@s15], [sflag:s7] =	dma.strided [spmem:s19@s13], $0x1000, s24, $0x4   }
0x107: {  	_ =	swait.ge [sflag:s20], $0x1000  }
0x108: {  	[sflag:s20] =	ssyncset.done $0x0;
	s16 =	rddreg [dreg:$0xd]  }
0x109: {  	s17 =	rddreg [dreg:$0x12];
	[sflag:s20] =	ssyncadd.s32 $0xFFFFF000  }
0x10a: {  	[hbm:s16@s15], [sflag:s7] =	dma.strided [spmem:s17@s13], $0x1000, s24, $0x4   }
0x10b: {  	_ =	swait.ge [sflag:s20], $0x1000  }
0x10c: {  	[sflag:s20] =	ssyncset.done $0x0;
	s18 =	rddreg [dreg:$0xe]  }
0x10d: {  	s19 =	rddreg [dreg:$0x13];
	[sflag:s20] =	ssyncadd.s32 $0xFFFFF000  }
0x10e: {  	[hbm:s18@s15], [sflag:s7] =	dma.strided [spmem:s19@s13], $0x1000, s24, $0x4   }
0x10f: {  	_ =	swait.ge [sflag:s20], $0x1000  }
0x110: {  	[sflag:s20] =	ssyncset.done $0x0;
	s17 =	rddreg [dreg:$0xf]  }
0x111: {  	s18 =	rddreg [dreg:$0x14];
	[sflag:s20] =	ssyncadd.s32 $0xFFFFF000  }
0x112: {  	[hbm:s17@s15], [sflag:s7] =	dma.strided [spmem:s18@s13], $0x100, s24, $0x4   }
0x113: {  	_ =	swait.ge [sflag:s20], $0x100  }
0x114: {  	s12 =	sadd.s32 $0x1, s12;
	s19 =	rddreg [dreg:$0x10]  }
0x115: {  	p0 =	sne.s32 s12, s19  }
.Ltmp1:
0x116: {  	_ = 	snop;
	(pc) =	sbr.rel @p0 .LBB2_1-.Ltmp1, $3  }
0x117: {  	_ =	sdelay $0x1  }
0x118: {  	[sflag:s20] =	ssyncset.done $0x0  }
0x119: {  	[sflag:s20] =	ssyncadd.s32 $0xFFFFFF00  }
0x11a: {  	_ =	sfence.sel $0x180000  }
0x11b: {  	[bflag:$0x0] =	sbarrier.arrive $0xFFFF  }
0x11c: {  	_ =	strace $0x9000004A  }
0x11d: {  	s0 =	stileid.u32;
	[bflag:$0x2] =	sbarrier.arrive $0xFFFF  }
0x11e: {  	p0 =	sne.s32 s0, $0x0;
	s0 =	rddreg [dreg:$0x2]  }
0x11f: {  	s0 =	sadd.s32 @!p0 $0x100000, s0  }
0x120: {  	[sflag:s0] =	ssyncadd.tile.s32 @!p0 $0x1;
	_ =	shalt  }
.Lfunc_end2:
_tile_overlayer_lowered:
.L_overlay_start_2:
0x121: {  	(tag) =	ssettag $0x2  }
0x122: {  	s0 =	rddreg [dreg:$0x0];
	s2 =	stileid.u32  }
0x123: {  	s1 =	rddreg [dreg:$0x1];
	p0 =	sne.s32 s2, $0x0  }
0x124: {  	s3 =	rddreg [dreg:$0x2];
	[bflag:$0x3] =	sbarrier.arrive $0xFFFF;
	s2 =	simm.s32 @!p0 $0x1C09  }
0x125: {  	[timem:s3], [sflag:s2] =	dma.local @!p0 [hbm:s0], s1  }
0x126: {  	s0 =	simm.s32 @!p0 $0x9  }
0x127: {  	_ =	swait.ge @!p0 [sflag:s0], s1  }
0x128: {  	s1 =	ssub.s32 @!p0 $0x0, s1;
	[sflag:s0] =	ssyncset.done @!p0 $0x0  }
0x129: {  	[sflag:s0] =	ssyncadd.s32 @!p0 s1  }
0x12a: {  	[bflag:$0x3] =	sbarrier.arrive $0xFFFF  }
0x12b: {  	_ =	shalt  }

// kernel: kernel.18.cloned.1.call-start
scs
__scs_entry_jumppad:
0x0: {  	(pc) =	sbr.rel $0x88, $3  }
0x1: {  	(tag) =	ssettag $0x0;
	lr =	simm.s32 $0x1  }
0x2: {  	[smem:$0x3F90] =	sst lr;
	_ =	strace $0xD0000000  }
0x3: {  	_ = 	snop  }
0x4: {  	_ = 	snop  }
0x5: {  	_ = 	snop  }
0x6: {  	_ = 	snop  }
0x7: {  	_ = 	snop  }
__scs_overlays_trampoline_lowered:
0x8: {  	[smem:$0x3F9F] =	sst s0  }
0x9: {  	[smem:$0x3FA0] =	sst s1  }
0xa: {  	[smem:$0x3FA1] =	sst s2  }
0xb: {  	[smem:$0x3FA2] =	sst s3  }
0xc: {  	[smem:$0x3FA3] =	sst s4  }
0xd: {  	[smem:$0x3FA4] =	sst s5  }
0xe: {  	[smem:$0x3FA5] =	sst s6  }
0xf: {  	[smem:$0x3FA6] =	sst s7  }
0x10: {  	[smem:$0x3FA7] =	sst s8  }
0x11: {  	[smem:$0x3FA8] =	sst s9;
	s0 =	simm.s32 @!p0 $0x0  }
0x12: {  	s1 =	sld [smem:$0x3F8E];
	s0 =	simm.s32 @p0 $0x1  }
0x13: {  	[smem:$0x3FA9] =	sst s0;
	s0 =	simm.s32 @!p1 $0x0  }
0x14: {  	s2 =	sld [smem:$0x3F8D];
	s0 =	simm.s32 @p1 $0x1  }
0x15: {  	[smem:$0x3FAA] =	sst s0;
	s0 =	simm.s32 @!p2 $0x0  }
0x16: {  	s3 =	sld [smem:$0x3FDB];
	s0 =	simm.s32 @p2 $0x1  }
0x17: {  	s4 =	simm.s32 $0x1BF5;
	[smem:$0x3FAC] =	sst s0  }
0x18: {  	s0 =	sld [smem:$0x3F8F];
	_ =	swait.ge [sflag:s4], $0x0  }
0x19: {  	s7 =	sld [smem:$0x3F90]  }
0x1a: {  	s8 =	sadd.s32 $0xFFFFE003, lr  }
0x1b: {  	s9 =	sadd.s32 $0xFFFFFEF7, lr;
	s5 =	simm.s32 $0xFFFFFFFF;
	p2 =	slt.u32 s8, $0xFFFFF086  }
0x1c: {  	p1 =	slt.u32 s9, $0xF7A;
	s5 =	simm.s32 @!p2 $0x0  }
0x1d: {  	s5 =	simm.s32 @p1 $0x1;
	p0 =	seq.s32 s7, s2  }
0x1e: {  	s7 =	smul.u32 @!p0 $0xF7A, s2;
	p2 =	seq.s32 @!p0 s5, $0x0  }
0x1f: {  	s9 =	smul.u32 $0xF7A, s1;
	s8 =	simm.s32 @!p0 $0x1BF5;
	p2 =	por !p2, p0  }
0x20: {  	[sflag:s8] =	ssyncset.s32 @!p0 $0xFFFFF086;
	s6 =	sadd.s32 @!p0 s3, s7;
	s7 =	simm.s32 @!p0 $0x108  }
0x21: {  	s3 =	sadd.s32 s3, s9;
	s6 =	sadd.s32 @!p0 $0x88, s6;
	s7 =	simm.s32 @p2 $0x1082  }
0x22: {  	[simem:s7], [sflag:s8] =	dma.local @!p0 [hbm:s6], $0xF7A  }
0x23: {  	s9 =	sor.u32 $0xD0000000, s2;
	s6 =	simm.s32 $0x108;
	_ =	swait.ge @!p0 [sflag:s8], $0x0  }
0x24: {  	s3 =	sadd.s32 $0x88, s3;
	s6 =	simm.s32 @!p1 $0x1082;
	[sflag:s4] =	ssyncset.s32 $0xFFFFF086  }
0x25: {  	[simem:s6], [sflag:s4] =	dma.local [hbm:s3], $0xF7A  }
0x26: {  	[smem:$0x3F90] =	sst s1;
	(tag) =	ssettag s2;
	_ =	strace s9  }
0x27: {  	s1 =	sld [smem:$0x3FA0]  }
0x28: {  	s2 =	sld [smem:$0x3FA1]  }
0x29: {  	s4 =	sld [smem:$0x3FA3]  }
0x2a: {  	p0 =	seq.s32 s5, $0x0;
	s5 =	sld [smem:$0x3FA4]  }
0x2b: {  	s6 =	sld [smem:$0x3FA5]  }
0x2c: {  	s7 =	sld [smem:$0x3FA6]  }
0x2d: {  	s3 =	simm.s32 $0x108;
	s8 =	sld [smem:$0x3FA7]  }
0x2e: {  	s3 =	simm.s32 @!p0 $0x1082;
	s9 =	sld [smem:$0x3FA8]  }
0x2f: {  	lr =	sadd.s32 s0, s3;
	s0 =	sld [smem:$0x3F9F]  }
0x30: {  	s3 =	sld [smem:$0x3FA2]  }
0x31: {  	[smem:$0x3FAB] =	sst s10  }
0x32: {  	s10 =	sld [smem:$0x3FA9];
	_ =	sdelay $0x3  }
0x33: {  	p0 =	seq.s32 s10, $0x1;
	s10 =	sld [smem:$0x3FAB];
	_ =	sdelay $0x3  }
0x34: {  	[smem:$0x3FAB] =	sst s10  }
0x35: {  	s10 =	sld [smem:$0x3FAA];
	_ =	sdelay $0x3  }
0x36: {  	p1 =	seq.s32 s10, $0x1;
	s10 =	sld [smem:$0x3FAB];
	_ =	sdelay $0x3  }
0x37: {  	[smem:$0x3FAB] =	sst s10  }
0x38: {  	s10 =	sld [smem:$0x3FAC]  }
0x39: {  	_ = 	snop;
	(pc) =	sbr.ind lr, $3  }
0x3a: {  	_ = 	snop  }
0x3b: {  	_ = 	snop  }
0x3c: {  	p2 =	seq.s32 s10, $0x1;
	s10 =	sld [smem:$0x3FAB]  }
0x3d: {  	_ =	shalt  }
0x3e: {  	_ =	shalt  }
0x3f: {  	_ =	shalt  }
0x40: {  	_ =	shalt  }
0x41: {  	_ =	shalt  }
0x42: {  	_ =	shalt  }
0x43: {  	_ =	shalt  }
0x44: {  	_ =	shalt  }
0x45: {  	_ =	shalt  }
0x46: {  	_ =	shalt  }
0x47: {  	_ =	shalt  }
0x48: {  	_ =	shalt  }
0x49: {  	_ =	shalt  }
0x4a: {  	_ =	shalt  }
0x4b: {  	_ =	shalt  }
0x4c: {  	_ =	shalt  }
0x4d: {  	_ =	shalt  }
0x4e: {  	_ =	shalt  }
0x4f: {  	_ =	shalt  }
0x50: {  	_ =	shalt  }
0x51: {  	_ =	shalt  }
0x52: {  	_ =	shalt  }
0x53: {  	_ =	shalt  }
0x54: {  	_ =	shalt  }
0x55: {  	_ =	shalt  }
0x56: {  	_ =	shalt  }
0x57: {  	_ =	shalt  }
0x58: {  	_ =	shalt  }
0x59: {  	_ =	shalt  }
0x5a: {  	_ =	shalt  }
0x5b: {  	_ =	shalt  }
0x5c: {  	_ =	shalt  }
0x5d: {  	_ =	shalt  }
0x5e: {  	_ =	shalt  }
0x5f: {  	_ =	shalt  }
0x60: {  	_ =	shalt  }
0x61: {  	_ =	shalt  }
0x62: {  	_ =	shalt  }
0x63: {  	_ =	shalt  }
0x64: {  	_ =	shalt  }
0x65: {  	_ =	shalt  }
0x66: {  	_ =	shalt  }
0x67: {  	_ =	shalt  }
0x68: {  	_ =	shalt  }
0x69: {  	_ =	shalt  }
0x6a: {  	_ =	shalt  }
0x6b: {  	_ =	shalt  }
0x6c: {  	_ =	shalt  }
0x6d: {  	_ =	shalt  }
0x6e: {  	_ =	shalt  }
0x6f: {  	_ =	shalt  }
0x70: {  	_ =	shalt  }
0x71: {  	_ =	shalt  }
0x72: {  	_ =	shalt  }
0x73: {  	_ =	shalt  }
0x74: {  	_ =	shalt  }
0x75: {  	_ =	shalt  }
0x76: {  	_ =	shalt  }
0x77: {  	_ =	shalt  }
0x78: {  	_ =	shalt  }
0x79: {  	_ =	shalt  }
0x7a: {  	_ =	shalt  }
0x7b: {  	_ =	shalt  }
0x7c: {  	_ =	shalt  }
0x7d: {  	_ =	shalt  }
0x7e: {  	_ =	shalt  }
0x7f: {  	_ =	shalt  }
0x80: {  	_ =	shalt  }
0x81: {  	_ =	shalt  }
0x82: {  	_ =	shalt  }
0x83: {  	_ =	shalt  }
0x84: {  	_ =	shalt  }
0x85: {  	_ =	shalt  }
0x86: {  	_ =	shalt  }
0x87: {  	_ =	shalt  }
.Lfunc_end0:
.L_simem_size_0:
called_computation.2_lowered:
.L_overlay_start_0:
0x88: {  	s2 =	sld [smem:$0x3FD9]  }
0x89: {  	s3 =	sld [smem:$0x3FFE];
	_ =	sdelay $0x1  }
0x8a: {  	s1 =	srdreg.scid  }
0x8b: {  	s0 =	sand.u32 $0x1, s1  }
0x8c: {  	s16 =	sshll.u32 s0, $0xA;
	s2 =	sadd.s32 s3, s2  }
0x8d: {  	s2 =	sadd.s32 s2, s16  }
0x8e: {  	[smem:$0x3FB7] =	sst s2  }
0x8f: {  	_ = 	snop  }
0x90: {  	(tm) =	ssettm $0x1  }
0x91: {  	s17 =	sld [smem:$0x3FFB];
	_ =	sdelay $0x3  }
0x92: {  	_ =	strace s17  }
0x93: {  	s2 =	sld [smem:$0x3FFC];
	_ =	sdelay $0x3  }
0x94: {  	_ =	strace s2  }
0x95: {  	s2 =	sld [smem:$0x3FFD];
	_ =	sdelay $0x3  }
0x96: {  	_ =	strace s2  }
0x97: {  	_ =	strace $0x8FFFFFFF  }
0x98: {  	s18 =	sld [smem:$0x3FDB];
	_ =	sdelay $0x1  }
0x99: {  	s19 =	simm.s32 $_scs_section_size  }
0x9a: {  	s4 =	simm.s32 $_size__tile_overlayer_lowered;
	s5 =	simm.s32 $_tile_overlayer_lowered  }
0x9b: {  	s22 =	simm.s32 $0x1BFF;
	s21 =	sshll.u32 s5, $0x1;
	s2 =	sadd.s32 s19, s18  }
0x9c: {  	s6 =	simm.s32 $0x0;
	s20 =	sshll.u32 s4, $0x1;
	s4 =	sadd.s32 s21, s2  }
0x9d: {  	[timem:s6], [sflag:s22] =	dma.local [hbm:s4], s20  }
0x9e: {  	_ =	swait.ge [sflag:s22], s20  }
0x9f: {  	s3 =	ssub.s32 $0x0, s20;
	[sflag:s22] =	ssyncset.done $0x0  }
0xa0: {  	[sflag:s22] =	ssyncadd.s32 s3;
	_ =	sdelay $0x1  }
0xa1: {  	s23 =	simm.s32 $0x1B8B  }
0xa2: {  	_ =	swait.ge [sflag:s23], $0x1  }
0xa3: {  	[sflag:s23] =	ssyncset.done $0x0  }
0xa4: {  	s25 =	simm.s32 $0x1B8E;
	s24 =	sld [smem:$0x3FFE];
	[sflag:s23] =	ssyncadd.s32 $0xFFFFFFFF  }
0xa5: {  	s26 =	simm.s32 $execute0_lowered;
	[smem:$0x3FD2] =	sst s25  }
0xa6: {  	s4 =	sshll.u32 s26, $0x1;
	_ =	strace $0x8000004C;
	[dreg:$0x1] =	wrdreg $0xFFFFFFFF  }
0xa7: {  	s28 =	simm.s32 $_size_execute0_lowered;
	s2 =	sadd.s32 s2, s4;
	[dreg:$0x0] =	wrdreg $0x0  }
0xa8: {  	s4 =	sshll.u32 s28, $0x1;
	[dreg:$0x2] =	wrdreg s2  }
0xa9: {  	[dreg:$0x3] =	wrdreg s4  }
0xaa: {  	[dreg:$0x4] =	wrdreg $0xC0  }
0xab: {  	_ =	task [dreg:s6], $0x5FFFF  }
0xac: {  	[dreg:$0x1] =	wrdreg $0xFFFFFFFF  }
0xad: {  	[dreg:$0x0] =	wrdreg $0x60  }
0xae: {  	[dreg:$0x2] =	wrdreg s24  }
0xaf: {  	[dreg:$0x3] =	wrdreg $0x44000  }
0xb0: {  	[dreg:$0x4] =	wrdreg $0x9  }
0xb1: {  	_ =	task.clear_ibuf [dreg:s6], $0x5FFFF;
	_ =	strace $0x9000004C  }
0xb2: {  	s29 =	simm.s32 $0x9;
	_ =	strace $0x8000004E  }
0xb3: {  	_ =	swait.ge [sflag:s29], $0x1  }
0xb4: {  	[sflag:s29] =	ssyncadd.s32 $0xFFFFFFFF  }
0xb5: {  	_ =	strace $0x9000004E  }
0xb6: {  	_ =	sfence  }
0xb7: {  	s30 =	sld [smem:$0x0];
	_ =	sdelay $0x2  }
0xb8: {  	s31 =	sshll.u32 s1, $0xD;
	s1 =	sshrl.u32 s1, $0x2  }
0xb9: {  	s3 =	sand.u32 $0x4000, s31;
	s1 =	sadd.s32 s1, s30  }
0xba: {  	s0 =	sor.u32 s3, s0;
	s1 =	sshll.u32 s1, $0x11  }
0xbb: {  	s0 =	sor.u32 s1, s0  }
0xbc: {  	s0 =	sadd.s32 $0x8F2B, s0  }
0xbd: {  	[sflag:s0] =	ssyncadd.remote.s32 $0x1  }
0xbe: {  	_ =	sfence.sel $0xFFFF  }
0xbf: {  	[dreg:$0x0] =	wrdreg $0xFFFFFFFF;
	(pc) =	sbr.abs _section_cstart, $3  }
0xc0: {  	[dreg:$0x1] =	wrdreg $0xFFFFFFFF  }
0xc1: {  	_ =	task.clear_ibuf [dreg:s6], $0x2FFFF;
	_ =	strace $0x9FFFFFFF  }
0xc2: {  	(tm) =	ssettm $0x7FFFFFFF  }
0xc3: {  	_ =	shalt  }
tec
execute0_lowered:
.L_overlay_start_1:
0x0: {  	(tag) =	ssettag $0x1  }
0x1: {  	s0 =	srdreg.scid;
	s1 =	rddreg [dreg:$0x0]  }
0x2: {  	s17 =	stileid.u32;
	s2 =	rddreg [dreg:$0x1];
	s3 =	simm.s32 $0x0  }
0x3: {  	s28 =	simm.s32 $0x1400;
	s29 =	simm.s32 $0x2;
	s30 =	simm.s32 $0x2400  }
0x4: {  	s31 =	simm.s32 $0x180;
	s0 =	sand.u32 $0x1, s0;
	s6 =	smul.u32 $0xC800, s17  }
0x5: {  	[smem:$0x7FF] =	sst s3;
	s9 =	smul.u32 $0x62000, s17;
	s10 =	sadd.s32 $0x5A00, s1  }
0x6: {  	s16 =	sadd.s32 $0x1E1200, s1;
	s19 =	sshll.u32 s17, $0x6;
	s4 =	smul.u32 $0xC8000, s0  }
0x7: {  	_ =	strace $0x8000004D;
	[dreg:$0x4] =	wrdreg s16;
	s7 =	ssub.s32 $0x2, s0  }
0x8: {  	s0 =	sshll.u32 s0, $0x5;
	s11 =	sshrl.u32 s7, $0x1;
	s12 =	sshrl.u32 s9, $0x2  }
0x9: {  	s20 =	sadd.s32 $0x20000, s9;
	s14 =	sadd.s32 $0x40000, s9;
	s16 =	sadd.s32 $0x60000, s9  }
0xa: {  	s9 =	sor.u32 s0, s9;
	s4 =	sadd.s32 s6, s4;
	s13 =	ssub.s32 s7, s11  }
0xb: {  	s18 =	sadd.s32 s12, s2;
	s7 =	sor.u32 $0x1C09, s19;
	s21 =	sshrl.u32 s20, $0x2  }
0xc: {  	s15 =	sshrl.u32 s14, $0x2;
	s24 =	sshrl.u32 s16, $0x2;
	s6 =	sshrl.u32 s6, $0x3  }
0xd: {  	s12 =	simm.s32 $0x0;
	s5 =	sshrl.u32 s4, $0x3;
	s4 =	sadd.s32 $0x2A6200, s1  }
0xe: {  	[dreg:$0x5] =	wrdreg s18;
	s22 =	sadd.s32 s21, s2;
	s23 =	sadd.s32 s15, s2  }
0xf: {  	s25 =	sadd.s32 s24, s2;
	s26 =	sadd.s32 s10, s6;
	s6 =	sshrl.u32 s9, $0x3  }
0x10: {  	s15 =	sor.u32 s0, s20;
	s20 =	sor.u32 s0, s14;
	[dreg:$0x6] =	wrdreg s22  }
0x11: {  	s0 =	sor.u32 s0, s16;
	s21 =	smul.u32 $0x1900, s17;
	[dreg:$0x7] =	wrdreg s23  }
0x12: {  	s9 =	simm.s32 $0x7;
	s14 =	simm.s32 $0x380;
	[dreg:$0x8] =	wrdreg s25  }
0x13: {  	s8 =	sadd.s32 s5, s1;
	s1 =	sadd.s32 $0x11D200, s1;
	[dreg:$0x9] =	wrdreg s26  }
0x14: {  	s5 =	sadd.s32 $0x20, s26;
	s19 =	sshrl.u32 s15, $0x3;
	s23 =	sshrl.u32 s20, $0x3  }
0x15: {  	s0 =	sshrl.u32 s0, $0x3;
	s26 =	smax.u32 s13, $0x1;
	s20 =	simm.s32 $0x9  }
0x16: {  	s13 =	simm.s32 $0x4;
	s11 =	sadd.s32 $0xEB000, s8;
	[dreg:$0xb] =	wrdreg s5  }
0x17: {  	s8 =	sadd.s32 $0xEB020, s8;
	s18 =	sadd.s32 s1, s6;
	[dreg:$0x10] =	wrdreg s26  }
0x18: {  	s22 =	sadd.s32 s1, s19;
	s24 =	sadd.s32 s1, s23;
	[dreg:$0xa] =	wrdreg s8  }
0x19: {  	s0 =	sadd.s32 s1, s0;
	s25 =	sadd.s32 s21, s10;
	[dreg:$0xc] =	wrdreg s18  }
0x1a: {  	s21 =	simm.s32 $0x200;
	s23 =	simm.s32 $0x300;
	[dreg:$0xd] =	wrdreg s22  }
0x1b: {  	s26 =	simm.s32 $0x400;
	s1 =	simm.s32 $0x3400;
	[dreg:$0xe] =	wrdreg s24  }
0x1c: {  	s6 =	simm.s32 $0x3;
	s10 =	simm.s32 $0x6;
	[dreg:$0xf] =	wrdreg s0  }
0x1d: {  	[dreg:$0x3] =	wrdreg s25;
	s22 =	simm.s32 $0x100;
	s24 =	simm.s32 $0x1  }
0x1e: {  	s25 =	simm.s32 $0x80;
	s0 =	simm.s32 $0x5;
	s8 =	simm.s32 $0x280  }
.LBB2_1:
0x1f: {  	s5 =	rddreg [dreg:$0x5]  }
0x20: {  	s18 =	rddreg [dreg:$0x4];
	s15 =	sshrl.u32 s5, $0x3  }
0x21: {  	[dreg:$0x11] =	wrdreg s15  }
0x22: {  	[spmem:s15], [sflag:s7] =	dma.local [hbm:s18], $0x1000  }
0x23: {  	_ =	swait.ge [sflag:s20], $0x1000  }
0x24: {  	s19 =	rddreg [dreg:$0x6]  }
0x25: {  	[sflag:s20] =	ssyncset.done $0x0;
	s15 =	sshrl.u32 s19, $0x3  }
0x26: {  	[sflag:s20] =	ssyncadd.s32 $0xFFFFF000;
	[dreg:$0x12] =	wrdreg s15  }
0x27: {  	[spmem:s15], [sflag:s7] =	dma.local [hbm:s18], $0x1000  }
0x28: {  	_ =	swait.ge [sflag:s20], $0x1000  }
0x29: {  	s16 =	rddreg [dreg:$0x7]  }
0x2a: {  	[sflag:s20] =	ssyncset.done $0x0;
	s15 =	sshrl.u32 s16, $0x3  }
0x2b: {  	[sflag:s20] =	ssyncadd.s32 $0xFFFFF000;
	[dreg:$0x13] =	wrdreg s15  }
0x2c: {  	[spmem:s15], [sflag:s7] =	dma.local [hbm:s18], $0x1000  }
0x2d: {  	_ =	swait.ge [sflag:s20], $0x1000  }
0x2e: {  	s17 =	rddreg [dreg:$0x8]  }
0x2f: {  	[sflag:s20] =	ssyncset.done $0x0;
	s15 =	sshrl.u32 s17, $0x3  }
0x30: {  	[sflag:s20] =	ssyncadd.s32 $0xFFFFF000;
	[dreg:$0x14] =	wrdreg s15  }
0x31: {  	[spmem:s15], [sflag:s7] =	dma.local [hbm:s18], $0x100  }
0x32: {  	_ =	swait.ge [sflag:s20], $0x100  }
0x33: {  	[sflag:s20] =	ssyncset.done $0x0  }
0x34: {  	[sflag:s20] =	ssyncadd.s32 $0xFFFFFF00  }
0x35: {  	[bflag:$0x0] =	sbarrier.arrive $0xFFFF  }
0x36: {  	[tilespmem:s3], [sflag:$0x1] =	stream.linear.gather [hbm4b:s11+s3], $0x100, $0x38;
	[tilespmem:$0x1D000] =	vst v63  }
0x37: {  	s18 =	rddreg [dreg:$0x9]  }
0x38: {  	[tilespmem:s21], [sflag:$0x3] =	stream.linear.gather [hbm4b:s18+s3], $0x100, $0x38;
	[tilespmem:$0x1D000] =	vst v63  }
0x39: {  	s19 =	rddreg [dreg:$0xa]  }
0x3a: {  	[tilespmem:s22], [sflag:$0x2] =	stream.linear.gather [hbm4b:s19+s3], $0x100, $0x38;
	[tilespmem:$0x1D000] =	vst v63  }
0x3b: {  	s15 =	rddreg [dreg:$0xb]  }
0x3c: {  	[tilespmem:s23], [sflag:$0x4] =	stream.linear.gather [hbm4b:s15+s3], $0x100, $0x38;
	[tilespmem:$0x1D000] =	vst v63  }
0x3d: {  	_ =	swait.ge [sflag:s24], $0x100  }
0x3e: {  	p0 =	por $0x1, $0x1;
	[sflag:s24] =	ssyncset.done $0x0  }
0x3f: {  	p0 =	por p0, p0;
	[sflag:s24] =	ssyncadd.s32 $0xFFFFFF00  }
0x40: {  	[tilespmem:s26], [sflag:$0x5] =	stream.indirect.gather [hbm4b:s4+s25], $0x20, s3, s25, $0xb8;
	[tilespmem:$0x1D000] =	vst v63  }
0x41: {  	s15 =	simm.s32 @!p0 $0x8  }
0x42: {  	[tilespmem:s28], [sflag:$0x5] =	stream.indirect.gather [hbm4b:s4+s25], $0x20, s25, s25, $0xb8;
	[tilespmem:$0x1D000] =	vst v63  }
0x43: {  	_ =	swait.ge @!p0 [sflag:s15], $0x1000  }
0x44: {  	[sflag:s15] =	ssyncset.done @!p0 $0x0  }
0x45: {  	[sflag:s15] =	ssyncadd.s32 @!p0 $0xFFFFF000  }
0x46: {  	_ =	swait.ge @!p0 [sflag:s15], $0x1000  }
0x47: {  	[sflag:s15] =	ssyncset.done @!p0 $0x0  }
0x48: {  	[sflag:s15] =	ssyncadd.s32 @!p0 $0xFFFFF000  }
0x49: {  	_ =	swait.ge [sflag:s29], $0x100  }
0x4a: {  	[sflag:s29] =	ssyncset.done $0x0  }
0x4b: {  	[sflag:s29] =	ssyncadd.s32 $0xFFFFFF00  }
0x4c: {  	[tilespmem:s30], [sflag:$0x6] =	stream.indirect.gather [hbm4b:s4+s25], $0x20, s22, s25, $0xb8;
	[tilespmem:$0x1D000] =	vst v63  }
0x4d: {  	_ = 	snop  }
0x4e: {  	[tilespmem:s1], [sflag:$0x6] =	stream.indirect.gather [hbm4b:s4+s25], $0x20, s31, s25, $0xb8;
	[tilespmem:$0x1D000] =	vst v63  }
0x4f: {  	_ =	swait.ge [sflag:s0], $0x1000  }
0x50: {  	[sflag:s0] =	ssyncset.done $0x0  }
0x51: {  	[sflag:s0] =	ssyncadd.s32 $0xFFFFF000  }
0x52: {  	_ =	swait.ge [sflag:s0], $0x1000  }
0x53: {  	[sflag:s0] =	ssyncset.done $0x0  }
0x54: {  	[sflag:s0] =	ssyncadd.s32 $0xFFFFF000  }
0x55: {  	_ =	swait.ge [sflag:s6], $0x100  }
0x56: {  	[sflag:s6] =	ssyncset.done $0x0  }
0x57: {  	[sflag:s6] =	ssyncadd.s32 $0xFFFFFF00  }
0x58: {  	[spmem:s2] =	stream.indirect.scatter.add.f32 [tilespmem:s26], [sflag:$0x7], $0x20, s21, s25, $0xb8;
	[tilespmem:$0x1D000] =	vst v63  }
0x59: {  	s16 =	sadd.s32 $0x0, s11;
	s17 =	rddreg [dreg:$0x3]  }
0x5a: {  	[spmem:s2] =	stream.indirect.scatter.add.f32 [tilespmem:s28], [sflag:$0x7], $0x20, s8, s25, $0xb8;
	[tilespmem:$0x1D000] =	vst v63  }
0x5b: {  	s18 =	sadd.s32 $0x40, s16;
	s19 =	sadd.s32 $0x0, s17  }
0x5c: {  	[tilespmem:s3], [sflag:$0x1] =	stream.linear.gather [hbm4b:s18+s3], $0x100, $0x38;
	[tilespmem:$0x1D000] =	vst v63  }
0x5d: {  	s17 =	sadd.s32 $0x40, s19  }
0x5e: {  	[tilespmem:s21], [sflag:$0x3] =	stream.linear.gather [hbm4b:s17+s3], $0x100, $0x38;
	[tilespmem:$0x1D000] =	vst v63  }
0x5f: {  	_ =	swait.ge [sflag:s9], $0x1000  }
0x60: {  	[sflag:s9] =	ssyncset.done $0x0  }
0x61: {  	[sflag:s9] =	ssyncadd.s32 $0xFFFFF000  }
0x62: {  	_ =	swait.ge [sflag:s9], $0x1000  }
0x63: {  	[sflag:s9] =	ssyncset.done $0x0  }
0x64: {  	[sflag:s9] =	ssyncadd.s32 $0xFFFFF000  }
0x65: {  	_ =	swait.ge [sflag:s24], $0x100  }
0x66: {  	[sflag:s24] =	ssyncset.done $0x0  }
0x67: {  	[sflag:s24] =	ssyncadd.s32 $0xFFFFFF00  }
0x68: {  	[tilespmem:s26], [sflag:$0x5] =	stream.indirect.gather [hbm4b:s4+s25], $0x20, s3, s25, $0xb8;
	[tilespmem:$0x1D000] =	vst v63  }
0x69: {  	_ = 	snop  }
0x6a: {  	[tilespmem:s28], [sflag:$0x5] =	stream.indirect.gather [hbm4b:s4+s25], $0x20, s25, s25, $0xb8;
	[tilespmem:$0x1D000] =	vst v63  }
0x6b: {  	_ =	swait.ge [sflag:s10], $0x1000  }
0x6c: {  	[sflag:s10] =	ssyncset.done $0x0  }
0x6d: {  	[sflag:s10] =	ssyncadd.s32 $0xFFFFF000  }
0x6e: {  	_ =	swait.ge [sflag:s10], $0x1000  }
0x6f: {  	[sflag:s10] =	ssyncset.done $0x0  }
0x70: {  	[sflag:s10] =	ssyncadd.s32 $0xFFFFF000  }
0x71: {  	_ =	swait.ge [sflag:s13], $0x100  }
0x72: {  	[sflag:s13] =	ssyncset.done $0x0  }
0x73: {  	[sflag:s13] =	ssyncadd.s32 $0xFFFFFF00  }
0x74: {  	[spmem:s2] =	stream.indirect.scatter.add.f32 [tilespmem:s30], [sflag:$0x8], $0x20, s23, s25, $0xb8;
	[tilespmem:$0x1D000] =	vst v63  }
0x75: {  	p6 =	por $0x0, $0x0  }
0x76: {  	[spmem:s2] =	stream.indirect.scatter.add.f32 [tilespmem:s1], [sflag:$0x8], $0x20, s14, s25, $0xb8;
	[tilespmem:$0x1D000] =	vst v63  }
0x77: {  	s15 =	sadd.s32 $0x60, s16;
	p0 =	por p6, p6  }
0x78: {  	[tilespmem:s22], [sflag:$0x2] =	stream.linear.gather [hbm4b:s15+s3], $0x100, $0x38;
	[tilespmem:$0x1D000] =	vst v63  }
0x79: {  	s18 =	sadd.s32 $0x60, s19;
	s17 =	simm.s32 $0x80;
	s15 =	simm.s32 $0x40  }
.LBB2_2:
0x7a: {  	s19 =	simm.s32 @!p0 $0x8  }
0x7b: {  	[tilespmem:s23], [sflag:$0x4] =	stream.linear.gather [hbm4b:s18+s3], $0x100, $0x38;
	[tilespmem:$0x1D000] =	vst v63  }
0x7c: {  	_ =	swait.ge @!p0 [sflag:s19], $0x1000  }
0x7d: {  	[sflag:s19] =	ssyncset.done @!p0 $0x0  }
0x7e: {  	[sflag:s19] =	ssyncadd.s32 @!p0 $0xFFFFF000  }
0x7f: {  	_ =	swait.ge @!p0 [sflag:s19], $0x1000  }
0x80: {  	[sflag:s19] =	ssyncset.done @!p0 $0x0  }
0x81: {  	[sflag:s19] =	ssyncadd.s32 @!p0 $0xFFFFF000  }
0x82: {  	_ =	swait.ge [sflag:s29], $0x100  }
0x83: {  	[sflag:s29] =	ssyncset.done $0x0  }
0x84: {  	[sflag:s29] =	ssyncadd.s32 $0xFFFFFF00  }
0x85: {  	[tilespmem:s30], [sflag:$0x6] =	stream.indirect.gather [hbm4b:s4+s25], $0x20, s22, s25, $0xb8;
	[tilespmem:$0x1D000] =	vst v63  }
0x86: {  	_ = 	snop  }
0x87: {  	[tilespmem:s1], [sflag:$0x6] =	stream.indirect.gather [hbm4b:s4+s25], $0x20, s31, s25, $0xb8;
	[tilespmem:$0x1D000] =	vst v63  }
0x88: {  	_ =	swait.ge [sflag:s0], $0x1000  }
0x89: {  	[sflag:s0] =	ssyncset.done $0x0  }
0x8a: {  	[sflag:s0] =	ssyncadd.s32 $0xFFFFF000  }
0x8b: {  	_ =	swait.ge [sflag:s0], $0x1000  }
0x8c: {  	[sflag:s0] =	ssyncset.done $0x0  }
0x8d: {  	[sflag:s0] =	ssyncadd.s32 $0xFFFFF000  }
0x8e: {  	_ =	swait.ge [sflag:s6], $0x100  }
0x8f: {  	[sflag:s6] =	ssyncset.done $0x0  }
0x90: {  	[sflag:s6] =	ssyncadd.s32 $0xFFFFFF00  }
0x91: {  	[spmem:s2] =	stream.indirect.scatter.add.f32 [tilespmem:s26], [sflag:$0x7], $0x20, s21, s25, $0xb8;
	[tilespmem:$0x1D000] =	vst v63  }
0x92: {  	s18 =	sadd.s32 s15, s11  }
0x93: {  	[spmem:s2] =	stream.indirect.scatter.add.f32 [tilespmem:s28], [sflag:$0x7], $0x20, s8, s25, $0xb8;
	[tilespmem:$0x1D000] =	vst v63  }
0x94: {  	s5 =	sadd.s32 $0x40, s18;
	s19 =	rddreg [dreg:$0x3]  }
0x95: {  	[tilespmem:s3], [sflag:$0x1] =	stream.linear.gather [hbm4b:s5+s3], $0x100, $0x38;
	[tilespmem:$0x1D000] =	vst v63  }
0x96: {  	s5 =	sadd.s32 s15, s19  }
0x97: {  	s19 =	sadd.s32 $0x40, s5  }
0x98: {  	[tilespmem:s21], [sflag:$0x3] =	stream.linear.gather [hbm4b:s19+s3], $0x100, $0x38;
	[tilespmem:$0x1D000] =	vst v63  }
0x99: {  	_ =	swait.ge [sflag:s9], $0x1000  }
0x9a: {  	[sflag:s9] =	ssyncset.done $0x0  }
0x9b: {  	[sflag:s9] =	ssyncadd.s32 $0xFFFFF000  }
0x9c: {  	_ =	swait.ge [sflag:s9], $0x1000  }
0x9d: {  	[sflag:s9] =	ssyncset.done $0x0  }
0x9e: {  	[sflag:s9] =	ssyncadd.s32 $0xFFFFF000  }
0x9f: {  	_ =	swait.ge [sflag:s24], $0x100  }
0xa0: {  	[sflag:s24] =	ssyncset.done $0x0  }
0xa1: {  	[sflag:s24] =	ssyncadd.s32 $0xFFFFFF00  }
0xa2: {  	[tilespmem:s26], [sflag:$0x5] =	stream.indirect.gather [hbm4b:s4+s25], $0x20, s3, s25, $0xb8;
	[tilespmem:$0x1D000] =	vst v63  }
0xa3: {  	_ = 	snop  }
0xa4: {  	[tilespmem:s28], [sflag:$0x5] =	stream.indirect.gather [hbm4b:s4+s25], $0x20, s25, s25, $0xb8;
	[tilespmem:$0x1D000] =	vst v63  }
0xa5: {  	_ =	swait.ge [sflag:s10], $0x1000  }
0xa6: {  	[sflag:s10] =	ssyncset.done $0x0  }
0xa7: {  	[sflag:s10] =	ssyncadd.s32 $0xFFFFF000  }
0xa8: {  	_ =	swait.ge [sflag:s10], $0x1000  }
0xa9: {  	[sflag:s10] =	ssyncset.done $0x0  }
0xaa: {  	[sflag:s10] =	ssyncadd.s32 $0xFFFFF000  }
0xab: {  	p2 =	seq.s32 s17, $0x0;
	_ =	swait.ge [sflag:s13], $0x100  }
0xac: {  	s16 =	smov.u32 s17;
	s17 =	sadd.s32 $0x40, s17;
	[sflag:s13] =	ssyncset.done $0x0  }
0xad: {  	p1 =	sne.s32 s17, $0x1900;
	[sflag:s13] =	ssyncadd.s32 $0xFFFFFF00  }
0xae: {  	[spmem:s2] =	stream.indirect.scatter.add.f32 [tilespmem:s30], [sflag:$0x8], $0x20, s23, s25, $0xb8;
	[tilespmem:$0x1D000] =	vst v63  }
.Ltmp0:
0xaf: {  	_ = 	snop;
	(pc) =	sbr.rel @p1 .LBB2_2-.Ltmp0, $4  }
0xb0: {  	p0 =	por p2, p2  }
0xb1: {  	[spmem:s2] =	stream.indirect.scatter.add.f32 [tilespmem:s1], [sflag:$0x8], $0x20, s14, s25, $0xb8;
	[tilespmem:$0x1D000] =	vst v63  }
0xb2: {  	s15 =	smov.u32 s16;
	s19 =	sadd.s32 $0x60, s18;
	s18 =	sadd.s32 $0x60, s5  }
0xb3: {  	[tilespmem:s22], [sflag:$0x2] =	stream.linear.gather [hbm4b:s19+s3], $0x100, $0x38;
	[tilespmem:$0x1D000] =	vst v63  }
0xb4: {  	s5 =	simm.s32 @!p0 $0x8  }
0xb5: {  	[tilespmem:s23], [sflag:$0x4] =	stream.linear.gather [hbm4b:s18+s3], $0x100, $0x38;
	[tilespmem:$0x1D000] =	vst v63  }
0xb6: {  	_ =	swait.ge @!p0 [sflag:s5], $0x1000  }
0xb7: {  	[sflag:s5] =	ssyncset.done @!p0 $0x0  }
0xb8: {  	[sflag:s5] =	ssyncadd.s32 @!p0 $0xFFFFF000  }
0xb9: {  	_ =	swait.ge @!p0 [sflag:s5], $0x1000  }
0xba: {  	[sflag:s5] =	ssyncset.done @!p0 $0x0  }
0xbb: {  	[sflag:s5] =	ssyncadd.s32 @!p0 $0xFFFFF000  }
0xbc: {  	_ =	swait.ge [sflag:s29], $0x100  }
0xbd: {  	[sflag:s29] =	ssyncset.done $0x0  }
0xbe: {  	[sflag:s29] =	ssyncadd.s32 $0xFFFFFF00  }
0xbf: {  	[tilespmem:s30], [sflag:$0x6] =	stream.indirect.gather [hbm4b:s4+s25], $0x20, s22, s25, $0xb8;
	[tilespmem:$0x1D000] =	vst v63  }
0xc0: {  	_ = 	snop  }
0xc1: {  	[tilespmem:s1], [sflag:$0x6] =	stream.indirect.gather [hbm4b:s4+s25], $0x20, s31, s25, $0xb8;
	[tilespmem:$0x1D000] =	vst v63  }
0xc2: {  	_ =	swait.ge [sflag:s0], $0x1000  }
0xc3: {  	[sflag:s0] =	ssyncset.done $0x0  }
0xc4: {  	[sflag:s0] =	ssyncadd.s32 $0xFFFFF000  }
0xc5: {  	_ =	swait.ge [sflag:s0], $0x1000  }
0xc6: {  	[sflag:s0] =	ssyncset.done $0x0  }
0xc7: {  	[sflag:s0] =	ssyncadd.s32 $0xFFFFF000  }
0xc8: {  	_ =	swait.ge [sflag:s6], $0x100  }
0xc9: {  	[sflag:s6] =	ssyncset.done $0x0  }
0xca: {  	[sflag:s6] =	ssyncadd.s32 $0xFFFFFF00  }
0xcb: {  	[spmem:s2] =	stream.indirect.scatter.add.f32 [tilespmem:s26], [sflag:$0x7], $0x20, s21, s25, $0xb8;
	[tilespmem:$0x1D000] =	vst v63  }
0xcc: {  	s18 =	sadd.s32 s15, s11;
	s16 =	rddreg [dreg:$0x3]  }
0xcd: {  	[spmem:s2] =	stream.indirect.scatter.add.f32 [tilespmem:s28], [sflag:$0x7], $0x20, s8, s25, $0xb8;
	[tilespmem:$0x1D000] =	vst v63  }
0xce: {  	s17 =	sadd.s32 $0x40, s18;
	s19 =	sadd.s32 s15, s16  }
0xcf: {  	[tilespmem:s3], [sflag:$0x1] =	stream.linear.gather [hbm4b:s17+s3], $0x100, $0x38;
	[tilespmem:$0x1D000] =	vst v63  }
0xd0: {  	s16 =	sadd.s32 $0x40, s19  }
0xd1: {  	[tilespmem:s21], [sflag:$0x3] =	stream.linear.gather [hbm4b:s16+s3], $0x100, $0x38;
	[tilespmem:$0x1D000] =	vst v63  }
0xd2: {  	_ =	swait.ge [sflag:s9], $0x1000  }
0xd3: {  	[sflag:s9] =	ssyncset.done $0x0  }
0xd4: {  	[sflag:s9] =	ssyncadd.s32 $0xFFFFF000  }
0xd5: {  	_ =	swait.ge [sflag:s9], $0x1000  }
0xd6: {  	[sflag:s9] =	ssyncset.done $0x0  }
0xd7: {  	[sflag:s9] =	ssyncadd.s32 $0xFFFFF000  }
0xd8: {  	_ =	swait.ge [sflag:s24], $0x100  }
0xd9: {  	[sflag:s24] =	ssyncset.done $0x0  }
0xda: {  	[sflag:s24] =	ssyncadd.s32 $0xFFFFFF00  }
0xdb: {  	[tilespmem:s26], [sflag:$0x5] =	stream.indirect.gather [hbm4b:s4+s25], $0x20, s3, s25, $0xb8;
	[tilespmem:$0x1D000] =	vst v63  }
0xdc: {  	_ = 	snop  }
0xdd: {  	[tilespmem:s28], [sflag:$0x5] =	stream.indirect.gather [hbm4b:s4+s25], $0x20, s25, s25, $0xb8;
	[tilespmem:$0x1D000] =	vst v63  }
0xde: {  	_ =	swait.ge [sflag:s10], $0x1000  }
0xdf: {  	[sflag:s10] =	ssyncset.done $0x0  }
0xe0: {  	[sflag:s10] =	ssyncadd.s32 $0xFFFFF000  }
0xe1: {  	_ =	swait.ge [sflag:s10], $0x1000  }
0xe2: {  	[sflag:s10] =	ssyncset.done $0x0  }
0xe3: {  	[sflag:s10] =	ssyncadd.s32 $0xFFFFF000  }
0xe4: {  	_ =	swait.ge [sflag:s13], $0x100  }
0xe5: {  	[sflag:s13] =	ssyncset.done $0x0  }
0xe6: {  	[sflag:s13] =	ssyncadd.s32 $0xFFFFFF00  }
0xe7: {  	[spmem:s2] =	stream.indirect.scatter.add.f32 [tilespmem:s30], [sflag:$0x8], $0x20, s23, s25, $0xb8;
	[tilespmem:$0x1D000] =	vst v63  }
0xe8: {  	_ = 	snop  }
0xe9: {  	[spmem:s2] =	stream.indirect.scatter.add.f32 [tilespmem:s1], [sflag:$0x8], $0x20, s14, s25, $0xb8;
	[tilespmem:$0x1D000] =	vst v63  }
0xea: {  	s5 =	sadd.s32 $0x60, s18  }
0xeb: {  	[tilespmem:s22], [sflag:$0x2] =	stream.linear.gather [hbm4b:s5+s3], $0x100, $0x38;
	[tilespmem:$0x1D000] =	vst v63  }
0xec: {  	s17 =	simm.s32 $0x8;
	s16 =	sadd.s32 $0x60, s19  }
0xed: {  	[tilespmem:s23], [sflag:$0x4] =	stream.linear.gather [hbm4b:s16+s3], $0x100, $0x38;
	[tilespmem:$0x1D000] =	vst v63  }
0xee: {  	_ =	swait.ge [sflag:s17], $0x1000  }
0xef: {  	[sflag:s17] =	ssyncset.done $0x0  }
0xf0: {  	[sflag:s17] =	ssyncadd.s32 $0xFFFFF000  }
0xf1: {  	_ =	swait.ge [sflag:s17], $0x1000  }
0xf2: {  	[sflag:s17] =	ssyncset.done $0x0  }
0xf3: {  	[sflag:s17] =	ssyncadd.s32 $0xFFFFF000  }
0xf4: {  	_ =	swait.ge [sflag:s0], $0x1000  }
0xf5: {  	[sflag:s0] =	ssyncset.done $0x0  }
0xf6: {  	[sflag:s0] =	ssyncadd.s32 $0xFFFFF000  }
0xf7: {  	_ =	swait.ge [sflag:s0], $0x1000  }
0xf8: {  	[sflag:s0] =	ssyncset.done $0x0  }
0xf9: {  	[sflag:s0] =	ssyncadd.s32 $0xFFFFF000  }
0xfa: {  	_ =	swait.ge [sflag:s6], $0x100  }
0xfb: {  	[sflag:s6] =	ssyncset.done $0x0  }
0xfc: {  	[sflag:s6] =	ssyncadd.s32 $0xFFFFFF00  }
0xfd: {  	_ =	swait.ge [sflag:s29], $0x100  }
0xfe: {  	[sflag:s29] =	ssyncset.done $0x0  }
0xff: {  	[sflag:s29] =	ssyncadd.s32 $0xFFFFFF00  }
0x100: {  	_ =	swait.ge [sflag:s13], $0x100  }
0x101: {  	[sflag:s13] =	ssyncset.done $0x0  }
0x102: {  	[sflag:s13] =	ssyncadd.s32 $0xFFFFFF00  }
0x103: {  	[bflag:$0x0] =	sbarrier.arrive $0xFFFF  }
0x104: {  	s18 =	rddreg [dreg:$0xc]  }
0x105: {  	s15 =	simm.s32 $0x10;
	s19 =	rddreg [dreg:$0x11]  }
0x106: {  	[hbm:s18@s15], [sflag:s7] =	dma.strided [spmem:s19@s13], $0x1000, s24, $0x4   }
0x107: {  	_ =	swait.ge [sflag:s20], $0x1000  }
0x108: {  	[sflag:s20] =	ssyncset.done $0x0;
	s16 =	rddreg [dreg:$0xd]  }
0x109: {  	s17 =	rddreg [dreg:$0x12];
	[sflag:s20] =	ssyncadd.s32 $0xFFFFF000  }
0x10a: {  	[hbm:s16@s15], [sflag:s7] =	dma.strided [spmem:s17@s13], $0x1000, s24, $0x4   }
0x10b: {  	_ =	swait.ge [sflag:s20], $0x1000  }
0x10c: {  	[sflag:s20] =	ssyncset.done $0x0;
	s18 =	rddreg [dreg:$0xe]  }
0x10d: {  	s19 =	rddreg [dreg:$0x13];
	[sflag:s20] =	ssyncadd.s32 $0xFFFFF000  }
0x10e: {  	[hbm:s18@s15], [sflag:s7] =	dma.strided [spmem:s19@s13], $0x1000, s24, $0x4   }
0x10f: {  	_ =	swait.ge [sflag:s20], $0x1000  }
0x110: {  	[sflag:s20] =	ssyncset.done $0x0;
	s17 =	rddreg [dreg:$0xf]  }
0x111: {  	s18 =	rddreg [dreg:$0x14];
	[sflag:s20] =	ssyncadd.s32 $0xFFFFF000  }
0x112: {  	[hbm:s17@s15], [sflag:s7] =	dma.strided [spmem:s18@s13], $0x100, s24, $0x4   }
0x113: {  	_ =	swait.ge [sflag:s20], $0x100  }
0x114: {  	s12 =	sadd.s32 $0x1, s12;
	s19 =	rddreg [dreg:$0x10]  }
0x115: {  	p0 =	sne.s32 s12, s19  }
.Ltmp1:
0x116: {  	_ = 	snop;
	(pc) =	sbr.rel @p0 .LBB2_1-.Ltmp1, $3  }
0x117: {  	_ =	sdelay $0x1  }
0x118: {  	[sflag:s20] =	ssyncset.done $0x0  }
0x119: {  	[sflag:s20] =	ssyncadd.s32 $0xFFFFFF00  }
0x11a: {  	_ =	sfence.sel $0x180000  }
0x11b: {  	[bflag:$0x0] =	sbarrier.arrive $0xFFFF  }
0x11c: {  	_ =	strace $0x9000004D  }
0x11d: {  	s0 =	stileid.u32;
	[bflag:$0x2] =	sbarrier.arrive $0xFFFF  }
0x11e: {  	p0 =	sne.s32 s0, $0x0;
	s0 =	rddreg [dreg:$0x2]  }
0x11f: {  	s0 =	sadd.s32 @!p0 $0x100000, s0  }
0x120: {  	[sflag:s0] =	ssyncadd.tile.s32 @!p0 $0x1;
	_ =	shalt  }
.Lfunc_end2:
_tile_overlayer_lowered:
.L_overlay_start_2:
0x121: {  	(tag) =	ssettag $0x2  }
0x122: {  	s0 =	rddreg [dreg:$0x0];
	s2 =	stileid.u32  }
0x123: {  	s1 =	rddreg [dreg:$0x1];
	p0 =	sne.s32 s2, $0x0  }
0x124: {  	s3 =	rddreg [dreg:$0x2];
	[bflag:$0x3] =	sbarrier.arrive $0xFFFF;
	s2 =	simm.s32 @!p0 $0x1C09  }
0x125: {  	[timem:s3], [sflag:s2] =	dma.local @!p0 [hbm:s0], s1  }
0x126: {  	s0 =	simm.s32 @!p0 $0x9  }
0x127: {  	_ =	swait.ge @!p0 [sflag:s0], s1  }
0x128: {  	s1 =	ssub.s32 @!p0 $0x0, s1;
	[sflag:s0] =	ssyncset.done @!p0 $0x0  }
0x129: {  	[sflag:s0] =	ssyncadd.s32 @!p0 s1  }
0x12a: {  	[bflag:$0x3] =	sbarrier.arrive $0xFFFF  }
0x12b: {  	_ =	shalt  }

// kernel: kernel.21.cloned.1.call-start
scs
__scs_entry_jumppad:
0x0: {  	(pc) =	sbr.rel $0x88, $3  }
0x1: {  	(tag) =	ssettag $0x0;
	lr =	simm.s32 $0x1  }
0x2: {  	[smem:$0x3F90] =	sst lr;
	_ =	strace $0xD0000000  }
0x3: {  	_ = 	snop  }
0x4: {  	_ = 	snop  }
0x5: {  	_ = 	snop  }
0x6: {  	_ = 	snop  }
0x7: {  	_ = 	snop  }
__scs_overlays_trampoline_lowered:
0x8: {  	[smem:$0x3F9F] =	sst s0  }
0x9: {  	[smem:$0x3FA0] =	sst s1  }
0xa: {  	[smem:$0x3FA1] =	sst s2  }
0xb: {  	[smem:$0x3FA2] =	sst s3  }
0xc: {  	[smem:$0x3FA3] =	sst s4  }
0xd: {  	[smem:$0x3FA4] =	sst s5  }
0xe: {  	[smem:$0x3FA5] =	sst s6  }
0xf: {  	[smem:$0x3FA6] =	sst s7  }
0x10: {  	[smem:$0x3FA7] =	sst s8  }
0x11: {  	[smem:$0x3FA8] =	sst s9;
	s0 =	simm.s32 @!p0 $0x0  }
0x12: {  	s1 =	sld [smem:$0x3F8E];
	s0 =	simm.s32 @p0 $0x1  }
0x13: {  	[smem:$0x3FA9] =	sst s0;
	s0 =	simm.s32 @!p1 $0x0  }
0x14: {  	s2 =	sld [smem:$0x3F8D];
	s0 =	simm.s32 @p1 $0x1  }
0x15: {  	[smem:$0x3FAA] =	sst s0;
	s0 =	simm.s32 @!p2 $0x0  }
0x16: {  	s3 =	sld [smem:$0x3FDB];
	s0 =	simm.s32 @p2 $0x1  }
0x17: {  	s4 =	simm.s32 $0x1BF5;
	[smem:$0x3FAC] =	sst s0  }
0x18: {  	s0 =	sld [smem:$0x3F8F];
	_ =	swait.ge [sflag:s4], $0x0  }
0x19: {  	s7 =	sld [smem:$0x3F90]  }
0x1a: {  	s8 =	sadd.s32 $0xFFFFE003, lr  }
0x1b: {  	s9 =	sadd.s32 $0xFFFFFEF7, lr;
	s5 =	simm.s32 $0xFFFFFFFF;
	p2 =	slt.u32 s8, $0xFFFFF086  }
0x1c: {  	p1 =	slt.u32 s9, $0xF7A;
	s5 =	simm.s32 @!p2 $0x0  }
0x1d: {  	s5 =	simm.s32 @p1 $0x1;
	p0 =	seq.s32 s7, s2  }
0x1e: {  	s7 =	smul.u32 @!p0 $0xF7A, s2;
	p2 =	seq.s32 @!p0 s5, $0x0  }
0x1f: {  	s9 =	smul.u32 $0xF7A, s1;
	s8 =	simm.s32 @!p0 $0x1BF5;
	p2 =	por !p2, p0  }
0x20: {  	[sflag:s8] =	ssyncset.s32 @!p0 $0xFFFFF086;
	s6 =	sadd.s32 @!p0 s3, s7;
	s7 =	simm.s32 @!p0 $0x108  }
0x21: {  	s3 =	sadd.s32 s3, s9;
	s6 =	sadd.s32 @!p0 $0x88, s6;
	s7 =	simm.s32 @p2 $0x1082  }
0x22: {  	[simem:s7], [sflag:s8] =	dma.local @!p0 [hbm:s6], $0xF7A  }
0x23: {  	s9 =	sor.u32 $0xD0000000, s2;
	s6 =	simm.s32 $0x108;
	_ =	swait.ge @!p0 [sflag:s8], $0x0  }
0x24: {  	s3 =	sadd.s32 $0x88, s3;
	s6 =	simm.s32 @!p1 $0x1082;
	[sflag:s4] =	ssyncset.s32 $0xFFFFF086  }
0x25: {  	[simem:s6], [sflag:s4] =	dma.local [hbm:s3], $0xF7A  }
0x26: {  	[smem:$0x3F90] =	sst s1;
	(tag) =	ssettag s2;
	_ =	strace s9  }
0x27: {  	s1 =	sld [smem:$0x3FA0]  }
0x28: {  	s2 =	sld [smem:$0x3FA1]  }
0x29: {  	s4 =	sld [smem:$0x3FA3]  }
0x2a: {  	p0 =	seq.s32 s5, $0x0;
	s5 =	sld [smem:$0x3FA4]  }
0x2b: {  	s6 =	sld [smem:$0x3FA5]  }
0x2c: {  	s7 =	sld [smem:$0x3FA6]  }
0x2d: {  	s3 =	simm.s32 $0x108;
	s8 =	sld [smem:$0x3FA7]  }
0x2e: {  	s3 =	simm.s32 @!p0 $0x1082;
	s9 =	sld [smem:$0x3FA8]  }
0x2f: {  	lr =	sadd.s32 s0, s3;
	s0 =	sld [smem:$0x3F9F]  }
0x30: {  	s3 =	sld [smem:$0x3FA2]  }
0x31: {  	[smem:$0x3FAB] =	sst s10  }
0x32: {  	s10 =	sld [smem:$0x3FA9];
	_ =	sdelay $0x3  }
0x33: {  	p0 =	seq.s32 s10, $0x1;
	s10 =	sld [smem:$0x3FAB];
	_ =	sdelay $0x3  }
0x34: {  	[smem:$0x3FAB] =	sst s10  }
0x35: {  	s10 =	sld [smem:$0x3FAA];
	_ =	sdelay $0x3  }
0x36: {  	p1 =	seq.s32 s10, $0x1;
	s10 =	sld [smem:$0x3FAB];
	_ =	sdelay $0x3  }
0x37: {  	[smem:$0x3FAB] =	sst s10  }
0x38: {  	s10 =	sld [smem:$0x3FAC]  }
0x39: {  	_ = 	snop;
	(pc) =	sbr.ind lr, $3  }
0x3a: {  	_ = 	snop  }
0x3b: {  	_ = 	snop  }
0x3c: {  	p2 =	seq.s32 s10, $0x1;
	s10 =	sld [smem:$0x3FAB]  }
0x3d: {  	_ =	shalt  }
0x3e: {  	_ =	shalt  }
0x3f: {  	_ =	shalt  }
0x40: {  	_ =	shalt  }
0x41: {  	_ =	shalt  }
0x42: {  	_ =	shalt  }
0x43: {  	_ =	shalt  }
0x44: {  	_ =	shalt  }
0x45: {  	_ =	shalt  }
0x46: {  	_ =	shalt  }
0x47: {  	_ =	shalt  }
0x48: {  	_ =	shalt  }
0x49: {  	_ =	shalt  }
0x4a: {  	_ =	shalt  }
0x4b: {  	_ =	shalt  }
0x4c: {  	_ =	shalt  }
0x4d: {  	_ =	shalt  }
0x4e: {  	_ =	shalt  }
0x4f: {  	_ =	shalt  }
0x50: {  	_ =	shalt  }
0x51: {  	_ =	shalt  }
0x52: {  	_ =	shalt  }
0x53: {  	_ =	shalt  }
0x54: {  	_ =	shalt  }
0x55: {  	_ =	shalt  }
0x56: {  	_ =	shalt  }
0x57: {  	_ =	shalt  }
0x58: {  	_ =	shalt  }
0x59: {  	_ =	shalt  }
0x5a: {  	_ =	shalt  }
0x5b: {  	_ =	shalt  }
0x5c: {  	_ =	shalt  }
0x5d: {  	_ =	shalt  }
0x5e: {  	_ =	shalt  }
0x5f: {  	_ =	shalt  }
0x60: {  	_ =	shalt  }
0x61: {  	_ =	shalt  }
0x62: {  	_ =	shalt  }
0x63: {  	_ =	shalt  }
0x64: {  	_ =	shalt  }
0x65: {  	_ =	shalt  }
0x66: {  	_ =	shalt  }
0x67: {  	_ =	shalt  }
0x68: {  	_ =	shalt  }
0x69: {  	_ =	shalt  }
0x6a: {  	_ =	shalt  }
0x6b: {  	_ =	shalt  }
0x6c: {  	_ =	shalt  }
0x6d: {  	_ =	shalt  }
0x6e: {  	_ =	shalt  }
0x6f: {  	_ =	shalt  }
0x70: {  	_ =	shalt  }
0x71: {  	_ =	shalt  }
0x72: {  	_ =	shalt  }
0x73: {  	_ =	shalt  }
0x74: {  	_ =	shalt  }
0x75: {  	_ =	shalt  }
0x76: {  	_ =	shalt  }
0x77: {  	_ =	shalt  }
0x78: {  	_ =	shalt  }
0x79: {  	_ =	shalt  }
0x7a: {  	_ =	shalt  }
0x7b: {  	_ =	shalt  }
0x7c: {  	_ =	shalt  }
0x7d: {  	_ =	shalt  }
0x7e: {  	_ =	shalt  }
0x7f: {  	_ =	shalt  }
0x80: {  	_ =	shalt  }
0x81: {  	_ =	shalt  }
0x82: {  	_ =	shalt  }
0x83: {  	_ =	shalt  }
0x84: {  	_ =	shalt  }
0x85: {  	_ =	shalt  }
0x86: {  	_ =	shalt  }
0x87: {  	_ =	shalt  }
.Lfunc_end0:
.L_simem_size_0:
called_computation.3_lowered:
.L_overlay_start_0:
0x88: {  	s2 =	sld [smem:$0x3FD9]  }
0x89: {  	s3 =	sld [smem:$0x3FFE];
	_ =	sdelay $0x1  }
0x8a: {  	s1 =	srdreg.scid  }
0x8b: {  	s0 =	sand.u32 $0x1, s1  }
0x8c: {  	s16 =	sshll.u32 s0, $0xA;
	s2 =	sadd.s32 s3, s2  }
0x8d: {  	s2 =	sadd.s32 s2, s16  }
0x8e: {  	[smem:$0x3FB7] =	sst s2  }
0x8f: {  	_ = 	snop  }
0x90: {  	(tm) =	ssettm $0x1  }
0x91: {  	s17 =	sld [smem:$0x3FFB];
	_ =	sdelay $0x3  }
0x92: {  	_ =	strace s17  }
0x93: {  	s2 =	sld [smem:$0x3FFC];
	_ =	sdelay $0x3  }
0x94: {  	_ =	strace s2  }
0x95: {  	s2 =	sld [smem:$0x3FFD];
	_ =	sdelay $0x3  }
0x96: {  	_ =	strace s2  }
0x97: {  	_ =	strace $0x8FFFFFFF  }
0x98: {  	s18 =	sld [smem:$0x3FDB];
	_ =	sdelay $0x1  }
0x99: {  	s19 =	simm.s32 $_scs_section_size  }
0x9a: {  	s4 =	simm.s32 $_size__tile_overlayer_lowered;
	s5 =	simm.s32 $_tile_overlayer_lowered  }
0x9b: {  	s22 =	simm.s32 $0x1BFF;
	s21 =	sshll.u32 s5, $0x1;
	s2 =	sadd.s32 s19, s18  }
0x9c: {  	s6 =	simm.s32 $0x0;
	s20 =	sshll.u32 s4, $0x1;
	s4 =	sadd.s32 s21, s2  }
0x9d: {  	[timem:s6], [sflag:s22] =	dma.local [hbm:s4], s20  }
0x9e: {  	_ =	swait.ge [sflag:s22], s20  }
0x9f: {  	s3 =	ssub.s32 $0x0, s20;
	[sflag:s22] =	ssyncset.done $0x0  }
0xa0: {  	[sflag:s22] =	ssyncadd.s32 s3;
	_ =	sdelay $0x1  }
0xa1: {  	s23 =	simm.s32 $0x1B8B  }
0xa2: {  	_ =	swait.ge [sflag:s23], $0x1  }
0xa3: {  	[sflag:s23] =	ssyncset.done $0x0  }
0xa4: {  	s25 =	simm.s32 $0x1B8E;
	s24 =	sld [smem:$0x3FFE];
	[sflag:s23] =	ssyncadd.s32 $0xFFFFFFFF  }
0xa5: {  	s26 =	simm.s32 $execute0_lowered;
	[smem:$0x3FD2] =	sst s25  }
0xa6: {  	s4 =	sshll.u32 s26, $0x1;
	_ =	strace $0x8000004F;
	[dreg:$0x1] =	wrdreg $0xFFFFFFFF  }
0xa7: {  	s28 =	simm.s32 $_size_execute0_lowered;
	s2 =	sadd.s32 s2, s4;
	[dreg:$0x0] =	wrdreg $0x0  }
0xa8: {  	s4 =	sshll.u32 s28, $0x1;
	[dreg:$0x2] =	wrdreg s2  }
0xa9: {  	[dreg:$0x3] =	wrdreg s4  }
0xaa: {  	[dreg:$0x4] =	wrdreg $0xC0  }
0xab: {  	_ =	task [dreg:s6], $0x5FFFF  }
0xac: {  	[dreg:$0x1] =	wrdreg $0xFFFFFFFF  }
0xad: {  	[dreg:$0x0] =	wrdreg $0x60  }
0xae: {  	[dreg:$0x2] =	wrdreg s24  }
0xaf: {  	[dreg:$0x3] =	wrdreg $0x44000  }
0xb0: {  	[dreg:$0x4] =	wrdreg $0x9  }
0xb1: {  	_ =	task.clear_ibuf [dreg:s6], $0x5FFFF;
	_ =	strace $0x9000004F  }
0xb2: {  	s29 =	simm.s32 $0x9;
	_ =	strace $0x80000051  }
0xb3: {  	_ =	swait.ge [sflag:s29], $0x1  }
0xb4: {  	[sflag:s29] =	ssyncadd.s32 $0xFFFFFFFF  }
0xb5: {  	_ =	strace $0x90000051  }
0xb6: {  	_ =	sfence  }
0xb7: {  	s30 =	sld [smem:$0x0];
	_ =	sdelay $0x2  }
0xb8: {  	s31 =	sshll.u32 s1, $0xD;
	s1 =	sshrl.u32 s1, $0x2  }
0xb9: {  	s3 =	sand.u32 $0x4000, s31;
	s1 =	sadd.s32 s1, s30  }
0xba: {  	s0 =	sor.u32 s3, s0;
	s1 =	sshll.u32 s1, $0x11  }
0xbb: {  	s0 =	sor.u32 s1, s0  }
0xbc: {  	s0 =	sadd.s32 $0x8F2B, s0  }
0xbd: {  	[sflag:s0] =	ssyncadd.remote.s32 $0x1  }
0xbe: {  	_ =	sfence.sel $0xFFFF  }
0xbf: {  	[dreg:$0x0] =	wrdreg $0xFFFFFFFF;
	(pc) =	sbr.abs _section_cstart, $3  }
0xc0: {  	[dreg:$0x1] =	wrdreg $0xFFFFFFFF  }
0xc1: {  	_ =	task.clear_ibuf [dreg:s6], $0x2FFFF;
	_ =	strace $0x9FFFFFFF  }
0xc2: {  	(tm) =	ssettm $0x7FFFFFFF  }
0xc3: {  	_ =	shalt  }
tec
execute0_lowered:
.L_overlay_start_1:
0x0: {  	(tag) =	ssettag $0x1  }
0x1: {  	s0 =	srdreg.scid;
	s1 =	rddreg [dreg:$0x0]  }
0x2: {  	s17 =	stileid.u32;
	s2 =	rddreg [dreg:$0x1];
	s3 =	simm.s32 $0x0  }
0x3: {  	s28 =	simm.s32 $0x1400;
	s29 =	simm.s32 $0x2;
	s30 =	simm.s32 $0x2400  }
0x4: {  	s31 =	simm.s32 $0x180;
	s0 =	sand.u32 $0x1, s0;
	s6 =	smul.u32 $0xC800, s17  }
0x5: {  	[smem:$0x7FF] =	sst s3;
	s9 =	smul.u32 $0x62000, s17;
	s10 =	sadd.s32 $0x5A00, s1  }
0x6: {  	s16 =	sadd.s32 $0x1E1200, s1;
	s19 =	sshll.u32 s17, $0x6;
	s4 =	smul.u32 $0xC8000, s0  }
0x7: {  	_ =	strace $0x80000050;
	[dreg:$0x4] =	wrdreg s16;
	s7 =	ssub.s32 $0x2, s0  }
0x8: {  	s0 =	sshll.u32 s0, $0x5;
	s11 =	sshrl.u32 s7, $0x1;
	s12 =	sshrl.u32 s9, $0x2  }
0x9: {  	s20 =	sadd.s32 $0x20000, s9;
	s14 =	sadd.s32 $0x40000, s9;
	s16 =	sadd.s32 $0x60000, s9  }
0xa: {  	s9 =	sor.u32 s0, s9;
	s4 =	sadd.s32 s6, s4;
	s13 =	ssub.s32 s7, s11  }
0xb: {  	s18 =	sadd.s32 s12, s2;
	s7 =	sor.u32 $0x1C09, s19;
	s21 =	sshrl.u32 s20, $0x2  }
0xc: {  	s15 =	sshrl.u32 s14, $0x2;
	s24 =	sshrl.u32 s16, $0x2;
	s6 =	sshrl.u32 s6, $0x3  }
0xd: {  	s12 =	simm.s32 $0x0;
	s5 =	sshrl.u32 s4, $0x3;
	s4 =	sadd.s32 $0x1E2200, s1  }
0xe: {  	[dreg:$0x5] =	wrdreg s18;
	s22 =	sadd.s32 s21, s2;
	s23 =	sadd.s32 s15, s2  }
0xf: {  	s25 =	sadd.s32 s24, s2;
	s26 =	sadd.s32 s10, s6;
	s6 =	sshrl.u32 s9, $0x3  }
0x10: {  	s15 =	sor.u32 s0, s20;
	s20 =	sor.u32 s0, s14;
	[dreg:$0x6] =	wrdreg s22  }
0x11: {  	s0 =	sor.u32 s0, s16;
	s21 =	smul.u32 $0x1900, s17;
	[dreg:$0x7] =	wrdreg s23  }
0x12: {  	s9 =	simm.s32 $0x7;
	s14 =	simm.s32 $0x380;
	[dreg:$0x8] =	wrdreg s25  }
0x13: {  	s8 =	sadd.s32 s5, s1;
	s1 =	sadd.s32 $0x11D200, s1;
	[dreg:$0x9] =	wrdreg s26  }
0x14: {  	s5 =	sadd.s32 $0x20, s26;
	s19 =	sshrl.u32 s15, $0x3;
	s23 =	sshrl.u32 s20, $0x3  }
0x15: {  	s0 =	sshrl.u32 s0, $0x3;
	s26 =	smax.u32 s13, $0x1;
	s20 =	simm.s32 $0x9  }
0x16: {  	s13 =	simm.s32 $0x4;
	s11 =	sadd.s32 $0xEB000, s8;
	[dreg:$0xb] =	wrdreg s5  }
0x17: {  	s8 =	sadd.s32 $0xEB020, s8;
	s18 =	sadd.s32 s1, s6;
	[dreg:$0x10] =	wrdreg s26  }
0x18: {  	s22 =	sadd.s32 s1, s19;
	s24 =	sadd.s32 s1, s23;
	[dreg:$0xa] =	wrdreg s8  }
0x19: {  	s0 =	sadd.s32 s1, s0;
	s25 =	sadd.s32 s21, s10;
	[dreg:$0xc] =	wrdreg s18  }
0x1a: {  	s21 =	simm.s32 $0x200;
	s23 =	simm.s32 $0x300;
	[dreg:$0xd] =	wrdreg s22  }
0x1b: {  	s26 =	simm.s32 $0x400;
	s1 =	simm.s32 $0x3400;
	[dreg:$0xe] =	wrdreg s24  }
0x1c: {  	s6 =	simm.s32 $0x3;
	s10 =	simm.s32 $0x6;
	[dreg:$0xf] =	wrdreg s0  }
0x1d: {  	[dreg:$0x3] =	wrdreg s25;
	s22 =	simm.s32 $0x100;
	s24 =	simm.s32 $0x1  }
0x1e: {  	s25 =	simm.s32 $0x80;
	s0 =	simm.s32 $0x5;
	s8 =	simm.s32 $0x280  }
.LBB2_1:
0x1f: {  	s5 =	rddreg [dreg:$0x5]  }
0x20: {  	s18 =	rddreg [dreg:$0x4];
	s15 =	sshrl.u32 s5, $0x3  }
0x21: {  	[dreg:$0x11] =	wrdreg s15  }
0x22: {  	[spmem:s15], [sflag:s7] =	dma.local [hbm:s18], $0x1000  }
0x23: {  	_ =	swait.ge [sflag:s20], $0x1000  }
0x24: {  	s19 =	rddreg [dreg:$0x6]  }
0x25: {  	[sflag:s20] =	ssyncset.done $0x0;
	s15 =	sshrl.u32 s19, $0x3  }
0x26: {  	[sflag:s20] =	ssyncadd.s32 $0xFFFFF000;
	[dreg:$0x12] =	wrdreg s15  }
0x27: {  	[spmem:s15], [sflag:s7] =	dma.local [hbm:s18], $0x1000  }
0x28: {  	_ =	swait.ge [sflag:s20], $0x1000  }
0x29: {  	s16 =	rddreg [dreg:$0x7]  }
0x2a: {  	[sflag:s20] =	ssyncset.done $0x0;
	s15 =	sshrl.u32 s16, $0x3  }
0x2b: {  	[sflag:s20] =	ssyncadd.s32 $0xFFFFF000;
	[dreg:$0x13] =	wrdreg s15  }
0x2c: {  	[spmem:s15], [sflag:s7] =	dma.local [hbm:s18], $0x1000  }
0x2d: {  	_ =	swait.ge [sflag:s20], $0x1000  }
0x2e: {  	s17 =	rddreg [dreg:$0x8]  }
0x2f: {  	[sflag:s20] =	ssyncset.done $0x0;
	s15 =	sshrl.u32 s17, $0x3  }
0x30: {  	[sflag:s20] =	ssyncadd.s32 $0xFFFFF000;
	[dreg:$0x14] =	wrdreg s15  }
0x31: {  	[spmem:s15], [sflag:s7] =	dma.local [hbm:s18], $0x100  }
0x32: {  	_ =	swait.ge [sflag:s20], $0x100  }
0x33: {  	[sflag:s20] =	ssyncset.done $0x0  }
0x34: {  	[sflag:s20] =	ssyncadd.s32 $0xFFFFFF00  }
0x35: {  	[bflag:$0x0] =	sbarrier.arrive $0xFFFF  }
0x36: {  	[tilespmem:s3], [sflag:$0x1] =	stream.linear.gather [hbm4b:s11+s3], $0x100, $0x38;
	[tilespmem:$0x1D000] =	vst v63  }
0x37: {  	s18 =	rddreg [dreg:$0x9]  }
0x38: {  	[tilespmem:s21], [sflag:$0x3] =	stream.linear.gather [hbm4b:s18+s3], $0x100, $0x38;
	[tilespmem:$0x1D000] =	vst v63  }
0x39: {  	s19 =	rddreg [dreg:$0xa]  }
0x3a: {  	[tilespmem:s22], [sflag:$0x2] =	stream.linear.gather [hbm4b:s19+s3], $0x100, $0x38;
	[tilespmem:$0x1D000] =	vst v63  }
0x3b: {  	s15 =	rddreg [dreg:$0xb]  }
0x3c: {  	[tilespmem:s23], [sflag:$0x4] =	stream.linear.gather [hbm4b:s15+s3], $0x100, $0x38;
	[tilespmem:$0x1D000] =	vst v63  }
0x3d: {  	_ =	swait.ge [sflag:s24], $0x100  }
0x3e: {  	p0 =	por $0x1, $0x1;
	[sflag:s24] =	ssyncset.done $0x0  }
0x3f: {  	p0 =	por p0, p0;
	[sflag:s24] =	ssyncadd.s32 $0xFFFFFF00  }
0x40: {  	[tilespmem:s26], [sflag:$0x5] =	stream.indirect.gather [hbm4b:s4+s25], $0x20, s3, s25, $0xb8;
	[tilespmem:$0x1D000] =	vst v63  }
0x41: {  	s15 =	simm.s32 @!p0 $0x8  }
0x42: {  	[tilespmem:s28], [sflag:$0x5] =	stream.indirect.gather [hbm4b:s4+s25], $0x20, s25, s25, $0xb8;
	[tilespmem:$0x1D000] =	vst v63  }
0x43: {  	_ =	swait.ge @!p0 [sflag:s15], $0x1000  }
0x44: {  	[sflag:s15] =	ssyncset.done @!p0 $0x0  }
0x45: {  	[sflag:s15] =	ssyncadd.s32 @!p0 $0xFFFFF000  }
0x46: {  	_ =	swait.ge @!p0 [sflag:s15], $0x1000  }
0x47: {  	[sflag:s15] =	ssyncset.done @!p0 $0x0  }
0x48: {  	[sflag:s15] =	ssyncadd.s32 @!p0 $0xFFFFF000  }
0x49: {  	_ =	swait.ge [sflag:s29], $0x100  }
0x4a: {  	[sflag:s29] =	ssyncset.done $0x0  }
0x4b: {  	[sflag:s29] =	ssyncadd.s32 $0xFFFFFF00  }
0x4c: {  	[tilespmem:s30], [sflag:$0x6] =	stream.indirect.gather [hbm4b:s4+s25], $0x20, s22, s25, $0xb8;
	[tilespmem:$0x1D000] =	vst v63  }
0x4d: {  	_ = 	snop  }
0x4e: {  	[tilespmem:s1], [sflag:$0x6] =	stream.indirect.gather [hbm4b:s4+s25], $0x20, s31, s25, $0xb8;
	[tilespmem:$0x1D000] =	vst v63  }
0x4f: {  	_ =	swait.ge [sflag:s0], $0x1000  }
0x50: {  	[sflag:s0] =	ssyncset.done $0x0  }
0x51: {  	[sflag:s0] =	ssyncadd.s32 $0xFFFFF000  }
0x52: {  	_ =	swait.ge [sflag:s0], $0x1000  }
0x53: {  	[sflag:s0] =	ssyncset.done $0x0  }
0x54: {  	[sflag:s0] =	ssyncadd.s32 $0xFFFFF000  }
0x55: {  	_ =	swait.ge [sflag:s6], $0x100  }
0x56: {  	[sflag:s6] =	ssyncset.done $0x0  }
0x57: {  	[sflag:s6] =	ssyncadd.s32 $0xFFFFFF00  }
0x58: {  	[spmem:s2] =	stream.indirect.scatter.add.f32 [tilespmem:s26], [sflag:$0x7], $0x20, s21, s25, $0xb8;
	[tilespmem:$0x1D000] =	vst v63  }
0x59: {  	s16 =	sadd.s32 $0x0, s11;
	s17 =	rddreg [dreg:$0x3]  }
0x5a: {  	[spmem:s2] =	stream.indirect.scatter.add.f32 [tilespmem:s28], [sflag:$0x7], $0x20, s8, s25, $0xb8;
	[tilespmem:$0x1D000] =	vst v63  }
0x5b: {  	s18 =	sadd.s32 $0x40, s16;
	s19 =	sadd.s32 $0x0, s17  }
0x5c: {  	[tilespmem:s3], [sflag:$0x1] =	stream.linear.gather [hbm4b:s18+s3], $0x100, $0x38;
	[tilespmem:$0x1D000] =	vst v63  }
0x5d: {  	s17 =	sadd.s32 $0x40, s19  }
0x5e: {  	[tilespmem:s21], [sflag:$0x3] =	stream.linear.gather [hbm4b:s17+s3], $0x100, $0x38;
	[tilespmem:$0x1D000] =	vst v63  }
0x5f: {  	_ =	swait.ge [sflag:s9], $0x1000  }
0x60: {  	[sflag:s9] =	ssyncset.done $0x0  }
0x61: {  	[sflag:s9] =	ssyncadd.s32 $0xFFFFF000  }
0x62: {  	_ =	swait.ge [sflag:s9], $0x1000  }
0x63: {  	[sflag:s9] =	ssyncset.done $0x0  }
0x64: {  	[sflag:s9] =	ssyncadd.s32 $0xFFFFF000  }
0x65: {  	_ =	swait.ge [sflag:s24], $0x100  }
0x66: {  	[sflag:s24] =	ssyncset.done $0x0  }
0x67: {  	[sflag:s24] =	ssyncadd.s32 $0xFFFFFF00  }
0x68: {  	[tilespmem:s26], [sflag:$0x5] =	stream.indirect.gather [hbm4b:s4+s25], $0x20, s3, s25, $0xb8;
	[tilespmem:$0x1D000] =	vst v63  }
0x69: {  	_ = 	snop  }
0x6a: {  	[tilespmem:s28], [sflag:$0x5] =	stream.indirect.gather [hbm4b:s4+s25], $0x20, s25, s25, $0xb8;
	[tilespmem:$0x1D000] =	vst v63  }
0x6b: {  	_ =	swait.ge [sflag:s10], $0x1000  }
0x6c: {  	[sflag:s10] =	ssyncset.done $0x0  }
0x6d: {  	[sflag:s10] =	ssyncadd.s32 $0xFFFFF000  }
0x6e: {  	_ =	swait.ge [sflag:s10], $0x1000  }
0x6f: {  	[sflag:s10] =	ssyncset.done $0x0  }
0x70: {  	[sflag:s10] =	ssyncadd.s32 $0xFFFFF000  }
0x71: {  	_ =	swait.ge [sflag:s13], $0x100  }
0x72: {  	[sflag:s13] =	ssyncset.done $0x0  }
0x73: {  	[sflag:s13] =	ssyncadd.s32 $0xFFFFFF00  }
0x74: {  	[spmem:s2] =	stream.indirect.scatter.add.f32 [tilespmem:s30], [sflag:$0x8], $0x20, s23, s25, $0xb8;
	[tilespmem:$0x1D000] =	vst v63  }
0x75: {  	p6 =	por $0x0, $0x0  }
0x76: {  	[spmem:s2] =	stream.indirect.scatter.add.f32 [tilespmem:s1], [sflag:$0x8], $0x20, s14, s25, $0xb8;
	[tilespmem:$0x1D000] =	vst v63  }
0x77: {  	s15 =	sadd.s32 $0x60, s16;
	p0 =	por p6, p6  }
0x78: {  	[tilespmem:s22], [sflag:$0x2] =	stream.linear.gather [hbm4b:s15+s3], $0x100, $0x38;
	[tilespmem:$0x1D000] =	vst v63  }
0x79: {  	s18 =	sadd.s32 $0x60, s19;
	s17 =	simm.s32 $0x80;
	s15 =	simm.s32 $0x40  }
.LBB2_2:
0x7a: {  	s19 =	simm.s32 @!p0 $0x8  }
0x7b: {  	[tilespmem:s23], [sflag:$0x4] =	stream.linear.gather [hbm4b:s18+s3], $0x100, $0x38;
	[tilespmem:$0x1D000] =	vst v63  }
0x7c: {  	_ =	swait.ge @!p0 [sflag:s19], $0x1000  }
0x7d: {  	[sflag:s19] =	ssyncset.done @!p0 $0x0  }
0x7e: {  	[sflag:s19] =	ssyncadd.s32 @!p0 $0xFFFFF000  }
0x7f: {  	_ =	swait.ge @!p0 [sflag:s19], $0x1000  }
0x80: {  	[sflag:s19] =	ssyncset.done @!p0 $0x0  }
0x81: {  	[sflag:s19] =	ssyncadd.s32 @!p0 $0xFFFFF000  }
0x82: {  	_ =	swait.ge [sflag:s29], $0x100  }
0x83: {  	[sflag:s29] =	ssyncset.done $0x0  }
0x84: {  	[sflag:s29] =	ssyncadd.s32 $0xFFFFFF00  }
0x85: {  	[tilespmem:s30], [sflag:$0x6] =	stream.indirect.gather [hbm4b:s4+s25], $0x20, s22, s25, $0xb8;
	[tilespmem:$0x1D000] =	vst v63  }
0x86: {  	_ = 	snop  }
0x87: {  	[tilespmem:s1], [sflag:$0x6] =	stream.indirect.gather [hbm4b:s4+s25], $0x20, s31, s25, $0xb8;
	[tilespmem:$0x1D000] =	vst v63  }
0x88: {  	_ =	swait.ge [sflag:s0], $0x1000  }
0x89: {  	[sflag:s0] =	ssyncset.done $0x0  }
0x8a: {  	[sflag:s0] =	ssyncadd.s32 $0xFFFFF000  }
0x8b: {  	_ =	swait.ge [sflag:s0], $0x1000  }
0x8c: {  	[sflag:s0] =	ssyncset.done $0x0  }
0x8d: {  	[sflag:s0] =	ssyncadd.s32 $0xFFFFF000  }
0x8e: {  	_ =	swait.ge [sflag:s6], $0x100  }
0x8f: {  	[sflag:s6] =	ssyncset.done $0x0  }
0x90: {  	[sflag:s6] =	ssyncadd.s32 $0xFFFFFF00  }
0x91: {  	[spmem:s2] =	stream.indirect.scatter.add.f32 [tilespmem:s26], [sflag:$0x7], $0x20, s21, s25, $0xb8;
	[tilespmem:$0x1D000] =	vst v63  }
0x92: {  	s18 =	sadd.s32 s15, s11  }
0x93: {  	[spmem:s2] =	stream.indirect.scatter.add.f32 [tilespmem:s28], [sflag:$0x7], $0x20, s8, s25, $0xb8;
	[tilespmem:$0x1D000] =	vst v63  }
0x94: {  	s5 =	sadd.s32 $0x40, s18;
	s19 =	rddreg [dreg:$0x3]  }
0x95: {  	[tilespmem:s3], [sflag:$0x1] =	stream.linear.gather [hbm4b:s5+s3], $0x100, $0x38;
	[tilespmem:$0x1D000] =	vst v63  }
0x96: {  	s5 =	sadd.s32 s15, s19  }
0x97: {  	s19 =	sadd.s32 $0x40, s5  }
0x98: {  	[tilespmem:s21], [sflag:$0x3] =	stream.linear.gather [hbm4b:s19+s3], $0x100, $0x38;
	[tilespmem:$0x1D000] =	vst v63  }
0x99: {  	_ =	swait.ge [sflag:s9], $0x1000  }
0x9a: {  	[sflag:s9] =	ssyncset.done $0x0  }
0x9b: {  	[sflag:s9] =	ssyncadd.s32 $0xFFFFF000  }
0x9c: {  	_ =	swait.ge [sflag:s9], $0x1000  }
0x9d: {  	[sflag:s9] =	ssyncset.done $0x0  }
0x9e: {  	[sflag:s9] =	ssyncadd.s32 $0xFFFFF000  }
0x9f: {  	_ =	swait.ge [sflag:s24], $0x100  }
0xa0: {  	[sflag:s24] =	ssyncset.done $0x0  }
0xa1: {  	[sflag:s24] =	ssyncadd.s32 $0xFFFFFF00  }
0xa2: {  	[tilespmem:s26], [sflag:$0x5] =	stream.indirect.gather [hbm4b:s4+s25], $0x20, s3, s25, $0xb8;
	[tilespmem:$0x1D000] =	vst v63  }
0xa3: {  	_ = 	snop  }
0xa4: {  	[tilespmem:s28], [sflag:$0x5] =	stream.indirect.gather [hbm4b:s4+s25], $0x20, s25, s25, $0xb8;
	[tilespmem:$0x1D000] =	vst v63  }
0xa5: {  	_ =	swait.ge [sflag:s10], $0x1000  }
0xa6: {  	[sflag:s10] =	ssyncset.done $0x0  }
0xa7: {  	[sflag:s10] =	ssyncadd.s32 $0xFFFFF000  }
0xa8: {  	_ =	swait.ge [sflag:s10], $0x1000  }
0xa9: {  	[sflag:s10] =	ssyncset.done $0x0  }
0xaa: {  	[sflag:s10] =	ssyncadd.s32 $0xFFFFF000  }
0xab: {  	p2 =	seq.s32 s17, $0x0;
	_ =	swait.ge [sflag:s13], $0x100  }
0xac: {  	s16 =	smov.u32 s17;
	s17 =	sadd.s32 $0x40, s17;
	[sflag:s13] =	ssyncset.done $0x0  }
0xad: {  	p1 =	sne.s32 s17, $0x1900;
	[sflag:s13] =	ssyncadd.s32 $0xFFFFFF00  }
0xae: {  	[spmem:s2] =	stream.indirect.scatter.add.f32 [tilespmem:s30], [sflag:$0x8], $0x20, s23, s25, $0xb8;
	[tilespmem:$0x1D000] =	vst v63  }
.Ltmp0:
0xaf: {  	_ = 	snop;
	(pc) =	sbr.rel @p1 .LBB2_2-.Ltmp0, $4  }
0xb0: {  	p0 =	por p2, p2  }
0xb1: {  	[spmem:s2] =	stream.indirect.scatter.add.f32 [tilespmem:s1], [sflag:$0x8], $0x20, s14, s25, $0xb8;
	[tilespmem:$0x1D000] =	vst v63  }
0xb2: {  	s15 =	smov.u32 s16;
	s19 =	sadd.s32 $0x60, s18;
	s18 =	sadd.s32 $0x60, s5  }
0xb3: {  	[tilespmem:s22], [sflag:$0x2] =	stream.linear.gather [hbm4b:s19+s3], $0x100, $0x38;
	[tilespmem:$0x1D000] =	vst v63  }
0xb4: {  	s5 =	simm.s32 @!p0 $0x8  }
0xb5: {  	[tilespmem:s23], [sflag:$0x4] =	stream.linear.gather [hbm4b:s18+s3], $0x100, $0x38;
	[tilespmem:$0x1D000] =	vst v63  }
0xb6: {  	_ =	swait.ge @!p0 [sflag:s5], $0x1000  }
0xb7: {  	[sflag:s5] =	ssyncset.done @!p0 $0x0  }
0xb8: {  	[sflag:s5] =	ssyncadd.s32 @!p0 $0xFFFFF000  }
0xb9: {  	_ =	swait.ge @!p0 [sflag:s5], $0x1000  }
0xba: {  	[sflag:s5] =	ssyncset.done @!p0 $0x0  }
0xbb: {  	[sflag:s5] =	ssyncadd.s32 @!p0 $0xFFFFF000  }
0xbc: {  	_ =	swait.ge [sflag:s29], $0x100  }
0xbd: {  	[sflag:s29] =	ssyncset.done $0x0  }
0xbe: {  	[sflag:s29] =	ssyncadd.s32 $0xFFFFFF00  }
0xbf: {  	[tilespmem:s30], [sflag:$0x6] =	stream.indirect.gather [hbm4b:s4+s25], $0x20, s22, s25, $0xb8;
	[tilespmem:$0x1D000] =	vst v63  }
0xc0: {  	_ = 	snop  }
0xc1: {  	[tilespmem:s1], [sflag:$0x6] =	stream.indirect.gather [hbm4b:s4+s25], $0x20, s31, s25, $0xb8;
	[tilespmem:$0x1D000] =	vst v63  }
0xc2: {  	_ =	swait.ge [sflag:s0], $0x1000  }
0xc3: {  	[sflag:s0] =	ssyncset.done $0x0  }
0xc4: {  	[sflag:s0] =	ssyncadd.s32 $0xFFFFF000  }
0xc5: {  	_ =	swait.ge [sflag:s0], $0x1000  }
0xc6: {  	[sflag:s0] =	ssyncset.done $0x0  }
0xc7: {  	[sflag:s0] =	ssyncadd.s32 $0xFFFFF000  }
0xc8: {  	_ =	swait.ge [sflag:s6], $0x100  }
0xc9: {  	[sflag:s6] =	ssyncset.done $0x0  }
0xca: {  	[sflag:s6] =	ssyncadd.s32 $0xFFFFFF00  }
0xcb: {  	[spmem:s2] =	stream.indirect.scatter.add.f32 [tilespmem:s26], [sflag:$0x7], $0x20, s21, s25, $0xb8;
	[tilespmem:$0x1D000] =	vst v63  }
0xcc: {  	s18 =	sadd.s32 s15, s11;
	s16 =	rddreg [dreg:$0x3]  }
0xcd: {  	[spmem:s2] =	stream.indirect.scatter.add.f32 [tilespmem:s28], [sflag:$0x7], $0x20, s8, s25, $0xb8;
	[tilespmem:$0x1D000] =	vst v63  }
0xce: {  	s17 =	sadd.s32 $0x40, s18;
	s19 =	sadd.s32 s15, s16  }
0xcf: {  	[tilespmem:s3], [sflag:$0x1] =	stream.linear.gather [hbm4b:s17+s3], $0x100, $0x38;
	[tilespmem:$0x1D000] =	vst v63  }
0xd0: {  	s16 =	sadd.s32 $0x40, s19  }
0xd1: {  	[tilespmem:s21], [sflag:$0x3] =	stream.linear.gather [hbm4b:s16+s3], $0x100, $0x38;
	[tilespmem:$0x1D000] =	vst v63  }
0xd2: {  	_ =	swait.ge [sflag:s9], $0x1000  }
0xd3: {  	[sflag:s9] =	ssyncset.done $0x0  }
0xd4: {  	[sflag:s9] =	ssyncadd.s32 $0xFFFFF000  }
0xd5: {  	_ =	swait.ge [sflag:s9], $0x1000  }
0xd6: {  	[sflag:s9] =	ssyncset.done $0x0  }
0xd7: {  	[sflag:s9] =	ssyncadd.s32 $0xFFFFF000  }
0xd8: {  	_ =	swait.ge [sflag:s24], $0x100  }
0xd9: {  	[sflag:s24] =	ssyncset.done $0x0  }
0xda: {  	[sflag:s24] =	ssyncadd.s32 $0xFFFFFF00  }
0xdb: {  	[tilespmem:s26], [sflag:$0x5] =	stream.indirect.gather [hbm4b:s4+s25], $0x20, s3, s25, $0xb8;
	[tilespmem:$0x1D000] =	vst v63  }
0xdc: {  	_ = 	snop  }
0xdd: {  	[tilespmem:s28], [sflag:$0x5] =	stream.indirect.gather [hbm4b:s4+s25], $0x20, s25, s25, $0xb8;
	[tilespmem:$0x1D000] =	vst v63  }
0xde: {  	_ =	swait.ge [sflag:s10], $0x1000  }
0xdf: {  	[sflag:s10] =	ssyncset.done $0x0  }
0xe0: {  	[sflag:s10] =	ssyncadd.s32 $0xFFFFF000  }
0xe1: {  	_ =	swait.ge [sflag:s10], $0x1000  }
0xe2: {  	[sflag:s10] =	ssyncset.done $0x0  }
0xe3: {  	[sflag:s10] =	ssyncadd.s32 $0xFFFFF000  }
0xe4: {  	_ =	swait.ge [sflag:s13], $0x100  }
0xe5: {  	[sflag:s13] =	ssyncset.done $0x0  }
0xe6: {  	[sflag:s13] =	ssyncadd.s32 $0xFFFFFF00  }
0xe7: {  	[spmem:s2] =	stream.indirect.scatter.add.f32 [tilespmem:s30], [sflag:$0x8], $0x20, s23, s25, $0xb8;
	[tilespmem:$0x1D000] =	vst v63  }
0xe8: {  	_ = 	snop  }
0xe9: {  	[spmem:s2] =	stream.indirect.scatter.add.f32 [tilespmem:s1], [sflag:$0x8], $0x20, s14, s25, $0xb8;
	[tilespmem:$0x1D000] =	vst v63  }
0xea: {  	s5 =	sadd.s32 $0x60, s18  }
0xeb: {  	[tilespmem:s22], [sflag:$0x2] =	stream.linear.gather [hbm4b:s5+s3], $0x100, $0x38;
	[tilespmem:$0x1D000] =	vst v63  }
0xec: {  	s17 =	simm.s32 $0x8;
	s16 =	sadd.s32 $0x60, s19  }
0xed: {  	[tilespmem:s23], [sflag:$0x4] =	stream.linear.gather [hbm4b:s16+s3], $0x100, $0x38;
	[tilespmem:$0x1D000] =	vst v63  }
0xee: {  	_ =	swait.ge [sflag:s17], $0x1000  }
0xef: {  	[sflag:s17] =	ssyncset.done $0x0  }
0xf0: {  	[sflag:s17] =	ssyncadd.s32 $0xFFFFF000  }
0xf1: {  	_ =	swait.ge [sflag:s17], $0x1000  }
0xf2: {  	[sflag:s17] =	ssyncset.done $0x0  }
0xf3: {  	[sflag:s17] =	ssyncadd.s32 $0xFFFFF000  }
0xf4: {  	_ =	swait.ge [sflag:s0], $0x1000  }
0xf5: {  	[sflag:s0] =	ssyncset.done $0x0  }
0xf6: {  	[sflag:s0] =	ssyncadd.s32 $0xFFFFF000  }
0xf7: {  	_ =	swait.ge [sflag:s0], $0x1000  }
0xf8: {  	[sflag:s0] =	ssyncset.done $0x0  }
0xf9: {  	[sflag:s0] =	ssyncadd.s32 $0xFFFFF000  }
0xfa: {  	_ =	swait.ge [sflag:s6], $0x100  }
0xfb: {  	[sflag:s6] =	ssyncset.done $0x0  }
0xfc: {  	[sflag:s6] =	ssyncadd.s32 $0xFFFFFF00  }
0xfd: {  	_ =	swait.ge [sflag:s29], $0x100  }
0xfe: {  	[sflag:s29] =	ssyncset.done $0x0  }
0xff: {  	[sflag:s29] =	ssyncadd.s32 $0xFFFFFF00  }
0x100: {  	_ =	swait.ge [sflag:s13], $0x100  }
0x101: {  	[sflag:s13] =	ssyncset.done $0x0  }
0x102: {  	[sflag:s13] =	ssyncadd.s32 $0xFFFFFF00  }
0x103: {  	[bflag:$0x0] =	sbarrier.arrive $0xFFFF  }
0x104: {  	s18 =	rddreg [dreg:$0xc]  }
0x105: {  	s15 =	simm.s32 $0x10;
	s19 =	rddreg [dreg:$0x11]  }
0x106: {  	[hbm:s18@s15], [sflag:s7] =	dma.strided [spmem:s19@s13], $0x1000, s24, $0x4   }
0x107: {  	_ =	swait.ge [sflag:s20], $0x1000  }
0x108: {  	[sflag:s20] =	ssyncset.done $0x0;
	s16 =	rddreg [dreg:$0xd]  }
0x109: {  	s17 =	rddreg [dreg:$0x12];
	[sflag:s20] =	ssyncadd.s32 $0xFFFFF000  }
0x10a: {  	[hbm:s16@s15], [sflag:s7] =	dma.strided [spmem:s17@s13], $0x1000, s24, $0x4   }
0x10b: {  	_ =	swait.ge [sflag:s20], $0x1000  }
0x10c: {  	[sflag:s20] =	ssyncset.done $0x0;
	s18 =	rddreg [dreg:$0xe]  }
0x10d: {  	s19 =	rddreg [dreg:$0x13];
	[sflag:s20] =	ssyncadd.s32 $0xFFFFF000  }
0x10e: {  	[hbm:s18@s15], [sflag:s7] =	dma.strided [spmem:s19@s13], $0x1000, s24, $0x4   }
0x10f: {  	_ =	swait.ge [sflag:s20], $0x1000  }
0x110: {  	[sflag:s20] =	ssyncset.done $0x0;
	s17 =	rddreg [dreg:$0xf]  }
0x111: {  	s18 =	rddreg [dreg:$0x14];
	[sflag:s20] =	ssyncadd.s32 $0xFFFFF000  }
0x112: {  	[hbm:s17@s15], [sflag:s7] =	dma.strided [spmem:s18@s13], $0x100, s24, $0x4   }
0x113: {  	_ =	swait.ge [sflag:s20], $0x100  }
0x114: {  	s12 =	sadd.s32 $0x1, s12;
	s19 =	rddreg [dreg:$0x10]  }
0x115: {  	p0 =	sne.s32 s12, s19  }
.Ltmp1:
0x116: {  	_ = 	snop;
	(pc) =	sbr.rel @p0 .LBB2_1-.Ltmp1, $3  }
0x117: {  	_ =	sdelay $0x1  }
0x118: {  	[sflag:s20] =	ssyncset.done $0x0  }
0x119: {  	[sflag:s20] =	ssyncadd.s32 $0xFFFFFF00  }
0x11a: {  	_ =	sfence.sel $0x180000  }
0x11b: {  	[bflag:$0x0] =	sbarrier.arrive $0xFFFF  }
0x11c: {  	_ =	strace $0x90000050  }
0x11d: {  	s0 =	stileid.u32;
	[bflag:$0x2] =	sbarrier.arrive $0xFFFF  }
0x11e: {  	p0 =	sne.s32 s0, $0x0;
	s0 =	rddreg [dreg:$0x2]  }
0x11f: {  	s0 =	sadd.s32 @!p0 $0x100000, s0  }
0x120: {  	[sflag:s0] =	ssyncadd.tile.s32 @!p0 $0x1;
	_ =	shalt  }
.Lfunc_end2:
_tile_overlayer_lowered:
.L_overlay_start_2:
0x121: {  	(tag) =	ssettag $0x2  }
0x122: {  	s0 =	rddreg [dreg:$0x0];
	s2 =	stileid.u32  }
0x123: {  	s1 =	rddreg [dreg:$0x1];
	p0 =	sne.s32 s2, $0x0  }
0x124: {  	s3 =	rddreg [dreg:$0x2];
	[bflag:$0x3] =	sbarrier.arrive $0xFFFF;
	s2 =	simm.s32 @!p0 $0x1C09  }
0x125: {  	[timem:s3], [sflag:s2] =	dma.local @!p0 [hbm:s0], s1  }
0x126: {  	s0 =	simm.s32 @!p0 $0x9  }
0x127: {  	_ =	swait.ge @!p0 [sflag:s0], s1  }
0x128: {  	s1 =	ssub.s32 @!p0 $0x0, s1;
	[sflag:s0] =	ssyncset.done @!p0 $0x0  }
0x129: {  	[sflag:s0] =	ssyncadd.s32 @!p0 s1  }
0x12a: {  	[bflag:$0x3] =	sbarrier.arrive $0xFFFF  }
0x12b: {  	_ =	shalt  }

// kernel: kernel.24.cloned.1.call-start
scs
__scs_entry_jumppad:
0x0: {  	(pc) =	sbr.rel $0x88, $3  }
0x1: {  	(tag) =	ssettag $0x0;
	lr =	simm.s32 $0x1  }
0x2: {  	[smem:$0x3F90] =	sst lr;
	_ =	strace $0xD0000000  }
0x3: {  	_ = 	snop  }
0x4: {  	_ = 	snop  }
0x5: {  	_ = 	snop  }
0x6: {  	_ = 	snop  }
0x7: {  	_ = 	snop  }
__scs_overlays_trampoline_lowered:
0x8: {  	[smem:$0x3F9F] =	sst s0  }
0x9: {  	[smem:$0x3FA0] =	sst s1  }
0xa: {  	[smem:$0x3FA1] =	sst s2  }
0xb: {  	[smem:$0x3FA2] =	sst s3  }
0xc: {  	[smem:$0x3FA3] =	sst s4  }
0xd: {  	[smem:$0x3FA4] =	sst s5  }
0xe: {  	[smem:$0x3FA5] =	sst s6  }
0xf: {  	[smem:$0x3FA6] =	sst s7  }
0x10: {  	[smem:$0x3FA7] =	sst s8  }
0x11: {  	[smem:$0x3FA8] =	sst s9;
	s0 =	simm.s32 @!p0 $0x0  }
0x12: {  	s1 =	sld [smem:$0x3F8E];
	s0 =	simm.s32 @p0 $0x1  }
0x13: {  	[smem:$0x3FA9] =	sst s0;
	s0 =	simm.s32 @!p1 $0x0  }
0x14: {  	s2 =	sld [smem:$0x3F8D];
	s0 =	simm.s32 @p1 $0x1  }
0x15: {  	[smem:$0x3FAA] =	sst s0;
	s0 =	simm.s32 @!p2 $0x0  }
0x16: {  	s3 =	sld [smem:$0x3FDB];
	s0 =	simm.s32 @p2 $0x1  }
0x17: {  	s4 =	simm.s32 $0x1BF5;
	[smem:$0x3FAC] =	sst s0  }
0x18: {  	s0 =	sld [smem:$0x3F8F];
	_ =	swait.ge [sflag:s4], $0x0  }
0x19: {  	s7 =	sld [smem:$0x3F90]  }
0x1a: {  	s8 =	sadd.s32 $0xFFFFE003, lr  }
0x1b: {  	s9 =	sadd.s32 $0xFFFFFEF7, lr;
	s5 =	simm.s32 $0xFFFFFFFF;
	p2 =	slt.u32 s8, $0xFFFFF086  }
0x1c: {  	p1 =	slt.u32 s9, $0xF7A;
	s5 =	simm.s32 @!p2 $0x0  }
0x1d: {  	s5 =	simm.s32 @p1 $0x1;
	p0 =	seq.s32 s7, s2  }
0x1e: {  	s7 =	smul.u32 @!p0 $0xF7A, s2;
	p2 =	seq.s32 @!p0 s5, $0x0  }
0x1f: {  	s9 =	smul.u32 $0xF7A, s1;
	s8 =	simm.s32 @!p0 $0x1BF5;
	p2 =	por !p2, p0  }
0x20: {  	[sflag:s8] =	ssyncset.s32 @!p0 $0xFFFFF086;
	s6 =	sadd.s32 @!p0 s3, s7;
	s7 =	simm.s32 @!p0 $0x108  }
0x21: {  	s3 =	sadd.s32 s3, s9;
	s6 =	sadd.s32 @!p0 $0x88, s6;
	s7 =	simm.s32 @p2 $0x1082  }
0x22: {  	[simem:s7], [sflag:s8] =	dma.local @!p0 [hbm:s6], $0xF7A  }
0x23: {  	s9 =	sor.u32 $0xD0000000, s2;
	s6 =	simm.s32 $0x108;
	_ =	swait.ge @!p0 [sflag:s8], $0x0  }
0x24: {  	s3 =	sadd.s32 $0x88, s3;
	s6 =	simm.s32 @!p1 $0x1082;
	[sflag:s4] =	ssyncset.s32 $0xFFFFF086  }
0x25: {  	[simem:s6], [sflag:s4] =	dma.local [hbm:s3], $0xF7A  }
0x26: {  	[smem:$0x3F90] =	sst s1;
	(tag) =	ssettag s2;
	_ =	strace s9  }
0x27: {  	s1 =	sld [smem:$0x3FA0]  }
0x28: {  	s2 =	sld [smem:$0x3FA1]  }
0x29: {  	s4 =	sld [smem:$0x3FA3]  }
0x2a: {  	p0 =	seq.s32 s5, $0x0;
	s5 =	sld [smem:$0x3FA4]  }
0x2b: {  	s6 =	sld [smem:$0x3FA5]  }
0x2c: {  	s7 =	sld [smem:$0x3FA6]  }
0x2d: {  	s3 =	simm.s32 $0x108;
	s8 =	sld [smem:$0x3FA7]  }
0x2e: {  	s3 =	simm.s32 @!p0 $0x1082;
	s9 =	sld [smem:$0x3FA8]  }
0x2f: {  	lr =	sadd.s32 s0, s3;
	s0 =	sld [smem:$0x3F9F]  }
0x30: {  	s3 =	sld [smem:$0x3FA2]  }
0x31: {  	[smem:$0x3FAB] =	sst s10  }
0x32: {  	s10 =	sld [smem:$0x3FA9];
	_ =	sdelay $0x3  }
0x33: {  	p0 =	seq.s32 s10, $0x1;
	s10 =	sld [smem:$0x3FAB];
	_ =	sdelay $0x3  }
0x34: {  	[smem:$0x3FAB] =	sst s10  }
0x35: {  	s10 =	sld [smem:$0x3FAA];
	_ =	sdelay $0x3  }
0x36: {  	p1 =	seq.s32 s10, $0x1;
	s10 =	sld [smem:$0x3FAB];
	_ =	sdelay $0x3  }
0x37: {  	[smem:$0x3FAB] =	sst s10  }
0x38: {  	s10 =	sld [smem:$0x3FAC]  }
0x39: {  	_ = 	snop;
	(pc) =	sbr.ind lr, $3  }
0x3a: {  	_ = 	snop  }
0x3b: {  	_ = 	snop  }
0x3c: {  	p2 =	seq.s32 s10, $0x1;
	s10 =	sld [smem:$0x3FAB]  }
0x3d: {  	_ =	shalt  }
0x3e: {  	_ =	shalt  }
0x3f: {  	_ =	shalt  }
0x40: {  	_ =	shalt  }
0x41: {  	_ =	shalt  }
0x42: {  	_ =	shalt  }
0x43: {  	_ =	shalt  }
0x44: {  	_ =	shalt  }
0x45: {  	_ =	shalt  }
0x46: {  	_ =	shalt  }
0x47: {  	_ =	shalt  }
0x48: {  	_ =	shalt  }
0x49: {  	_ =	shalt  }
0x4a: {  	_ =	shalt  }
0x4b: {  	_ =	shalt  }
0x4c: {  	_ =	shalt  }
0x4d: {  	_ =	shalt  }
0x4e: {  	_ =	shalt  }
0x4f: {  	_ =	shalt  }
0x50: {  	_ =	shalt  }
0x51: {  	_ =	shalt  }
0x52: {  	_ =	shalt  }
0x53: {  	_ =	shalt  }
0x54: {  	_ =	shalt  }
0x55: {  	_ =	shalt  }
0x56: {  	_ =	shalt  }
0x57: {  	_ =	shalt  }
0x58: {  	_ =	shalt  }
0x59: {  	_ =	shalt  }
0x5a: {  	_ =	shalt  }
0x5b: {  	_ =	shalt  }
0x5c: {  	_ =	shalt  }
0x5d: {  	_ =	shalt  }
0x5e: {  	_ =	shalt  }
0x5f: {  	_ =	shalt  }
0x60: {  	_ =	shalt  }
0x61: {  	_ =	shalt  }
0x62: {  	_ =	shalt  }
0x63: {  	_ =	shalt  }
0x64: {  	_ =	shalt  }
0x65: {  	_ =	shalt  }
0x66: {  	_ =	shalt  }
0x67: {  	_ =	shalt  }
0x68: {  	_ =	shalt  }
0x69: {  	_ =	shalt  }
0x6a: {  	_ =	shalt  }
0x6b: {  	_ =	shalt  }
0x6c: {  	_ =	shalt  }
0x6d: {  	_ =	shalt  }
0x6e: {  	_ =	shalt  }
0x6f: {  	_ =	shalt  }
0x70: {  	_ =	shalt  }
0x71: {  	_ =	shalt  }
0x72: {  	_ =	shalt  }
0x73: {  	_ =	shalt  }
0x74: {  	_ =	shalt  }
0x75: {  	_ =	shalt  }
0x76: {  	_ =	shalt  }
0x77: {  	_ =	shalt  }
0x78: {  	_ =	shalt  }
0x79: {  	_ =	shalt  }
0x7a: {  	_ =	shalt  }
0x7b: {  	_ =	shalt  }
0x7c: {  	_ =	shalt  }
0x7d: {  	_ =	shalt  }
0x7e: {  	_ =	shalt  }
0x7f: {  	_ =	shalt  }
0x80: {  	_ =	shalt  }
0x81: {  	_ =	shalt  }
0x82: {  	_ =	shalt  }
0x83: {  	_ =	shalt  }
0x84: {  	_ =	shalt  }
0x85: {  	_ =	shalt  }
0x86: {  	_ =	shalt  }
0x87: {  	_ =	shalt  }
.Lfunc_end0:
.L_simem_size_0:
called_computation.4_lowered:
.L_overlay_start_0:
0x88: {  	s2 =	sld [smem:$0x3FD9]  }
0x89: {  	s3 =	sld [smem:$0x3FFE];
	_ =	sdelay $0x1  }
0x8a: {  	s1 =	srdreg.scid  }
0x8b: {  	s0 =	sand.u32 $0x1, s1  }
0x8c: {  	s16 =	sshll.u32 s0, $0xA;
	s2 =	sadd.s32 s3, s2  }
0x8d: {  	s2 =	sadd.s32 s2, s16  }
0x8e: {  	[smem:$0x3FB7] =	sst s2  }
0x8f: {  	_ = 	snop  }
0x90: {  	(tm) =	ssettm $0x1  }
0x91: {  	s17 =	sld [smem:$0x3FFB];
	_ =	sdelay $0x3  }
0x92: {  	_ =	strace s17  }
0x93: {  	s2 =	sld [smem:$0x3FFC];
	_ =	sdelay $0x3  }
0x94: {  	_ =	strace s2  }
0x95: {  	s2 =	sld [smem:$0x3FFD];
	_ =	sdelay $0x3  }
0x96: {  	_ =	strace s2  }
0x97: {  	_ =	strace $0x8FFFFFFF  }
0x98: {  	s18 =	sld [smem:$0x3FDB];
	_ =	sdelay $0x1  }
0x99: {  	s19 =	simm.s32 $_scs_section_size  }
0x9a: {  	s4 =	simm.s32 $_size__tile_overlayer_lowered;
	s5 =	simm.s32 $_tile_overlayer_lowered  }
0x9b: {  	s22 =	simm.s32 $0x1BFF;
	s21 =	sshll.u32 s5, $0x1;
	s2 =	sadd.s32 s19, s18  }
0x9c: {  	s6 =	simm.s32 $0x0;
	s20 =	sshll.u32 s4, $0x1;
	s4 =	sadd.s32 s21, s2  }
0x9d: {  	[timem:s6], [sflag:s22] =	dma.local [hbm:s4], s20  }
0x9e: {  	_ =	swait.ge [sflag:s22], s20  }
0x9f: {  	s3 =	ssub.s32 $0x0, s20;
	[sflag:s22] =	ssyncset.done $0x0  }
0xa0: {  	[sflag:s22] =	ssyncadd.s32 s3;
	_ =	sdelay $0x1  }
0xa1: {  	s23 =	simm.s32 $0x1B8B  }
0xa2: {  	_ =	swait.ge [sflag:s23], $0x1  }
0xa3: {  	[sflag:s23] =	ssyncset.done $0x0  }
0xa4: {  	s25 =	simm.s32 $0x1B8E;
	s24 =	sld [smem:$0x3FFE];
	[sflag:s23] =	ssyncadd.s32 $0xFFFFFFFF  }
0xa5: {  	s26 =	simm.s32 $execute0_lowered;
	[smem:$0x3FD2] =	sst s25  }
0xa6: {  	s4 =	sshll.u32 s26, $0x1;
	_ =	strace $0x80000052;
	[dreg:$0x1] =	wrdreg $0xFFFFFFFF  }
0xa7: {  	s28 =	simm.s32 $_size_execute0_lowered;
	s2 =	sadd.s32 s2, s4;
	[dreg:$0x0] =	wrdreg $0x0  }
0xa8: {  	s4 =	sshll.u32 s28, $0x1;
	[dreg:$0x2] =	wrdreg s2  }
0xa9: {  	[dreg:$0x3] =	wrdreg s4  }
0xaa: {  	[dreg:$0x4] =	wrdreg $0xC0  }
0xab: {  	_ =	task [dreg:s6], $0x5FFFF  }
0xac: {  	[dreg:$0x1] =	wrdreg $0xFFFFFFFF  }
0xad: {  	[dreg:$0x0] =	wrdreg $0x60  }
0xae: {  	[dreg:$0x2] =	wrdreg s24  }
0xaf: {  	[dreg:$0x3] =	wrdreg $0x10800  }
0xb0: {  	[dreg:$0x4] =	wrdreg $0x9  }
0xb1: {  	_ =	task.clear_ibuf [dreg:s6], $0x5FFFF;
	_ =	strace $0x90000052  }
0xb2: {  	s29 =	simm.s32 $0x9;
	_ =	strace $0x80000054  }
0xb3: {  	_ =	swait.ge [sflag:s29], $0x1  }
0xb4: {  	[sflag:s29] =	ssyncadd.s32 $0xFFFFFFFF  }
0xb5: {  	_ =	strace $0x90000054  }
0xb6: {  	_ =	sfence  }
0xb7: {  	s30 =	sld [smem:$0x0];
	_ =	sdelay $0x2  }
0xb8: {  	s31 =	sshll.u32 s1, $0xD;
	s1 =	sshrl.u32 s1, $0x2  }
0xb9: {  	s3 =	sand.u32 $0x4000, s31;
	s1 =	sadd.s32 s1, s30  }
0xba: {  	s0 =	sor.u32 s3, s0;
	s1 =	sshll.u32 s1, $0x11  }
0xbb: {  	s0 =	sor.u32 s1, s0  }
0xbc: {  	s0 =	sadd.s32 $0x8F2B, s0  }
0xbd: {  	[sflag:s0] =	ssyncadd.remote.s32 $0x1  }
0xbe: {  	_ =	sfence.sel $0xFFFF  }
0xbf: {  	[dreg:$0x0] =	wrdreg $0xFFFFFFFF;
	(pc) =	sbr.abs _section_cstart, $3  }
0xc0: {  	[dreg:$0x1] =	wrdreg $0xFFFFFFFF  }
0xc1: {  	_ =	task.clear_ibuf [dreg:s6], $0x2FFFF;
	_ =	strace $0x9FFFFFFF  }
0xc2: {  	(tm) =	ssettm $0x7FFFFFFF  }
0xc3: {  	_ =	shalt  }
tec
execute0_lowered:
.L_overlay_start_1:
0x0: {  	(tag) =	ssettag $0x1  }
0x1: {  	s5 =	rddreg [dreg:$0x0]  }
0x2: {  	s2 =	rddreg [dreg:$0x1]  }
0x3: {  	s0 =	rddreg [dreg:$0x2]  }
0x4: {  	s3 =	simm.s32 $0x0;
	s1 =	stileid.u32;
	s4 =	srdreg.scid  }
0x5: {  	s13 =	simm.s32 $0x80;
	s14 =	simm.s32 $0x10;
	s15 =	simm.s32 $0x4  }
0x6: {  	s16 =	simm.s32 $0x0;
	[smem:$0x7FF] =	sst s3;
	s6 =	smul.u32 $0xD000, s1  }
0x7: {  	s7 =	sand.u32 $0x1, s4;
	s24 =	smul.u32 $0x1A0, s1;
	s8 =	sshll.u32 s1, $0xE  }
0x8: {  	s4 =	sadd.s32 $0x1E1200, s5;
	s30 =	sshll.u32 s1, $0x6;
	s9 =	sshll.u32 s7, $0x5  }
0x9: {  	_ =	strace $0x80000053;
	s11 =	ssub.s32 $0x2, s7;
	s29 =	sshrl.u32 s8, $0x2  }
0xa: {  	s31 =	sshll.u32 s7, $0x2;
	s10 =	sadd.s32 s6, s5;
	s25 =	sor.u32 s9, s8  }
0xb: {  	s26 =	sadd.s32 s24, s5;
	s28 =	sshrl.u32 s11, $0x1;
	s12 =	sadd.s32 s29, s2  }
0xc: {  	s6 =	sshrl.u32 s25, $0x3;
	s11 =	ssub.s32 s11, s28;
	s8 =	sadd.s32 s31, s10  }
0xd: {  	s9 =	sadd.s32 $0x4000, s26;
	s10 =	sshrl.u32 s12, $0x3;
	s12 =	simm.s32 $0x20  }
0xe: {  	s6 =	sadd.s32 s6, s5;
	s5 =	sor.u32 $0x1C01, s30;
	s7 =	smax.u32 s11, $0x1  }
0xf: {  	s8 =	sadd.s32 $0x2A6200, s8;
	s11 =	simm.s32 $0x1;
	s6 =	sadd.s32 $0x1E2200, s6  }
.LBB2_1:
0x10: {  	[spmem:s10], [sflag:s5] =	dma.local [hbm:s4], $0x200  }
0x11: {  	_ =	swait.ge [sflag:s11], $0x200  }
0x12: {  	[sflag:s11] =	ssyncset.done $0x0  }
0x13: {  	[sflag:s11] =	ssyncadd.s32 $0xFFFFFE00  }
0x14: {  	s17 =	sadd.s32 $0x0, s9;
	[bflag:$0x0] =	sbarrier.arrive $0xFFFF  }
0x15: {  	[tilespmem:s3], [sflag:$0x1] =	stream.linear.gather [hbm4b:s17+s3], $0x80, $0x38;
	[tilespmem:$0x2480] =	vst v63  }
0x16: {  	_ =	swait.ge [sflag:s11], $0x80  }
0x17: {  	[sflag:s11] =	ssyncset.done $0x0  }
0x18: {  	[sflag:s11] =	ssyncadd.s32 $0xFFFFFF80  }
0x19: {  	[tilespmem:s13], [sflag:$0x1] =	stream.strided.gather [hbm4b:s8+s12], $0x1000, s13, s12, $0x38;
	[tilespmem:$0x2480] =	vst v63  }
0x1a: {  	_ =	swait.ge [sflag:s11], $0x1000  }
0x1b: {  	[sflag:s11] =	ssyncset.done $0x0  }
0x1c: {  	[sflag:s11] =	ssyncadd.s32 $0xFFFFF000  }
0x1d: {  	[spmem:s2] =	stream.indirect.scatter.add.f32 [tilespmem:s13], [sflag:$0x1], $0x20, s3, s13, $0xb8;
	[tilespmem:$0x2480] =	vst v63  }
0x1e: {  	s18 =	simm.s32 $0x10;
	_ =	swait.ge [sflag:s11], $0x1000  }
0x1f: {  	s19 =	simm.s32 $0x20;
	s17 =	sadd.s32 $0x800, s8;
	[sflag:s11] =	ssyncset.done $0x0  }
.LBB2_2:
0x20: {  	s20 =	sadd.s32 s18, s9  }
0x21: {  	[sflag:s11] =	ssyncadd.s32 $0xFFFFF000;
	s18 =	smov.u32 s19;
	s21 =	sadd.s32 $0x10, s19  }
0x22: {  	[tilespmem:s3], [sflag:$0x1] =	stream.linear.gather [hbm4b:s20+s3], $0x80, $0x38;
	[tilespmem:$0x2480] =	vst v63  }
0x23: {  	p0 =	sne.s32 s19, $0x190;
	_ =	swait.ge [sflag:s11], $0x80  }
0x24: {  	[sflag:s11] =	ssyncset.done $0x0  }
0x25: {  	[sflag:s11] =	ssyncadd.s32 $0xFFFFFF80  }
0x26: {  	[tilespmem:s13], [sflag:$0x1] =	stream.strided.gather [hbm4b:s17+s12], $0x1000, s13, s12, $0x38;
	[tilespmem:$0x2480] =	vst v63  }
0x27: {  	_ =	swait.ge [sflag:s11], $0x1000  }
.Ltmp0:
0x28: {  	[sflag:s11] =	ssyncset.done $0x0;
	(pc) =	sbr.rel @p0 .LBB2_2-.Ltmp0, $4  }
0x29: {  	[sflag:s11] =	ssyncadd.s32 $0xFFFFF000  }
0x2a: {  	[spmem:s2] =	stream.indirect.scatter.add.f32 [tilespmem:s13], [sflag:$0x1], $0x20, s3, s13, $0xb8;
	[tilespmem:$0x2480] =	vst v63  }
0x2b: {  	_ =	swait.ge [sflag:s11], $0x1000  }
0x2c: {  	s19 =	smov.u32 s21;
	s17 =	sadd.s32 $0x800, s17;
	[sflag:s11] =	ssyncset.done $0x0  }
0x2d: {  	s18 =	sadd.s32 s18, s9;
	[sflag:s11] =	ssyncadd.s32 $0xFFFFF000  }
0x2e: {  	[tilespmem:s3], [sflag:$0x1] =	stream.linear.gather [hbm4b:s18+s3], $0x80, $0x38;
	[tilespmem:$0x2480] =	vst v63  }
0x2f: {  	_ =	swait.ge [sflag:s11], $0x80  }
0x30: {  	[sflag:s11] =	ssyncset.done $0x0  }
0x31: {  	[sflag:s11] =	ssyncadd.s32 $0xFFFFFF80  }
0x32: {  	[tilespmem:s13], [sflag:$0x1] =	stream.strided.gather [hbm4b:s17+s12], $0x1000, s13, s12, $0x38;
	[tilespmem:$0x2480] =	vst v63  }
0x33: {  	_ =	swait.ge [sflag:s11], $0x1000  }
0x34: {  	[sflag:s11] =	ssyncset.done $0x0  }
0x35: {  	[sflag:s11] =	ssyncadd.s32 $0xFFFFF000  }
0x36: {  	[spmem:s2] =	stream.indirect.scatter.add.f32 [tilespmem:s13], [sflag:$0x1], $0x20, s3, s13, $0xb8;
	[tilespmem:$0x2480] =	vst v63  }
0x37: {  	_ =	swait.ge [sflag:s11], $0x1000  }
0x38: {  	s16 =	sadd.s32 $0x1, s16;
	[sflag:s11] =	ssyncset.done $0x0  }
0x39: {  	p0 =	sne.s32 s16, s7;
	[sflag:s11] =	ssyncadd.s32 $0xFFFFF000  }
.Ltmp1:
0x3a: {  	[bflag:$0x0] =	sbarrier.arrive $0xFFFF;
	(pc) =	sbr.rel @p0 .LBB2_1-.Ltmp1, $4  }
0x3b: {  	[hbm:s6@s14], [sflag:s5] =	dma.strided [spmem:s10@s15], $0x200, s11, $0x4   }
0x3c: {  	_ =	swait.ge [sflag:s11], $0x200  }
0x3d: {  	[sflag:s11] =	ssyncset.done $0x0  }
0x3e: {  	[sflag:s11] =	ssyncadd.s32 $0xFFFFFE00  }
0x3f: {  	_ =	sfence.sel $0x180000  }
0x40: {  	[bflag:$0x0] =	sbarrier.arrive $0xFFFF  }
0x41: {  	p0 =	sne.s32 s1, $0x0;
	_ =	strace $0x90000053  }
0x42: {  	s0 =	sadd.s32 @!p0 $0x100000, s0;
	[bflag:$0x2] =	sbarrier.arrive $0xFFFF  }
0x43: {  	[sflag:s0] =	ssyncadd.tile.s32 @!p0 $0x1;
	_ =	shalt  }
.Lfunc_end2:
_tile_overlayer_lowered:
.L_overlay_start_2:
0x44: {  	(tag) =	ssettag $0x2  }
0x45: {  	s0 =	rddreg [dreg:$0x0];
	s2 =	stileid.u32  }
0x46: {  	s1 =	rddreg [dreg:$0x1];
	p0 =	sne.s32 s2, $0x0  }
0x47: {  	s3 =	rddreg [dreg:$0x2];
	[bflag:$0x3] =	sbarrier.arrive $0xFFFF;
	s2 =	simm.s32 @!p0 $0x1C01  }
0x48: {  	[timem:s3], [sflag:s2] =	dma.local @!p0 [hbm:s0], s1  }
0x49: {  	s0 =	simm.s32 @!p0 $0x1  }
0x4a: {  	_ =	swait.ge @!p0 [sflag:s0], s1  }
0x4b: {  	s1 =	ssub.s32 @!p0 $0x0, s1;
	[sflag:s0] =	ssyncset.done @!p0 $0x0  }
0x4c: {  	[sflag:s0] =	ssyncadd.s32 @!p0 s1  }
0x4d: {  	[bflag:$0x3] =	sbarrier.arrive $0xFFFF  }
0x4e: {  	_ =	shalt  }

</sc_bundles>
